<compile_context>
chip_gen: v7x
topology: tpu7x:2x2x1
jax: 0.10.2.dev20260603
libtpu: 0.0.44.dev20260713+nightly
codegen_flags: <defaults>
</compile_context>

<pallas_src>
import functools

import jax
import jax.numpy as jnp
from jax import lax
from jax.experimental import pallas as pl
from jax.experimental.pallas import tpu as pltpu
from jax.experimental.pallas import tpu_sc as plsc

_E = 160000
_C = 128
_OC = 128
_NW = 32
_CH = 40
_BLK = 1280
_SEG_T = (32, 32, 32, 29)


def _sc_gather(xT, idx3, T):
    cw = xT.shape[1]
    epw = T * _CH
    eseg = _NW * epw
    mesh = plsc.VectorSubcoreMesh(core_axis_name="c", subcore_axis_name="s")
    gshape = jax.ShapeDtypeStruct((eseg, cw), xT.dtype)

    @functools.partial(
        pl.kernel,
        out_type=[gshape] * 4,
        mesh=mesh,
        scratch_types=(
            [pltpu.VMEM((epw,), jnp.int32)] * 4
            + [pltpu.VMEM((_CH, cw), xT.dtype)] * 8
            + [pltpu.SemaphoreType.DMA] * 2
        ),
    )
    def k(xT_hbm, idx3_hbm, g1_hbm, g2_hbm, g3_hbm, g4_hbm,
          i1, i2, i3, i4, a1, a2, a3, a4, c1, c2, c3, c4, gsem, wsem):
        cid = lax.axis_index("c")
        sid = lax.axis_index("s")
        wid = sid * 2 + cid
        base = wid * epw
        ghbm = (g1_hbm, g2_hbm, g3_hbm, g4_hbm)
        sets = ((a1, a2, a3, a4), (c1, c2, c3, c4))

        idxs = (i1, i2, i3, i4)
        for kk, iv in enumerate(idxs):
            pltpu.sync_copy(idx3_hbm.at[wid, kk], iv)

        def fire_gather(t, bufs):
            for iv, bv in zip(idxs, bufs):
                pltpu.async_copy(
                    xT_hbm.at[iv.at[pl.ds(t * _CH, _CH)]], bv, gsem)

        def wait_gather(bufs):
            for bv in bufs:
                pltpu.make_async_copy(xT_hbm.at[pl.ds(0, _CH)], bv, gsem).wait()

        def fire_wb(t, bufs):
            for bv, gh in zip(bufs, ghbm):
                pltpu.async_copy(bv, gh.at[pl.ds(base + t * _CH, _CH)], wsem)

        def wait_wb(bufs):
            for bv, gh in zip(bufs, ghbm):
                pltpu.make_async_copy(bv, gh.at[pl.ds(0, _CH)], wsem).wait()

        fire_gather(0, sets[0])

        def body(jj, carry):
            t0 = jj * 2
            t1 = t0 + 1

            @pl.when(jj > 0)
            def _():
                wait_wb(sets[1])
            fire_gather(t1, sets[1])
            wait_gather(sets[0])
            fire_wb(t0, sets[0])

            wait_wb(sets[0])

            @pl.when(t1 + 1 < T)
            def _():
                fire_gather(t1 + 1, sets[0])
            wait_gather(sets[1])
            fire_wb(t1, sets[1])
            return carry

        lax.fori_loop(0, T // 2, body, 0)

        if T % 2 == 1:
            wait_wb(sets[1])
            wait_gather(sets[0])
            fire_wb(T - 1, sets[0])
            wait_wb(sets[0])
        else:
            wait_wb(sets[1])

    return k(xT, idx3)


def _tc_conv(xT, g1, g2, g3, g4, Wstk, b2, base_blk, nblk, prev_out):
    feat_spec = pl.BlockSpec((_BLK, _C), lambda i: (i, 0))
    x_spec = pl.BlockSpec((_BLK, _C), lambda i: (base_blk + i, 0))
    dn = (((1,), (1,)), ((), ()))

    def body(xT_ref, g1_ref, g2_ref, g3_ref, g4_ref, W_ref, b_ref, prev_ref,
             out_ref):
        bf = jnp.bfloat16
        g1 = g1_ref[...]
        g2 = g2_ref[...]
        g3 = g3_ref[...]
        g4 = g4_ref[...]
        acc = lax.dot_general(W_ref[0], xT_ref[...].astype(bf), dn,
                              preferred_element_type=jnp.float32)
        acc = acc + lax.dot_general(W_ref[1], (g1 + g3).astype(bf), dn,
                                    preferred_element_type=jnp.float32)
        acc = acc + lax.dot_general(W_ref[2], (g2 + g4).astype(bf), dn,
                                    preferred_element_type=jnp.float32)
        acc = acc + lax.dot_general(W_ref[3], jnp.abs(g1 - g3).astype(bf), dn,
                                    preferred_element_type=jnp.float32)
        acc = acc + lax.dot_general(W_ref[4], jnp.abs(g2 - g4).astype(bf), dn,
                                    preferred_element_type=jnp.float32)
        out_ref[...] = acc + b_ref[...]

    if prev_out is None:
        args = (xT, g1, g2, g3, g4, Wstk, b2)
        prev_specs = []
        aliases = {}
    else:
        args = (xT, g1, g2, g3, g4, Wstk, b2, prev_out)
        prev_specs = [pl.BlockSpec((_OC, 128), lambda i: (0, 0))]
        aliases = {7: 0}

    def maybe_prev_body(*refs):
        if prev_out is None:
            body(*refs[:7], None, refs[-1])
        else:
            body(*refs)

    return pl.pallas_call(
        maybe_prev_body,
        grid=(nblk,),
        in_specs=[x_spec] + [feat_spec] * 4 + [
            pl.BlockSpec((5, _OC, _C), lambda i: (0, 0, 0)),
            pl.BlockSpec((_OC, 1), lambda i: (0, 0)),
        ] + prev_specs,
        out_specs=pl.BlockSpec((_OC, _BLK), lambda i: (0, base_blk + i)),
        out_shape=jax.ShapeDtypeStruct((_OC, _E), jnp.float32),
        input_output_aliases=aliases,
    )(*args)


def kernel(x, gemm_edges, W, b):
    xT = x[0].T
    idxT = gemm_edges[0].T
    Wstk = jnp.transpose(W[:, :, 0, :], (2, 0, 1)).astype(jnp.bfloat16)
    b2 = b[:, None]

    segs = []
    e_off = 0
    for T in _SEG_T:
        epw = T * _CH
        eseg = _NW * epw
        idx3 = jnp.transpose(
            idxT[:, e_off:e_off + eseg].reshape(4, _NW, epw), (1, 0, 2))
        segs.append((e_off, eseg, _sc_gather(xT, idx3, T)))
        e_off += eseg

    out = None
    for e_off, eseg, (g1, g2, g3, g4) in segs:
        out = _tc_conv(xT, g1, g2, g3, g4, Wstk, b2,
                       e_off // _BLK, eseg // _BLK, out)
    return out[None, :, :, None]

# --- scband reference (transcript-rebuilt; emitter-appended) ---
"""Pipeline reference for scband-prior-net-42966852829357 (READ-ONLY COPY).

The authoritative reference and input builder live on the scoring server;
editing this copy changes nothing except your own understanding.
"""

import jax, jax.numpy as jnp
import numpy as np

B, C, E, OC, K = 1, 128, 160000, 128, 5

def setup_inputs(seed: int = 0) -> dict:
    key = jax.random.key(seed)
    k1, k2, k3, k4 = jax.random.split(key, 4)
    x = jax.random.normal(k1, (B, C, E), dtype=jnp.float32)
    gemm_edges = jax.random.randint(k2, (B, E, 4), 0, E, dtype=jnp.int32)
    W = jax.random.normal(k3, (OC, C, 1, K), dtype=jnp.float32) * 0.05
    b = jax.random.normal(k4, (OC,), dtype=jnp.float32) * 0.05
    return {"x": x, "gemm_edges": gemm_edges, "W": W, "b": b}

def reference(x, gemm_edges, W, b):
    # MeshConv forward (MeshCNN-style edge convolution):
    # 1) build GeMM index matrix: [self, n1, n2, n3, n4] per edge
    # 2) pad feature matrix with a zero column, shift indices by 1
    # 3) gather neighbor edge features (SparseCore gather)
    # 4) form symmetric invariant features [f0, f1+f3, f2+f4, |f1-f3|, |f2-f4|]
    # 5) apply Conv2d with kernel (1,5) == contraction over (C, 5)
    Bn, Cn, En = x.shape
    self_idx = jnp.broadcast_to(
        jnp.arange(En, dtype=gemm_edges.dtype)[None, :, None], (Bn, En, 1))
    G = jnp.concatenate([self_idx, gemm_edges], axis=2)  # [B, E, 5]
    xp = jnp.concatenate([jnp.zeros((Bn, Cn, 1), x.dtype), x], axis=2)  # [B, C, E+1]
    Gp = G + 1
    # gather: f[b, c, e, k] = xp[b, c, Gp[b, e, k]]
    f = jax.vmap(lambda xb, gb: jnp.take(xb, gb, axis=1))(xp, Gp)  # [B, C, E, 5]
    f0 = f[..., 0]
    f1 = f[..., 1]
    f2 = f[..., 2]
    f3 = f[..., 3]
    f4 = f[..., 4]
    feat = jnp.stack(
        [f0, f1 + f3, f2 + f4, jnp.abs(f1 - f3), jnp.abs(f2 - f4)], axis=-1)
    # Conv2d(in=C, out=OC, kernel=(1,5)) over [B, C, E, 5] -> [B, OC, E, 1]
    out = jnp.einsum('bcek,ock->boe', feat, W[:, :, 0, :]) + b[None, :, None]
    return out[:, :, :, None]

if __name__ == "__main__":
    import jax
    _d = setup_inputs()
    print(jax.jit(kernel)(*tuple(_d.values())))

</pallas_src>

<mosaic_0001>
#map = affine_map<(d0, d1) -> (0, 0)>
#map1 = affine_map<(d0, d1) -> (0, 0, 0)>
module attributes {stable_mosaic.version = 14 : i64} {
  func.func @k(%arg0: i32, %arg1: i32, %arg2: memref<160000x128xf32, #tpu.memory_space<hbm>>, %arg3: memref<32x4x1160xi32, #tpu.memory_space<hbm>>, %arg4: memref<37120x128xf32, #tpu.memory_space<hbm>>, %arg5: memref<37120x128xf32, #tpu.memory_space<hbm>>, %arg6: memref<37120x128xf32, #tpu.memory_space<hbm>>, %arg7: memref<37120x128xf32, #tpu.memory_space<hbm>>, %arg8: memref<1160xi32, #tpu.memory_space<vmem>>, %arg9: memref<1160xi32, #tpu.memory_space<vmem>>, %arg10: memref<1160xi32, #tpu.memory_space<vmem>>, %arg11: memref<1160xi32, #tpu.memory_space<vmem>>, %arg12: memref<40x128xf32, #tpu.memory_space<vmem>>, %arg13: memref<40x128xf32, #tpu.memory_space<vmem>>, %arg14: memref<40x128xf32, #tpu.memory_space<vmem>>, %arg15: memref<40x128xf32, #tpu.memory_space<vmem>>, %arg16: memref<40x128xf32, #tpu.memory_space<vmem>>, %arg17: memref<40x128xf32, #tpu.memory_space<vmem>>, %arg18: memref<40x128xf32, #tpu.memory_space<vmem>>, %arg19: memref<40x128xf32, #tpu.memory_space<vmem>>, %arg20: memref<!tpu.dma_semaphore, #tpu.memory_space<semaphore_mem>>, %arg21: memref<!tpu.dma_semaphore, #tpu.memory_space<semaphore_mem>>) attributes {dimension_semantics = [#tpu.dimension_semantics<core_parallel>, #tpu.dimension_semantics<subcore_parallel>], iteration_bounds = array<i64: 2, 16>, scalar_prefetch = 0 : i64, scratch_operands = 14 : i64, tpu.core_type = #tpu.core_type<sc_vector_subcore>, window_params = [{transform_indices = #map}, {transform_indices = #map1}, {transform_indices = #map}, {transform_indices = #map}, {transform_indices = #map}, {transform_indices = #map}]} {
    %mul3A = arith.constant 2 : i32
    %mul3A_0 = arith.muli %arg1, %mul3A : i32
    %add3A = arith.addi %mul3A_0, %arg0 : i32
    %mul3A_1 = arith.constant 1160 : i32
    %mul3A_2 = arith.muli %add3A, %mul3A_1 : i32
    %run_scoped3A = arith.constant 0 : i32
    "tpu.region"() ({
      %run_scoped3A_125 = tpu.sem_alloc : memref<!tpu.dma_semaphore, #tpu.memory_space<semaphore_mem>>
      %dma_start3A_126 = arith.constant 0 : i32
      %dma_start3A_127 = tpu.memref_slice %arg3[%add3A, %run_scoped3A, %dma_start3A_126] : memref<32x4x1160xi32, #tpu.memory_space<hbm>> -> memref<1x1x1160xi32, #tpu.memory_space<hbm>>
      %dma_start3A_128 = tpu.memref_squeeze %dma_start3A_127 : memref<1x1x1160xi32, #tpu.memory_space<hbm>> -> memref<1160xi32, #tpu.memory_space<hbm>>
      %dma_start3A_129 = arith.constant 0 : i32
      %dma_start3A_130 = tpu.memref_slice %arg3[%add3A, %run_scoped3A, %dma_start3A_129] : memref<32x4x1160xi32, #tpu.memory_space<hbm>> -> memref<1x1x1160xi32, #tpu.memory_space<hbm>>
      %dma_start3A_131 = tpu.memref_squeeze %dma_start3A_130 : memref<1x1x1160xi32, #tpu.memory_space<hbm>> -> memref<1160xi32, #tpu.memory_space<hbm>>
      tpu.enqueue_dma source(%dma_start3A_131 : memref<1160xi32, #tpu.memory_space<hbm>>) target(%arg8 : memref<1160xi32, #tpu.memory_space<vmem>>) target_semaphore(%run_scoped3A_125 : memref<!tpu.dma_semaphore, #tpu.memory_space<semaphore_mem>>)
      %dma_wait3A_132 = arith.constant 0 : i32
      %dma_wait3A_133 = tpu.memref_slice %arg3[%add3A, %run_scoped3A, %dma_wait3A_132] : memref<32x4x1160xi32, #tpu.memory_space<hbm>> -> memref<1x1x1160xi32, #tpu.memory_space<hbm>>
      %dma_wait3A_134 = tpu.memref_squeeze %dma_wait3A_133 : memref<1x1x1160xi32, #tpu.memory_space<hbm>> -> memref<1160xi32, #tpu.memory_space<hbm>>
      %dma_wait3A_135 = arith.constant 0 : i32
      %dma_wait3A_136 = tpu.memref_slice %arg3[%add3A, %run_scoped3A, %dma_wait3A_135] : memref<32x4x1160xi32, #tpu.memory_space<hbm>> -> memref<1x1x1160xi32, #tpu.memory_space<hbm>>
      %dma_wait3A_137 = tpu.memref_squeeze %dma_wait3A_136 : memref<1x1x1160xi32, #tpu.memory_space<hbm>> -> memref<1160xi32, #tpu.memory_space<hbm>>
      tpu.wait_dma2 semaphore(%run_scoped3A_125 : memref<!tpu.dma_semaphore, #tpu.memory_space<semaphore_mem>>) src(%dma_wait3A_137 : memref<1160xi32, #tpu.memory_space<hbm>>) dst(%arg8 : memref<1160xi32, #tpu.memory_space<vmem>>)
      tpu.yield
    }) : () -> ()
    %run_scoped3A_3 = arith.constant 1 : i32
    "tpu.region"() ({
      %run_scoped3A_125 = tpu.sem_alloc : memref<!tpu.dma_semaphore, #tpu.memory_space<semaphore_mem>>
      %dma_start3A_126 = arith.constant 0 : i32
      %dma_start3A_127 = tpu.memref_slice %arg3[%add3A, %run_scoped3A_3, %dma_start3A_126] : memref<32x4x1160xi32, #tpu.memory_space<hbm>> -> memref<1x1x1160xi32, #tpu.memory_space<hbm>>
      %dma_start3A_128 = tpu.memref_squeeze %dma_start3A_127 : memref<1x1x1160xi32, #tpu.memory_space<hbm>> -> memref<1160xi32, #tpu.memory_space<hbm>>
      %dma_start3A_129 = arith.constant 0 : i32
      %dma_start3A_130 = tpu.memref_slice %arg3[%add3A, %run_scoped3A_3, %dma_start3A_129] : memref<32x4x1160xi32, #tpu.memory_space<hbm>> -> memref<1x1x1160xi32, #tpu.memory_space<hbm>>
      %dma_start3A_131 = tpu.memref_squeeze %dma_start3A_130 : memref<1x1x1160xi32, #tpu.memory_space<hbm>> -> memref<1160xi32, #tpu.memory_space<hbm>>
      tpu.enqueue_dma source(%dma_start3A_131 : memref<1160xi32, #tpu.memory_space<hbm>>) target(%arg9 : memref<1160xi32, #tpu.memory_space<vmem>>) target_semaphore(%run_scoped3A_125 : memref<!tpu.dma_semaphore, #tpu.memory_space<semaphore_mem>>)
      %dma_wait3A_132 = arith.constant 0 : i32
      %dma_wait3A_133 = tpu.memref_slice %arg3[%add3A, %run_scoped3A_3, %dma_wait3A_132] : memref<32x4x1160xi32, #tpu.memory_space<hbm>> -> memref<1x1x1160xi32, #tpu.memory_space<hbm>>
      %dma_wait3A_134 = tpu.memref_squeeze %dma_wait3A_133 : memref<1x1x1160xi32, #tpu.memory_space<hbm>> -> memref<1160xi32, #tpu.memory_space<hbm>>
      %dma_wait3A_135 = arith.constant 0 : i32
      %dma_wait3A_136 = tpu.memref_slice %arg3[%add3A, %run_scoped3A_3, %dma_wait3A_135] : memref<32x4x1160xi32, #tpu.memory_space<hbm>> -> memref<1x1x1160xi32, #tpu.memory_space<hbm>>
      %dma_wait3A_137 = tpu.memref_squeeze %dma_wait3A_136 : memref<1x1x1160xi32, #tpu.memory_space<hbm>> -> memref<1160xi32, #tpu.memory_space<hbm>>
      tpu.wait_dma2 semaphore(%run_scoped3A_125 : memref<!tpu.dma_semaphore, #tpu.memory_space<semaphore_mem>>) src(%dma_wait3A_137 : memref<1160xi32, #tpu.memory_space<hbm>>) dst(%arg9 : memref<1160xi32, #tpu.memory_space<vmem>>)
      tpu.yield
    }) : () -> ()
    %run_scoped3A_4 = arith.constant 2 : i32
    "tpu.region"() ({
      %run_scoped3A_125 = tpu.sem_alloc : memref<!tpu.dma_semaphore, #tpu.memory_space<semaphore_mem>>
      %dma_start3A_126 = arith.constant 0 : i32
      %dma_start3A_127 = tpu.memref_slice %arg3[%add3A, %run_scoped3A_4, %dma_start3A_126] : memref<32x4x1160xi32, #tpu.memory_space<hbm>> -> memref<1x1x1160xi32, #tpu.memory_space<hbm>>
      %dma_start3A_128 = tpu.memref_squeeze %dma_start3A_127 : memref<1x1x1160xi32, #tpu.memory_space<hbm>> -> memref<1160xi32, #tpu.memory_space<hbm>>
      %dma_start3A_129 = arith.constant 0 : i32
      %dma_start3A_130 = tpu.memref_slice %arg3[%add3A, %run_scoped3A_4, %dma_start3A_129] : memref<32x4x1160xi32, #tpu.memory_space<hbm>> -> memref<1x1x1160xi32, #tpu.memory_space<hbm>>
      %dma_start3A_131 = tpu.memref_squeeze %dma_start3A_130 : memref<1x1x1160xi32, #tpu.memory_space<hbm>> -> memref<1160xi32, #tpu.memory_space<hbm>>
      tpu.enqueue_dma source(%dma_start3A_131 : memref<1160xi32, #tpu.memory_space<hbm>>) target(%arg10 : memref<1160xi32, #tpu.memory_space<vmem>>) target_semaphore(%run_scoped3A_125 : memref<!tpu.dma_semaphore, #tpu.memory_space<semaphore_mem>>)
      %dma_wait3A_132 = arith.constant 0 : i32
      %dma_wait3A_133 = tpu.memref_slice %arg3[%add3A, %run_scoped3A_4, %dma_wait3A_132] : memref<32x4x1160xi32, #tpu.memory_space<hbm>> -> memref<1x1x1160xi32, #tpu.memory_space<hbm>>
      %dma_wait3A_134 = tpu.memref_squeeze %dma_wait3A_133 : memref<1x1x1160xi32, #tpu.memory_space<hbm>> -> memref<1160xi32, #tpu.memory_space<hbm>>
      %dma_wait3A_135 = arith.constant 0 : i32
      %dma_wait3A_136 = tpu.memref_slice %arg3[%add3A, %run_scoped3A_4, %dma_wait3A_135] : memref<32x4x1160xi32, #tpu.memory_space<hbm>> -> memref<1x1x1160xi32, #tpu.memory_space<hbm>>
      %dma_wait3A_137 = tpu.memref_squeeze %dma_wait3A_136 : memref<1x1x1160xi32, #tpu.memory_space<hbm>> -> memref<1160xi32, #tpu.memory_space<hbm>>
      tpu.wait_dma2 semaphore(%run_scoped3A_125 : memref<!tpu.dma_semaphore, #tpu.memory_space<semaphore_mem>>) src(%dma_wait3A_137 : memref<1160xi32, #tpu.memory_space<hbm>>) dst(%arg10 : memref<1160xi32, #tpu.memory_space<vmem>>)
      tpu.yield
    }) : () -> ()
    %run_scoped3A_5 = arith.constant 3 : i32
    "tpu.region"() ({
      %run_scoped3A_125 = tpu.sem_alloc : memref<!tpu.dma_semaphore, #tpu.memory_space<semaphore_mem>>
      %dma_start3A_126 = arith.constant 0 : i32
      %dma_start3A_127 = tpu.memref_slice %arg3[%add3A, %run_scoped3A_5, %dma_start3A_126] : memref<32x4x1160xi32, #tpu.memory_space<hbm>> -> memref<1x1x1160xi32, #tpu.memory_space<hbm>>
      %dma_start3A_128 = tpu.memref_squeeze %dma_start3A_127 : memref<1x1x1160xi32, #tpu.memory_space<hbm>> -> memref<1160xi32, #tpu.memory_space<hbm>>
      %dma_start3A_129 = arith.constant 0 : i32
      %dma_start3A_130 = tpu.memref_slice %arg3[%add3A, %run_scoped3A_5, %dma_start3A_129] : memref<32x4x1160xi32, #tpu.memory_space<hbm>> -> memref<1x1x1160xi32, #tpu.memory_space<hbm>>
      %dma_start3A_131 = tpu.memref_squeeze %dma_start3A_130 : memref<1x1x1160xi32, #tpu.memory_space<hbm>> -> memref<1160xi32, #tpu.memory_space<hbm>>
      tpu.enqueue_dma source(%dma_start3A_131 : memref<1160xi32, #tpu.memory_space<hbm>>) target(%arg11 : memref<1160xi32, #tpu.memory_space<vmem>>) target_semaphore(%run_scoped3A_125 : memref<!tpu.dma_semaphore, #tpu.memory_space<semaphore_mem>>)
      %dma_wait3A_132 = arith.constant 0 : i32
      %dma_wait3A_133 = tpu.memref_slice %arg3[%add3A, %run_scoped3A_5, %dma_wait3A_132] : memref<32x4x1160xi32, #tpu.memory_space<hbm>> -> memref<1x1x1160xi32, #tpu.memory_space<hbm>>
      %dma_wait3A_134 = tpu.memref_squeeze %dma_wait3A_133 : memref<1x1x1160xi32, #tpu.memory_space<hbm>> -> memref<1160xi32, #tpu.memory_space<hbm>>
      %dma_wait3A_135 = arith.constant 0 : i32
      %dma_wait3A_136 = tpu.memref_slice %arg3[%add3A, %run_scoped3A_5, %dma_wait3A_135] : memref<32x4x1160xi32, #tpu.memory_space<hbm>> -> memref<1x1x1160xi32, #tpu.memory_space<hbm>>
      %dma_wait3A_137 = tpu.memref_squeeze %dma_wait3A_136 : memref<1x1x1160xi32, #tpu.memory_space<hbm>> -> memref<1160xi32, #tpu.memory_space<hbm>>
      tpu.wait_dma2 semaphore(%run_scoped3A_125 : memref<!tpu.dma_semaphore, #tpu.memory_space<semaphore_mem>>) src(%dma_wait3A_137 : memref<1160xi32, #tpu.memory_space<hbm>>) dst(%arg11 : memref<1160xi32, #tpu.memory_space<vmem>>)
      tpu.yield
    }) : () -> ()
    %dma_start3A = arith.constant 0 : i32
    %dma_start3A_6 = tpu.memref_slice %arg8[%dma_start3A] : memref<1160xi32, #tpu.memory_space<vmem>> -> memref<40xi32, #tpu.memory_space<vmem>>
    %dma_start3A_7 = arith.constant 0 : i32
    %dma_start3A_8 = arith.constant 0 : i32
    %dma_start3A_9 = tpu.memref_slice %arg2[%dma_start3A_7, %dma_start3A_8] : memref<160000x128xf32, #tpu.memory_space<hbm>> -> memref<160000x128xf32, #tpu.memory_space<hbm>>
    tpu.enqueue_indirect_dma source(%dma_start3A_9 : memref<160000x128xf32, #tpu.memory_space<hbm>>) target(%arg12 : memref<40x128xf32, #tpu.memory_space<vmem>>) offsets(%dma_start3A_6 : memref<40xi32, #tpu.memory_space<vmem>>) semaphore(%arg20 : memref<!tpu.dma_semaphore, #tpu.memory_space<semaphore_mem>>)
    %dma_start3A_10 = arith.constant 0 : i32
    %dma_start3A_11 = tpu.memref_slice %arg9[%dma_start3A_10] : memref<1160xi32, #tpu.memory_space<vmem>> -> memref<40xi32, #tpu.memory_space<vmem>>
    %dma_start3A_12 = arith.constant 0 : i32
    %dma_start3A_13 = arith.constant 0 : i32
    %dma_start3A_14 = tpu.memref_slice %arg2[%dma_start3A_12, %dma_start3A_13] : memref<160000x128xf32, #tpu.memory_space<hbm>> -> memref<160000x128xf32, #tpu.memory_space<hbm>>
    tpu.enqueue_indirect_dma source(%dma_start3A_14 : memref<160000x128xf32, #tpu.memory_space<hbm>>) target(%arg13 : memref<40x128xf32, #tpu.memory_space<vmem>>) offsets(%dma_start3A_11 : memref<40xi32, #tpu.memory_space<vmem>>) semaphore(%arg20 : memref<!tpu.dma_semaphore, #tpu.memory_space<semaphore_mem>>)
    %dma_start3A_15 = arith.constant 0 : i32
    %dma_start3A_16 = tpu.memref_slice %arg10[%dma_start3A_15] : memref<1160xi32, #tpu.memory_space<vmem>> -> memref<40xi32, #tpu.memory_space<vmem>>
    %dma_start3A_17 = arith.constant 0 : i32
    %dma_start3A_18 = arith.constant 0 : i32
    %dma_start3A_19 = tpu.memref_slice %arg2[%dma_start3A_17, %dma_start3A_18] : memref<160000x128xf32, #tpu.memory_space<hbm>> -> memref<160000x128xf32, #tpu.memory_space<hbm>>
    tpu.enqueue_indirect_dma source(%dma_start3A_19 : memref<160000x128xf32, #tpu.memory_space<hbm>>) target(%arg14 : memref<40x128xf32, #tpu.memory_space<vmem>>) offsets(%dma_start3A_16 : memref<40xi32, #tpu.memory_space<vmem>>) semaphore(%arg20 : memref<!tpu.dma_semaphore, #tpu.memory_space<semaphore_mem>>)
    %dma_start3A_20 = arith.constant 0 : i32
    %dma_start3A_21 = tpu.memref_slice %arg11[%dma_start3A_20] : memref<1160xi32, #tpu.memory_space<vmem>> -> memref<40xi32, #tpu.memory_space<vmem>>
    %dma_start3A_22 = arith.constant 0 : i32
    %dma_start3A_23 = arith.constant 0 : i32
    %dma_start3A_24 = tpu.memref_slice %arg2[%dma_start3A_22, %dma_start3A_23] : memref<160000x128xf32, #tpu.memory_space<hbm>> -> memref<160000x128xf32, #tpu.memory_space<hbm>>
    tpu.enqueue_indirect_dma source(%dma_start3A_24 : memref<160000x128xf32, #tpu.memory_space<hbm>>) target(%arg15 : memref<40x128xf32, #tpu.memory_space<vmem>>) offsets(%dma_start3A_21 : memref<40xi32, #tpu.memory_space<vmem>>) semaphore(%arg20 : memref<!tpu.dma_semaphore, #tpu.memory_space<semaphore_mem>>)
    %scan3A = arith.constant 0 : i32
    %scan3A_25 = arith.constant 0 : i32
    %scan3A_26 = arith.constant 14 : i32
    %scan3A_27 = arith.addi %scan3A_25, %scan3A_26 : i32
    %scan3A_28 = arith.constant 1 : i32
    scf.for %scan3A_125 = %scan3A_25 to %scan3A_27 step %scan3A_28  : i32 {
      %mul3A_126 = arith.constant 2 : i32
      %mul3A_127 = arith.muli %scan3A_125, %mul3A_126 : i32
      %add3A_128 = arith.constant 1 : i32
      %add3A_129 = arith.addi %mul3A_127, %add3A_128 : i32
      %gt3A = arith.constant 0 : i32
      %gt3A_130 = arith.cmpi sgt, %scan3A_125, %gt3A : i32
      %convert_element_type3A = arith.extui %gt3A_130 : i1 to i32
      %cond3A = arith.constant 0 : i32
      %cond3A_131 = arith.cmpi ne, %convert_element_type3A, %cond3A : i32
      scf.if %cond3A_131 {
        %dma_wait3A_290 = arith.constant 0 : i32
        %dma_wait3A_291 = arith.constant 0 : i32
        %dma_wait3A_292 = tpu.memref_slice %arg4[%dma_wait3A_290, %dma_wait3A_291] : memref<37120x128xf32, #tpu.memory_space<hbm>> -> memref<40x128xf32, #tpu.memory_space<hbm>>
        %dma_wait3A_293 = arith.constant 0 : i32
        %dma_wait3A_294 = arith.constant 0 : i32
        %dma_wait3A_295 = tpu.memref_slice %arg4[%dma_wait3A_293, %dma_wait3A_294] : memref<37120x128xf32, #tpu.memory_space<hbm>> -> memref<40x128xf32, #tpu.memory_space<hbm>>
        tpu.wait_dma2 semaphore(%arg21 : memref<!tpu.dma_semaphore, #tpu.memory_space<semaphore_mem>>) src(%arg16 : memref<40x128xf32, #tpu.memory_space<vmem>>) dst(%dma_wait3A_295 : memref<40x128xf32, #tpu.memory_space<hbm>>)
        %dma_wait3A_296 = arith.constant 0 : i32
        %dma_wait3A_297 = arith.constant 0 : i32
        %dma_wait3A_298 = tpu.memref_slice %arg5[%dma_wait3A_296, %dma_wait3A_297] : memref<37120x128xf32, #tpu.memory_space<hbm>> -> memref<40x128xf32, #tpu.memory_space<hbm>>
        %dma_wait3A_299 = arith.constant 0 : i32
        %dma_wait3A_300 = arith.constant 0 : i32
        %dma_wait3A_301 = tpu.memref_slice %arg5[%dma_wait3A_299, %dma_wait3A_300] : memref<37120x128xf32, #tpu.memory_space<hbm>> -> memref<40x128xf32, #tpu.memory_space<hbm>>
        tpu.wait_dma2 semaphore(%arg21 : memref<!tpu.dma_semaphore, #tpu.memory_space<semaphore_mem>>) src(%arg17 : memref<40x128xf32, #tpu.memory_space<vmem>>) dst(%dma_wait3A_301 : memref<40x128xf32, #tpu.memory_space<hbm>>)
        %dma_wait3A_302 = arith.constant 0 : i32
        %dma_wait3A_303 = arith.constant 0 : i32
        %dma_wait3A_304 = tpu.memref_slice %arg6[%dma_wait3A_302, %dma_wait3A_303] : memref<37120x128xf32, #tpu.memory_space<hbm>> -> memref<40x128xf32, #tpu.memory_space<hbm>>
        %dma_wait3A_305 = arith.constant 0 : i32
        %dma_wait3A_306 = arith.constant 0 : i32
        %dma_wait3A_307 = tpu.memref_slice %arg6[%dma_wait3A_305, %dma_wait3A_306] : memref<37120x128xf32, #tpu.memory_space<hbm>> -> memref<40x128xf32, #tpu.memory_space<hbm>>
        tpu.wait_dma2 semaphore(%arg21 : memref<!tpu.dma_semaphore, #tpu.memory_space<semaphore_mem>>) src(%arg18 : memref<40x128xf32, #tpu.memory_space<vmem>>) dst(%dma_wait3A_307 : memref<40x128xf32, #tpu.memory_space<hbm>>)
        %dma_wait3A_308 = arith.constant 0 : i32
        %dma_wait3A_309 = arith.constant 0 : i32
        %dma_wait3A_310 = tpu.memref_slice %arg7[%dma_wait3A_308, %dma_wait3A_309] : memref<37120x128xf32, #tpu.memory_space<hbm>> -> memref<40x128xf32, #tpu.memory_space<hbm>>
        %dma_wait3A_311 = arith.constant 0 : i32
        %dma_wait3A_312 = arith.constant 0 : i32
        %dma_wait3A_313 = tpu.memref_slice %arg7[%dma_wait3A_311, %dma_wait3A_312] : memref<37120x128xf32, #tpu.memory_space<hbm>> -> memref<40x128xf32, #tpu.memory_space<hbm>>
        tpu.wait_dma2 semaphore(%arg21 : memref<!tpu.dma_semaphore, #tpu.memory_space<semaphore_mem>>) src(%arg19 : memref<40x128xf32, #tpu.memory_space<vmem>>) dst(%dma_wait3A_313 : memref<40x128xf32, #tpu.memory_space<hbm>>)
      } else {
      }
      %mul3A_132 = arith.constant 40 : i32
      %mul3A_133 = arith.muli %add3A_129, %mul3A_132 : i32
      %dma_start3A_134 = tpu.memref_slice %arg8[%mul3A_133] : memref<1160xi32, #tpu.memory_space<vmem>> -> memref<40xi32, #tpu.memory_space<vmem>>
      %dma_start3A_135 = arith.constant 0 : i32
      %dma_start3A_136 = arith.constant 0 : i32
      %dma_start3A_137 = tpu.memref_slice %arg2[%dma_start3A_135, %dma_start3A_136] : memref<160000x128xf32, #tpu.memory_space<hbm>> -> memref<160000x128xf32, #tpu.memory_space<hbm>>
      tpu.enqueue_indirect_dma source(%dma_start3A_137 : memref<160000x128xf32, #tpu.memory_space<hbm>>) target(%arg16 : memref<40x128xf32, #tpu.memory_space<vmem>>) offsets(%dma_start3A_134 : memref<40xi32, #tpu.memory_space<vmem>>) semaphore(%arg20 : memref<!tpu.dma_semaphore, #tpu.memory_space<semaphore_mem>>)
      %mul3A_138 = arith.constant 40 : i32
      %mul3A_139 = arith.muli %add3A_129, %mul3A_138 : i32
      %dma_start3A_140 = tpu.memref_slice %arg9[%mul3A_139] : memref<1160xi32, #tpu.memory_space<vmem>> -> memref<40xi32, #tpu.memory_space<vmem>>
      %dma_start3A_141 = arith.constant 0 : i32
      %dma_start3A_142 = arith.constant 0 : i32
      %dma_start3A_143 = tpu.memref_slice %arg2[%dma_start3A_141, %dma_start3A_142] : memref<160000x128xf32, #tpu.memory_space<hbm>> -> memref<160000x128xf32, #tpu.memory_space<hbm>>
      tpu.enqueue_indirect_dma source(%dma_start3A_143 : memref<160000x128xf32, #tpu.memory_space<hbm>>) target(%arg17 : memref<40x128xf32, #tpu.memory_space<vmem>>) offsets(%dma_start3A_140 : memref<40xi32, #tpu.memory_space<vmem>>) semaphore(%arg20 : memref<!tpu.dma_semaphore, #tpu.memory_space<semaphore_mem>>)
      %mul3A_144 = arith.constant 40 : i32
      %mul3A_145 = arith.muli %add3A_129, %mul3A_144 : i32
      %dma_start3A_146 = tpu.memref_slice %arg10[%mul3A_145] : memref<1160xi32, #tpu.memory_space<vmem>> -> memref<40xi32, #tpu.memory_space<vmem>>
      %dma_start3A_147 = arith.constant 0 : i32
      %dma_start3A_148 = arith.constant 0 : i32
      %dma_start3A_149 = tpu.memref_slice %arg2[%dma_start3A_147, %dma_start3A_148] : memref<160000x128xf32, #tpu.memory_space<hbm>> -> memref<160000x128xf32, #tpu.memory_space<hbm>>
      tpu.enqueue_indirect_dma source(%dma_start3A_149 : memref<160000x128xf32, #tpu.memory_space<hbm>>) target(%arg18 : memref<40x128xf32, #tpu.memory_space<vmem>>) offsets(%dma_start3A_146 : memref<40xi32, #tpu.memory_space<vmem>>) semaphore(%arg20 : memref<!tpu.dma_semaphore, #tpu.memory_space<semaphore_mem>>)
      %mul3A_150 = arith.constant 40 : i32
      %mul3A_151 = arith.muli %add3A_129, %mul3A_150 : i32
      %dma_start3A_152 = tpu.memref_slice %arg11[%mul3A_151] : memref<1160xi32, #tpu.memory_space<vmem>> -> memref<40xi32, #tpu.memory_space<vmem>>
      %dma_start3A_153 = arith.constant 0 : i32
      %dma_start3A_154 = arith.constant 0 : i32
      %dma_start3A_155 = tpu.memref_slice %arg2[%dma_start3A_153, %dma_start3A_154] : memref<160000x128xf32, #tpu.memory_space<hbm>> -> memref<160000x128xf32, #tpu.memory_space<hbm>>
      tpu.enqueue_indirect_dma source(%dma_start3A_155 : memref<160000x128xf32, #tpu.memory_space<hbm>>) target(%arg19 : memref<40x128xf32, #tpu.memory_space<vmem>>) offsets(%dma_start3A_152 : memref<40xi32, #tpu.memory_space<vmem>>) semaphore(%arg20 : memref<!tpu.dma_semaphore, #tpu.memory_space<semaphore_mem>>)
      %dma_wait3A_156 = arith.constant 0 : i32
      %dma_wait3A_157 = arith.constant 0 : i32
      %dma_wait3A_158 = tpu.memref_slice %arg2[%dma_wait3A_156, %dma_wait3A_157] : memref<160000x128xf32, #tpu.memory_space<hbm>> -> memref<40x128xf32, #tpu.memory_space<hbm>>
      %dma_wait3A_159 = arith.constant 0 : i32
      %dma_wait3A_160 = arith.constant 0 : i32
      %dma_wait3A_161 = tpu.memref_slice %arg2[%dma_wait3A_159, %dma_wait3A_160] : memref<160000x128xf32, #tpu.memory_space<hbm>> -> memref<40x128xf32, #tpu.memory_space<hbm>>
      tpu.wait_dma2 semaphore(%arg20 : memref<!tpu.dma_semaphore, #tpu.memory_space<semaphore_mem>>) src(%dma_wait3A_161 : memref<40x128xf32, #tpu.memory_space<hbm>>) dst(%arg12 : memref<40x128xf32, #tpu.memory_space<vmem>>)
      %dma_wait3A_162 = arith.constant 0 : i32
      %dma_wait3A_163 = arith.constant 0 : i32
      %dma_wait3A_164 = tpu.memref_slice %arg2[%dma_wait3A_162, %dma_wait3A_163] : memref<160000x128xf32, #tpu.memory_space<hbm>> -> memref<40x128xf32, #tpu.memory_space<hbm>>
      %dma_wait3A_165 = arith.constant 0 : i32
      %dma_wait3A_166 = arith.constant 0 : i32
      %dma_wait3A_167 = tpu.memref_slice %arg2[%dma_wait3A_165, %dma_wait3A_166] : memref<160000x128xf32, #tpu.memory_space<hbm>> -> memref<40x128xf32, #tpu.memory_space<hbm>>
      tpu.wait_dma2 semaphore(%arg20 : memref<!tpu.dma_semaphore, #tpu.memory_space<semaphore_mem>>) src(%dma_wait3A_167 : memref<40x128xf32, #tpu.memory_space<hbm>>) dst(%arg13 : memref<40x128xf32, #tpu.memory_space<vmem>>)
      %dma_wait3A_168 = arith.constant 0 : i32
      %dma_wait3A_169 = arith.constant 0 : i32
      %dma_wait3A_170 = tpu.memref_slice %arg2[%dma_wait3A_168, %dma_wait3A_169] : memref<160000x128xf32, #tpu.memory_space<hbm>> -> memref<40x128xf32, #tpu.memory_space<hbm>>
      %dma_wait3A_171 = arith.constant 0 : i32
      %dma_wait3A_172 = arith.constant 0 : i32
      %dma_wait3A_173 = tpu.memref_slice %arg2[%dma_wait3A_171, %dma_wait3A_172] : memref<160000x128xf32, #tpu.memory_space<hbm>> -> memref<40x128xf32, #tpu.memory_space<hbm>>
      tpu.wait_dma2 semaphore(%arg20 : memref<!tpu.dma_semaphore, #tpu.memory_space<semaphore_mem>>) src(%dma_wait3A_173 : memref<40x128xf32, #tpu.memory_space<hbm>>) dst(%arg14 : memref<40x128xf32, #tpu.memory_space<vmem>>)
      %dma_wait3A_174 = arith.constant 0 : i32
      %dma_wait3A_175 = arith.constant 0 : i32
      %dma_wait3A_176 = tpu.memref_slice %arg2[%dma_wait3A_174, %dma_wait3A_175] : memref<160000x128xf32, #tpu.memory_space<hbm>> -> memref<40x128xf32, #tpu.memory_space<hbm>>
      %dma_wait3A_177 = arith.constant 0 : i32
      %dma_wait3A_178 = arith.constant 0 : i32
      %dma_wait3A_179 = tpu.memref_slice %arg2[%dma_wait3A_177, %dma_wait3A_178] : memref<160000x128xf32, #tpu.memory_space<hbm>> -> memref<40x128xf32, #tpu.memory_space<hbm>>
      tpu.wait_dma2 semaphore(%arg20 : memref<!tpu.dma_semaphore, #tpu.memory_space<semaphore_mem>>) src(%dma_wait3A_179 : memref<40x128xf32, #tpu.memory_space<hbm>>) dst(%arg15 : memref<40x128xf32, #tpu.memory_space<vmem>>)
      %mul3A_180 = arith.constant 40 : i32
      %mul3A_181 = arith.muli %mul3A_127, %mul3A_180 : i32
      %add3A_182 = arith.addi %mul3A_2, %mul3A_181 : i32
      %dma_start3A_183 = arith.constant 0 : i32
      %dma_start3A_184 = tpu.memref_slice %arg4[%add3A_182, %dma_start3A_183] : memref<37120x128xf32, #tpu.memory_space<hbm>> -> memref<40x128xf32, #tpu.memory_space<hbm>>
      %dma_start3A_185 = arith.constant 0 : i32
      %dma_start3A_186 = tpu.memref_slice %arg4[%add3A_182, %dma_start3A_185] : memref<37120x128xf32, #tpu.memory_space<hbm>> -> memref<40x128xf32, #tpu.memory_space<hbm>>
      tpu.enqueue_dma source(%arg12 : memref<40x128xf32, #tpu.memory_space<vmem>>) target(%dma_start3A_186 : memref<40x128xf32, #tpu.memory_space<hbm>>) target_semaphore(%arg21 : memref<!tpu.dma_semaphore, #tpu.memory_space<semaphore_mem>>)
      %mul3A_187 = arith.constant 40 : i32
      %mul3A_188 = arith.muli %mul3A_127, %mul3A_187 : i32
      %add3A_189 = arith.addi %mul3A_2, %mul3A_188 : i32
      %dma_start3A_190 = arith.constant 0 : i32
      %dma_start3A_191 = tpu.memref_slice %arg5[%add3A_189, %dma_start3A_190] : memref<37120x128xf32, #tpu.memory_space<hbm>> -> memref<40x128xf32, #tpu.memory_space<hbm>>
      %dma_start3A_192 = arith.constant 0 : i32
      %dma_start3A_193 = tpu.memref_slice %arg5[%add3A_189, %dma_start3A_192] : memref<37120x128xf32, #tpu.memory_space<hbm>> -> memref<40x128xf32, #tpu.memory_space<hbm>>
      tpu.enqueue_dma source(%arg13 : memref<40x128xf32, #tpu.memory_space<vmem>>) target(%dma_start3A_193 : memref<40x128xf32, #tpu.memory_space<hbm>>) target_semaphore(%arg21 : memref<!tpu.dma_semaphore, #tpu.memory_space<semaphore_mem>>)
      %mul3A_194 = arith.constant 40 : i32
      %mul3A_195 = arith.muli %mul3A_127, %mul3A_194 : i32
      %add3A_196 = arith.addi %mul3A_2, %mul3A_195 : i32
      %dma_start3A_197 = arith.constant 0 : i32
      %dma_start3A_198 = tpu.memref_slice %arg6[%add3A_196, %dma_start3A_197] : memref<37120x128xf32, #tpu.memory_space<hbm>> -> memref<40x128xf32, #tpu.memory_space<hbm>>
      %dma_start3A_199 = arith.constant 0 : i32
      %dma_start3A_200 = tpu.memref_slice %arg6[%add3A_196, %dma_start3A_199] : memref<37120x128xf32, #tpu.memory_space<hbm>> -> memref<40x128xf32, #tpu.memory_space<hbm>>
      tpu.enqueue_dma source(%arg14 : memref<40x128xf32, #tpu.memory_space<vmem>>) target(%dma_start3A_200 : memref<40x128xf32, #tpu.memory_space<hbm>>) target_semaphore(%arg21 : memref<!tpu.dma_semaphore, #tpu.memory_space<semaphore_mem>>)
      %mul3A_201 = arith.constant 40 : i32
      %mul3A_202 = arith.muli %mul3A_127, %mul3A_201 : i32
      %add3A_203 = arith.addi %mul3A_2, %mul3A_202 : i32
      %dma_start3A_204 = arith.constant 0 : i32
      %dma_start3A_205 = tpu.memref_slice %arg7[%add3A_203, %dma_start3A_204] : memref<37120x128xf32, #tpu.memory_space<hbm>> -> memref<40x128xf32, #tpu.memory_space<hbm>>
      %dma_start3A_206 = arith.constant 0 : i32
      %dma_start3A_207 = tpu.memref_slice %arg7[%add3A_203, %dma_start3A_206] : memref<37120x128xf32, #tpu.memory_space<hbm>> -> memref<40x128xf32, #tpu.memory_space<hbm>>
      tpu.enqueue_dma source(%arg15 : memref<40x128xf32, #tpu.memory_space<vmem>>) target(%dma_start3A_207 : memref<40x128xf32, #tpu.memory_space<hbm>>) target_semaphore(%arg21 : memref<!tpu.dma_semaphore, #tpu.memory_space<semaphore_mem>>)
      %dma_wait3A_208 = arith.constant 0 : i32
      %dma_wait3A_209 = arith.constant 0 : i32
      %dma_wait3A_210 = tpu.memref_slice %arg4[%dma_wait3A_208, %dma_wait3A_209] : memref<37120x128xf32, #tpu.memory_space<hbm>> -> memref<40x128xf32, #tpu.memory_space<hbm>>
      %dma_wait3A_211 = arith.constant 0 : i32
      %dma_wait3A_212 = arith.constant 0 : i32
      %dma_wait3A_213 = tpu.memref_slice %arg4[%dma_wait3A_211, %dma_wait3A_212] : memref<37120x128xf32, #tpu.memory_space<hbm>> -> memref<40x128xf32, #tpu.memory_space<hbm>>
      tpu.wait_dma2 semaphore(%arg21 : memref<!tpu.dma_semaphore, #tpu.memory_space<semaphore_mem>>) src(%arg12 : memref<40x128xf32, #tpu.memory_space<vmem>>) dst(%dma_wait3A_213 : memref<40x128xf32, #tpu.memory_space<hbm>>)
      %dma_wait3A_214 = arith.constant 0 : i32
      %dma_wait3A_215 = arith.constant 0 : i32
      %dma_wait3A_216 = tpu.memref_slice %arg5[%dma_wait3A_214, %dma_wait3A_215] : memref<37120x128xf32, #tpu.memory_space<hbm>> -> memref<40x128xf32, #tpu.memory_space<hbm>>
      %dma_wait3A_217 = arith.constant 0 : i32
      %dma_wait3A_218 = arith.constant 0 : i32
      %dma_wait3A_219 = tpu.memref_slice %arg5[%dma_wait3A_217, %dma_wait3A_218] : memref<37120x128xf32, #tpu.memory_space<hbm>> -> memref<40x128xf32, #tpu.memory_space<hbm>>
      tpu.wait_dma2 semaphore(%arg21 : memref<!tpu.dma_semaphore, #tpu.memory_space<semaphore_mem>>) src(%arg13 : memref<40x128xf32, #tpu.memory_space<vmem>>) dst(%dma_wait3A_219 : memref<40x128xf32, #tpu.memory_space<hbm>>)
      %dma_wait3A_220 = arith.constant 0 : i32
      %dma_wait3A_221 = arith.constant 0 : i32
      %dma_wait3A_222 = tpu.memref_slice %arg6[%dma_wait3A_220, %dma_wait3A_221] : memref<37120x128xf32, #tpu.memory_space<hbm>> -> memref<40x128xf32, #tpu.memory_space<hbm>>
      %dma_wait3A_223 = arith.constant 0 : i32
      %dma_wait3A_224 = arith.constant 0 : i32
      %dma_wait3A_225 = tpu.memref_slice %arg6[%dma_wait3A_223, %dma_wait3A_224] : memref<37120x128xf32, #tpu.memory_space<hbm>> -> memref<40x128xf32, #tpu.memory_space<hbm>>
      tpu.wait_dma2 semaphore(%arg21 : memref<!tpu.dma_semaphore, #tpu.memory_space<semaphore_mem>>) src(%arg14 : memref<40x128xf32, #tpu.memory_space<vmem>>) dst(%dma_wait3A_225 : memref<40x128xf32, #tpu.memory_space<hbm>>)
      %dma_wait3A_226 = arith.constant 0 : i32
      %dma_wait3A_227 = arith.constant 0 : i32
      %dma_wait3A_228 = tpu.memref_slice %arg7[%dma_wait3A_226, %dma_wait3A_227] : memref<37120x128xf32, #tpu.memory_space<hbm>> -> memref<40x128xf32, #tpu.memory_space<hbm>>
      %dma_wait3A_229 = arith.constant 0 : i32
      %dma_wait3A_230 = arith.constant 0 : i32
      %dma_wait3A_231 = tpu.memref_slice %arg7[%dma_wait3A_229, %dma_wait3A_230] : memref<37120x128xf32, #tpu.memory_space<hbm>> -> memref<40x128xf32, #tpu.memory_space<hbm>>
      tpu.wait_dma2 semaphore(%arg21 : memref<!tpu.dma_semaphore, #tpu.memory_space<semaphore_mem>>) src(%arg15 : memref<40x128xf32, #tpu.memory_space<vmem>>) dst(%dma_wait3A_231 : memref<40x128xf32, #tpu.memory_space<hbm>>)
      %add3A_232 = arith.constant 1 : i32
      %add3A_233 = arith.addi %add3A_129, %add3A_232 : i32
      %lt3A = arith.constant 29 : i32
      %lt3A_234 = arith.cmpi slt, %add3A_233, %lt3A : i32
      %convert_element_type3A_235 = arith.extui %lt3A_234 : i1 to i32
      %cond3A_236 = arith.constant 0 : i32
      %cond3A_237 = arith.cmpi ne, %convert_element_type3A_235, %cond3A_236 : i32
      scf.if %cond3A_237 {
        %add3A_290 = arith.constant 1 : i32
        %add3A_291 = arith.addi %add3A_129, %add3A_290 : i32
        %mul3A_292 = arith.constant 40 : i32
        %mul3A_293 = arith.muli %add3A_291, %mul3A_292 : i32
        %dma_start3A_294 = tpu.memref_slice %arg8[%mul3A_293] : memref<1160xi32, #tpu.memory_space<vmem>> -> memref<40xi32, #tpu.memory_space<vmem>>
        %dma_start3A_295 = arith.constant 0 : i32
        %dma_start3A_296 = arith.constant 0 : i32
        %dma_start3A_297 = tpu.memref_slice %arg2[%dma_start3A_295, %dma_start3A_296] : memref<160000x128xf32, #tpu.memory_space<hbm>> -> memref<160000x128xf32, #tpu.memory_space<hbm>>
        tpu.enqueue_indirect_dma source(%dma_start3A_297 : memref<160000x128xf32, #tpu.memory_space<hbm>>) target(%arg12 : memref<40x128xf32, #tpu.memory_space<vmem>>) offsets(%dma_start3A_294 : memref<40xi32, #tpu.memory_space<vmem>>) semaphore(%arg20 : memref<!tpu.dma_semaphore, #tpu.memory_space<semaphore_mem>>)
        %mul3A_298 = arith.constant 40 : i32
        %mul3A_299 = arith.muli %add3A_291, %mul3A_298 : i32
        %dma_start3A_300 = tpu.memref_slice %arg9[%mul3A_299] : memref<1160xi32, #tpu.memory_space<vmem>> -> memref<40xi32, #tpu.memory_space<vmem>>
        %dma_start3A_301 = arith.constant 0 : i32
        %dma_start3A_302 = arith.constant 0 : i32
        %dma_start3A_303 = tpu.memref_slice %arg2[%dma_start3A_301, %dma_start3A_302] : memref<160000x128xf32, #tpu.memory_space<hbm>> -> memref<160000x128xf32, #tpu.memory_space<hbm>>
        tpu.enqueue_indirect_dma source(%dma_start3A_303 : memref<160000x128xf32, #tpu.memory_space<hbm>>) target(%arg13 : memref<40x128xf32, #tpu.memory_space<vmem>>) offsets(%dma_start3A_300 : memref<40xi32, #tpu.memory_space<vmem>>) semaphore(%arg20 : memref<!tpu.dma_semaphore, #tpu.memory_space<semaphore_mem>>)
        %mul3A_304 = arith.constant 40 : i32
        %mul3A_305 = arith.muli %add3A_291, %mul3A_304 : i32
        %dma_start3A_306 = tpu.memref_slice %arg10[%mul3A_305] : memref<1160xi32, #tpu.memory_space<vmem>> -> memref<40xi32, #tpu.memory_space<vmem>>
        %dma_start3A_307 = arith.constant 0 : i32
        %dma_start3A_308 = arith.constant 0 : i32
        %dma_start3A_309 = tpu.memref_slice %arg2[%dma_start3A_307, %dma_start3A_308] : memref<160000x128xf32, #tpu.memory_space<hbm>> -> memref<160000x128xf32, #tpu.memory_space<hbm>>
        tpu.enqueue_indirect_dma source(%dma_start3A_309 : memref<160000x128xf32, #tpu.memory_space<hbm>>) target(%arg14 : memref<40x128xf32, #tpu.memory_space<vmem>>) offsets(%dma_start3A_306 : memref<40xi32, #tpu.memory_space<vmem>>) semaphore(%arg20 : memref<!tpu.dma_semaphore, #tpu.memory_space<semaphore_mem>>)
        %mul3A_310 = arith.constant 40 : i32
        %mul3A_311 = arith.muli %add3A_291, %mul3A_310 : i32
        %dma_start3A_312 = tpu.memref_slice %arg11[%mul3A_311] : memref<1160xi32, #tpu.memory_space<vmem>> -> memref<40xi32, #tpu.memory_space<vmem>>
        %dma_start3A_313 = arith.constant 0 : i32
        %dma_start3A_314 = arith.constant 0 : i32
        %dma_start3A_315 = tpu.memref_slice %arg2[%dma_start3A_313, %dma_start3A_314] : memref<160000x128xf32, #tpu.memory_space<hbm>> -> memref<160000x128xf32, #tpu.memory_space<hbm>>
        tpu.enqueue_indirect_dma source(%dma_start3A_315 : memref<160000x128xf32, #tpu.memory_space<hbm>>) target(%arg15 : memref<40x128xf32, #tpu.memory_space<vmem>>) offsets(%dma_start3A_312 : memref<40xi32, #tpu.memory_space<vmem>>) semaphore(%arg20 : memref<!tpu.dma_semaphore, #tpu.memory_space<semaphore_mem>>)
      } else {
      }
      %dma_wait3A_238 = arith.constant 0 : i32
      %dma_wait3A_239 = arith.constant 0 : i32
      %dma_wait3A_240 = tpu.memref_slice %arg2[%dma_wait3A_238, %dma_wait3A_239] : memref<160000x128xf32, #tpu.memory_space<hbm>> -> memref<40x128xf32, #tpu.memory_space<hbm>>
      %dma_wait3A_241 = arith.constant 0 : i32
      %dma_wait3A_242 = arith.constant 0 : i32
      %dma_wait3A_243 = tpu.memref_slice %arg2[%dma_wait3A_241, %dma_wait3A_242] : memref<160000x128xf32, #tpu.memory_space<hbm>> -> memref<40x128xf32, #tpu.memory_space<hbm>>
      tpu.wait_dma2 semaphore(%arg20 : memref<!tpu.dma_semaphore, #tpu.memory_space<semaphore_mem>>) src(%dma_wait3A_243 : memref<40x128xf32, #tpu.memory_space<hbm>>) dst(%arg16 : memref<40x128xf32, #tpu.memory_space<vmem>>)
      %dma_wait3A_244 = arith.constant 0 : i32
      %dma_wait3A_245 = arith.constant 0 : i32
      %dma_wait3A_246 = tpu.memref_slice %arg2[%dma_wait3A_244, %dma_wait3A_245] : memref<160000x128xf32, #tpu.memory_space<hbm>> -> memref<40x128xf32, #tpu.memory_space<hbm>>
      %dma_wait3A_247 = arith.constant 0 : i32
      %dma_wait3A_248 = arith.constant 0 : i32
      %dma_wait3A_249 = tpu.memref_slice %arg2[%dma_wait3A_247, %dma_wait3A_248] : memref<160000x128xf32, #tpu.memory_space<hbm>> -> memref<40x128xf32, #tpu.memory_space<hbm>>
      tpu.wait_dma2 semaphore(%arg20 : memref<!tpu.dma_semaphore, #tpu.memory_space<semaphore_mem>>) src(%dma_wait3A_249 : memref<40x128xf32, #tpu.memory_space<hbm>>) dst(%arg17 : memref<40x128xf32, #tpu.memory_space<vmem>>)
      %dma_wait3A_250 = arith.constant 0 : i32
      %dma_wait3A_251 = arith.constant 0 : i32
      %dma_wait3A_252 = tpu.memref_slice %arg2[%dma_wait3A_250, %dma_wait3A_251] : memref<160000x128xf32, #tpu.memory_space<hbm>> -> memref<40x128xf32, #tpu.memory_space<hbm>>
      %dma_wait3A_253 = arith.constant 0 : i32
      %dma_wait3A_254 = arith.constant 0 : i32
      %dma_wait3A_255 = tpu.memref_slice %arg2[%dma_wait3A_253, %dma_wait3A_254] : memref<160000x128xf32, #tpu.memory_space<hbm>> -> memref<40x128xf32, #tpu.memory_space<hbm>>
      tpu.wait_dma2 semaphore(%arg20 : memref<!tpu.dma_semaphore, #tpu.memory_space<semaphore_mem>>) src(%dma_wait3A_255 : memref<40x128xf32, #tpu.memory_space<hbm>>) dst(%arg18 : memref<40x128xf32, #tpu.memory_space<vmem>>)
      %dma_wait3A_256 = arith.constant 0 : i32
      %dma_wait3A_257 = arith.constant 0 : i32
      %dma_wait3A_258 = tpu.memref_slice %arg2[%dma_wait3A_256, %dma_wait3A_257] : memref<160000x128xf32, #tpu.memory_space<hbm>> -> memref<40x128xf32, #tpu.memory_space<hbm>>
      %dma_wait3A_259 = arith.constant 0 : i32
      %dma_wait3A_260 = arith.constant 0 : i32
      %dma_wait3A_261 = tpu.memref_slice %arg2[%dma_wait3A_259, %dma_wait3A_260] : memref<160000x128xf32, #tpu.memory_space<hbm>> -> memref<40x128xf32, #tpu.memory_space<hbm>>
      tpu.wait_dma2 semaphore(%arg20 : memref<!tpu.dma_semaphore, #tpu.memory_space<semaphore_mem>>) src(%dma_wait3A_261 : memref<40x128xf32, #tpu.memory_space<hbm>>) dst(%arg19 : memref<40x128xf32, #tpu.memory_space<vmem>>)
      %mul3A_262 = arith.constant 40 : i32
      %mul3A_263 = arith.muli %add3A_129, %mul3A_262 : i32
      %add3A_264 = arith.addi %mul3A_2, %mul3A_263 : i32
      %dma_start3A_265 = arith.constant 0 : i32
      %dma_start3A_266 = tpu.memref_slice %arg4[%add3A_264, %dma_start3A_265] : memref<37120x128xf32, #tpu.memory_space<hbm>> -> memref<40x128xf32, #tpu.memory_space<hbm>>
      %dma_start3A_267 = arith.constant 0 : i32
      %dma_start3A_268 = tpu.memref_slice %arg4[%add3A_264, %dma_start3A_267] : memref<37120x128xf32, #tpu.memory_space<hbm>> -> memref<40x128xf32, #tpu.memory_space<hbm>>
      tpu.enqueue_dma source(%arg16 : memref<40x128xf32, #tpu.memory_space<vmem>>) target(%dma_start3A_268 : memref<40x128xf32, #tpu.memory_space<hbm>>) target_semaphore(%arg21 : memref<!tpu.dma_semaphore, #tpu.memory_space<semaphore_mem>>)
      %mul3A_269 = arith.constant 40 : i32
      %mul3A_270 = arith.muli %add3A_129, %mul3A_269 : i32
      %add3A_271 = arith.addi %mul3A_2, %mul3A_270 : i32
      %dma_start3A_272 = arith.constant 0 : i32
      %dma_start3A_273 = tpu.memref_slice %arg5[%add3A_271, %dma_start3A_272] : memref<37120x128xf32, #tpu.memory_space<hbm>> -> memref<40x128xf32, #tpu.memory_space<hbm>>
      %dma_start3A_274 = arith.constant 0 : i32
      %dma_start3A_275 = tpu.memref_slice %arg5[%add3A_271, %dma_start3A_274] : memref<37120x128xf32, #tpu.memory_space<hbm>> -> memref<40x128xf32, #tpu.memory_space<hbm>>
      tpu.enqueue_dma source(%arg17 : memref<40x128xf32, #tpu.memory_space<vmem>>) target(%dma_start3A_275 : memref<40x128xf32, #tpu.memory_space<hbm>>) target_semaphore(%arg21 : memref<!tpu.dma_semaphore, #tpu.memory_space<semaphore_mem>>)
      %mul3A_276 = arith.constant 40 : i32
      %mul3A_277 = arith.muli %add3A_129, %mul3A_276 : i32
      %add3A_278 = arith.addi %mul3A_2, %mul3A_277 : i32
      %dma_start3A_279 = arith.constant 0 : i32
      %dma_start3A_280 = tpu.memref_slice %arg6[%add3A_278, %dma_start3A_279] : memref<37120x128xf32, #tpu.memory_space<hbm>> -> memref<40x128xf32, #tpu.memory_space<hbm>>
      %dma_start3A_281 = arith.constant 0 : i32
      %dma_start3A_282 = tpu.memref_slice %arg6[%add3A_278, %dma_start3A_281] : memref<37120x128xf32, #tpu.memory_space<hbm>> -> memref<40x128xf32, #tpu.memory_space<hbm>>
      tpu.enqueue_dma source(%arg18 : memref<40x128xf32, #tpu.memory_space<vmem>>) target(%dma_start3A_282 : memref<40x128xf32, #tpu.memory_space<hbm>>) target_semaphore(%arg21 : memref<!tpu.dma_semaphore, #tpu.memory_space<semaphore_mem>>)
      %mul3A_283 = arith.constant 40 : i32
      %mul3A_284 = arith.muli %add3A_129, %mul3A_283 : i32
      %add3A_285 = arith.addi %mul3A_2, %mul3A_284 : i32
      %dma_start3A_286 = arith.constant 0 : i32
      %dma_start3A_287 = tpu.memref_slice %arg7[%add3A_285, %dma_start3A_286] : memref<37120x128xf32, #tpu.memory_space<hbm>> -> memref<40x128xf32, #tpu.memory_space<hbm>>
      %dma_start3A_288 = arith.constant 0 : i32
      %dma_start3A_289 = tpu.memref_slice %arg7[%add3A_285, %dma_start3A_288] : memref<37120x128xf32, #tpu.memory_space<hbm>> -> memref<40x128xf32, #tpu.memory_space<hbm>>
      tpu.enqueue_dma source(%arg19 : memref<40x128xf32, #tpu.memory_space<vmem>>) target(%dma_start3A_289 : memref<40x128xf32, #tpu.memory_space<hbm>>) target_semaphore(%arg21 : memref<!tpu.dma_semaphore, #tpu.memory_space<semaphore_mem>>)
    }
    %scan3A_29 = arith.constant 14 : i32
    %dma_wait3A = arith.constant 0 : i32
    %dma_wait3A_30 = arith.constant 0 : i32
    %dma_wait3A_31 = tpu.memref_slice %arg4[%dma_wait3A, %dma_wait3A_30] : memref<37120x128xf32, #tpu.memory_space<hbm>> -> memref<40x128xf32, #tpu.memory_space<hbm>>
    %dma_wait3A_32 = arith.constant 0 : i32
    %dma_wait3A_33 = arith.constant 0 : i32
    %dma_wait3A_34 = tpu.memref_slice %arg4[%dma_wait3A_32, %dma_wait3A_33] : memref<37120x128xf32, #tpu.memory_space<hbm>> -> memref<40x128xf32, #tpu.memory_space<hbm>>
    tpu.wait_dma2 semaphore(%arg21 : memref<!tpu.dma_semaphore, #tpu.memory_space<semaphore_mem>>) src(%arg16 : memref<40x128xf32, #tpu.memory_space<vmem>>) dst(%dma_wait3A_34 : memref<40x128xf32, #tpu.memory_space<hbm>>)
    %dma_wait3A_35 = arith.constant 0 : i32
    %dma_wait3A_36 = arith.constant 0 : i32
    %dma_wait3A_37 = tpu.memref_slice %arg5[%dma_wait3A_35, %dma_wait3A_36] : memref<37120x128xf32, #tpu.memory_space<hbm>> -> memref<40x128xf32, #tpu.memory_space<hbm>>
    %dma_wait3A_38 = arith.constant 0 : i32
    %dma_wait3A_39 = arith.constant 0 : i32
    %dma_wait3A_40 = tpu.memref_slice %arg5[%dma_wait3A_38, %dma_wait3A_39] : memref<37120x128xf32, #tpu.memory_space<hbm>> -> memref<40x128xf32, #tpu.memory_space<hbm>>
    tpu.wait_dma2 semaphore(%arg21 : memref<!tpu.dma_semaphore, #tpu.memory_space<semaphore_mem>>) src(%arg17 : memref<40x128xf32, #tpu.memory_space<vmem>>) dst(%dma_wait3A_40 : memref<40x128xf32, #tpu.memory_space<hbm>>)
    %dma_wait3A_41 = arith.constant 0 : i32
    %dma_wait3A_42 = arith.constant 0 : i32
    %dma_wait3A_43 = tpu.memref_slice %arg6[%dma_wait3A_41, %dma_wait3A_42] : memref<37120x128xf32, #tpu.memory_space<hbm>> -> memref<40x128xf32, #tpu.memory_space<hbm>>
    %dma_wait3A_44 = arith.constant 0 : i32
    %dma_wait3A_45 = arith.constant 0 : i32
    %dma_wait3A_46 = tpu.memref_slice %arg6[%dma_wait3A_44, %dma_wait3A_45] : memref<37120x128xf32, #tpu.memory_space<hbm>> -> memref<40x128xf32, #tpu.memory_space<hbm>>
    tpu.wait_dma2 semaphore(%arg21 : memref<!tpu.dma_semaphore, #tpu.memory_space<semaphore_mem>>) src(%arg18 : memref<40x128xf32, #tpu.memory_space<vmem>>) dst(%dma_wait3A_46 : memref<40x128xf32, #tpu.memory_space<hbm>>)
    %dma_wait3A_47 = arith.constant 0 : i32
    %dma_wait3A_48 = arith.constant 0 : i32
    %dma_wait3A_49 = tpu.memref_slice %arg7[%dma_wait3A_47, %dma_wait3A_48] : memref<37120x128xf32, #tpu.memory_space<hbm>> -> memref<40x128xf32, #tpu.memory_space<hbm>>
    %dma_wait3A_50 = arith.constant 0 : i32
    %dma_wait3A_51 = arith.constant 0 : i32
    %dma_wait3A_52 = tpu.memref_slice %arg7[%dma_wait3A_50, %dma_wait3A_51] : memref<37120x128xf32, #tpu.memory_space<hbm>> -> memref<40x128xf32, #tpu.memory_space<hbm>>
    tpu.wait_dma2 semaphore(%arg21 : memref<!tpu.dma_semaphore, #tpu.memory_space<semaphore_mem>>) src(%arg19 : memref<40x128xf32, #tpu.memory_space<vmem>>) dst(%dma_wait3A_52 : memref<40x128xf32, #tpu.memory_space<hbm>>)
    %dma_wait3A_53 = arith.constant 0 : i32
    %dma_wait3A_54 = arith.constant 0 : i32
    %dma_wait3A_55 = tpu.memref_slice %arg2[%dma_wait3A_53, %dma_wait3A_54] : memref<160000x128xf32, #tpu.memory_space<hbm>> -> memref<40x128xf32, #tpu.memory_space<hbm>>
    %dma_wait3A_56 = arith.constant 0 : i32
    %dma_wait3A_57 = arith.constant 0 : i32
    %dma_wait3A_58 = tpu.memref_slice %arg2[%dma_wait3A_56, %dma_wait3A_57] : memref<160000x128xf32, #tpu.memory_space<hbm>> -> memref<40x128xf32, #tpu.memory_space<hbm>>
    tpu.wait_dma2 semaphore(%arg20 : memref<!tpu.dma_semaphore, #tpu.memory_space<semaphore_mem>>) src(%dma_wait3A_58 : memref<40x128xf32, #tpu.memory_space<hbm>>) dst(%arg12 : memref<40x128xf32, #tpu.memory_space<vmem>>)
    %dma_wait3A_59 = arith.constant 0 : i32
    %dma_wait3A_60 = arith.constant 0 : i32
    %dma_wait3A_61 = tpu.memref_slice %arg2[%dma_wait3A_59, %dma_wait3A_60] : memref<160000x128xf32, #tpu.memory_space<hbm>> -> memref<40x128xf32, #tpu.memory_space<hbm>>
    %dma_wait3A_62 = arith.constant 0 : i32
    %dma_wait3A_63 = arith.constant 0 : i32
    %dma_wait3A_64 = tpu.memref_slice %arg2[%dma_wait3A_62, %dma_wait3A_63] : memref<160000x128xf32, #tpu.memory_space<hbm>> -> memref<40x128xf32, #tpu.memory_space<hbm>>
    tpu.wait_dma2 semaphore(%arg20 : memref<!tpu.dma_semaphore, #tpu.memory_space<semaphore_mem>>) src(%dma_wait3A_64 : memref<40x128xf32, #tpu.memory_space<hbm>>) dst(%arg13 : memref<40x128xf32, #tpu.memory_space<vmem>>)
    %dma_wait3A_65 = arith.constant 0 : i32
    %dma_wait3A_66 = arith.constant 0 : i32
    %dma_wait3A_67 = tpu.memref_slice %arg2[%dma_wait3A_65, %dma_wait3A_66] : memref<160000x128xf32, #tpu.memory_space<hbm>> -> memref<40x128xf32, #tpu.memory_space<hbm>>
    %dma_wait3A_68 = arith.constant 0 : i32
    %dma_wait3A_69 = arith.constant 0 : i32
    %dma_wait3A_70 = tpu.memref_slice %arg2[%dma_wait3A_68, %dma_wait3A_69] : memref<160000x128xf32, #tpu.memory_space<hbm>> -> memref<40x128xf32, #tpu.memory_space<hbm>>
    tpu.wait_dma2 semaphore(%arg20 : memref<!tpu.dma_semaphore, #tpu.memory_space<semaphore_mem>>) src(%dma_wait3A_70 : memref<40x128xf32, #tpu.memory_space<hbm>>) dst(%arg14 : memref<40x128xf32, #tpu.memory_space<vmem>>)
    %dma_wait3A_71 = arith.constant 0 : i32
    %dma_wait3A_72 = arith.constant 0 : i32
    %dma_wait3A_73 = tpu.memref_slice %arg2[%dma_wait3A_71, %dma_wait3A_72] : memref<160000x128xf32, #tpu.memory_space<hbm>> -> memref<40x128xf32, #tpu.memory_space<hbm>>
    %dma_wait3A_74 = arith.constant 0 : i32
    %dma_wait3A_75 = arith.constant 0 : i32
    %dma_wait3A_76 = tpu.memref_slice %arg2[%dma_wait3A_74, %dma_wait3A_75] : memref<160000x128xf32, #tpu.memory_space<hbm>> -> memref<40x128xf32, #tpu.memory_space<hbm>>
    tpu.wait_dma2 semaphore(%arg20 : memref<!tpu.dma_semaphore, #tpu.memory_space<semaphore_mem>>) src(%dma_wait3A_76 : memref<40x128xf32, #tpu.memory_space<hbm>>) dst(%arg15 : memref<40x128xf32, #tpu.memory_space<vmem>>)
    %add3A_77 = arith.constant 1120 : i32
    %add3A_78 = arith.addi %mul3A_2, %add3A_77 : i32
    %dma_start3A_79 = arith.constant 0 : i32
    %dma_start3A_80 = tpu.memref_slice %arg4[%add3A_78, %dma_start3A_79] : memref<37120x128xf32, #tpu.memory_space<hbm>> -> memref<40x128xf32, #tpu.memory_space<hbm>>
    %dma_start3A_81 = arith.constant 0 : i32
    %dma_start3A_82 = tpu.memref_slice %arg4[%add3A_78, %dma_start3A_81] : memref<37120x128xf32, #tpu.memory_space<hbm>> -> memref<40x128xf32, #tpu.memory_space<hbm>>
    tpu.enqueue_dma source(%arg12 : memref<40x128xf32, #tpu.memory_space<vmem>>) target(%dma_start3A_82 : memref<40x128xf32, #tpu.memory_space<hbm>>) target_semaphore(%arg21 : memref<!tpu.dma_semaphore, #tpu.memory_space<semaphore_mem>>)
    %add3A_83 = arith.constant 1120 : i32
    %add3A_84 = arith.addi %mul3A_2, %add3A_83 : i32
    %dma_start3A_85 = arith.constant 0 : i32
    %dma_start3A_86 = tpu.memref_slice %arg5[%add3A_84, %dma_start3A_85] : memref<37120x128xf32, #tpu.memory_space<hbm>> -> memref<40x128xf32, #tpu.memory_space<hbm>>
    %dma_start3A_87 = arith.constant 0 : i32
    %dma_start3A_88 = tpu.memref_slice %arg5[%add3A_84, %dma_start3A_87] : memref<37120x128xf32, #tpu.memory_space<hbm>> -> memref<40x128xf32, #tpu.memory_space<hbm>>
    tpu.enqueue_dma source(%arg13 : memref<40x128xf32, #tpu.memory_space<vmem>>) target(%dma_start3A_88 : memref<40x128xf32, #tpu.memory_space<hbm>>) target_semaphore(%arg21 : memref<!tpu.dma_semaphore, #tpu.memory_space<semaphore_mem>>)
    %add3A_89 = arith.constant 1120 : i32
    %add3A_90 = arith.addi %mul3A_2, %add3A_89 : i32
    %dma_start3A_91 = arith.constant 0 : i32
    %dma_start3A_92 = tpu.memref_slice %arg6[%add3A_90, %dma_start3A_91] : memref<37120x128xf32, #tpu.memory_space<hbm>> -> memref<40x128xf32, #tpu.memory_space<hbm>>
    %dma_start3A_93 = arith.constant 0 : i32
    %dma_start3A_94 = tpu.memref_slice %arg6[%add3A_90, %dma_start3A_93] : memref<37120x128xf32, #tpu.memory_space<hbm>> -> memref<40x128xf32, #tpu.memory_space<hbm>>
    tpu.enqueue_dma source(%arg14 : memref<40x128xf32, #tpu.memory_space<vmem>>) target(%dma_start3A_94 : memref<40x128xf32, #tpu.memory_space<hbm>>) target_semaphore(%arg21 : memref<!tpu.dma_semaphore, #tpu.memory_space<semaphore_mem>>)
    %add3A_95 = arith.constant 1120 : i32
    %add3A_96 = arith.addi %mul3A_2, %add3A_95 : i32
    %dma_start3A_97 = arith.constant 0 : i32
    %dma_start3A_98 = tpu.memref_slice %arg7[%add3A_96, %dma_start3A_97] : memref<37120x128xf32, #tpu.memory_space<hbm>> -> memref<40x128xf32, #tpu.memory_space<hbm>>
    %dma_start3A_99 = arith.constant 0 : i32
    %dma_start3A_100 = tpu.memref_slice %arg7[%add3A_96, %dma_start3A_99] : memref<37120x128xf32, #tpu.memory_space<hbm>> -> memref<40x128xf32, #tpu.memory_space<hbm>>
    tpu.enqueue_dma source(%arg15 : memref<40x128xf32, #tpu.memory_space<vmem>>) target(%dma_start3A_100 : memref<40x128xf32, #tpu.memory_space<hbm>>) target_semaphore(%arg21 : memref<!tpu.dma_semaphore, #tpu.memory_space<semaphore_mem>>)
    %dma_wait3A_101 = arith.constant 0 : i32
    %dma_wait3A_102 = arith.constant 0 : i32
    %dma_wait3A_103 = tpu.memref_slice %arg4[%dma_wait3A_101, %dma_wait3A_102] : memref<37120x128xf32, #tpu.memory_space<hbm>> -> memref<40x128xf32, #tpu.memory_space<hbm>>
    %dma_wait3A_104 = arith.constant 0 : i32
    %dma_wait3A_105 = arith.constant 0 : i32
    %dma_wait3A_106 = tpu.memref_slice %arg4[%dma_wait3A_104, %dma_wait3A_105] : memref<37120x128xf32, #tpu.memory_space<hbm>> -> memref<40x128xf32, #tpu.memory_space<hbm>>
    tpu.wait_dma2 semaphore(%arg21 : memref<!tpu.dma_semaphore, #tpu.memory_space<semaphore_mem>>) src(%arg12 : memref<40x128xf32, #tpu.memory_space<vmem>>) dst(%dma_wait3A_106 : memref<40x128xf32, #tpu.memory_space<hbm>>)
    %dma_wait3A_107 = arith.constant 0 : i32
    %dma_wait3A_108 = arith.constant 0 : i32
    %dma_wait3A_109 = tpu.memref_slice %arg5[%dma_wait3A_107, %dma_wait3A_108] : memref<37120x128xf32, #tpu.memory_space<hbm>> -> memref<40x128xf32, #tpu.memory_space<hbm>>
    %dma_wait3A_110 = arith.constant 0 : i32
    %dma_wait3A_111 = arith.constant 0 : i32
    %dma_wait3A_112 = tpu.memref_slice %arg5[%dma_wait3A_110, %dma_wait3A_111] : memref<37120x128xf32, #tpu.memory_space<hbm>> -> memref<40x128xf32, #tpu.memory_space<hbm>>
    tpu.wait_dma2 semaphore(%arg21 : memref<!tpu.dma_semaphore, #tpu.memory_space<semaphore_mem>>) src(%arg13 : memref<40x128xf32, #tpu.memory_space<vmem>>) dst(%dma_wait3A_112 : memref<40x128xf32, #tpu.memory_space<hbm>>)
    %dma_wait3A_113 = arith.constant 0 : i32
    %dma_wait3A_114 = arith.constant 0 : i32
    %dma_wait3A_115 = tpu.memref_slice %arg6[%dma_wait3A_113, %dma_wait3A_114] : memref<37120x128xf32, #tpu.memory_space<hbm>> -> memref<40x128xf32, #tpu.memory_space<hbm>>
    %dma_wait3A_116 = arith.constant 0 : i32
    %dma_wait3A_117 = arith.constant 0 : i32
    %dma_wait3A_118 = tpu.memref_slice %arg6[%dma_wait3A_116, %dma_wait3A_117] : memref<37120x128xf32, #tpu.memory_space<hbm>> -> memref<40x128xf32, #tpu.memory_space<hbm>>
    tpu.wait_dma2 semaphore(%arg21 : memref<!tpu.dma_semaphore, #tpu.memory_space<semaphore_mem>>) src(%arg14 : memref<40x128xf32, #tpu.memory_space<vmem>>) dst(%dma_wait3A_118 : memref<40x128xf32, #tpu.memory_space<hbm>>)
    %dma_wait3A_119 = arith.constant 0 : i32
    %dma_wait3A_120 = arith.constant 0 : i32
    %dma_wait3A_121 = tpu.memref_slice %arg7[%dma_wait3A_119, %dma_wait3A_120] : memref<37120x128xf32, #tpu.memory_space<hbm>> -> memref<40x128xf32, #tpu.memory_space<hbm>>
    %dma_wait3A_122 = arith.constant 0 : i32
    %dma_wait3A_123 = arith.constant 0 : i32
    %dma_wait3A_124 = tpu.memref_slice %arg7[%dma_wait3A_122, %dma_wait3A_123] : memref<37120x128xf32, #tpu.memory_space<hbm>> -> memref<40x128xf32, #tpu.memory_space<hbm>>
    tpu.wait_dma2 semaphore(%arg21 : memref<!tpu.dma_semaphore, #tpu.memory_space<semaphore_mem>>) src(%arg15 : memref<40x128xf32, #tpu.memory_space<vmem>>) dst(%dma_wait3A_124 : memref<40x128xf32, #tpu.memory_space<hbm>>)
    return
  }
}

#map = affine_map<(d0, d1) -> (0, 0)>
#map1 = affine_map<(d0, d1) -> (0, 0, 0)>
module attributes {stable_mosaic.version = 14 : i64} {
  func.func @k(%arg0: i32, %arg1: i32, %arg2: memref<160000x128xf32, #tpu.memory_space<hbm>>, %arg3: memref<32x4x1280xi32, #tpu.memory_space<hbm>>, %arg4: memref<40960x128xf32, #tpu.memory_space<hbm>>, %arg5: memref<40960x128xf32, #tpu.memory_space<hbm>>, %arg6: memref<40960x128xf32, #tpu.memory_space<hbm>>, %arg7: memref<40960x128xf32, #tpu.memory_space<hbm>>, %arg8: memref<1280xi32, #tpu.memory_space<vmem>>, %arg9: memref<1280xi32, #tpu.memory_space<vmem>>, %arg10: memref<1280xi32, #tpu.memory_space<vmem>>, %arg11: memref<1280xi32, #tpu.memory_space<vmem>>, %arg12: memref<40x128xf32, #tpu.memory_space<vmem>>, %arg13: memref<40x128xf32, #tpu.memory_space<vmem>>, %arg14: memref<40x128xf32, #tpu.memory_space<vmem>>, %arg15: memref<40x128xf32, #tpu.memory_space<vmem>>, %arg16: memref<40x128xf32, #tpu.memory_space<vmem>>, %arg17: memref<40x128xf32, #tpu.memory_space<vmem>>, %arg18: memref<40x128xf32, #tpu.memory_space<vmem>>, %arg19: memref<40x128xf32, #tpu.memory_space<vmem>>, %arg20: memref<!tpu.dma_semaphore, #tpu.memory_space<semaphore_mem>>, %arg21: memref<!tpu.dma_semaphore, #tpu.memory_space<semaphore_mem>>) attributes {dimension_semantics = [#tpu.dimension_semantics<core_parallel>, #tpu.dimension_semantics<subcore_parallel>], iteration_bounds = array<i64: 2, 16>, scalar_prefetch = 0 : i64, scratch_operands = 14 : i64, tpu.core_type = #tpu.core_type<sc_vector_subcore>, window_params = [{transform_indices = #map}, {transform_indices = #map1}, {transform_indices = #map}, {transform_indices = #map}, {transform_indices = #map}, {transform_indices = #map}]} {
    %mul3A = arith.constant 2 : i32
    %mul3A_0 = arith.muli %arg1, %mul3A : i32
    %add3A = arith.addi %mul3A_0, %arg0 : i32
    %mul3A_1 = arith.constant 1280 : i32
    %mul3A_2 = arith.muli %add3A, %mul3A_1 : i32
    %run_scoped3A = arith.constant 0 : i32
    "tpu.region"() ({
      %run_scoped3A_53 = tpu.sem_alloc : memref<!tpu.dma_semaphore, #tpu.memory_space<semaphore_mem>>
      %dma_start3A_54 = arith.constant 0 : i32
      %dma_start3A_55 = tpu.memref_slice %arg3[%add3A, %run_scoped3A, %dma_start3A_54] : memref<32x4x1280xi32, #tpu.memory_space<hbm>> -> memref<1x1x1280xi32, #tpu.memory_space<hbm>>
      %dma_start3A_56 = tpu.memref_squeeze %dma_start3A_55 : memref<1x1x1280xi32, #tpu.memory_space<hbm>> -> memref<1280xi32, #tpu.memory_space<hbm>>
      %dma_start3A_57 = arith.constant 0 : i32
      %dma_start3A_58 = tpu.memref_slice %arg3[%add3A, %run_scoped3A, %dma_start3A_57] : memref<32x4x1280xi32, #tpu.memory_space<hbm>> -> memref<1x1x1280xi32, #tpu.memory_space<hbm>>
      %dma_start3A_59 = tpu.memref_squeeze %dma_start3A_58 : memref<1x1x1280xi32, #tpu.memory_space<hbm>> -> memref<1280xi32, #tpu.memory_space<hbm>>
      tpu.enqueue_dma source(%dma_start3A_59 : memref<1280xi32, #tpu.memory_space<hbm>>) target(%arg8 : memref<1280xi32, #tpu.memory_space<vmem>>) target_semaphore(%run_scoped3A_53 : memref<!tpu.dma_semaphore, #tpu.memory_space<semaphore_mem>>)
      %dma_wait3A_60 = arith.constant 0 : i32
      %dma_wait3A_61 = tpu.memref_slice %arg3[%add3A, %run_scoped3A, %dma_wait3A_60] : memref<32x4x1280xi32, #tpu.memory_space<hbm>> -> memref<1x1x1280xi32, #tpu.memory_space<hbm>>
      %dma_wait3A_62 = tpu.memref_squeeze %dma_wait3A_61 : memref<1x1x1280xi32, #tpu.memory_space<hbm>> -> memref<1280xi32, #tpu.memory_space<hbm>>
      %dma_wait3A_63 = arith.constant 0 : i32
      %dma_wait3A_64 = tpu.memref_slice %arg3[%add3A, %run_scoped3A, %dma_wait3A_63] : memref<32x4x1280xi32, #tpu.memory_space<hbm>> -> memref<1x1x1280xi32, #tpu.memory_space<hbm>>
      %dma_wait3A_65 = tpu.memref_squeeze %dma_wait3A_64 : memref<1x1x1280xi32, #tpu.memory_space<hbm>> -> memref<1280xi32, #tpu.memory_space<hbm>>
      tpu.wait_dma2 semaphore(%run_scoped3A_53 : memref<!tpu.dma_semaphore, #tpu.memory_space<semaphore_mem>>) src(%dma_wait3A_65 : memref<1280xi32, #tpu.memory_space<hbm>>) dst(%arg8 : memref<1280xi32, #tpu.memory_space<vmem>>)
      tpu.yield
    }) : () -> ()
    %run_scoped3A_3 = arith.constant 1 : i32
    "tpu.region"() ({
      %run_scoped3A_53 = tpu.sem_alloc : memref<!tpu.dma_semaphore, #tpu.memory_space<semaphore_mem>>
      %dma_start3A_54 = arith.constant 0 : i32
      %dma_start3A_55 = tpu.memref_slice %arg3[%add3A, %run_scoped3A_3, %dma_start3A_54] : memref<32x4x1280xi32, #tpu.memory_space<hbm>> -> memref<1x1x1280xi32, #tpu.memory_space<hbm>>
      %dma_start3A_56 = tpu.memref_squeeze %dma_start3A_55 : memref<1x1x1280xi32, #tpu.memory_space<hbm>> -> memref<1280xi32, #tpu.memory_space<hbm>>
      %dma_start3A_57 = arith.constant 0 : i32
      %dma_start3A_58 = tpu.memref_slice %arg3[%add3A, %run_scoped3A_3, %dma_start3A_57] : memref<32x4x1280xi32, #tpu.memory_space<hbm>> -> memref<1x1x1280xi32, #tpu.memory_space<hbm>>
      %dma_start3A_59 = tpu.memref_squeeze %dma_start3A_58 : memref<1x1x1280xi32, #tpu.memory_space<hbm>> -> memref<1280xi32, #tpu.memory_space<hbm>>
      tpu.enqueue_dma source(%dma_start3A_59 : memref<1280xi32, #tpu.memory_space<hbm>>) target(%arg9 : memref<1280xi32, #tpu.memory_space<vmem>>) target_semaphore(%run_scoped3A_53 : memref<!tpu.dma_semaphore, #tpu.memory_space<semaphore_mem>>)
      %dma_wait3A_60 = arith.constant 0 : i32
      %dma_wait3A_61 = tpu.memref_slice %arg3[%add3A, %run_scoped3A_3, %dma_wait3A_60] : memref<32x4x1280xi32, #tpu.memory_space<hbm>> -> memref<1x1x1280xi32, #tpu.memory_space<hbm>>
      %dma_wait3A_62 = tpu.memref_squeeze %dma_wait3A_61 : memref<1x1x1280xi32, #tpu.memory_space<hbm>> -> memref<1280xi32, #tpu.memory_space<hbm>>
      %dma_wait3A_63 = arith.constant 0 : i32
      %dma_wait3A_64 = tpu.memref_slice %arg3[%add3A, %run_scoped3A_3, %dma_wait3A_63] : memref<32x4x1280xi32, #tpu.memory_space<hbm>> -> memref<1x1x1280xi32, #tpu.memory_space<hbm>>
      %dma_wait3A_65 = tpu.memref_squeeze %dma_wait3A_64 : memref<1x1x1280xi32, #tpu.memory_space<hbm>> -> memref<1280xi32, #tpu.memory_space<hbm>>
      tpu.wait_dma2 semaphore(%run_scoped3A_53 : memref<!tpu.dma_semaphore, #tpu.memory_space<semaphore_mem>>) src(%dma_wait3A_65 : memref<1280xi32, #tpu.memory_space<hbm>>) dst(%arg9 : memref<1280xi32, #tpu.memory_space<vmem>>)
      tpu.yield
    }) : () -> ()
    %run_scoped3A_4 = arith.constant 2 : i32
    "tpu.region"() ({
      %run_scoped3A_53 = tpu.sem_alloc : memref<!tpu.dma_semaphore, #tpu.memory_space<semaphore_mem>>
      %dma_start3A_54 = arith.constant 0 : i32
      %dma_start3A_55 = tpu.memref_slice %arg3[%add3A, %run_scoped3A_4, %dma_start3A_54] : memref<32x4x1280xi32, #tpu.memory_space<hbm>> -> memref<1x1x1280xi32, #tpu.memory_space<hbm>>
      %dma_start3A_56 = tpu.memref_squeeze %dma_start3A_55 : memref<1x1x1280xi32, #tpu.memory_space<hbm>> -> memref<1280xi32, #tpu.memory_space<hbm>>
      %dma_start3A_57 = arith.constant 0 : i32
      %dma_start3A_58 = tpu.memref_slice %arg3[%add3A, %run_scoped3A_4, %dma_start3A_57] : memref<32x4x1280xi32, #tpu.memory_space<hbm>> -> memref<1x1x1280xi32, #tpu.memory_space<hbm>>
      %dma_start3A_59 = tpu.memref_squeeze %dma_start3A_58 : memref<1x1x1280xi32, #tpu.memory_space<hbm>> -> memref<1280xi32, #tpu.memory_space<hbm>>
      tpu.enqueue_dma source(%dma_start3A_59 : memref<1280xi32, #tpu.memory_space<hbm>>) target(%arg10 : memref<1280xi32, #tpu.memory_space<vmem>>) target_semaphore(%run_scoped3A_53 : memref<!tpu.dma_semaphore, #tpu.memory_space<semaphore_mem>>)
      %dma_wait3A_60 = arith.constant 0 : i32
      %dma_wait3A_61 = tpu.memref_slice %arg3[%add3A, %run_scoped3A_4, %dma_wait3A_60] : memref<32x4x1280xi32, #tpu.memory_space<hbm>> -> memref<1x1x1280xi32, #tpu.memory_space<hbm>>
      %dma_wait3A_62 = tpu.memref_squeeze %dma_wait3A_61 : memref<1x1x1280xi32, #tpu.memory_space<hbm>> -> memref<1280xi32, #tpu.memory_space<hbm>>
      %dma_wait3A_63 = arith.constant 0 : i32
      %dma_wait3A_64 = tpu.memref_slice %arg3[%add3A, %run_scoped3A_4, %dma_wait3A_63] : memref<32x4x1280xi32, #tpu.memory_space<hbm>> -> memref<1x1x1280xi32, #tpu.memory_space<hbm>>
      %dma_wait3A_65 = tpu.memref_squeeze %dma_wait3A_64 : memref<1x1x1280xi32, #tpu.memory_space<hbm>> -> memref<1280xi32, #tpu.memory_space<hbm>>
      tpu.wait_dma2 semaphore(%run_scoped3A_53 : memref<!tpu.dma_semaphore, #tpu.memory_space<semaphore_mem>>) src(%dma_wait3A_65 : memref<1280xi32, #tpu.memory_space<hbm>>) dst(%arg10 : memref<1280xi32, #tpu.memory_space<vmem>>)
      tpu.yield
    }) : () -> ()
    %run_scoped3A_5 = arith.constant 3 : i32
    "tpu.region"() ({
      %run_scoped3A_53 = tpu.sem_alloc : memref<!tpu.dma_semaphore, #tpu.memory_space<semaphore_mem>>
      %dma_start3A_54 = arith.constant 0 : i32
      %dma_start3A_55 = tpu.memref_slice %arg3[%add3A, %run_scoped3A_5, %dma_start3A_54] : memref<32x4x1280xi32, #tpu.memory_space<hbm>> -> memref<1x1x1280xi32, #tpu.memory_space<hbm>>
      %dma_start3A_56 = tpu.memref_squeeze %dma_start3A_55 : memref<1x1x1280xi32, #tpu.memory_space<hbm>> -> memref<1280xi32, #tpu.memory_space<hbm>>
      %dma_start3A_57 = arith.constant 0 : i32
      %dma_start3A_58 = tpu.memref_slice %arg3[%add3A, %run_scoped3A_5, %dma_start3A_57] : memref<32x4x1280xi32, #tpu.memory_space<hbm>> -> memref<1x1x1280xi32, #tpu.memory_space<hbm>>
      %dma_start3A_59 = tpu.memref_squeeze %dma_start3A_58 : memref<1x1x1280xi32, #tpu.memory_space<hbm>> -> memref<1280xi32, #tpu.memory_space<hbm>>
      tpu.enqueue_dma source(%dma_start3A_59 : memref<1280xi32, #tpu.memory_space<hbm>>) target(%arg11 : memref<1280xi32, #tpu.memory_space<vmem>>) target_semaphore(%run_scoped3A_53 : memref<!tpu.dma_semaphore, #tpu.memory_space<semaphore_mem>>)
      %dma_wait3A_60 = arith.constant 0 : i32
      %dma_wait3A_61 = tpu.memref_slice %arg3[%add3A, %run_scoped3A_5, %dma_wait3A_60] : memref<32x4x1280xi32, #tpu.memory_space<hbm>> -> memref<1x1x1280xi32, #tpu.memory_space<hbm>>
      %dma_wait3A_62 = tpu.memref_squeeze %dma_wait3A_61 : memref<1x1x1280xi32, #tpu.memory_space<hbm>> -> memref<1280xi32, #tpu.memory_space<hbm>>
      %dma_wait3A_63 = arith.constant 0 : i32
      %dma_wait3A_64 = tpu.memref_slice %arg3[%add3A, %run_scoped3A_5, %dma_wait3A_63] : memref<32x4x1280xi32, #tpu.memory_space<hbm>> -> memref<1x1x1280xi32, #tpu.memory_space<hbm>>
      %dma_wait3A_65 = tpu.memref_squeeze %dma_wait3A_64 : memref<1x1x1280xi32, #tpu.memory_space<hbm>> -> memref<1280xi32, #tpu.memory_space<hbm>>
      tpu.wait_dma2 semaphore(%run_scoped3A_53 : memref<!tpu.dma_semaphore, #tpu.memory_space<semaphore_mem>>) src(%dma_wait3A_65 : memref<1280xi32, #tpu.memory_space<hbm>>) dst(%arg11 : memref<1280xi32, #tpu.memory_space<vmem>>)
      tpu.yield
    }) : () -> ()
    %dma_start3A = arith.constant 0 : i32
    %dma_start3A_6 = tpu.memref_slice %arg8[%dma_start3A] : memref<1280xi32, #tpu.memory_space<vmem>> -> memref<40xi32, #tpu.memory_space<vmem>>
    %dma_start3A_7 = arith.constant 0 : i32
    %dma_start3A_8 = arith.constant 0 : i32
    %dma_start3A_9 = tpu.memref_slice %arg2[%dma_start3A_7, %dma_start3A_8] : memref<160000x128xf32, #tpu.memory_space<hbm>> -> memref<160000x128xf32, #tpu.memory_space<hbm>>
    tpu.enqueue_indirect_dma source(%dma_start3A_9 : memref<160000x128xf32, #tpu.memory_space<hbm>>) target(%arg12 : memref<40x128xf32, #tpu.memory_space<vmem>>) offsets(%dma_start3A_6 : memref<40xi32, #tpu.memory_space<vmem>>) semaphore(%arg20 : memref<!tpu.dma_semaphore, #tpu.memory_space<semaphore_mem>>)
    %dma_start3A_10 = arith.constant 0 : i32
    %dma_start3A_11 = tpu.memref_slice %arg9[%dma_start3A_10] : memref<1280xi32, #tpu.memory_space<vmem>> -> memref<40xi32, #tpu.memory_space<vmem>>
    %dma_start3A_12 = arith.constant 0 : i32
    %dma_start3A_13 = arith.constant 0 : i32
    %dma_start3A_14 = tpu.memref_slice %arg2[%dma_start3A_12, %dma_start3A_13] : memref<160000x128xf32, #tpu.memory_space<hbm>> -> memref<160000x128xf32, #tpu.memory_space<hbm>>
    tpu.enqueue_indirect_dma source(%dma_start3A_14 : memref<160000x128xf32, #tpu.memory_space<hbm>>) target(%arg13 : memref<40x128xf32, #tpu.memory_space<vmem>>) offsets(%dma_start3A_11 : memref<40xi32, #tpu.memory_space<vmem>>) semaphore(%arg20 : memref<!tpu.dma_semaphore, #tpu.memory_space<semaphore_mem>>)
    %dma_start3A_15 = arith.constant 0 : i32
    %dma_start3A_16 = tpu.memref_slice %arg10[%dma_start3A_15] : memref<1280xi32, #tpu.memory_space<vmem>> -> memref<40xi32, #tpu.memory_space<vmem>>
    %dma_start3A_17 = arith.constant 0 : i32
    %dma_start3A_18 = arith.constant 0 : i32
    %dma_start3A_19 = tpu.memref_slice %arg2[%dma_start3A_17, %dma_start3A_18] : memref<160000x128xf32, #tpu.memory_space<hbm>> -> memref<160000x128xf32, #tpu.memory_space<hbm>>
    tpu.enqueue_indirect_dma source(%dma_start3A_19 : memref<160000x128xf32, #tpu.memory_space<hbm>>) target(%arg14 : memref<40x128xf32, #tpu.memory_space<vmem>>) offsets(%dma_start3A_16 : memref<40xi32, #tpu.memory_space<vmem>>) semaphore(%arg20 : memref<!tpu.dma_semaphore, #tpu.memory_space<semaphore_mem>>)
    %dma_start3A_20 = arith.constant 0 : i32
    %dma_start3A_21 = tpu.memref_slice %arg11[%dma_start3A_20] : memref<1280xi32, #tpu.memory_space<vmem>> -> memref<40xi32, #tpu.memory_space<vmem>>
    %dma_start3A_22 = arith.constant 0 : i32
    %dma_start3A_23 = arith.constant 0 : i32
    %dma_start3A_24 = tpu.memref_slice %arg2[%dma_start3A_22, %dma_start3A_23] : memref<160000x128xf32, #tpu.memory_space<hbm>> -> memref<160000x128xf32, #tpu.memory_space<hbm>>
    tpu.enqueue_indirect_dma source(%dma_start3A_24 : memref<160000x128xf32, #tpu.memory_space<hbm>>) target(%arg15 : memref<40x128xf32, #tpu.memory_space<vmem>>) offsets(%dma_start3A_21 : memref<40xi32, #tpu.memory_space<vmem>>) semaphore(%arg20 : memref<!tpu.dma_semaphore, #tpu.memory_space<semaphore_mem>>)
    %scan3A = arith.constant 0 : i32
    %scan3A_25 = arith.constant 0 : i32
    %scan3A_26 = arith.constant 16 : i32
    %scan3A_27 = arith.addi %scan3A_25, %scan3A_26 : i32
    %scan3A_28 = arith.constant 1 : i32
    scf.for %scan3A_53 = %scan3A_25 to %scan3A_27 step %scan3A_28  : i32 {
      %mul3A_54 = arith.constant 2 : i32
      %mul3A_55 = arith.muli %scan3A_53, %mul3A_54 : i32
      %add3A_56 = arith.constant 1 : i32
      %add3A_57 = arith.addi %mul3A_55, %add3A_56 : i32
      %gt3A = arith.constant 0 : i32
      %gt3A_58 = arith.cmpi sgt, %scan3A_53, %gt3A : i32
      %convert_element_type3A = arith.extui %gt3A_58 : i1 to i32
      %cond3A = arith.constant 0 : i32
      %cond3A_59 = arith.cmpi ne, %convert_element_type3A, %cond3A : i32
      scf.if %cond3A_59 {
        %dma_wait3A_218 = arith.constant 0 : i32
        %dma_wait3A_219 = arith.constant 0 : i32
        %dma_wait3A_220 = tpu.memref_slice %arg4[%dma_wait3A_218, %dma_wait3A_219] : memref<40960x128xf32, #tpu.memory_space<hbm>> -> memref<40x128xf32, #tpu.memory_space<hbm>>
        %dma_wait3A_221 = arith.constant 0 : i32
        %dma_wait3A_222 = arith.constant 0 : i32
        %dma_wait3A_223 = tpu.memref_slice %arg4[%dma_wait3A_221, %dma_wait3A_222] : memref<40960x128xf32, #tpu.memory_space<hbm>> -> memref<40x128xf32, #tpu.memory_space<hbm>>
        tpu.wait_dma2 semaphore(%arg21 : memref<!tpu.dma_semaphore, #tpu.memory_space<semaphore_mem>>) src(%arg16 : memref<40x128xf32, #tpu.memory_space<vmem>>) dst(%dma_wait3A_223 : memref<40x128xf32, #tpu.memory_space<hbm>>)
        %dma_wait3A_224 = arith.constant 0 : i32
        %dma_wait3A_225 = arith.constant 0 : i32
        %dma_wait3A_226 = tpu.memref_slice %arg5[%dma_wait3A_224, %dma_wait3A_225] : memref<40960x128xf32, #tpu.memory_space<hbm>> -> memref<40x128xf32, #tpu.memory_space<hbm>>
        %dma_wait3A_227 = arith.constant 0 : i32
        %dma_wait3A_228 = arith.constant 0 : i32
        %dma_wait3A_229 = tpu.memref_slice %arg5[%dma_wait3A_227, %dma_wait3A_228] : memref<40960x128xf32, #tpu.memory_space<hbm>> -> memref<40x128xf32, #tpu.memory_space<hbm>>
        tpu.wait_dma2 semaphore(%arg21 : memref<!tpu.dma_semaphore, #tpu.memory_space<semaphore_mem>>) src(%arg17 : memref<40x128xf32, #tpu.memory_space<vmem>>) dst(%dma_wait3A_229 : memref<40x128xf32, #tpu.memory_space<hbm>>)
        %dma_wait3A_230 = arith.constant 0 : i32
        %dma_wait3A_231 = arith.constant 0 : i32
        %dma_wait3A_232 = tpu.memref_slice %arg6[%dma_wait3A_230, %dma_wait3A_231] : memref<40960x128xf32, #tpu.memory_space<hbm>> -> memref<40x128xf32, #tpu.memory_space<hbm>>
        %dma_wait3A_233 = arith.constant 0 : i32
        %dma_wait3A_234 = arith.constant 0 : i32
        %dma_wait3A_235 = tpu.memref_slice %arg6[%dma_wait3A_233, %dma_wait3A_234] : memref<40960x128xf32, #tpu.memory_space<hbm>> -> memref<40x128xf32, #tpu.memory_space<hbm>>
        tpu.wait_dma2 semaphore(%arg21 : memref<!tpu.dma_semaphore, #tpu.memory_space<semaphore_mem>>) src(%arg18 : memref<40x128xf32, #tpu.memory_space<vmem>>) dst(%dma_wait3A_235 : memref<40x128xf32, #tpu.memory_space<hbm>>)
        %dma_wait3A_236 = arith.constant 0 : i32
        %dma_wait3A_237 = arith.constant 0 : i32
        %dma_wait3A_238 = tpu.memref_slice %arg7[%dma_wait3A_236, %dma_wait3A_237] : memref<40960x128xf32, #tpu.memory_space<hbm>> -> memref<40x128xf32, #tpu.memory_space<hbm>>
        %dma_wait3A_239 = arith.constant 0 : i32
        %dma_wait3A_240 = arith.constant 0 : i32
        %dma_wait3A_241 = tpu.memref_slice %arg7[%dma_wait3A_239, %dma_wait3A_240] : memref<40960x128xf32, #tpu.memory_space<hbm>> -> memref<40x128xf32, #tpu.memory_space<hbm>>
        tpu.wait_dma2 semaphore(%arg21 : memref<!tpu.dma_semaphore, #tpu.memory_space<semaphore_mem>>) src(%arg19 : memref<40x128xf32, #tpu.memory_space<vmem>>) dst(%dma_wait3A_241 : memref<40x128xf32, #tpu.memory_space<hbm>>)
      } else {
      }
      %mul3A_60 = arith.constant 40 : i32
      %mul3A_61 = arith.muli %add3A_57, %mul3A_60 : i32
      %dma_start3A_62 = tpu.memref_slice %arg8[%mul3A_61] : memref<1280xi32, #tpu.memory_space<vmem>> -> memref<40xi32, #tpu.memory_space<vmem>>
      %dma_start3A_63 = arith.constant 0 : i32
      %dma_start3A_64 = arith.constant 0 : i32
      %dma_start3A_65 = tpu.memref_slice %arg2[%dma_start3A_63, %dma_start3A_64] : memref<160000x128xf32, #tpu.memory_space<hbm>> -> memref<160000x128xf32, #tpu.memory_space<hbm>>
      tpu.enqueue_indirect_dma source(%dma_start3A_65 : memref<160000x128xf32, #tpu.memory_space<hbm>>) target(%arg16 : memref<40x128xf32, #tpu.memory_space<vmem>>) offsets(%dma_start3A_62 : memref<40xi32, #tpu.memory_space<vmem>>) semaphore(%arg20 : memref<!tpu.dma_semaphore, #tpu.memory_space<semaphore_mem>>)
      %mul3A_66 = arith.constant 40 : i32
      %mul3A_67 = arith.muli %add3A_57, %mul3A_66 : i32
      %dma_start3A_68 = tpu.memref_slice %arg9[%mul3A_67] : memref<1280xi32, #tpu.memory_space<vmem>> -> memref<40xi32, #tpu.memory_space<vmem>>
      %dma_start3A_69 = arith.constant 0 : i32
      %dma_start3A_70 = arith.constant 0 : i32
      %dma_start3A_71 = tpu.memref_slice %arg2[%dma_start3A_69, %dma_start3A_70] : memref<160000x128xf32, #tpu.memory_space<hbm>> -> memref<160000x128xf32, #tpu.memory_space<hbm>>
      tpu.enqueue_indirect_dma source(%dma_start3A_71 : memref<160000x128xf32, #tpu.memory_space<hbm>>) target(%arg17 : memref<40x128xf32, #tpu.memory_space<vmem>>) offsets(%dma_start3A_68 : memref<40xi32, #tpu.memory_space<vmem>>) semaphore(%arg20 : memref<!tpu.dma_semaphore, #tpu.memory_space<semaphore_mem>>)
      %mul3A_72 = arith.constant 40 : i32
      %mul3A_73 = arith.muli %add3A_57, %mul3A_72 : i32
      %dma_start3A_74 = tpu.memref_slice %arg10[%mul3A_73] : memref<1280xi32, #tpu.memory_space<vmem>> -> memref<40xi32, #tpu.memory_space<vmem>>
      %dma_start3A_75 = arith.constant 0 : i32
      %dma_start3A_76 = arith.constant 0 : i32
      %dma_start3A_77 = tpu.memref_slice %arg2[%dma_start3A_75, %dma_start3A_76] : memref<160000x128xf32, #tpu.memory_space<hbm>> -> memref<160000x128xf32, #tpu.memory_space<hbm>>
      tpu.enqueue_indirect_dma source(%dma_start3A_77 : memref<160000x128xf32, #tpu.memory_space<hbm>>) target(%arg18 : memref<40x128xf32, #tpu.memory_space<vmem>>) offsets(%dma_start3A_74 : memref<40xi32, #tpu.memory_space<vmem>>) semaphore(%arg20 : memref<!tpu.dma_semaphore, #tpu.memory_space<semaphore_mem>>)
      %mul3A_78 = arith.constant 40 : i32
      %mul3A_79 = arith.muli %add3A_57, %mul3A_78 : i32
      %dma_start3A_80 = tpu.memref_slice %arg11[%mul3A_79] : memref<1280xi32, #tpu.memory_space<vmem>> -> memref<40xi32, #tpu.memory_space<vmem>>
      %dma_start3A_81 = arith.constant 0 : i32
      %dma_start3A_82 = arith.constant 0 : i32
      %dma_start3A_83 = tpu.memref_slice %arg2[%dma_start3A_81, %dma_start3A_82] : memref<160000x128xf32, #tpu.memory_space<hbm>> -> memref<160000x128xf32, #tpu.memory_space<hbm>>
      tpu.enqueue_indirect_dma source(%dma_start3A_83 : memref<160000x128xf32, #tpu.memory_space<hbm>>) target(%arg19 : memref<40x128xf32, #tpu.memory_space<vmem>>) offsets(%dma_start3A_80 : memref<40xi32, #tpu.memory_space<vmem>>) semaphore(%arg20 : memref<!tpu.dma_semaphore, #tpu.memory_space<semaphore_mem>>)
      %dma_wait3A_84 = arith.constant 0 : i32
      %dma_wait3A_85 = arith.constant 0 : i32
      %dma_wait3A_86 = tpu.memref_slice %arg2[%dma_wait3A_84, %dma_wait3A_85] : memref<160000x128xf32, #tpu.memory_space<hbm>> -> memref<40x128xf32, #tpu.memory_space<hbm>>
      %dma_wait3A_87 = arith.constant 0 : i32
      %dma_wait3A_88 = arith.constant 0 : i32
      %dma_wait3A_89 = tpu.memref_slice %arg2[%dma_wait3A_87, %dma_wait3A_88] : memref<160000x128xf32, #tpu.memory_space<hbm>> -> memref<40x128xf32, #tpu.memory_space<hbm>>
      tpu.wait_dma2 semaphore(%arg20 : memref<!tpu.dma_semaphore, #tpu.memory_space<semaphore_mem>>) src(%dma_wait3A_89 : memref<40x128xf32, #tpu.memory_space<hbm>>) dst(%arg12 : memref<40x128xf32, #tpu.memory_space<vmem>>)
      %dma_wait3A_90 = arith.constant 0 : i32
      %dma_wait3A_91 = arith.constant 0 : i32
      %dma_wait3A_92 = tpu.memref_slice %arg2[%dma_wait3A_90, %dma_wait3A_91] : memref<160000x128xf32, #tpu.memory_space<hbm>> -> memref<40x128xf32, #tpu.memory_space<hbm>>
      %dma_wait3A_93 = arith.constant 0 : i32
      %dma_wait3A_94 = arith.constant 0 : i32
      %dma_wait3A_95 = tpu.memref_slice %arg2[%dma_wait3A_93, %dma_wait3A_94] : memref<160000x128xf32, #tpu.memory_space<hbm>> -> memref<40x128xf32, #tpu.memory_space<hbm>>
      tpu.wait_dma2 semaphore(%arg20 : memref<!tpu.dma_semaphore, #tpu.memory_space<semaphore_mem>>) src(%dma_wait3A_95 : memref<40x128xf32, #tpu.memory_space<hbm>>) dst(%arg13 : memref<40x128xf32, #tpu.memory_space<vmem>>)
      %dma_wait3A_96 = arith.constant 0 : i32
      %dma_wait3A_97 = arith.constant 0 : i32
      %dma_wait3A_98 = tpu.memref_slice %arg2[%dma_wait3A_96, %dma_wait3A_97] : memref<160000x128xf32, #tpu.memory_space<hbm>> -> memref<40x128xf32, #tpu.memory_space<hbm>>
      %dma_wait3A_99 = arith.constant 0 : i32
      %dma_wait3A_100 = arith.constant 0 : i32
      %dma_wait3A_101 = tpu.memref_slice %arg2[%dma_wait3A_99, %dma_wait3A_100] : memref<160000x128xf32, #tpu.memory_space<hbm>> -> memref<40x128xf32, #tpu.memory_space<hbm>>
      tpu.wait_dma2 semaphore(%arg20 : memref<!tpu.dma_semaphore, #tpu.memory_space<semaphore_mem>>) src(%dma_wait3A_101 : memref<40x128xf32, #tpu.memory_space<hbm>>) dst(%arg14 : memref<40x128xf32, #tpu.memory_space<vmem>>)
      %dma_wait3A_102 = arith.constant 0 : i32
      %dma_wait3A_103 = arith.constant 0 : i32
      %dma_wait3A_104 = tpu.memref_slice %arg2[%dma_wait3A_102, %dma_wait3A_103] : memref<160000x128xf32, #tpu.memory_space<hbm>> -> memref<40x128xf32, #tpu.memory_space<hbm>>
      %dma_wait3A_105 = arith.constant 0 : i32
      %dma_wait3A_106 = arith.constant 0 : i32
      %dma_wait3A_107 = tpu.memref_slice %arg2[%dma_wait3A_105, %dma_wait3A_106] : memref<160000x128xf32, #tpu.memory_space<hbm>> -> memref<40x128xf32, #tpu.memory_space<hbm>>
      tpu.wait_dma2 semaphore(%arg20 : memref<!tpu.dma_semaphore, #tpu.memory_space<semaphore_mem>>) src(%dma_wait3A_107 : memref<40x128xf32, #tpu.memory_space<hbm>>) dst(%arg15 : memref<40x128xf32, #tpu.memory_space<vmem>>)
      %mul3A_108 = arith.constant 40 : i32
      %mul3A_109 = arith.muli %mul3A_55, %mul3A_108 : i32
      %add3A_110 = arith.addi %mul3A_2, %mul3A_109 : i32
      %dma_start3A_111 = arith.constant 0 : i32
      %dma_start3A_112 = tpu.memref_slice %arg4[%add3A_110, %dma_start3A_111] : memref<40960x128xf32, #tpu.memory_space<hbm>> -> memref<40x128xf32, #tpu.memory_space<hbm>>
      %dma_start3A_113 = arith.constant 0 : i32
      %dma_start3A_114 = tpu.memref_slice %arg4[%add3A_110, %dma_start3A_113] : memref<40960x128xf32, #tpu.memory_space<hbm>> -> memref<40x128xf32, #tpu.memory_space<hbm>>
      tpu.enqueue_dma source(%arg12 : memref<40x128xf32, #tpu.memory_space<vmem>>) target(%dma_start3A_114 : memref<40x128xf32, #tpu.memory_space<hbm>>) target_semaphore(%arg21 : memref<!tpu.dma_semaphore, #tpu.memory_space<semaphore_mem>>)
      %mul3A_115 = arith.constant 40 : i32
      %mul3A_116 = arith.muli %mul3A_55, %mul3A_115 : i32
      %add3A_117 = arith.addi %mul3A_2, %mul3A_116 : i32
      %dma_start3A_118 = arith.constant 0 : i32
      %dma_start3A_119 = tpu.memref_slice %arg5[%add3A_117, %dma_start3A_118] : memref<40960x128xf32, #tpu.memory_space<hbm>> -> memref<40x128xf32, #tpu.memory_space<hbm>>
      %dma_start3A_120 = arith.constant 0 : i32
      %dma_start3A_121 = tpu.memref_slice %arg5[%add3A_117, %dma_start3A_120] : memref<40960x128xf32, #tpu.memory_space<hbm>> -> memref<40x128xf32, #tpu.memory_space<hbm>>
      tpu.enqueue_dma source(%arg13 : memref<40x128xf32, #tpu.memory_space<vmem>>) target(%dma_start3A_121 : memref<40x128xf32, #tpu.memory_space<hbm>>) target_semaphore(%arg21 : memref<!tpu.dma_semaphore, #tpu.memory_space<semaphore_mem>>)
      %mul3A_122 = arith.constant 40 : i32
      %mul3A_123 = arith.muli %mul3A_55, %mul3A_122 : i32
      %add3A_124 = arith.addi %mul3A_2, %mul3A_123 : i32
      %dma_start3A_125 = arith.constant 0 : i32
      %dma_start3A_126 = tpu.memref_slice %arg6[%add3A_124, %dma_start3A_125] : memref<40960x128xf32, #tpu.memory_space<hbm>> -> memref<40x128xf32, #tpu.memory_space<hbm>>
      %dma_start3A_127 = arith.constant 0 : i32
      %dma_start3A_128 = tpu.memref_slice %arg6[%add3A_124, %dma_start3A_127] : memref<40960x128xf32, #tpu.memory_space<hbm>> -> memref<40x128xf32, #tpu.memory_space<hbm>>
      tpu.enqueue_dma source(%arg14 : memref<40x128xf32, #tpu.memory_space<vmem>>) target(%dma_start3A_128 : memref<40x128xf32, #tpu.memory_space<hbm>>) target_semaphore(%arg21 : memref<!tpu.dma_semaphore, #tpu.memory_space<semaphore_mem>>)
      %mul3A_129 = arith.constant 40 : i32
      %mul3A_130 = arith.muli %mul3A_55, %mul3A_129 : i32
      %add3A_131 = arith.addi %mul3A_2, %mul3A_130 : i32
      %dma_start3A_132 = arith.constant 0 : i32
      %dma_start3A_133 = tpu.memref_slice %arg7[%add3A_131, %dma_start3A_132] : memref<40960x128xf32, #tpu.memory_space<hbm>> -> memref<40x128xf32, #tpu.memory_space<hbm>>
      %dma_start3A_134 = arith.constant 0 : i32
      %dma_start3A_135 = tpu.memref_slice %arg7[%add3A_131, %dma_start3A_134] : memref<40960x128xf32, #tpu.memory_space<hbm>> -> memref<40x128xf32, #tpu.memory_space<hbm>>
      tpu.enqueue_dma source(%arg15 : memref<40x128xf32, #tpu.memory_space<vmem>>) target(%dma_start3A_135 : memref<40x128xf32, #tpu.memory_space<hbm>>) target_semaphore(%arg21 : memref<!tpu.dma_semaphore, #tpu.memory_space<semaphore_mem>>)
      %dma_wait3A_136 = arith.constant 0 : i32
      %dma_wait3A_137 = arith.constant 0 : i32
      %dma_wait3A_138 = tpu.memref_slice %arg4[%dma_wait3A_136, %dma_wait3A_137] : memref<40960x128xf32, #tpu.memory_space<hbm>> -> memref<40x128xf32, #tpu.memory_space<hbm>>
      %dma_wait3A_139 = arith.constant 0 : i32
      %dma_wait3A_140 = arith.constant 0 : i32
      %dma_wait3A_141 = tpu.memref_slice %arg4[%dma_wait3A_139, %dma_wait3A_140] : memref<40960x128xf32, #tpu.memory_space<hbm>> -> memref<40x128xf32, #tpu.memory_space<hbm>>
      tpu.wait_dma2 semaphore(%arg21 : memref<!tpu.dma_semaphore, #tpu.memory_space<semaphore_mem>>) src(%arg12 : memref<40x128xf32, #tpu.memory_space<vmem>>) dst(%dma_wait3A_141 : memref<40x128xf32, #tpu.memory_space<hbm>>)
      %dma_wait3A_142 = arith.constant 0 : i32
      %dma_wait3A_143 = arith.constant 0 : i32
      %dma_wait3A_144 = tpu.memref_slice %arg5[%dma_wait3A_142, %dma_wait3A_143] : memref<40960x128xf32, #tpu.memory_space<hbm>> -> memref<40x128xf32, #tpu.memory_space<hbm>>
      %dma_wait3A_145 = arith.constant 0 : i32
      %dma_wait3A_146 = arith.constant 0 : i32
      %dma_wait3A_147 = tpu.memref_slice %arg5[%dma_wait3A_145, %dma_wait3A_146] : memref<40960x128xf32, #tpu.memory_space<hbm>> -> memref<40x128xf32, #tpu.memory_space<hbm>>
      tpu.wait_dma2 semaphore(%arg21 : memref<!tpu.dma_semaphore, #tpu.memory_space<semaphore_mem>>) src(%arg13 : memref<40x128xf32, #tpu.memory_space<vmem>>) dst(%dma_wait3A_147 : memref<40x128xf32, #tpu.memory_space<hbm>>)
      %dma_wait3A_148 = arith.constant 0 : i32
      %dma_wait3A_149 = arith.constant 0 : i32
      %dma_wait3A_150 = tpu.memref_slice %arg6[%dma_wait3A_148, %dma_wait3A_149] : memref<40960x128xf32, #tpu.memory_space<hbm>> -> memref<40x128xf32, #tpu.memory_space<hbm>>
      %dma_wait3A_151 = arith.constant 0 : i32
      %dma_wait3A_152 = arith.constant 0 : i32
      %dma_wait3A_153 = tpu.memref_slice %arg6[%dma_wait3A_151, %dma_wait3A_152] : memref<40960x128xf32, #tpu.memory_space<hbm>> -> memref<40x128xf32, #tpu.memory_space<hbm>>
      tpu.wait_dma2 semaphore(%arg21 : memref<!tpu.dma_semaphore, #tpu.memory_space<semaphore_mem>>) src(%arg14 : memref<40x128xf32, #tpu.memory_space<vmem>>) dst(%dma_wait3A_153 : memref<40x128xf32, #tpu.memory_space<hbm>>)
      %dma_wait3A_154 = arith.constant 0 : i32
      %dma_wait3A_155 = arith.constant 0 : i32
      %dma_wait3A_156 = tpu.memref_slice %arg7[%dma_wait3A_154, %dma_wait3A_155] : memref<40960x128xf32, #tpu.memory_space<hbm>> -> memref<40x128xf32, #tpu.memory_space<hbm>>
      %dma_wait3A_157 = arith.constant 0 : i32
      %dma_wait3A_158 = arith.constant 0 : i32
      %dma_wait3A_159 = tpu.memref_slice %arg7[%dma_wait3A_157, %dma_wait3A_158] : memref<40960x128xf32, #tpu.memory_space<hbm>> -> memref<40x128xf32, #tpu.memory_space<hbm>>
      tpu.wait_dma2 semaphore(%arg21 : memref<!tpu.dma_semaphore, #tpu.memory_space<semaphore_mem>>) src(%arg15 : memref<40x128xf32, #tpu.memory_space<vmem>>) dst(%dma_wait3A_159 : memref<40x128xf32, #tpu.memory_space<hbm>>)
      %add3A_160 = arith.constant 1 : i32
      %add3A_161 = arith.addi %add3A_57, %add3A_160 : i32
      %lt3A = arith.constant 32 : i32
      %lt3A_162 = arith.cmpi slt, %add3A_161, %lt3A : i32
      %convert_element_type3A_163 = arith.extui %lt3A_162 : i1 to i32
      %cond3A_164 = arith.constant 0 : i32
      %cond3A_165 = arith.cmpi ne, %convert_element_type3A_163, %cond3A_164 : i32
      scf.if %cond3A_165 {
        %add3A_218 = arith.constant 1 : i32
        %add3A_219 = arith.addi %add3A_57, %add3A_218 : i32
        %mul3A_220 = arith.constant 40 : i32
        %mul3A_221 = arith.muli %add3A_219, %mul3A_220 : i32
        %dma_start3A_222 = tpu.memref_slice %arg8[%mul3A_221] : memref<1280xi32, #tpu.memory_space<vmem>> -> memref<40xi32, #tpu.memory_space<vmem>>
        %dma_start3A_223 = arith.constant 0 : i32
        %dma_start3A_224 = arith.constant 0 : i32
        %dma_start3A_225 = tpu.memref_slice %arg2[%dma_start3A_223, %dma_start3A_224] : memref<160000x128xf32, #tpu.memory_space<hbm>> -> memref<160000x128xf32, #tpu.memory_space<hbm>>
        tpu.enqueue_indirect_dma source(%dma_start3A_225 : memref<160000x128xf32, #tpu.memory_space<hbm>>) target(%arg12 : memref<40x128xf32, #tpu.memory_space<vmem>>) offsets(%dma_start3A_222 : memref<40xi32, #tpu.memory_space<vmem>>) semaphore(%arg20 : memref<!tpu.dma_semaphore, #tpu.memory_space<semaphore_mem>>)
        %mul3A_226 = arith.constant 40 : i32
        %mul3A_227 = arith.muli %add3A_219, %mul3A_226 : i32
        %dma_start3A_228 = tpu.memref_slice %arg9[%mul3A_227] : memref<1280xi32, #tpu.memory_space<vmem>> -> memref<40xi32, #tpu.memory_space<vmem>>
        %dma_start3A_229 = arith.constant 0 : i32
        %dma_start3A_230 = arith.constant 0 : i32
        %dma_start3A_231 = tpu.memref_slice %arg2[%dma_start3A_229, %dma_start3A_230] : memref<160000x128xf32, #tpu.memory_space<hbm>> -> memref<160000x128xf32, #tpu.memory_space<hbm>>
        tpu.enqueue_indirect_dma source(%dma_start3A_231 : memref<160000x128xf32, #tpu.memory_space<hbm>>) target(%arg13 : memref<40x128xf32, #tpu.memory_space<vmem>>) offsets(%dma_start3A_228 : memref<40xi32, #tpu.memory_space<vmem>>) semaphore(%arg20 : memref<!tpu.dma_semaphore, #tpu.memory_space<semaphore_mem>>)
        %mul3A_232 = arith.constant 40 : i32
        %mul3A_233 = arith.muli %add3A_219, %mul3A_232 : i32
        %dma_start3A_234 = tpu.memref_slice %arg10[%mul3A_233] : memref<1280xi32, #tpu.memory_space<vmem>> -> memref<40xi32, #tpu.memory_space<vmem>>
        %dma_start3A_235 = arith.constant 0 : i32
        %dma_start3A_236 = arith.constant 0 : i32
        %dma_start3A_237 = tpu.memref_slice %arg2[%dma_start3A_235, %dma_start3A_236] : memref<160000x128xf32, #tpu.memory_space<hbm>> -> memref<160000x128xf32, #tpu.memory_space<hbm>>
        tpu.enqueue_indirect_dma source(%dma_start3A_237 : memref<160000x128xf32, #tpu.memory_space<hbm>>) target(%arg14 : memref<40x128xf32, #tpu.memory_space<vmem>>) offsets(%dma_start3A_234 : memref<40xi32, #tpu.memory_space<vmem>>) semaphore(%arg20 : memref<!tpu.dma_semaphore, #tpu.memory_space<semaphore_mem>>)
        %mul3A_238 = arith.constant 40 : i32
        %mul3A_239 = arith.muli %add3A_219, %mul3A_238 : i32
        %dma_start3A_240 = tpu.memref_slice %arg11[%mul3A_239] : memref<1280xi32, #tpu.memory_space<vmem>> -> memref<40xi32, #tpu.memory_space<vmem>>
        %dma_start3A_241 = arith.constant 0 : i32
        %dma_start3A_242 = arith.constant 0 : i32
        %dma_start3A_243 = tpu.memref_slice %arg2[%dma_start3A_241, %dma_start3A_242] : memref<160000x128xf32, #tpu.memory_space<hbm>> -> memref<160000x128xf32, #tpu.memory_space<hbm>>
        tpu.enqueue_indirect_dma source(%dma_start3A_243 : memref<160000x128xf32, #tpu.memory_space<hbm>>) target(%arg15 : memref<40x128xf32, #tpu.memory_space<vmem>>) offsets(%dma_start3A_240 : memref<40xi32, #tpu.memory_space<vmem>>) semaphore(%arg20 : memref<!tpu.dma_semaphore, #tpu.memory_space<semaphore_mem>>)
      } else {
      }
      %dma_wait3A_166 = arith.constant 0 : i32
      %dma_wait3A_167 = arith.constant 0 : i32
      %dma_wait3A_168 = tpu.memref_slice %arg2[%dma_wait3A_166, %dma_wait3A_167] : memref<160000x128xf32, #tpu.memory_space<hbm>> -> memref<40x128xf32, #tpu.memory_space<hbm>>
      %dma_wait3A_169 = arith.constant 0 : i32
      %dma_wait3A_170 = arith.constant 0 : i32
      %dma_wait3A_171 = tpu.memref_slice %arg2[%dma_wait3A_169, %dma_wait3A_170] : memref<160000x128xf32, #tpu.memory_space<hbm>> -> memref<40x128xf32, #tpu.memory_space<hbm>>
      tpu.wait_dma2 semaphore(%arg20 : memref<!tpu.dma_semaphore, #tpu.memory_space<semaphore_mem>>) src(%dma_wait3A_171 : memref<40x128xf32, #tpu.memory_space<hbm>>) dst(%arg16 : memref<40x128xf32, #tpu.memory_space<vmem>>)
      %dma_wait3A_172 = arith.constant 0 : i32
      %dma_wait3A_173 = arith.constant 0 : i32
      %dma_wait3A_174 = tpu.memref_slice %arg2[%dma_wait3A_172, %dma_wait3A_173] : memref<160000x128xf32, #tpu.memory_space<hbm>> -> memref<40x128xf32, #tpu.memory_space<hbm>>
      %dma_wait3A_175 = arith.constant 0 : i32
      %dma_wait3A_176 = arith.constant 0 : i32
      %dma_wait3A_177 = tpu.memref_slice %arg2[%dma_wait3A_175, %dma_wait3A_176] : memref<160000x128xf32, #tpu.memory_space<hbm>> -> memref<40x128xf32, #tpu.memory_space<hbm>>
      tpu.wait_dma2 semaphore(%arg20 : memref<!tpu.dma_semaphore, #tpu.memory_space<semaphore_mem>>) src(%dma_wait3A_177 : memref<40x128xf32, #tpu.memory_space<hbm>>) dst(%arg17 : memref<40x128xf32, #tpu.memory_space<vmem>>)
      %dma_wait3A_178 = arith.constant 0 : i32
      %dma_wait3A_179 = arith.constant 0 : i32
      %dma_wait3A_180 = tpu.memref_slice %arg2[%dma_wait3A_178, %dma_wait3A_179] : memref<160000x128xf32, #tpu.memory_space<hbm>> -> memref<40x128xf32, #tpu.memory_space<hbm>>
      %dma_wait3A_181 = arith.constant 0 : i32
      %dma_wait3A_182 = arith.constant 0 : i32
      %dma_wait3A_183 = tpu.memref_slice %arg2[%dma_wait3A_181, %dma_wait3A_182] : memref<160000x128xf32, #tpu.memory_space<hbm>> -> memref<40x128xf32, #tpu.memory_space<hbm>>
      tpu.wait_dma2 semaphore(%arg20 : memref<!tpu.dma_semaphore, #tpu.memory_space<semaphore_mem>>) src(%dma_wait3A_183 : memref<40x128xf32, #tpu.memory_space<hbm>>) dst(%arg18 : memref<40x128xf32, #tpu.memory_space<vmem>>)
      %dma_wait3A_184 = arith.constant 0 : i32
      %dma_wait3A_185 = arith.constant 0 : i32
      %dma_wait3A_186 = tpu.memref_slice %arg2[%dma_wait3A_184, %dma_wait3A_185] : memref<160000x128xf32, #tpu.memory_space<hbm>> -> memref<40x128xf32, #tpu.memory_space<hbm>>
      %dma_wait3A_187 = arith.constant 0 : i32
      %dma_wait3A_188 = arith.constant 0 : i32
      %dma_wait3A_189 = tpu.memref_slice %arg2[%dma_wait3A_187, %dma_wait3A_188] : memref<160000x128xf32, #tpu.memory_space<hbm>> -> memref<40x128xf32, #tpu.memory_space<hbm>>
      tpu.wait_dma2 semaphore(%arg20 : memref<!tpu.dma_semaphore, #tpu.memory_space<semaphore_mem>>) src(%dma_wait3A_189 : memref<40x128xf32, #tpu.memory_space<hbm>>) dst(%arg19 : memref<40x128xf32, #tpu.memory_space<vmem>>)
      %mul3A_190 = arith.constant 40 : i32
      %mul3A_191 = arith.muli %add3A_57, %mul3A_190 : i32
      %add3A_192 = arith.addi %mul3A_2, %mul3A_191 : i32
      %dma_start3A_193 = arith.constant 0 : i32
      %dma_start3A_194 = tpu.memref_slice %arg4[%add3A_192, %dma_start3A_193] : memref<40960x128xf32, #tpu.memory_space<hbm>> -> memref<40x128xf32, #tpu.memory_space<hbm>>
      %dma_start3A_195 = arith.constant 0 : i32
      %dma_start3A_196 = tpu.memref_slice %arg4[%add3A_192, %dma_start3A_195] : memref<40960x128xf32, #tpu.memory_space<hbm>> -> memref<40x128xf32, #tpu.memory_space<hbm>>
      tpu.enqueue_dma source(%arg16 : memref<40x128xf32, #tpu.memory_space<vmem>>) target(%dma_start3A_196 : memref<40x128xf32, #tpu.memory_space<hbm>>) target_semaphore(%arg21 : memref<!tpu.dma_semaphore, #tpu.memory_space<semaphore_mem>>)
      %mul3A_197 = arith.constant 40 : i32
      %mul3A_198 = arith.muli %add3A_57, %mul3A_197 : i32
      %add3A_199 = arith.addi %mul3A_2, %mul3A_198 : i32
      %dma_start3A_200 = arith.constant 0 : i32
      %dma_start3A_201 = tpu.memref_slice %arg5[%add3A_199, %dma_start3A_200] : memref<40960x128xf32, #tpu.memory_space<hbm>> -> memref<40x128xf32, #tpu.memory_space<hbm>>
      %dma_start3A_202 = arith.constant 0 : i32
      %dma_start3A_203 = tpu.memref_slice %arg5[%add3A_199, %dma_start3A_202] : memref<40960x128xf32, #tpu.memory_space<hbm>> -> memref<40x128xf32, #tpu.memory_space<hbm>>
      tpu.enqueue_dma source(%arg17 : memref<40x128xf32, #tpu.memory_space<vmem>>) target(%dma_start3A_203 : memref<40x128xf32, #tpu.memory_space<hbm>>) target_semaphore(%arg21 : memref<!tpu.dma_semaphore, #tpu.memory_space<semaphore_mem>>)
      %mul3A_204 = arith.constant 40 : i32
      %mul3A_205 = arith.muli %add3A_57, %mul3A_204 : i32
      %add3A_206 = arith.addi %mul3A_2, %mul3A_205 : i32
      %dma_start3A_207 = arith.constant 0 : i32
      %dma_start3A_208 = tpu.memref_slice %arg6[%add3A_206, %dma_start3A_207] : memref<40960x128xf32, #tpu.memory_space<hbm>> -> memref<40x128xf32, #tpu.memory_space<hbm>>
      %dma_start3A_209 = arith.constant 0 : i32
      %dma_start3A_210 = tpu.memref_slice %arg6[%add3A_206, %dma_start3A_209] : memref<40960x128xf32, #tpu.memory_space<hbm>> -> memref<40x128xf32, #tpu.memory_space<hbm>>
      tpu.enqueue_dma source(%arg18 : memref<40x128xf32, #tpu.memory_space<vmem>>) target(%dma_start3A_210 : memref<40x128xf32, #tpu.memory_space<hbm>>) target_semaphore(%arg21 : memref<!tpu.dma_semaphore, #tpu.memory_space<semaphore_mem>>)
      %mul3A_211 = arith.constant 40 : i32
      %mul3A_212 = arith.muli %add3A_57, %mul3A_211 : i32
      %add3A_213 = arith.addi %mul3A_2, %mul3A_212 : i32
      %dma_start3A_214 = arith.constant 0 : i32
      %dma_start3A_215 = tpu.memref_slice %arg7[%add3A_213, %dma_start3A_214] : memref<40960x128xf32, #tpu.memory_space<hbm>> -> memref<40x128xf32, #tpu.memory_space<hbm>>
      %dma_start3A_216 = arith.constant 0 : i32
      %dma_start3A_217 = tpu.memref_slice %arg7[%add3A_213, %dma_start3A_216] : memref<40960x128xf32, #tpu.memory_space<hbm>> -> memref<40x128xf32, #tpu.memory_space<hbm>>
      tpu.enqueue_dma source(%arg19 : memref<40x128xf32, #tpu.memory_space<vmem>>) target(%dma_start3A_217 : memref<40x128xf32, #tpu.memory_space<hbm>>) target_semaphore(%arg21 : memref<!tpu.dma_semaphore, #tpu.memory_space<semaphore_mem>>)
    }
    %scan3A_29 = arith.constant 16 : i32
    %dma_wait3A = arith.constant 0 : i32
    %dma_wait3A_30 = arith.constant 0 : i32
    %dma_wait3A_31 = tpu.memref_slice %arg4[%dma_wait3A, %dma_wait3A_30] : memref<40960x128xf32, #tpu.memory_space<hbm>> -> memref<40x128xf32, #tpu.memory_space<hbm>>
    %dma_wait3A_32 = arith.constant 0 : i32
    %dma_wait3A_33 = arith.constant 0 : i32
    %dma_wait3A_34 = tpu.memref_slice %arg4[%dma_wait3A_32, %dma_wait3A_33] : memref<40960x128xf32, #tpu.memory_space<hbm>> -> memref<40x128xf32, #tpu.memory_space<hbm>>
    tpu.wait_dma2 semaphore(%arg21 : memref<!tpu.dma_semaphore, #tpu.memory_space<semaphore_mem>>) src(%arg16 : memref<40x128xf32, #tpu.memory_space<vmem>>) dst(%dma_wait3A_34 : memref<40x128xf32, #tpu.memory_space<hbm>>)
    %dma_wait3A_35 = arith.constant 0 : i32
    %dma_wait3A_36 = arith.constant 0 : i32
    %dma_wait3A_37 = tpu.memref_slice %arg5[%dma_wait3A_35, %dma_wait3A_36] : memref<40960x128xf32, #tpu.memory_space<hbm>> -> memref<40x128xf32, #tpu.memory_space<hbm>>
    %dma_wait3A_38 = arith.constant 0 : i32
    %dma_wait3A_39 = arith.constant 0 : i32
    %dma_wait3A_40 = tpu.memref_slice %arg5[%dma_wait3A_38, %dma_wait3A_39] : memref<40960x128xf32, #tpu.memory_space<hbm>> -> memref<40x128xf32, #tpu.memory_space<hbm>>
    tpu.wait_dma2 semaphore(%arg21 : memref<!tpu.dma_semaphore, #tpu.memory_space<semaphore_mem>>) src(%arg17 : memref<40x128xf32, #tpu.memory_space<vmem>>) dst(%dma_wait3A_40 : memref<40x128xf32, #tpu.memory_space<hbm>>)
    %dma_wait3A_41 = arith.constant 0 : i32
    %dma_wait3A_42 = arith.constant 0 : i32
    %dma_wait3A_43 = tpu.memref_slice %arg6[%dma_wait3A_41, %dma_wait3A_42] : memref<40960x128xf32, #tpu.memory_space<hbm>> -> memref<40x128xf32, #tpu.memory_space<hbm>>
    %dma_wait3A_44 = arith.constant 0 : i32
    %dma_wait3A_45 = arith.constant 0 : i32
    %dma_wait3A_46 = tpu.memref_slice %arg6[%dma_wait3A_44, %dma_wait3A_45] : memref<40960x128xf32, #tpu.memory_space<hbm>> -> memref<40x128xf32, #tpu.memory_space<hbm>>
    tpu.wait_dma2 semaphore(%arg21 : memref<!tpu.dma_semaphore, #tpu.memory_space<semaphore_mem>>) src(%arg18 : memref<40x128xf32, #tpu.memory_space<vmem>>) dst(%dma_wait3A_46 : memref<40x128xf32, #tpu.memory_space<hbm>>)
    %dma_wait3A_47 = arith.constant 0 : i32
    %dma_wait3A_48 = arith.constant 0 : i32
    %dma_wait3A_49 = tpu.memref_slice %arg7[%dma_wait3A_47, %dma_wait3A_48] : memref<40960x128xf32, #tpu.memory_space<hbm>> -> memref<40x128xf32, #tpu.memory_space<hbm>>
    %dma_wait3A_50 = arith.constant 0 : i32
    %dma_wait3A_51 = arith.constant 0 : i32
    %dma_wait3A_52 = tpu.memref_slice %arg7[%dma_wait3A_50, %dma_wait3A_51] : memref<40960x128xf32, #tpu.memory_space<hbm>> -> memref<40x128xf32, #tpu.memory_space<hbm>>
    tpu.wait_dma2 semaphore(%arg21 : memref<!tpu.dma_semaphore, #tpu.memory_space<semaphore_mem>>) src(%arg19 : memref<40x128xf32, #tpu.memory_space<vmem>>) dst(%dma_wait3A_52 : memref<40x128xf32, #tpu.memory_space<hbm>>)
    return
  }
}

#map = affine_map<(d0, d1) -> (0, 0)>
#map1 = affine_map<(d0, d1) -> (0, 0, 0)>
module attributes {stable_mosaic.version = 14 : i64} {
  func.func @k(%arg0: i32, %arg1: i32, %arg2: memref<160000x128xf32, #tpu.memory_space<hbm>>, %arg3: memref<32x4x1280xi32, #tpu.memory_space<hbm>>, %arg4: memref<40960x128xf32, #tpu.memory_space<hbm>>, %arg5: memref<40960x128xf32, #tpu.memory_space<hbm>>, %arg6: memref<40960x128xf32, #tpu.memory_space<hbm>>, %arg7: memref<40960x128xf32, #tpu.memory_space<hbm>>, %arg8: memref<1280xi32, #tpu.memory_space<vmem>>, %arg9: memref<1280xi32, #tpu.memory_space<vmem>>, %arg10: memref<1280xi32, #tpu.memory_space<vmem>>, %arg11: memref<1280xi32, #tpu.memory_space<vmem>>, %arg12: memref<40x128xf32, #tpu.memory_space<vmem>>, %arg13: memref<40x128xf32, #tpu.memory_space<vmem>>, %arg14: memref<40x128xf32, #tpu.memory_space<vmem>>, %arg15: memref<40x128xf32, #tpu.memory_space<vmem>>, %arg16: memref<40x128xf32, #tpu.memory_space<vmem>>, %arg17: memref<40x128xf32, #tpu.memory_space<vmem>>, %arg18: memref<40x128xf32, #tpu.memory_space<vmem>>, %arg19: memref<40x128xf32, #tpu.memory_space<vmem>>, %arg20: memref<!tpu.dma_semaphore, #tpu.memory_space<semaphore_mem>>, %arg21: memref<!tpu.dma_semaphore, #tpu.memory_space<semaphore_mem>>) attributes {dimension_semantics = [#tpu.dimension_semantics<core_parallel>, #tpu.dimension_semantics<subcore_parallel>], iteration_bounds = array<i64: 2, 16>, scalar_prefetch = 0 : i64, scratch_operands = 14 : i64, tpu.core_type = #tpu.core_type<sc_vector_subcore>, window_params = [{transform_indices = #map}, {transform_indices = #map1}, {transform_indices = #map}, {transform_indices = #map}, {transform_indices = #map}, {transform_indices = #map}]} {
    %mul3A = arith.constant 2 : i32
    %mul3A_0 = arith.muli %arg1, %mul3A : i32
    %add3A = arith.addi %mul3A_0, %arg0 : i32
    %mul3A_1 = arith.constant 1280 : i32
    %mul3A_2 = arith.muli %add3A, %mul3A_1 : i32
    %run_scoped3A = arith.constant 0 : i32
    "tpu.region"() ({
      %run_scoped3A_53 = tpu.sem_alloc : memref<!tpu.dma_semaphore, #tpu.memory_space<semaphore_mem>>
      %dma_start3A_54 = arith.constant 0 : i32
      %dma_start3A_55 = tpu.memref_slice %arg3[%add3A, %run_scoped3A, %dma_start3A_54] : memref<32x4x1280xi32, #tpu.memory_space<hbm>> -> memref<1x1x1280xi32, #tpu.memory_space<hbm>>
      %dma_start3A_56 = tpu.memref_squeeze %dma_start3A_55 : memref<1x1x1280xi32, #tpu.memory_space<hbm>> -> memref<1280xi32, #tpu.memory_space<hbm>>
      %dma_start3A_57 = arith.constant 0 : i32
      %dma_start3A_58 = tpu.memref_slice %arg3[%add3A, %run_scoped3A, %dma_start3A_57] : memref<32x4x1280xi32, #tpu.memory_space<hbm>> -> memref<1x1x1280xi32, #tpu.memory_space<hbm>>
      %dma_start3A_59 = tpu.memref_squeeze %dma_start3A_58 : memref<1x1x1280xi32, #tpu.memory_space<hbm>> -> memref<1280xi32, #tpu.memory_space<hbm>>
      tpu.enqueue_dma source(%dma_start3A_59 : memref<1280xi32, #tpu.memory_space<hbm>>) target(%arg8 : memref<1280xi32, #tpu.memory_space<vmem>>) target_semaphore(%run_scoped3A_53 : memref<!tpu.dma_semaphore, #tpu.memory_space<semaphore_mem>>)
      %dma_wait3A_60 = arith.constant 0 : i32
      %dma_wait3A_61 = tpu.memref_slice %arg3[%add3A, %run_scoped3A, %dma_wait3A_60] : memref<32x4x1280xi32, #tpu.memory_space<hbm>> -> memref<1x1x1280xi32, #tpu.memory_space<hbm>>
      %dma_wait3A_62 = tpu.memref_squeeze %dma_wait3A_61 : memref<1x1x1280xi32, #tpu.memory_space<hbm>> -> memref<1280xi32, #tpu.memory_space<hbm>>
      %dma_wait3A_63 = arith.constant 0 : i32
      %dma_wait3A_64 = tpu.memref_slice %arg3[%add3A, %run_scoped3A, %dma_wait3A_63] : memref<32x4x1280xi32, #tpu.memory_space<hbm>> -> memref<1x1x1280xi32, #tpu.memory_space<hbm>>
      %dma_wait3A_65 = tpu.memref_squeeze %dma_wait3A_64 : memref<1x1x1280xi32, #tpu.memory_space<hbm>> -> memref<1280xi32, #tpu.memory_space<hbm>>
      tpu.wait_dma2 semaphore(%run_scoped3A_53 : memref<!tpu.dma_semaphore, #tpu.memory_space<semaphore_mem>>) src(%dma_wait3A_65 : memref<1280xi32, #tpu.memory_space<hbm>>) dst(%arg8 : memref<1280xi32, #tpu.memory_space<vmem>>)
      tpu.yield
    }) : () -> ()
    %run_scoped3A_3 = arith.constant 1 : i32
    "tpu.region"() ({
      %run_scoped3A_53 = tpu.sem_alloc : memref<!tpu.dma_semaphore, #tpu.memory_space<semaphore_mem>>
      %dma_start3A_54 = arith.constant 0 : i32
      %dma_start3A_55 = tpu.memref_slice %arg3[%add3A, %run_scoped3A_3, %dma_start3A_54] : memref<32x4x1280xi32, #tpu.memory_space<hbm>> -> memref<1x1x1280xi32, #tpu.memory_space<hbm>>
      %dma_start3A_56 = tpu.memref_squeeze %dma_start3A_55 : memref<1x1x1280xi32, #tpu.memory_space<hbm>> -> memref<1280xi32, #tpu.memory_space<hbm>>
      %dma_start3A_57 = arith.constant 0 : i32
      %dma_start3A_58 = tpu.memref_slice %arg3[%add3A, %run_scoped3A_3, %dma_start3A_57] : memref<32x4x1280xi32, #tpu.memory_space<hbm>> -> memref<1x1x1280xi32, #tpu.memory_space<hbm>>
      %dma_start3A_59 = tpu.memref_squeeze %dma_start3A_58 : memref<1x1x1280xi32, #tpu.memory_space<hbm>> -> memref<1280xi32, #tpu.memory_space<hbm>>
      tpu.enqueue_dma source(%dma_start3A_59 : memref<1280xi32, #tpu.memory_space<hbm>>) target(%arg9 : memref<1280xi32, #tpu.memory_space<vmem>>) target_semaphore(%run_scoped3A_53 : memref<!tpu.dma_semaphore, #tpu.memory_space<semaphore_mem>>)
      %dma_wait3A_60 = arith.constant 0 : i32
      %dma_wait3A_61 = tpu.memref_slice %arg3[%add3A, %run_scoped3A_3, %dma_wait3A_60] : memref<32x4x1280xi32, #tpu.memory_space<hbm>> -> memref<1x1x1280xi32, #tpu.memory_space<hbm>>
      %dma_wait3A_62 = tpu.memref_squeeze %dma_wait3A_61 : memref<1x1x1280xi32, #tpu.memory_space<hbm>> -> memref<1280xi32, #tpu.memory_space<hbm>>
      %dma_wait3A_63 = arith.constant 0 : i32
      %dma_wait3A_64 = tpu.memref_slice %arg3[%add3A, %run_scoped3A_3, %dma_wait3A_63] : memref<32x4x1280xi32, #tpu.memory_space<hbm>> -> memref<1x1x1280xi32, #tpu.memory_space<hbm>>
      %dma_wait3A_65 = tpu.memref_squeeze %dma_wait3A_64 : memref<1x1x1280xi32, #tpu.memory_space<hbm>> -> memref<1280xi32, #tpu.memory_space<hbm>>
      tpu.wait_dma2 semaphore(%run_scoped3A_53 : memref<!tpu.dma_semaphore, #tpu.memory_space<semaphore_mem>>) src(%dma_wait3A_65 : memref<1280xi32, #tpu.memory_space<hbm>>) dst(%arg9 : memref<1280xi32, #tpu.memory_space<vmem>>)
      tpu.yield
    }) : () -> ()
    %run_scoped3A_4 = arith.constant 2 : i32
    "tpu.region"() ({
      %run_scoped3A_53 = tpu.sem_alloc : memref<!tpu.dma_semaphore, #tpu.memory_space<semaphore_mem>>
      %dma_start3A_54 = arith.constant 0 : i32
      %dma_start3A_55 = tpu.memref_slice %arg3[%add3A, %run_scoped3A_4, %dma_start3A_54] : memref<32x4x1280xi32, #tpu.memory_space<hbm>> -> memref<1x1x1280xi32, #tpu.memory_space<hbm>>
      %dma_start3A_56 = tpu.memref_squeeze %dma_start3A_55 : memref<1x1x1280xi32, #tpu.memory_space<hbm>> -> memref<1280xi32, #tpu.memory_space<hbm>>
      %dma_start3A_57 = arith.constant 0 : i32
      %dma_start3A_58 = tpu.memref_slice %arg3[%add3A, %run_scoped3A_4, %dma_start3A_57] : memref<32x4x1280xi32, #tpu.memory_space<hbm>> -> memref<1x1x1280xi32, #tpu.memory_space<hbm>>
      %dma_start3A_59 = tpu.memref_squeeze %dma_start3A_58 : memref<1x1x1280xi32, #tpu.memory_space<hbm>> -> memref<1280xi32, #tpu.memory_space<hbm>>
      tpu.enqueue_dma source(%dma_start3A_59 : memref<1280xi32, #tpu.memory_space<hbm>>) target(%arg10 : memref<1280xi32, #tpu.memory_space<vmem>>) target_semaphore(%run_scoped3A_53 : memref<!tpu.dma_semaphore, #tpu.memory_space<semaphore_mem>>)
      %dma_wait3A_60 = arith.constant 0 : i32
      %dma_wait3A_61 = tpu.memref_slice %arg3[%add3A, %run_scoped3A_4, %dma_wait3A_60] : memref<32x4x1280xi32, #tpu.memory_space<hbm>> -> memref<1x1x1280xi32, #tpu.memory_space<hbm>>
      %dma_wait3A_62 = tpu.memref_squeeze %dma_wait3A_61 : memref<1x1x1280xi32, #tpu.memory_space<hbm>> -> memref<1280xi32, #tpu.memory_space<hbm>>
      %dma_wait3A_63 = arith.constant 0 : i32
      %dma_wait3A_64 = tpu.memref_slice %arg3[%add3A, %run_scoped3A_4, %dma_wait3A_63] : memref<32x4x1280xi32, #tpu.memory_space<hbm>> -> memref<1x1x1280xi32, #tpu.memory_space<hbm>>
      %dma_wait3A_65 = tpu.memref_squeeze %dma_wait3A_64 : memref<1x1x1280xi32, #tpu.memory_space<hbm>> -> memref<1280xi32, #tpu.memory_space<hbm>>
      tpu.wait_dma2 semaphore(%run_scoped3A_53 : memref<!tpu.dma_semaphore, #tpu.memory_space<semaphore_mem>>) src(%dma_wait3A_65 : memref<1280xi32, #tpu.memory_space<hbm>>) dst(%arg10 : memref<1280xi32, #tpu.memory_space<vmem>>)
      tpu.yield
    }) : () -> ()
    %run_scoped3A_5 = arith.constant 3 : i32
    "tpu.region"() ({
      %run_scoped3A_53 = tpu.sem_alloc : memref<!tpu.dma_semaphore, #tpu.memory_space<semaphore_mem>>
      %dma_start3A_54 = arith.constant 0 : i32
      %dma_start3A_55 = tpu.memref_slice %arg3[%add3A, %run_scoped3A_5, %dma_start3A_54] : memref<32x4x1280xi32, #tpu.memory_space<hbm>> -> memref<1x1x1280xi32, #tpu.memory_space<hbm>>
      %dma_start3A_56 = tpu.memref_squeeze %dma_start3A_55 : memref<1x1x1280xi32, #tpu.memory_space<hbm>> -> memref<1280xi32, #tpu.memory_space<hbm>>
      %dma_start3A_57 = arith.constant 0 : i32
      %dma_start3A_58 = tpu.memref_slice %arg3[%add3A, %run_scoped3A_5, %dma_start3A_57] : memref<32x4x1280xi32, #tpu.memory_space<hbm>> -> memref<1x1x1280xi32, #tpu.memory_space<hbm>>
      %dma_start3A_59 = tpu.memref_squeeze %dma_start3A_58 : memref<1x1x1280xi32, #tpu.memory_space<hbm>> -> memref<1280xi32, #tpu.memory_space<hbm>>
      tpu.enqueue_dma source(%dma_start3A_59 : memref<1280xi32, #tpu.memory_space<hbm>>) target(%arg11 : memref<1280xi32, #tpu.memory_space<vmem>>) target_semaphore(%run_scoped3A_53 : memref<!tpu.dma_semaphore, #tpu.memory_space<semaphore_mem>>)
      %dma_wait3A_60 = arith.constant 0 : i32
      %dma_wait3A_61 = tpu.memref_slice %arg3[%add3A, %run_scoped3A_5, %dma_wait3A_60] : memref<32x4x1280xi32, #tpu.memory_space<hbm>> -> memref<1x1x1280xi32, #tpu.memory_space<hbm>>
      %dma_wait3A_62 = tpu.memref_squeeze %dma_wait3A_61 : memref<1x1x1280xi32, #tpu.memory_space<hbm>> -> memref<1280xi32, #tpu.memory_space<hbm>>
      %dma_wait3A_63 = arith.constant 0 : i32
      %dma_wait3A_64 = tpu.memref_slice %arg3[%add3A, %run_scoped3A_5, %dma_wait3A_63] : memref<32x4x1280xi32, #tpu.memory_space<hbm>> -> memref<1x1x1280xi32, #tpu.memory_space<hbm>>
      %dma_wait3A_65 = tpu.memref_squeeze %dma_wait3A_64 : memref<1x1x1280xi32, #tpu.memory_space<hbm>> -> memref<1280xi32, #tpu.memory_space<hbm>>
      tpu.wait_dma2 semaphore(%run_scoped3A_53 : memref<!tpu.dma_semaphore, #tpu.memory_space<semaphore_mem>>) src(%dma_wait3A_65 : memref<1280xi32, #tpu.memory_space<hbm>>) dst(%arg11 : memref<1280xi32, #tpu.memory_space<vmem>>)
      tpu.yield
    }) : () -> ()
    %dma_start3A = arith.constant 0 : i32
    %dma_start3A_6 = tpu.memref_slice %arg8[%dma_start3A] : memref<1280xi32, #tpu.memory_space<vmem>> -> memref<40xi32, #tpu.memory_space<vmem>>
    %dma_start3A_7 = arith.constant 0 : i32
    %dma_start3A_8 = arith.constant 0 : i32
    %dma_start3A_9 = tpu.memref_slice %arg2[%dma_start3A_7, %dma_start3A_8] : memref<160000x128xf32, #tpu.memory_space<hbm>> -> memref<160000x128xf32, #tpu.memory_space<hbm>>
    tpu.enqueue_indirect_dma source(%dma_start3A_9 : memref<160000x128xf32, #tpu.memory_space<hbm>>) target(%arg12 : memref<40x128xf32, #tpu.memory_space<vmem>>) offsets(%dma_start3A_6 : memref<40xi32, #tpu.memory_space<vmem>>) semaphore(%arg20 : memref<!tpu.dma_semaphore, #tpu.memory_space<semaphore_mem>>)
    %dma_start3A_10 = arith.constant 0 : i32
    %dma_start3A_11 = tpu.memref_slice %arg9[%dma_start3A_10] : memref<1280xi32, #tpu.memory_space<vmem>> -> memref<40xi32, #tpu.memory_space<vmem>>
    %dma_start3A_12 = arith.constant 0 : i32
    %dma_start3A_13 = arith.constant 0 : i32
    %dma_start3A_14 = tpu.memref_slice %arg2[%dma_start3A_12, %dma_start3A_13] : memref<160000x128xf32, #tpu.memory_space<hbm>> -> memref<160000x128xf32, #tpu.memory_space<hbm>>
    tpu.enqueue_indirect_dma source(%dma_start3A_14 : memref<160000x128xf32, #tpu.memory_space<hbm>>) target(%arg13 : memref<40x128xf32, #tpu.memory_space<vmem>>) offsets(%dma_start3A_11 : memref<40xi32, #tpu.memory_space<vmem>>) semaphore(%arg20 : memref<!tpu.dma_semaphore, #tpu.memory_space<semaphore_mem>>)
    %dma_start3A_15 = arith.constant 0 : i32
    %dma_start3A_16 = tpu.memref_slice %arg10[%dma_start3A_15] : memref<1280xi32, #tpu.memory_space<vmem>> -> memref<40xi32, #tpu.memory_space<vmem>>
    %dma_start3A_17 = arith.constant 0 : i32
    %dma_start3A_18 = arith.constant 0 : i32
    %dma_start3A_19 = tpu.memref_slice %arg2[%dma_start3A_17, %dma_start3A_18] : memref<160000x128xf32, #tpu.memory_space<hbm>> -> memref<160000x128xf32, #tpu.memory_space<hbm>>
    tpu.enqueue_indirect_dma source(%dma_start3A_19 : memref<160000x128xf32, #tpu.memory_space<hbm>>) target(%arg14 : memref<40x128xf32, #tpu.memory_space<vmem>>) offsets(%dma_start3A_16 : memref<40xi32, #tpu.memory_space<vmem>>) semaphore(%arg20 : memref<!tpu.dma_semaphore, #tpu.memory_space<semaphore_mem>>)
    %dma_start3A_20 = arith.constant 0 : i32
    %dma_start3A_21 = tpu.memref_slice %arg11[%dma_start3A_20] : memref<1280xi32, #tpu.memory_space<vmem>> -> memref<40xi32, #tpu.memory_space<vmem>>
    %dma_start3A_22 = arith.constant 0 : i32
    %dma_start3A_23 = arith.constant 0 : i32
    %dma_start3A_24 = tpu.memref_slice %arg2[%dma_start3A_22, %dma_start3A_23] : memref<160000x128xf32, #tpu.memory_space<hbm>> -> memref<160000x128xf32, #tpu.memory_space<hbm>>
    tpu.enqueue_indirect_dma source(%dma_start3A_24 : memref<160000x128xf32, #tpu.memory_space<hbm>>) target(%arg15 : memref<40x128xf32, #tpu.memory_space<vmem>>) offsets(%dma_start3A_21 : memref<40xi32, #tpu.memory_space<vmem>>) semaphore(%arg20 : memref<!tpu.dma_semaphore, #tpu.memory_space<semaphore_mem>>)
    %scan3A = arith.constant 0 : i32
    %scan3A_25 = arith.constant 0 : i32
    %scan3A_26 = arith.constant 16 : i32
    %scan3A_27 = arith.addi %scan3A_25, %scan3A_26 : i32
    %scan3A_28 = arith.constant 1 : i32
    scf.for %scan3A_53 = %scan3A_25 to %scan3A_27 step %scan3A_28  : i32 {
      %mul3A_54 = arith.constant 2 : i32
      %mul3A_55 = arith.muli %scan3A_53, %mul3A_54 : i32
      %add3A_56 = arith.constant 1 : i32
      %add3A_57 = arith.addi %mul3A_55, %add3A_56 : i32
      %gt3A = arith.constant 0 : i32
      %gt3A_58 = arith.cmpi sgt, %scan3A_53, %gt3A : i32
      %convert_element_type3A = arith.extui %gt3A_58 : i1 to i32
      %cond3A = arith.constant 0 : i32
      %cond3A_59 = arith.cmpi ne, %convert_element_type3A, %cond3A : i32
      scf.if %cond3A_59 {
        %dma_wait3A_218 = arith.constant 0 : i32
        %dma_wait3A_219 = arith.constant 0 : i32
        %dma_wait3A_220 = tpu.memref_slice %arg4[%dma_wait3A_218, %dma_wait3A_219] : memref<40960x128xf32, #tpu.memory_space<hbm>> -> memref<40x128xf32, #tpu.memory_space<hbm>>
        %dma_wait3A_221 = arith.constant 0 : i32
        %dma_wait3A_222 = arith.constant 0 : i32
        %dma_wait3A_223 = tpu.memref_slice %arg4[%dma_wait3A_221, %dma_wait3A_222] : memref<40960x128xf32, #tpu.memory_space<hbm>> -> memref<40x128xf32, #tpu.memory_space<hbm>>
        tpu.wait_dma2 semaphore(%arg21 : memref<!tpu.dma_semaphore, #tpu.memory_space<semaphore_mem>>) src(%arg16 : memref<40x128xf32, #tpu.memory_space<vmem>>) dst(%dma_wait3A_223 : memref<40x128xf32, #tpu.memory_space<hbm>>)
        %dma_wait3A_224 = arith.constant 0 : i32
        %dma_wait3A_225 = arith.constant 0 : i32
        %dma_wait3A_226 = tpu.memref_slice %arg5[%dma_wait3A_224, %dma_wait3A_225] : memref<40960x128xf32, #tpu.memory_space<hbm>> -> memref<40x128xf32, #tpu.memory_space<hbm>>
        %dma_wait3A_227 = arith.constant 0 : i32
        %dma_wait3A_228 = arith.constant 0 : i32
        %dma_wait3A_229 = tpu.memref_slice %arg5[%dma_wait3A_227, %dma_wait3A_228] : memref<40960x128xf32, #tpu.memory_space<hbm>> -> memref<40x128xf32, #tpu.memory_space<hbm>>
        tpu.wait_dma2 semaphore(%arg21 : memref<!tpu.dma_semaphore, #tpu.memory_space<semaphore_mem>>) src(%arg17 : memref<40x128xf32, #tpu.memory_space<vmem>>) dst(%dma_wait3A_229 : memref<40x128xf32, #tpu.memory_space<hbm>>)
        %dma_wait3A_230 = arith.constant 0 : i32
        %dma_wait3A_231 = arith.constant 0 : i32
        %dma_wait3A_232 = tpu.memref_slice %arg6[%dma_wait3A_230, %dma_wait3A_231] : memref<40960x128xf32, #tpu.memory_space<hbm>> -> memref<40x128xf32, #tpu.memory_space<hbm>>
        %dma_wait3A_233 = arith.constant 0 : i32
        %dma_wait3A_234 = arith.constant 0 : i32
        %dma_wait3A_235 = tpu.memref_slice %arg6[%dma_wait3A_233, %dma_wait3A_234] : memref<40960x128xf32, #tpu.memory_space<hbm>> -> memref<40x128xf32, #tpu.memory_space<hbm>>
        tpu.wait_dma2 semaphore(%arg21 : memref<!tpu.dma_semaphore, #tpu.memory_space<semaphore_mem>>) src(%arg18 : memref<40x128xf32, #tpu.memory_space<vmem>>) dst(%dma_wait3A_235 : memref<40x128xf32, #tpu.memory_space<hbm>>)
        %dma_wait3A_236 = arith.constant 0 : i32
        %dma_wait3A_237 = arith.constant 0 : i32
        %dma_wait3A_238 = tpu.memref_slice %arg7[%dma_wait3A_236, %dma_wait3A_237] : memref<40960x128xf32, #tpu.memory_space<hbm>> -> memref<40x128xf32, #tpu.memory_space<hbm>>
        %dma_wait3A_239 = arith.constant 0 : i32
        %dma_wait3A_240 = arith.constant 0 : i32
        %dma_wait3A_241 = tpu.memref_slice %arg7[%dma_wait3A_239, %dma_wait3A_240] : memref<40960x128xf32, #tpu.memory_space<hbm>> -> memref<40x128xf32, #tpu.memory_space<hbm>>
        tpu.wait_dma2 semaphore(%arg21 : memref<!tpu.dma_semaphore, #tpu.memory_space<semaphore_mem>>) src(%arg19 : memref<40x128xf32, #tpu.memory_space<vmem>>) dst(%dma_wait3A_241 : memref<40x128xf32, #tpu.memory_space<hbm>>)
      } else {
      }
      %mul3A_60 = arith.constant 40 : i32
      %mul3A_61 = arith.muli %add3A_57, %mul3A_60 : i32
      %dma_start3A_62 = tpu.memref_slice %arg8[%mul3A_61] : memref<1280xi32, #tpu.memory_space<vmem>> -> memref<40xi32, #tpu.memory_space<vmem>>
      %dma_start3A_63 = arith.constant 0 : i32
      %dma_start3A_64 = arith.constant 0 : i32
      %dma_start3A_65 = tpu.memref_slice %arg2[%dma_start3A_63, %dma_start3A_64] : memref<160000x128xf32, #tpu.memory_space<hbm>> -> memref<160000x128xf32, #tpu.memory_space<hbm>>
      tpu.enqueue_indirect_dma source(%dma_start3A_65 : memref<160000x128xf32, #tpu.memory_space<hbm>>) target(%arg16 : memref<40x128xf32, #tpu.memory_space<vmem>>) offsets(%dma_start3A_62 : memref<40xi32, #tpu.memory_space<vmem>>) semaphore(%arg20 : memref<!tpu.dma_semaphore, #tpu.memory_space<semaphore_mem>>)
      %mul3A_66 = arith.constant 40 : i32
      %mul3A_67 = arith.muli %add3A_57, %mul3A_66 : i32
      %dma_start3A_68 = tpu.memref_slice %arg9[%mul3A_67] : memref<1280xi32, #tpu.memory_space<vmem>> -> memref<40xi32, #tpu.memory_space<vmem>>
      %dma_start3A_69 = arith.constant 0 : i32
      %dma_start3A_70 = arith.constant 0 : i32
      %dma_start3A_71 = tpu.memref_slice %arg2[%dma_start3A_69, %dma_start3A_70] : memref<160000x128xf32, #tpu.memory_space<hbm>> -> memref<160000x128xf32, #tpu.memory_space<hbm>>
      tpu.enqueue_indirect_dma source(%dma_start3A_71 : memref<160000x128xf32, #tpu.memory_space<hbm>>) target(%arg17 : memref<40x128xf32, #tpu.memory_space<vmem>>) offsets(%dma_start3A_68 : memref<40xi32, #tpu.memory_space<vmem>>) semaphore(%arg20 : memref<!tpu.dma_semaphore, #tpu.memory_space<semaphore_mem>>)
      %mul3A_72 = arith.constant 40 : i32
      %mul3A_73 = arith.muli %add3A_57, %mul3A_72 : i32
      %dma_start3A_74 = tpu.memref_slice %arg10[%mul3A_73] : memref<1280xi32, #tpu.memory_space<vmem>> -> memref<40xi32, #tpu.memory_space<vmem>>
      %dma_start3A_75 = arith.constant 0 : i32
      %dma_start3A_76 = arith.constant 0 : i32
      %dma_start3A_77 = tpu.memref_slice %arg2[%dma_start3A_75, %dma_start3A_76] : memref<160000x128xf32, #tpu.memory_space<hbm>> -> memref<160000x128xf32, #tpu.memory_space<hbm>>
      tpu.enqueue_indirect_dma source(%dma_start3A_77 : memref<160000x128xf32, #tpu.memory_space<hbm>>) target(%arg18 : memref<40x128xf32, #tpu.memory_space<vmem>>) offsets(%dma_start3A_74 : memref<40xi32, #tpu.memory_space<vmem>>) semaphore(%arg20 : memref<!tpu.dma_semaphore, #tpu.memory_space<semaphore_mem>>)
      %mul3A_78 = arith.constant 40 : i32
      %mul3A_79 = arith.muli %add3A_57, %mul3A_78 : i32
      %dma_start3A_80 = tpu.memref_slice %arg11[%mul3A_79] : memref<1280xi32, #tpu.memory_space<vmem>> -> memref<40xi32, #tpu.memory_space<vmem>>
      %dma_start3A_81 = arith.constant 0 : i32
      %dma_start3A_82 = arith.constant 0 : i32
      %dma_start3A_83 = tpu.memref_slice %arg2[%dma_start3A_81, %dma_start3A_82] : memref<160000x128xf32, #tpu.memory_space<hbm>> -> memref<160000x128xf32, #tpu.memory_space<hbm>>
      tpu.enqueue_indirect_dma source(%dma_start3A_83 : memref<160000x128xf32, #tpu.memory_space<hbm>>) target(%arg19 : memref<40x128xf32, #tpu.memory_space<vmem>>) offsets(%dma_start3A_80 : memref<40xi32, #tpu.memory_space<vmem>>) semaphore(%arg20 : memref<!tpu.dma_semaphore, #tpu.memory_space<semaphore_mem>>)
      %dma_wait3A_84 = arith.constant 0 : i32
      %dma_wait3A_85 = arith.constant 0 : i32
      %dma_wait3A_86 = tpu.memref_slice %arg2[%dma_wait3A_84, %dma_wait3A_85] : memref<160000x128xf32, #tpu.memory_space<hbm>> -> memref<40x128xf32, #tpu.memory_space<hbm>>
      %dma_wait3A_87 = arith.constant 0 : i32
      %dma_wait3A_88 = arith.constant 0 : i32
      %dma_wait3A_89 = tpu.memref_slice %arg2[%dma_wait3A_87, %dma_wait3A_88] : memref<160000x128xf32, #tpu.memory_space<hbm>> -> memref<40x128xf32, #tpu.memory_space<hbm>>
      tpu.wait_dma2 semaphore(%arg20 : memref<!tpu.dma_semaphore, #tpu.memory_space<semaphore_mem>>) src(%dma_wait3A_89 : memref<40x128xf32, #tpu.memory_space<hbm>>) dst(%arg12 : memref<40x128xf32, #tpu.memory_space<vmem>>)
      %dma_wait3A_90 = arith.constant 0 : i32
      %dma_wait3A_91 = arith.constant 0 : i32
      %dma_wait3A_92 = tpu.memref_slice %arg2[%dma_wait3A_90, %dma_wait3A_91] : memref<160000x128xf32, #tpu.memory_space<hbm>> -> memref<40x128xf32, #tpu.memory_space<hbm>>
      %dma_wait3A_93 = arith.constant 0 : i32
      %dma_wait3A_94 = arith.constant 0 : i32
      %dma_wait3A_95 = tpu.memref_slice %arg2[%dma_wait3A_93, %dma_wait3A_94] : memref<160000x128xf32, #tpu.memory_space<hbm>> -> memref<40x128xf32, #tpu.memory_space<hbm>>
      tpu.wait_dma2 semaphore(%arg20 : memref<!tpu.dma_semaphore, #tpu.memory_space<semaphore_mem>>) src(%dma_wait3A_95 : memref<40x128xf32, #tpu.memory_space<hbm>>) dst(%arg13 : memref<40x128xf32, #tpu.memory_space<vmem>>)
      %dma_wait3A_96 = arith.constant 0 : i32
      %dma_wait3A_97 = arith.constant 0 : i32
      %dma_wait3A_98 = tpu.memref_slice %arg2[%dma_wait3A_96, %dma_wait3A_97] : memref<160000x128xf32, #tpu.memory_space<hbm>> -> memref<40x128xf32, #tpu.memory_space<hbm>>
      %dma_wait3A_99 = arith.constant 0 : i32
      %dma_wait3A_100 = arith.constant 0 : i32
      %dma_wait3A_101 = tpu.memref_slice %arg2[%dma_wait3A_99, %dma_wait3A_100] : memref<160000x128xf32, #tpu.memory_space<hbm>> -> memref<40x128xf32, #tpu.memory_space<hbm>>
      tpu.wait_dma2 semaphore(%arg20 : memref<!tpu.dma_semaphore, #tpu.memory_space<semaphore_mem>>) src(%dma_wait3A_101 : memref<40x128xf32, #tpu.memory_space<hbm>>) dst(%arg14 : memref<40x128xf32, #tpu.memory_space<vmem>>)
      %dma_wait3A_102 = arith.constant 0 : i32
      %dma_wait3A_103 = arith.constant 0 : i32
      %dma_wait3A_104 = tpu.memref_slice %arg2[%dma_wait3A_102, %dma_wait3A_103] : memref<160000x128xf32, #tpu.memory_space<hbm>> -> memref<40x128xf32, #tpu.memory_space<hbm>>
      %dma_wait3A_105 = arith.constant 0 : i32
      %dma_wait3A_106 = arith.constant 0 : i32
      %dma_wait3A_107 = tpu.memref_slice %arg2[%dma_wait3A_105, %dma_wait3A_106] : memref<160000x128xf32, #tpu.memory_space<hbm>> -> memref<40x128xf32, #tpu.memory_space<hbm>>
      tpu.wait_dma2 semaphore(%arg20 : memref<!tpu.dma_semaphore, #tpu.memory_space<semaphore_mem>>) src(%dma_wait3A_107 : memref<40x128xf32, #tpu.memory_space<hbm>>) dst(%arg15 : memref<40x128xf32, #tpu.memory_space<vmem>>)
      %mul3A_108 = arith.constant 40 : i32
      %mul3A_109 = arith.muli %mul3A_55, %mul3A_108 : i32
      %add3A_110 = arith.addi %mul3A_2, %mul3A_109 : i32
      %dma_start3A_111 = arith.constant 0 : i32
      %dma_start3A_112 = tpu.memref_slice %arg4[%add3A_110, %dma_start3A_111] : memref<40960x128xf32, #tpu.memory_space<hbm>> -> memref<40x128xf32, #tpu.memory_space<hbm>>
      %dma_start3A_113 = arith.constant 0 : i32
      %dma_start3A_114 = tpu.memref_slice %arg4[%add3A_110, %dma_start3A_113] : memref<40960x128xf32, #tpu.memory_space<hbm>> -> memref<40x128xf32, #tpu.memory_space<hbm>>
      tpu.enqueue_dma source(%arg12 : memref<40x128xf32, #tpu.memory_space<vmem>>) target(%dma_start3A_114 : memref<40x128xf32, #tpu.memory_space<hbm>>) target_semaphore(%arg21 : memref<!tpu.dma_semaphore, #tpu.memory_space<semaphore_mem>>)
      %mul3A_115 = arith.constant 40 : i32
      %mul3A_116 = arith.muli %mul3A_55, %mul3A_115 : i32
      %add3A_117 = arith.addi %mul3A_2, %mul3A_116 : i32
      %dma_start3A_118 = arith.constant 0 : i32
      %dma_start3A_119 = tpu.memref_slice %arg5[%add3A_117, %dma_start3A_118] : memref<40960x128xf32, #tpu.memory_space<hbm>> -> memref<40x128xf32, #tpu.memory_space<hbm>>
      %dma_start3A_120 = arith.constant 0 : i32
      %dma_start3A_121 = tpu.memref_slice %arg5[%add3A_117, %dma_start3A_120] : memref<40960x128xf32, #tpu.memory_space<hbm>> -> memref<40x128xf32, #tpu.memory_space<hbm>>
      tpu.enqueue_dma source(%arg13 : memref<40x128xf32, #tpu.memory_space<vmem>>) target(%dma_start3A_121 : memref<40x128xf32, #tpu.memory_space<hbm>>) target_semaphore(%arg21 : memref<!tpu.dma_semaphore, #tpu.memory_space<semaphore_mem>>)
      %mul3A_122 = arith.constant 40 : i32
      %mul3A_123 = arith.muli %mul3A_55, %mul3A_122 : i32
      %add3A_124 = arith.addi %mul3A_2, %mul3A_123 : i32
      %dma_start3A_125 = arith.constant 0 : i32
      %dma_start3A_126 = tpu.memref_slice %arg6[%add3A_124, %dma_start3A_125] : memref<40960x128xf32, #tpu.memory_space<hbm>> -> memref<40x128xf32, #tpu.memory_space<hbm>>
      %dma_start3A_127 = arith.constant 0 : i32
      %dma_start3A_128 = tpu.memref_slice %arg6[%add3A_124, %dma_start3A_127] : memref<40960x128xf32, #tpu.memory_space<hbm>> -> memref<40x128xf32, #tpu.memory_space<hbm>>
      tpu.enqueue_dma source(%arg14 : memref<40x128xf32, #tpu.memory_space<vmem>>) target(%dma_start3A_128 : memref<40x128xf32, #tpu.memory_space<hbm>>) target_semaphore(%arg21 : memref<!tpu.dma_semaphore, #tpu.memory_space<semaphore_mem>>)
      %mul3A_129 = arith.constant 40 : i32
      %mul3A_130 = arith.muli %mul3A_55, %mul3A_129 : i32
      %add3A_131 = arith.addi %mul3A_2, %mul3A_130 : i32
      %dma_start3A_132 = arith.constant 0 : i32
      %dma_start3A_133 = tpu.memref_slice %arg7[%add3A_131, %dma_start3A_132] : memref<40960x128xf32, #tpu.memory_space<hbm>> -> memref<40x128xf32, #tpu.memory_space<hbm>>
      %dma_start3A_134 = arith.constant 0 : i32
      %dma_start3A_135 = tpu.memref_slice %arg7[%add3A_131, %dma_start3A_134] : memref<40960x128xf32, #tpu.memory_space<hbm>> -> memref<40x128xf32, #tpu.memory_space<hbm>>
      tpu.enqueue_dma source(%arg15 : memref<40x128xf32, #tpu.memory_space<vmem>>) target(%dma_start3A_135 : memref<40x128xf32, #tpu.memory_space<hbm>>) target_semaphore(%arg21 : memref<!tpu.dma_semaphore, #tpu.memory_space<semaphore_mem>>)
      %dma_wait3A_136 = arith.constant 0 : i32
      %dma_wait3A_137 = arith.constant 0 : i32
      %dma_wait3A_138 = tpu.memref_slice %arg4[%dma_wait3A_136, %dma_wait3A_137] : memref<40960x128xf32, #tpu.memory_space<hbm>> -> memref<40x128xf32, #tpu.memory_space<hbm>>
      %dma_wait3A_139 = arith.constant 0 : i32
      %dma_wait3A_140 = arith.constant 0 : i32
      %dma_wait3A_141 = tpu.memref_slice %arg4[%dma_wait3A_139, %dma_wait3A_140] : memref<40960x128xf32, #tpu.memory_space<hbm>> -> memref<40x128xf32, #tpu.memory_space<hbm>>
      tpu.wait_dma2 semaphore(%arg21 : memref<!tpu.dma_semaphore, #tpu.memory_space<semaphore_mem>>) src(%arg12 : memref<40x128xf32, #tpu.memory_space<vmem>>) dst(%dma_wait3A_141 : memref<40x128xf32, #tpu.memory_space<hbm>>)
      %dma_wait3A_142 = arith.constant 0 : i32
      %dma_wait3A_143 = arith.constant 0 : i32
      %dma_wait3A_144 = tpu.memref_slice %arg5[%dma_wait3A_142, %dma_wait3A_143] : memref<40960x128xf32, #tpu.memory_space<hbm>> -> memref<40x128xf32, #tpu.memory_space<hbm>>
      %dma_wait3A_145 = arith.constant 0 : i32
      %dma_wait3A_146 = arith.constant 0 : i32
      %dma_wait3A_147 = tpu.memref_slice %arg5[%dma_wait3A_145, %dma_wait3A_146] : memref<40960x128xf32, #tpu.memory_space<hbm>> -> memref<40x128xf32, #tpu.memory_space<hbm>>
      tpu.wait_dma2 semaphore(%arg21 : memref<!tpu.dma_semaphore, #tpu.memory_space<semaphore_mem>>) src(%arg13 : memref<40x128xf32, #tpu.memory_space<vmem>>) dst(%dma_wait3A_147 : memref<40x128xf32, #tpu.memory_space<hbm>>)
      %dma_wait3A_148 = arith.constant 0 : i32
      %dma_wait3A_149 = arith.constant 0 : i32
      %dma_wait3A_150 = tpu.memref_slice %arg6[%dma_wait3A_148, %dma_wait3A_149] : memref<40960x128xf32, #tpu.memory_space<hbm>> -> memref<40x128xf32, #tpu.memory_space<hbm>>
      %dma_wait3A_151 = arith.constant 0 : i32
      %dma_wait3A_152 = arith.constant 0 : i32
      %dma_wait3A_153 = tpu.memref_slice %arg6[%dma_wait3A_151, %dma_wait3A_152] : memref<40960x128xf32, #tpu.memory_space<hbm>> -> memref<40x128xf32, #tpu.memory_space<hbm>>
      tpu.wait_dma2 semaphore(%arg21 : memref<!tpu.dma_semaphore, #tpu.memory_space<semaphore_mem>>) src(%arg14 : memref<40x128xf32, #tpu.memory_space<vmem>>) dst(%dma_wait3A_153 : memref<40x128xf32, #tpu.memory_space<hbm>>)
      %dma_wait3A_154 = arith.constant 0 : i32
      %dma_wait3A_155 = arith.constant 0 : i32
      %dma_wait3A_156 = tpu.memref_slice %arg7[%dma_wait3A_154, %dma_wait3A_155] : memref<40960x128xf32, #tpu.memory_space<hbm>> -> memref<40x128xf32, #tpu.memory_space<hbm>>
      %dma_wait3A_157 = arith.constant 0 : i32
      %dma_wait3A_158 = arith.constant 0 : i32
      %dma_wait3A_159 = tpu.memref_slice %arg7[%dma_wait3A_157, %dma_wait3A_158] : memref<40960x128xf32, #tpu.memory_space<hbm>> -> memref<40x128xf32, #tpu.memory_space<hbm>>
      tpu.wait_dma2 semaphore(%arg21 : memref<!tpu.dma_semaphore, #tpu.memory_space<semaphore_mem>>) src(%arg15 : memref<40x128xf32, #tpu.memory_space<vmem>>) dst(%dma_wait3A_159 : memref<40x128xf32, #tpu.memory_space<hbm>>)
      %add3A_160 = arith.constant 1 : i32
      %add3A_161 = arith.addi %add3A_57, %add3A_160 : i32
      %lt3A = arith.constant 32 : i32
      %lt3A_162 = arith.cmpi slt, %add3A_161, %lt3A : i32
      %convert_element_type3A_163 = arith.extui %lt3A_162 : i1 to i32
      %cond3A_164 = arith.constant 0 : i32
      %cond3A_165 = arith.cmpi ne, %convert_element_type3A_163, %cond3A_164 : i32
      scf.if %cond3A_165 {
        %add3A_218 = arith.constant 1 : i32
        %add3A_219 = arith.addi %add3A_57, %add3A_218 : i32
        %mul3A_220 = arith.constant 40 : i32
        %mul3A_221 = arith.muli %add3A_219, %mul3A_220 : i32
        %dma_start3A_222 = tpu.memref_slice %arg8[%mul3A_221] : memref<1280xi32, #tpu.memory_space<vmem>> -> memref<40xi32, #tpu.memory_space<vmem>>
        %dma_start3A_223 = arith.constant 0 : i32
        %dma_start3A_224 = arith.constant 0 : i32
        %dma_start3A_225 = tpu.memref_slice %arg2[%dma_start3A_223, %dma_start3A_224] : memref<160000x128xf32, #tpu.memory_space<hbm>> -> memref<160000x128xf32, #tpu.memory_space<hbm>>
        tpu.enqueue_indirect_dma source(%dma_start3A_225 : memref<160000x128xf32, #tpu.memory_space<hbm>>) target(%arg12 : memref<40x128xf32, #tpu.memory_space<vmem>>) offsets(%dma_start3A_222 : memref<40xi32, #tpu.memory_space<vmem>>) semaphore(%arg20 : memref<!tpu.dma_semaphore, #tpu.memory_space<semaphore_mem>>)
        %mul3A_226 = arith.constant 40 : i32
        %mul3A_227 = arith.muli %add3A_219, %mul3A_226 : i32
        %dma_start3A_228 = tpu.memref_slice %arg9[%mul3A_227] : memref<1280xi32, #tpu.memory_space<vmem>> -> memref<40xi32, #tpu.memory_space<vmem>>
        %dma_start3A_229 = arith.constant 0 : i32
        %dma_start3A_230 = arith.constant 0 : i32
        %dma_start3A_231 = tpu.memref_slice %arg2[%dma_start3A_229, %dma_start3A_230] : memref<160000x128xf32, #tpu.memory_space<hbm>> -> memref<160000x128xf32, #tpu.memory_space<hbm>>
        tpu.enqueue_indirect_dma source(%dma_start3A_231 : memref<160000x128xf32, #tpu.memory_space<hbm>>) target(%arg13 : memref<40x128xf32, #tpu.memory_space<vmem>>) offsets(%dma_start3A_228 : memref<40xi32, #tpu.memory_space<vmem>>) semaphore(%arg20 : memref<!tpu.dma_semaphore, #tpu.memory_space<semaphore_mem>>)
        %mul3A_232 = arith.constant 40 : i32
        %mul3A_233 = arith.muli %add3A_219, %mul3A_232 : i32
        %dma_start3A_234 = tpu.memref_slice %arg10[%mul3A_233] : memref<1280xi32, #tpu.memory_space<vmem>> -> memref<40xi32, #tpu.memory_space<vmem>>
        %dma_start3A_235 = arith.constant 0 : i32
        %dma_start3A_236 = arith.constant 0 : i32
        %dma_start3A_237 = tpu.memref_slice %arg2[%dma_start3A_235, %dma_start3A_236] : memref<160000x128xf32, #tpu.memory_space<hbm>> -> memref<160000x128xf32, #tpu.memory_space<hbm>>
        tpu.enqueue_indirect_dma source(%dma_start3A_237 : memref<160000x128xf32, #tpu.memory_space<hbm>>) target(%arg14 : memref<40x128xf32, #tpu.memory_space<vmem>>) offsets(%dma_start3A_234 : memref<40xi32, #tpu.memory_space<vmem>>) semaphore(%arg20 : memref<!tpu.dma_semaphore, #tpu.memory_space<semaphore_mem>>)
        %mul3A_238 = arith.constant 40 : i32
        %mul3A_239 = arith.muli %add3A_219, %mul3A_238 : i32
        %dma_start3A_240 = tpu.memref_slice %arg11[%mul3A_239] : memref<1280xi32, #tpu.memory_space<vmem>> -> memref<40xi32, #tpu.memory_space<vmem>>
        %dma_start3A_241 = arith.constant 0 : i32
        %dma_start3A_242 = arith.constant 0 : i32
        %dma_start3A_243 = tpu.memref_slice %arg2[%dma_start3A_241, %dma_start3A_242] : memref<160000x128xf32, #tpu.memory_space<hbm>> -> memref<160000x128xf32, #tpu.memory_space<hbm>>
        tpu.enqueue_indirect_dma source(%dma_start3A_243 : memref<160000x128xf32, #tpu.memory_space<hbm>>) target(%arg15 : memref<40x128xf32, #tpu.memory_space<vmem>>) offsets(%dma_start3A_240 : memref<40xi32, #tpu.memory_space<vmem>>) semaphore(%arg20 : memref<!tpu.dma_semaphore, #tpu.memory_space<semaphore_mem>>)
      } else {
      }
      %dma_wait3A_166 = arith.constant 0 : i32
      %dma_wait3A_167 = arith.constant 0 : i32
      %dma_wait3A_168 = tpu.memref_slice %arg2[%dma_wait3A_166, %dma_wait3A_167] : memref<160000x128xf32, #tpu.memory_space<hbm>> -> memref<40x128xf32, #tpu.memory_space<hbm>>
      %dma_wait3A_169 = arith.constant 0 : i32
      %dma_wait3A_170 = arith.constant 0 : i32
      %dma_wait3A_171 = tpu.memref_slice %arg2[%dma_wait3A_169, %dma_wait3A_170] : memref<160000x128xf32, #tpu.memory_space<hbm>> -> memref<40x128xf32, #tpu.memory_space<hbm>>
      tpu.wait_dma2 semaphore(%arg20 : memref<!tpu.dma_semaphore, #tpu.memory_space<semaphore_mem>>) src(%dma_wait3A_171 : memref<40x128xf32, #tpu.memory_space<hbm>>) dst(%arg16 : memref<40x128xf32, #tpu.memory_space<vmem>>)
      %dma_wait3A_172 = arith.constant 0 : i32
      %dma_wait3A_173 = arith.constant 0 : i32
      %dma_wait3A_174 = tpu.memref_slice %arg2[%dma_wait3A_172, %dma_wait3A_173] : memref<160000x128xf32, #tpu.memory_space<hbm>> -> memref<40x128xf32, #tpu.memory_space<hbm>>
      %dma_wait3A_175 = arith.constant 0 : i32
      %dma_wait3A_176 = arith.constant 0 : i32
      %dma_wait3A_177 = tpu.memref_slice %arg2[%dma_wait3A_175, %dma_wait3A_176] : memref<160000x128xf32, #tpu.memory_space<hbm>> -> memref<40x128xf32, #tpu.memory_space<hbm>>
      tpu.wait_dma2 semaphore(%arg20 : memref<!tpu.dma_semaphore, #tpu.memory_space<semaphore_mem>>) src(%dma_wait3A_177 : memref<40x128xf32, #tpu.memory_space<hbm>>) dst(%arg17 : memref<40x128xf32, #tpu.memory_space<vmem>>)
      %dma_wait3A_178 = arith.constant 0 : i32
      %dma_wait3A_179 = arith.constant 0 : i32
      %dma_wait3A_180 = tpu.memref_slice %arg2[%dma_wait3A_178, %dma_wait3A_179] : memref<160000x128xf32, #tpu.memory_space<hbm>> -> memref<40x128xf32, #tpu.memory_space<hbm>>
      %dma_wait3A_181 = arith.constant 0 : i32
      %dma_wait3A_182 = arith.constant 0 : i32
      %dma_wait3A_183 = tpu.memref_slice %arg2[%dma_wait3A_181, %dma_wait3A_182] : memref<160000x128xf32, #tpu.memory_space<hbm>> -> memref<40x128xf32, #tpu.memory_space<hbm>>
      tpu.wait_dma2 semaphore(%arg20 : memref<!tpu.dma_semaphore, #tpu.memory_space<semaphore_mem>>) src(%dma_wait3A_183 : memref<40x128xf32, #tpu.memory_space<hbm>>) dst(%arg18 : memref<40x128xf32, #tpu.memory_space<vmem>>)
      %dma_wait3A_184 = arith.constant 0 : i32
      %dma_wait3A_185 = arith.constant 0 : i32
      %dma_wait3A_186 = tpu.memref_slice %arg2[%dma_wait3A_184, %dma_wait3A_185] : memref<160000x128xf32, #tpu.memory_space<hbm>> -> memref<40x128xf32, #tpu.memory_space<hbm>>
      %dma_wait3A_187 = arith.constant 0 : i32
      %dma_wait3A_188 = arith.constant 0 : i32
      %dma_wait3A_189 = tpu.memref_slice %arg2[%dma_wait3A_187, %dma_wait3A_188] : memref<160000x128xf32, #tpu.memory_space<hbm>> -> memref<40x128xf32, #tpu.memory_space<hbm>>
      tpu.wait_dma2 semaphore(%arg20 : memref<!tpu.dma_semaphore, #tpu.memory_space<semaphore_mem>>) src(%dma_wait3A_189 : memref<40x128xf32, #tpu.memory_space<hbm>>) dst(%arg19 : memref<40x128xf32, #tpu.memory_space<vmem>>)
      %mul3A_190 = arith.constant 40 : i32
      %mul3A_191 = arith.muli %add3A_57, %mul3A_190 : i32
      %add3A_192 = arith.addi %mul3A_2, %mul3A_191 : i32
      %dma_start3A_193 = arith.constant 0 : i32
      %dma_start3A_194 = tpu.memref_slice %arg4[%add3A_192, %dma_start3A_193] : memref<40960x128xf32, #tpu.memory_space<hbm>> -> memref<40x128xf32, #tpu.memory_space<hbm>>
      %dma_start3A_195 = arith.constant 0 : i32
      %dma_start3A_196 = tpu.memref_slice %arg4[%add3A_192, %dma_start3A_195] : memref<40960x128xf32, #tpu.memory_space<hbm>> -> memref<40x128xf32, #tpu.memory_space<hbm>>
      tpu.enqueue_dma source(%arg16 : memref<40x128xf32, #tpu.memory_space<vmem>>) target(%dma_start3A_196 : memref<40x128xf32, #tpu.memory_space<hbm>>) target_semaphore(%arg21 : memref<!tpu.dma_semaphore, #tpu.memory_space<semaphore_mem>>)
      %mul3A_197 = arith.constant 40 : i32
      %mul3A_198 = arith.muli %add3A_57, %mul3A_197 : i32
      %add3A_199 = arith.addi %mul3A_2, %mul3A_198 : i32
      %dma_start3A_200 = arith.constant 0 : i32
      %dma_start3A_201 = tpu.memref_slice %arg5[%add3A_199, %dma_start3A_200] : memref<40960x128xf32, #tpu.memory_space<hbm>> -> memref<40x128xf32, #tpu.memory_space<hbm>>
      %dma_start3A_202 = arith.constant 0 : i32
      %dma_start3A_203 = tpu.memref_slice %arg5[%add3A_199, %dma_start3A_202] : memref<40960x128xf32, #tpu.memory_space<hbm>> -> memref<40x128xf32, #tpu.memory_space<hbm>>
      tpu.enqueue_dma source(%arg17 : memref<40x128xf32, #tpu.memory_space<vmem>>) target(%dma_start3A_203 : memref<40x128xf32, #tpu.memory_space<hbm>>) target_semaphore(%arg21 : memref<!tpu.dma_semaphore, #tpu.memory_space<semaphore_mem>>)
      %mul3A_204 = arith.constant 40 : i32
      %mul3A_205 = arith.muli %add3A_57, %mul3A_204 : i32
      %add3A_206 = arith.addi %mul3A_2, %mul3A_205 : i32
      %dma_start3A_207 = arith.constant 0 : i32
      %dma_start3A_208 = tpu.memref_slice %arg6[%add3A_206, %dma_start3A_207] : memref<40960x128xf32, #tpu.memory_space<hbm>> -> memref<40x128xf32, #tpu.memory_space<hbm>>
      %dma_start3A_209 = arith.constant 0 : i32
      %dma_start3A_210 = tpu.memref_slice %arg6[%add3A_206, %dma_start3A_209] : memref<40960x128xf32, #tpu.memory_space<hbm>> -> memref<40x128xf32, #tpu.memory_space<hbm>>
      tpu.enqueue_dma source(%arg18 : memref<40x128xf32, #tpu.memory_space<vmem>>) target(%dma_start3A_210 : memref<40x128xf32, #tpu.memory_space<hbm>>) target_semaphore(%arg21 : memref<!tpu.dma_semaphore, #tpu.memory_space<semaphore_mem>>)
      %mul3A_211 = arith.constant 40 : i32
      %mul3A_212 = arith.muli %add3A_57, %mul3A_211 : i32
      %add3A_213 = arith.addi %mul3A_2, %mul3A_212 : i32
      %dma_start3A_214 = arith.constant 0 : i32
      %dma_start3A_215 = tpu.memref_slice %arg7[%add3A_213, %dma_start3A_214] : memref<40960x128xf32, #tpu.memory_space<hbm>> -> memref<40x128xf32, #tpu.memory_space<hbm>>
      %dma_start3A_216 = arith.constant 0 : i32
      %dma_start3A_217 = tpu.memref_slice %arg7[%add3A_213, %dma_start3A_216] : memref<40960x128xf32, #tpu.memory_space<hbm>> -> memref<40x128xf32, #tpu.memory_space<hbm>>
      tpu.enqueue_dma source(%arg19 : memref<40x128xf32, #tpu.memory_space<vmem>>) target(%dma_start3A_217 : memref<40x128xf32, #tpu.memory_space<hbm>>) target_semaphore(%arg21 : memref<!tpu.dma_semaphore, #tpu.memory_space<semaphore_mem>>)
    }
    %scan3A_29 = arith.constant 16 : i32
    %dma_wait3A = arith.constant 0 : i32
    %dma_wait3A_30 = arith.constant 0 : i32
    %dma_wait3A_31 = tpu.memref_slice %arg4[%dma_wait3A, %dma_wait3A_30] : memref<40960x128xf32, #tpu.memory_space<hbm>> -> memref<40x128xf32, #tpu.memory_space<hbm>>
    %dma_wait3A_32 = arith.constant 0 : i32
    %dma_wait3A_33 = arith.constant 0 : i32
    %dma_wait3A_34 = tpu.memref_slice %arg4[%dma_wait3A_32, %dma_wait3A_33] : memref<40960x128xf32, #tpu.memory_space<hbm>> -> memref<40x128xf32, #tpu.memory_space<hbm>>
    tpu.wait_dma2 semaphore(%arg21 : memref<!tpu.dma_semaphore, #tpu.memory_space<semaphore_mem>>) src(%arg16 : memref<40x128xf32, #tpu.memory_space<vmem>>) dst(%dma_wait3A_34 : memref<40x128xf32, #tpu.memory_space<hbm>>)
    %dma_wait3A_35 = arith.constant 0 : i32
    %dma_wait3A_36 = arith.constant 0 : i32
    %dma_wait3A_37 = tpu.memref_slice %arg5[%dma_wait3A_35, %dma_wait3A_36] : memref<40960x128xf32, #tpu.memory_space<hbm>> -> memref<40x128xf32, #tpu.memory_space<hbm>>
    %dma_wait3A_38 = arith.constant 0 : i32
    %dma_wait3A_39 = arith.constant 0 : i32
    %dma_wait3A_40 = tpu.memref_slice %arg5[%dma_wait3A_38, %dma_wait3A_39] : memref<40960x128xf32, #tpu.memory_space<hbm>> -> memref<40x128xf32, #tpu.memory_space<hbm>>
    tpu.wait_dma2 semaphore(%arg21 : memref<!tpu.dma_semaphore, #tpu.memory_space<semaphore_mem>>) src(%arg17 : memref<40x128xf32, #tpu.memory_space<vmem>>) dst(%dma_wait3A_40 : memref<40x128xf32, #tpu.memory_space<hbm>>)
    %dma_wait3A_41 = arith.constant 0 : i32
    %dma_wait3A_42 = arith.constant 0 : i32
    %dma_wait3A_43 = tpu.memref_slice %arg6[%dma_wait3A_41, %dma_wait3A_42] : memref<40960x128xf32, #tpu.memory_space<hbm>> -> memref<40x128xf32, #tpu.memory_space<hbm>>
    %dma_wait3A_44 = arith.constant 0 : i32
    %dma_wait3A_45 = arith.constant 0 : i32
    %dma_wait3A_46 = tpu.memref_slice %arg6[%dma_wait3A_44, %dma_wait3A_45] : memref<40960x128xf32, #tpu.memory_space<hbm>> -> memref<40x128xf32, #tpu.memory_space<hbm>>
    tpu.wait_dma2 semaphore(%arg21 : memref<!tpu.dma_semaphore, #tpu.memory_space<semaphore_mem>>) src(%arg18 : memref<40x128xf32, #tpu.memory_space<vmem>>) dst(%dma_wait3A_46 : memref<40x128xf32, #tpu.memory_space<hbm>>)
    %dma_wait3A_47 = arith.constant 0 : i32
    %dma_wait3A_48 = arith.constant 0 : i32
    %dma_wait3A_49 = tpu.memref_slice %arg7[%dma_wait3A_47, %dma_wait3A_48] : memref<40960x128xf32, #tpu.memory_space<hbm>> -> memref<40x128xf32, #tpu.memory_space<hbm>>
    %dma_wait3A_50 = arith.constant 0 : i32
    %dma_wait3A_51 = arith.constant 0 : i32
    %dma_wait3A_52 = tpu.memref_slice %arg7[%dma_wait3A_50, %dma_wait3A_51] : memref<40960x128xf32, #tpu.memory_space<hbm>> -> memref<40x128xf32, #tpu.memory_space<hbm>>
    tpu.wait_dma2 semaphore(%arg21 : memref<!tpu.dma_semaphore, #tpu.memory_space<semaphore_mem>>) src(%arg19 : memref<40x128xf32, #tpu.memory_space<vmem>>) dst(%dma_wait3A_52 : memref<40x128xf32, #tpu.memory_space<hbm>>)
    return
  }
}

#map = affine_map<(d0, d1) -> (0, 0)>
#map1 = affine_map<(d0, d1) -> (0, 0, 0)>
module attributes {stable_mosaic.version = 14 : i64} {
  func.func @k(%arg0: i32, %arg1: i32, %arg2: memref<160000x128xf32, #tpu.memory_space<hbm>>, %arg3: memref<32x4x1280xi32, #tpu.memory_space<hbm>>, %arg4: memref<40960x128xf32, #tpu.memory_space<hbm>>, %arg5: memref<40960x128xf32, #tpu.memory_space<hbm>>, %arg6: memref<40960x128xf32, #tpu.memory_space<hbm>>, %arg7: memref<40960x128xf32, #tpu.memory_space<hbm>>, %arg8: memref<1280xi32, #tpu.memory_space<vmem>>, %arg9: memref<1280xi32, #tpu.memory_space<vmem>>, %arg10: memref<1280xi32, #tpu.memory_space<vmem>>, %arg11: memref<1280xi32, #tpu.memory_space<vmem>>, %arg12: memref<40x128xf32, #tpu.memory_space<vmem>>, %arg13: memref<40x128xf32, #tpu.memory_space<vmem>>, %arg14: memref<40x128xf32, #tpu.memory_space<vmem>>, %arg15: memref<40x128xf32, #tpu.memory_space<vmem>>, %arg16: memref<40x128xf32, #tpu.memory_space<vmem>>, %arg17: memref<40x128xf32, #tpu.memory_space<vmem>>, %arg18: memref<40x128xf32, #tpu.memory_space<vmem>>, %arg19: memref<40x128xf32, #tpu.memory_space<vmem>>, %arg20: memref<!tpu.dma_semaphore, #tpu.memory_space<semaphore_mem>>, %arg21: memref<!tpu.dma_semaphore, #tpu.memory_space<semaphore_mem>>) attributes {dimension_semantics = [#tpu.dimension_semantics<core_parallel>, #tpu.dimension_semantics<subcore_parallel>], iteration_bounds = array<i64: 2, 16>, scalar_prefetch = 0 : i64, scratch_operands = 14 : i64, tpu.core_type = #tpu.core_type<sc_vector_subcore>, window_params = [{transform_indices = #map}, {transform_indices = #map1}, {transform_indices = #map}, {transform_indices = #map}, {transform_indices = #map}, {transform_indices = #map}]} {
    %mul3A = arith.constant 2 : i32
    %mul3A_0 = arith.muli %arg1, %mul3A : i32
    %add3A = arith.addi %mul3A_0, %arg0 : i32
    %mul3A_1 = arith.constant 1280 : i32
    %mul3A_2 = arith.muli %add3A, %mul3A_1 : i32
    %run_scoped3A = arith.constant 0 : i32
    "tpu.region"() ({
      %run_scoped3A_53 = tpu.sem_alloc : memref<!tpu.dma_semaphore, #tpu.memory_space<semaphore_mem>>
      %dma_start3A_54 = arith.constant 0 : i32
      %dma_start3A_55 = tpu.memref_slice %arg3[%add3A, %run_scoped3A, %dma_start3A_54] : memref<32x4x1280xi32, #tpu.memory_space<hbm>> -> memref<1x1x1280xi32, #tpu.memory_space<hbm>>
      %dma_start3A_56 = tpu.memref_squeeze %dma_start3A_55 : memref<1x1x1280xi32, #tpu.memory_space<hbm>> -> memref<1280xi32, #tpu.memory_space<hbm>>
      %dma_start3A_57 = arith.constant 0 : i32
      %dma_start3A_58 = tpu.memref_slice %arg3[%add3A, %run_scoped3A, %dma_start3A_57] : memref<32x4x1280xi32, #tpu.memory_space<hbm>> -> memref<1x1x1280xi32, #tpu.memory_space<hbm>>
      %dma_start3A_59 = tpu.memref_squeeze %dma_start3A_58 : memref<1x1x1280xi32, #tpu.memory_space<hbm>> -> memref<1280xi32, #tpu.memory_space<hbm>>
      tpu.enqueue_dma source(%dma_start3A_59 : memref<1280xi32, #tpu.memory_space<hbm>>) target(%arg8 : memref<1280xi32, #tpu.memory_space<vmem>>) target_semaphore(%run_scoped3A_53 : memref<!tpu.dma_semaphore, #tpu.memory_space<semaphore_mem>>)
      %dma_wait3A_60 = arith.constant 0 : i32
      %dma_wait3A_61 = tpu.memref_slice %arg3[%add3A, %run_scoped3A, %dma_wait3A_60] : memref<32x4x1280xi32, #tpu.memory_space<hbm>> -> memref<1x1x1280xi32, #tpu.memory_space<hbm>>
      %dma_wait3A_62 = tpu.memref_squeeze %dma_wait3A_61 : memref<1x1x1280xi32, #tpu.memory_space<hbm>> -> memref<1280xi32, #tpu.memory_space<hbm>>
      %dma_wait3A_63 = arith.constant 0 : i32
      %dma_wait3A_64 = tpu.memref_slice %arg3[%add3A, %run_scoped3A, %dma_wait3A_63] : memref<32x4x1280xi32, #tpu.memory_space<hbm>> -> memref<1x1x1280xi32, #tpu.memory_space<hbm>>
      %dma_wait3A_65 = tpu.memref_squeeze %dma_wait3A_64 : memref<1x1x1280xi32, #tpu.memory_space<hbm>> -> memref<1280xi32, #tpu.memory_space<hbm>>
      tpu.wait_dma2 semaphore(%run_scoped3A_53 : memref<!tpu.dma_semaphore, #tpu.memory_space<semaphore_mem>>) src(%dma_wait3A_65 : memref<1280xi32, #tpu.memory_space<hbm>>) dst(%arg8 : memref<1280xi32, #tpu.memory_space<vmem>>)
      tpu.yield
    }) : () -> ()
    %run_scoped3A_3 = arith.constant 1 : i32
    "tpu.region"() ({
      %run_scoped3A_53 = tpu.sem_alloc : memref<!tpu.dma_semaphore, #tpu.memory_space<semaphore_mem>>
      %dma_start3A_54 = arith.constant 0 : i32
      %dma_start3A_55 = tpu.memref_slice %arg3[%add3A, %run_scoped3A_3, %dma_start3A_54] : memref<32x4x1280xi32, #tpu.memory_space<hbm>> -> memref<1x1x1280xi32, #tpu.memory_space<hbm>>
      %dma_start3A_56 = tpu.memref_squeeze %dma_start3A_55 : memref<1x1x1280xi32, #tpu.memory_space<hbm>> -> memref<1280xi32, #tpu.memory_space<hbm>>
      %dma_start3A_57 = arith.constant 0 : i32
      %dma_start3A_58 = tpu.memref_slice %arg3[%add3A, %run_scoped3A_3, %dma_start3A_57] : memref<32x4x1280xi32, #tpu.memory_space<hbm>> -> memref<1x1x1280xi32, #tpu.memory_space<hbm>>
      %dma_start3A_59 = tpu.memref_squeeze %dma_start3A_58 : memref<1x1x1280xi32, #tpu.memory_space<hbm>> -> memref<1280xi32, #tpu.memory_space<hbm>>
      tpu.enqueue_dma source(%dma_start3A_59 : memref<1280xi32, #tpu.memory_space<hbm>>) target(%arg9 : memref<1280xi32, #tpu.memory_space<vmem>>) target_semaphore(%run_scoped3A_53 : memref<!tpu.dma_semaphore, #tpu.memory_space<semaphore_mem>>)
      %dma_wait3A_60 = arith.constant 0 : i32
      %dma_wait3A_61 = tpu.memref_slice %arg3[%add3A, %run_scoped3A_3, %dma_wait3A_60] : memref<32x4x1280xi32, #tpu.memory_space<hbm>> -> memref<1x1x1280xi32, #tpu.memory_space<hbm>>
      %dma_wait3A_62 = tpu.memref_squeeze %dma_wait3A_61 : memref<1x1x1280xi32, #tpu.memory_space<hbm>> -> memref<1280xi32, #tpu.memory_space<hbm>>
      %dma_wait3A_63 = arith.constant 0 : i32
      %dma_wait3A_64 = tpu.memref_slice %arg3[%add3A, %run_scoped3A_3, %dma_wait3A_63] : memref<32x4x1280xi32, #tpu.memory_space<hbm>> -> memref<1x1x1280xi32, #tpu.memory_space<hbm>>
      %dma_wait3A_65 = tpu.memref_squeeze %dma_wait3A_64 : memref<1x1x1280xi32, #tpu.memory_space<hbm>> -> memref<1280xi32, #tpu.memory_space<hbm>>
      tpu.wait_dma2 semaphore(%run_scoped3A_53 : memref<!tpu.dma_semaphore, #tpu.memory_space<semaphore_mem>>) src(%dma_wait3A_65 : memref<1280xi32, #tpu.memory_space<hbm>>) dst(%arg9 : memref<1280xi32, #tpu.memory_space<vmem>>)
      tpu.yield
    }) : () -> ()
    %run_scoped3A_4 = arith.constant 2 : i32
    "tpu.region"() ({
      %run_scoped3A_53 = tpu.sem_alloc : memref<!tpu.dma_semaphore, #tpu.memory_space<semaphore_mem>>
      %dma_start3A_54 = arith.constant 0 : i32
      %dma_start3A_55 = tpu.memref_slice %arg3[%add3A, %run_scoped3A_4, %dma_start3A_54] : memref<32x4x1280xi32, #tpu.memory_space<hbm>> -> memref<1x1x1280xi32, #tpu.memory_space<hbm>>
      %dma_start3A_56 = tpu.memref_squeeze %dma_start3A_55 : memref<1x1x1280xi32, #tpu.memory_space<hbm>> -> memref<1280xi32, #tpu.memory_space<hbm>>
      %dma_start3A_57 = arith.constant 0 : i32
      %dma_start3A_58 = tpu.memref_slice %arg3[%add3A, %run_scoped3A_4, %dma_start3A_57] : memref<32x4x1280xi32, #tpu.memory_space<hbm>> -> memref<1x1x1280xi32, #tpu.memory_space<hbm>>
      %dma_start3A_59 = tpu.memref_squeeze %dma_start3A_58 : memref<1x1x1280xi32, #tpu.memory_space<hbm>> -> memref<1280xi32, #tpu.memory_space<hbm>>
      tpu.enqueue_dma source(%dma_start3A_59 : memref<1280xi32, #tpu.memory_space<hbm>>) target(%arg10 : memref<1280xi32, #tpu.memory_space<vmem>>) target_semaphore(%run_scoped3A_53 : memref<!tpu.dma_semaphore, #tpu.memory_space<semaphore_mem>>)
      %dma_wait3A_60 = arith.constant 0 : i32
      %dma_wait3A_61 = tpu.memref_slice %arg3[%add3A, %run_scoped3A_4, %dma_wait3A_60] : memref<32x4x1280xi32, #tpu.memory_space<hbm>> -> memref<1x1x1280xi32, #tpu.memory_space<hbm>>
      %dma_wait3A_62 = tpu.memref_squeeze %dma_wait3A_61 : memref<1x1x1280xi32, #tpu.memory_space<hbm>> -> memref<1280xi32, #tpu.memory_space<hbm>>
      %dma_wait3A_63 = arith.constant 0 : i32
      %dma_wait3A_64 = tpu.memref_slice %arg3[%add3A, %run_scoped3A_4, %dma_wait3A_63] : memref<32x4x1280xi32, #tpu.memory_space<hbm>> -> memref<1x1x1280xi32, #tpu.memory_space<hbm>>
      %dma_wait3A_65 = tpu.memref_squeeze %dma_wait3A_64 : memref<1x1x1280xi32, #tpu.memory_space<hbm>> -> memref<1280xi32, #tpu.memory_space<hbm>>
      tpu.wait_dma2 semaphore(%run_scoped3A_53 : memref<!tpu.dma_semaphore, #tpu.memory_space<semaphore_mem>>) src(%dma_wait3A_65 : memref<1280xi32, #tpu.memory_space<hbm>>) dst(%arg10 : memref<1280xi32, #tpu.memory_space<vmem>>)
      tpu.yield
    }) : () -> ()
    %run_scoped3A_5 = arith.constant 3 : i32
    "tpu.region"() ({
      %run_scoped3A_53 = tpu.sem_alloc : memref<!tpu.dma_semaphore, #tpu.memory_space<semaphore_mem>>
      %dma_start3A_54 = arith.constant 0 : i32
      %dma_start3A_55 = tpu.memref_slice %arg3[%add3A, %run_scoped3A_5, %dma_start3A_54] : memref<32x4x1280xi32, #tpu.memory_space<hbm>> -> memref<1x1x1280xi32, #tpu.memory_space<hbm>>
      %dma_start3A_56 = tpu.memref_squeeze %dma_start3A_55 : memref<1x1x1280xi32, #tpu.memory_space<hbm>> -> memref<1280xi32, #tpu.memory_space<hbm>>
      %dma_start3A_57 = arith.constant 0 : i32
      %dma_start3A_58 = tpu.memref_slice %arg3[%add3A, %run_scoped3A_5, %dma_start3A_57] : memref<32x4x1280xi32, #tpu.memory_space<hbm>> -> memref<1x1x1280xi32, #tpu.memory_space<hbm>>
      %dma_start3A_59 = tpu.memref_squeeze %dma_start3A_58 : memref<1x1x1280xi32, #tpu.memory_space<hbm>> -> memref<1280xi32, #tpu.memory_space<hbm>>
      tpu.enqueue_dma source(%dma_start3A_59 : memref<1280xi32, #tpu.memory_space<hbm>>) target(%arg11 : memref<1280xi32, #tpu.memory_space<vmem>>) target_semaphore(%run_scoped3A_53 : memref<!tpu.dma_semaphore, #tpu.memory_space<semaphore_mem>>)
      %dma_wait3A_60 = arith.constant 0 : i32
      %dma_wait3A_61 = tpu.memref_slice %arg3[%add3A, %run_scoped3A_5, %dma_wait3A_60] : memref<32x4x1280xi32, #tpu.memory_space<hbm>> -> memref<1x1x1280xi32, #tpu.memory_space<hbm>>
      %dma_wait3A_62 = tpu.memref_squeeze %dma_wait3A_61 : memref<1x1x1280xi32, #tpu.memory_space<hbm>> -> memref<1280xi32, #tpu.memory_space<hbm>>
      %dma_wait3A_63 = arith.constant 0 : i32
      %dma_wait3A_64 = tpu.memref_slice %arg3[%add3A, %run_scoped3A_5, %dma_wait3A_63] : memref<32x4x1280xi32, #tpu.memory_space<hbm>> -> memref<1x1x1280xi32, #tpu.memory_space<hbm>>
      %dma_wait3A_65 = tpu.memref_squeeze %dma_wait3A_64 : memref<1x1x1280xi32, #tpu.memory_space<hbm>> -> memref<1280xi32, #tpu.memory_space<hbm>>
      tpu.wait_dma2 semaphore(%run_scoped3A_53 : memref<!tpu.dma_semaphore, #tpu.memory_space<semaphore_mem>>) src(%dma_wait3A_65 : memref<1280xi32, #tpu.memory_space<hbm>>) dst(%arg11 : memref<1280xi32, #tpu.memory_space<vmem>>)
      tpu.yield
    }) : () -> ()
    %dma_start3A = arith.constant 0 : i32
    %dma_start3A_6 = tpu.memref_slice %arg8[%dma_start3A] : memref<1280xi32, #tpu.memory_space<vmem>> -> memref<40xi32, #tpu.memory_space<vmem>>
    %dma_start3A_7 = arith.constant 0 : i32
    %dma_start3A_8 = arith.constant 0 : i32
    %dma_start3A_9 = tpu.memref_slice %arg2[%dma_start3A_7, %dma_start3A_8] : memref<160000x128xf32, #tpu.memory_space<hbm>> -> memref<160000x128xf32, #tpu.memory_space<hbm>>
    tpu.enqueue_indirect_dma source(%dma_start3A_9 : memref<160000x128xf32, #tpu.memory_space<hbm>>) target(%arg12 : memref<40x128xf32, #tpu.memory_space<vmem>>) offsets(%dma_start3A_6 : memref<40xi32, #tpu.memory_space<vmem>>) semaphore(%arg20 : memref<!tpu.dma_semaphore, #tpu.memory_space<semaphore_mem>>)
    %dma_start3A_10 = arith.constant 0 : i32
    %dma_start3A_11 = tpu.memref_slice %arg9[%dma_start3A_10] : memref<1280xi32, #tpu.memory_space<vmem>> -> memref<40xi32, #tpu.memory_space<vmem>>
    %dma_start3A_12 = arith.constant 0 : i32
    %dma_start3A_13 = arith.constant 0 : i32
    %dma_start3A_14 = tpu.memref_slice %arg2[%dma_start3A_12, %dma_start3A_13] : memref<160000x128xf32, #tpu.memory_space<hbm>> -> memref<160000x128xf32, #tpu.memory_space<hbm>>
    tpu.enqueue_indirect_dma source(%dma_start3A_14 : memref<160000x128xf32, #tpu.memory_space<hbm>>) target(%arg13 : memref<40x128xf32, #tpu.memory_space<vmem>>) offsets(%dma_start3A_11 : memref<40xi32, #tpu.memory_space<vmem>>) semaphore(%arg20 : memref<!tpu.dma_semaphore, #tpu.memory_space<semaphore_mem>>)
    %dma_start3A_15 = arith.constant 0 : i32
    %dma_start3A_16 = tpu.memref_slice %arg10[%dma_start3A_15] : memref<1280xi32, #tpu.memory_space<vmem>> -> memref<40xi32, #tpu.memory_space<vmem>>
    %dma_start3A_17 = arith.constant 0 : i32
    %dma_start3A_18 = arith.constant 0 : i32
    %dma_start3A_19 = tpu.memref_slice %arg2[%dma_start3A_17, %dma_start3A_18] : memref<160000x128xf32, #tpu.memory_space<hbm>> -> memref<160000x128xf32, #tpu.memory_space<hbm>>
    tpu.enqueue_indirect_dma source(%dma_start3A_19 : memref<160000x128xf32, #tpu.memory_space<hbm>>) target(%arg14 : memref<40x128xf32, #tpu.memory_space<vmem>>) offsets(%dma_start3A_16 : memref<40xi32, #tpu.memory_space<vmem>>) semaphore(%arg20 : memref<!tpu.dma_semaphore, #tpu.memory_space<semaphore_mem>>)
    %dma_start3A_20 = arith.constant 0 : i32
    %dma_start3A_21 = tpu.memref_slice %arg11[%dma_start3A_20] : memref<1280xi32, #tpu.memory_space<vmem>> -> memref<40xi32, #tpu.memory_space<vmem>>
    %dma_start3A_22 = arith.constant 0 : i32
    %dma_start3A_23 = arith.constant 0 : i32
    %dma_start3A_24 = tpu.memref_slice %arg2[%dma_start3A_22, %dma_start3A_23] : memref<160000x128xf32, #tpu.memory_space<hbm>> -> memref<160000x128xf32, #tpu.memory_space<hbm>>
    tpu.enqueue_indirect_dma source(%dma_start3A_24 : memref<160000x128xf32, #tpu.memory_space<hbm>>) target(%arg15 : memref<40x128xf32, #tpu.memory_space<vmem>>) offsets(%dma_start3A_21 : memref<40xi32, #tpu.memory_space<vmem>>) semaphore(%arg20 : memref<!tpu.dma_semaphore, #tpu.memory_space<semaphore_mem>>)
    %scan3A = arith.constant 0 : i32
    %scan3A_25 = arith.constant 0 : i32
    %scan3A_26 = arith.constant 16 : i32
    %scan3A_27 = arith.addi %scan3A_25, %scan3A_26 : i32
    %scan3A_28 = arith.constant 1 : i32
    scf.for %scan3A_53 = %scan3A_25 to %scan3A_27 step %scan3A_28  : i32 {
      %mul3A_54 = arith.constant 2 : i32
      %mul3A_55 = arith.muli %scan3A_53, %mul3A_54 : i32
      %add3A_56 = arith.constant 1 : i32
      %add3A_57 = arith.addi %mul3A_55, %add3A_56 : i32
      %gt3A = arith.constant 0 : i32
      %gt3A_58 = arith.cmpi sgt, %scan3A_53, %gt3A : i32
      %convert_element_type3A = arith.extui %gt3A_58 : i1 to i32
      %cond3A = arith.constant 0 : i32
      %cond3A_59 = arith.cmpi ne, %convert_element_type3A, %cond3A : i32
      scf.if %cond3A_59 {
        %dma_wait3A_218 = arith.constant 0 : i32
        %dma_wait3A_219 = arith.constant 0 : i32
        %dma_wait3A_220 = tpu.memref_slice %arg4[%dma_wait3A_218, %dma_wait3A_219] : memref<40960x128xf32, #tpu.memory_space<hbm>> -> memref<40x128xf32, #tpu.memory_space<hbm>>
        %dma_wait3A_221 = arith.constant 0 : i32
        %dma_wait3A_222 = arith.constant 0 : i32
        %dma_wait3A_223 = tpu.memref_slice %arg4[%dma_wait3A_221, %dma_wait3A_222] : memref<40960x128xf32, #tpu.memory_space<hbm>> -> memref<40x128xf32, #tpu.memory_space<hbm>>
        tpu.wait_dma2 semaphore(%arg21 : memref<!tpu.dma_semaphore, #tpu.memory_space<semaphore_mem>>) src(%arg16 : memref<40x128xf32, #tpu.memory_space<vmem>>) dst(%dma_wait3A_223 : memref<40x128xf32, #tpu.memory_space<hbm>>)
        %dma_wait3A_224 = arith.constant 0 : i32
        %dma_wait3A_225 = arith.constant 0 : i32
        %dma_wait3A_226 = tpu.memref_slice %arg5[%dma_wait3A_224, %dma_wait3A_225] : memref<40960x128xf32, #tpu.memory_space<hbm>> -> memref<40x128xf32, #tpu.memory_space<hbm>>
        %dma_wait3A_227 = arith.constant 0 : i32
        %dma_wait3A_228 = arith.constant 0 : i32
        %dma_wait3A_229 = tpu.memref_slice %arg5[%dma_wait3A_227, %dma_wait3A_228] : memref<40960x128xf32, #tpu.memory_space<hbm>> -> memref<40x128xf32, #tpu.memory_space<hbm>>
        tpu.wait_dma2 semaphore(%arg21 : memref<!tpu.dma_semaphore, #tpu.memory_space<semaphore_mem>>) src(%arg17 : memref<40x128xf32, #tpu.memory_space<vmem>>) dst(%dma_wait3A_229 : memref<40x128xf32, #tpu.memory_space<hbm>>)
        %dma_wait3A_230 = arith.constant 0 : i32
        %dma_wait3A_231 = arith.constant 0 : i32
        %dma_wait3A_232 = tpu.memref_slice %arg6[%dma_wait3A_230, %dma_wait3A_231] : memref<40960x128xf32, #tpu.memory_space<hbm>> -> memref<40x128xf32, #tpu.memory_space<hbm>>
        %dma_wait3A_233 = arith.constant 0 : i32
        %dma_wait3A_234 = arith.constant 0 : i32
        %dma_wait3A_235 = tpu.memref_slice %arg6[%dma_wait3A_233, %dma_wait3A_234] : memref<40960x128xf32, #tpu.memory_space<hbm>> -> memref<40x128xf32, #tpu.memory_space<hbm>>
        tpu.wait_dma2 semaphore(%arg21 : memref<!tpu.dma_semaphore, #tpu.memory_space<semaphore_mem>>) src(%arg18 : memref<40x128xf32, #tpu.memory_space<vmem>>) dst(%dma_wait3A_235 : memref<40x128xf32, #tpu.memory_space<hbm>>)
        %dma_wait3A_236 = arith.constant 0 : i32
        %dma_wait3A_237 = arith.constant 0 : i32
        %dma_wait3A_238 = tpu.memref_slice %arg7[%dma_wait3A_236, %dma_wait3A_237] : memref<40960x128xf32, #tpu.memory_space<hbm>> -> memref<40x128xf32, #tpu.memory_space<hbm>>
        %dma_wait3A_239 = arith.constant 0 : i32
        %dma_wait3A_240 = arith.constant 0 : i32
        %dma_wait3A_241 = tpu.memref_slice %arg7[%dma_wait3A_239, %dma_wait3A_240] : memref<40960x128xf32, #tpu.memory_space<hbm>> -> memref<40x128xf32, #tpu.memory_space<hbm>>
        tpu.wait_dma2 semaphore(%arg21 : memref<!tpu.dma_semaphore, #tpu.memory_space<semaphore_mem>>) src(%arg19 : memref<40x128xf32, #tpu.memory_space<vmem>>) dst(%dma_wait3A_241 : memref<40x128xf32, #tpu.memory_space<hbm>>)
      } else {
      }
      %mul3A_60 = arith.constant 40 : i32
      %mul3A_61 = arith.muli %add3A_57, %mul3A_60 : i32
      %dma_start3A_62 = tpu.memref_slice %arg8[%mul3A_61] : memref<1280xi32, #tpu.memory_space<vmem>> -> memref<40xi32, #tpu.memory_space<vmem>>
      %dma_start3A_63 = arith.constant 0 : i32
      %dma_start3A_64 = arith.constant 0 : i32
      %dma_start3A_65 = tpu.memref_slice %arg2[%dma_start3A_63, %dma_start3A_64] : memref<160000x128xf32, #tpu.memory_space<hbm>> -> memref<160000x128xf32, #tpu.memory_space<hbm>>
      tpu.enqueue_indirect_dma source(%dma_start3A_65 : memref<160000x128xf32, #tpu.memory_space<hbm>>) target(%arg16 : memref<40x128xf32, #tpu.memory_space<vmem>>) offsets(%dma_start3A_62 : memref<40xi32, #tpu.memory_space<vmem>>) semaphore(%arg20 : memref<!tpu.dma_semaphore, #tpu.memory_space<semaphore_mem>>)
      %mul3A_66 = arith.constant 40 : i32
      %mul3A_67 = arith.muli %add3A_57, %mul3A_66 : i32
      %dma_start3A_68 = tpu.memref_slice %arg9[%mul3A_67] : memref<1280xi32, #tpu.memory_space<vmem>> -> memref<40xi32, #tpu.memory_space<vmem>>
      %dma_start3A_69 = arith.constant 0 : i32
      %dma_start3A_70 = arith.constant 0 : i32
      %dma_start3A_71 = tpu.memref_slice %arg2[%dma_start3A_69, %dma_start3A_70] : memref<160000x128xf32, #tpu.memory_space<hbm>> -> memref<160000x128xf32, #tpu.memory_space<hbm>>
      tpu.enqueue_indirect_dma source(%dma_start3A_71 : memref<160000x128xf32, #tpu.memory_space<hbm>>) target(%arg17 : memref<40x128xf32, #tpu.memory_space<vmem>>) offsets(%dma_start3A_68 : memref<40xi32, #tpu.memory_space<vmem>>) semaphore(%arg20 : memref<!tpu.dma_semaphore, #tpu.memory_space<semaphore_mem>>)
      %mul3A_72 = arith.constant 40 : i32
      %mul3A_73 = arith.muli %add3A_57, %mul3A_72 : i32
      %dma_start3A_74 = tpu.memref_slice %arg10[%mul3A_73] : memref<1280xi32, #tpu.memory_space<vmem>> -> memref<40xi32, #tpu.memory_space<vmem>>
      %dma_start3A_75 = arith.constant 0 : i32
      %dma_start3A_76 = arith.constant 0 : i32
      %dma_start3A_77 = tpu.memref_slice %arg2[%dma_start3A_75, %dma_start3A_76] : memref<160000x128xf32, #tpu.memory_space<hbm>> -> memref<160000x128xf32, #tpu.memory_space<hbm>>
      tpu.enqueue_indirect_dma source(%dma_start3A_77 : memref<160000x128xf32, #tpu.memory_space<hbm>>) target(%arg18 : memref<40x128xf32, #tpu.memory_space<vmem>>) offsets(%dma_start3A_74 : memref<40xi32, #tpu.memory_space<vmem>>) semaphore(%arg20 : memref<!tpu.dma_semaphore, #tpu.memory_space<semaphore_mem>>)
      %mul3A_78 = arith.constant 40 : i32
      %mul3A_79 = arith.muli %add3A_57, %mul3A_78 : i32
      %dma_start3A_80 = tpu.memref_slice %arg11[%mul3A_79] : memref<1280xi32, #tpu.memory_space<vmem>> -> memref<40xi32, #tpu.memory_space<vmem>>
      %dma_start3A_81 = arith.constant 0 : i32
      %dma_start3A_82 = arith.constant 0 : i32
      %dma_start3A_83 = tpu.memref_slice %arg2[%dma_start3A_81, %dma_start3A_82] : memref<160000x128xf32, #tpu.memory_space<hbm>> -> memref<160000x128xf32, #tpu.memory_space<hbm>>
      tpu.enqueue_indirect_dma source(%dma_start3A_83 : memref<160000x128xf32, #tpu.memory_space<hbm>>) target(%arg19 : memref<40x128xf32, #tpu.memory_space<vmem>>) offsets(%dma_start3A_80 : memref<40xi32, #tpu.memory_space<vmem>>) semaphore(%arg20 : memref<!tpu.dma_semaphore, #tpu.memory_space<semaphore_mem>>)
      %dma_wait3A_84 = arith.constant 0 : i32
      %dma_wait3A_85 = arith.constant 0 : i32
      %dma_wait3A_86 = tpu.memref_slice %arg2[%dma_wait3A_84, %dma_wait3A_85] : memref<160000x128xf32, #tpu.memory_space<hbm>> -> memref<40x128xf32, #tpu.memory_space<hbm>>
      %dma_wait3A_87 = arith.constant 0 : i32
      %dma_wait3A_88 = arith.constant 0 : i32
      %dma_wait3A_89 = tpu.memref_slice %arg2[%dma_wait3A_87, %dma_wait3A_88] : memref<160000x128xf32, #tpu.memory_space<hbm>> -> memref<40x128xf32, #tpu.memory_space<hbm>>
      tpu.wait_dma2 semaphore(%arg20 : memref<!tpu.dma_semaphore, #tpu.memory_space<semaphore_mem>>) src(%dma_wait3A_89 : memref<40x128xf32, #tpu.memory_space<hbm>>) dst(%arg12 : memref<40x128xf32, #tpu.memory_space<vmem>>)
      %dma_wait3A_90 = arith.constant 0 : i32
      %dma_wait3A_91 = arith.constant 0 : i32
      %dma_wait3A_92 = tpu.memref_slice %arg2[%dma_wait3A_90, %dma_wait3A_91] : memref<160000x128xf32, #tpu.memory_space<hbm>> -> memref<40x128xf32, #tpu.memory_space<hbm>>
      %dma_wait3A_93 = arith.constant 0 : i32
      %dma_wait3A_94 = arith.constant 0 : i32
      %dma_wait3A_95 = tpu.memref_slice %arg2[%dma_wait3A_93, %dma_wait3A_94] : memref<160000x128xf32, #tpu.memory_space<hbm>> -> memref<40x128xf32, #tpu.memory_space<hbm>>
      tpu.wait_dma2 semaphore(%arg20 : memref<!tpu.dma_semaphore, #tpu.memory_space<semaphore_mem>>) src(%dma_wait3A_95 : memref<40x128xf32, #tpu.memory_space<hbm>>) dst(%arg13 : memref<40x128xf32, #tpu.memory_space<vmem>>)
      %dma_wait3A_96 = arith.constant 0 : i32
      %dma_wait3A_97 = arith.constant 0 : i32
      %dma_wait3A_98 = tpu.memref_slice %arg2[%dma_wait3A_96, %dma_wait3A_97] : memref<160000x128xf32, #tpu.memory_space<hbm>> -> memref<40x128xf32, #tpu.memory_space<hbm>>
      %dma_wait3A_99 = arith.constant 0 : i32
      %dma_wait3A_100 = arith.constant 0 : i32
      %dma_wait3A_101 = tpu.memref_slice %arg2[%dma_wait3A_99, %dma_wait3A_100] : memref<160000x128xf32, #tpu.memory_space<hbm>> -> memref<40x128xf32, #tpu.memory_space<hbm>>
      tpu.wait_dma2 semaphore(%arg20 : memref<!tpu.dma_semaphore, #tpu.memory_space<semaphore_mem>>) src(%dma_wait3A_101 : memref<40x128xf32, #tpu.memory_space<hbm>>) dst(%arg14 : memref<40x128xf32, #tpu.memory_space<vmem>>)
      %dma_wait3A_102 = arith.constant 0 : i32
      %dma_wait3A_103 = arith.constant 0 : i32
      %dma_wait3A_104 = tpu.memref_slice %arg2[%dma_wait3A_102, %dma_wait3A_103] : memref<160000x128xf32, #tpu.memory_space<hbm>> -> memref<40x128xf32, #tpu.memory_space<hbm>>
      %dma_wait3A_105 = arith.constant 0 : i32
      %dma_wait3A_106 = arith.constant 0 : i32
      %dma_wait3A_107 = tpu.memref_slice %arg2[%dma_wait3A_105, %dma_wait3A_106] : memref<160000x128xf32, #tpu.memory_space<hbm>> -> memref<40x128xf32, #tpu.memory_space<hbm>>
      tpu.wait_dma2 semaphore(%arg20 : memref<!tpu.dma_semaphore, #tpu.memory_space<semaphore_mem>>) src(%dma_wait3A_107 : memref<40x128xf32, #tpu.memory_space<hbm>>) dst(%arg15 : memref<40x128xf32, #tpu.memory_space<vmem>>)
      %mul3A_108 = arith.constant 40 : i32
      %mul3A_109 = arith.muli %mul3A_55, %mul3A_108 : i32
      %add3A_110 = arith.addi %mul3A_2, %mul3A_109 : i32
      %dma_start3A_111 = arith.constant 0 : i32
      %dma_start3A_112 = tpu.memref_slice %arg4[%add3A_110, %dma_start3A_111] : memref<40960x128xf32, #tpu.memory_space<hbm>> -> memref<40x128xf32, #tpu.memory_space<hbm>>
      %dma_start3A_113 = arith.constant 0 : i32
      %dma_start3A_114 = tpu.memref_slice %arg4[%add3A_110, %dma_start3A_113] : memref<40960x128xf32, #tpu.memory_space<hbm>> -> memref<40x128xf32, #tpu.memory_space<hbm>>
      tpu.enqueue_dma source(%arg12 : memref<40x128xf32, #tpu.memory_space<vmem>>) target(%dma_start3A_114 : memref<40x128xf32, #tpu.memory_space<hbm>>) target_semaphore(%arg21 : memref<!tpu.dma_semaphore, #tpu.memory_space<semaphore_mem>>)
      %mul3A_115 = arith.constant 40 : i32
      %mul3A_116 = arith.muli %mul3A_55, %mul3A_115 : i32
      %add3A_117 = arith.addi %mul3A_2, %mul3A_116 : i32
      %dma_start3A_118 = arith.constant 0 : i32
      %dma_start3A_119 = tpu.memref_slice %arg5[%add3A_117, %dma_start3A_118] : memref<40960x128xf32, #tpu.memory_space<hbm>> -> memref<40x128xf32, #tpu.memory_space<hbm>>
      %dma_start3A_120 = arith.constant 0 : i32
      %dma_start3A_121 = tpu.memref_slice %arg5[%add3A_117, %dma_start3A_120] : memref<40960x128xf32, #tpu.memory_space<hbm>> -> memref<40x128xf32, #tpu.memory_space<hbm>>
      tpu.enqueue_dma source(%arg13 : memref<40x128xf32, #tpu.memory_space<vmem>>) target(%dma_start3A_121 : memref<40x128xf32, #tpu.memory_space<hbm>>) target_semaphore(%arg21 : memref<!tpu.dma_semaphore, #tpu.memory_space<semaphore_mem>>)
      %mul3A_122 = arith.constant 40 : i32
      %mul3A_123 = arith.muli %mul3A_55, %mul3A_122 : i32
      %add3A_124 = arith.addi %mul3A_2, %mul3A_123 : i32
      %dma_start3A_125 = arith.constant 0 : i32
      %dma_start3A_126 = tpu.memref_slice %arg6[%add3A_124, %dma_start3A_125] : memref<40960x128xf32, #tpu.memory_space<hbm>> -> memref<40x128xf32, #tpu.memory_space<hbm>>
      %dma_start3A_127 = arith.constant 0 : i32
      %dma_start3A_128 = tpu.memref_slice %arg6[%add3A_124, %dma_start3A_127] : memref<40960x128xf32, #tpu.memory_space<hbm>> -> memref<40x128xf32, #tpu.memory_space<hbm>>
      tpu.enqueue_dma source(%arg14 : memref<40x128xf32, #tpu.memory_space<vmem>>) target(%dma_start3A_128 : memref<40x128xf32, #tpu.memory_space<hbm>>) target_semaphore(%arg21 : memref<!tpu.dma_semaphore, #tpu.memory_space<semaphore_mem>>)
      %mul3A_129 = arith.constant 40 : i32
      %mul3A_130 = arith.muli %mul3A_55, %mul3A_129 : i32
      %add3A_131 = arith.addi %mul3A_2, %mul3A_130 : i32
      %dma_start3A_132 = arith.constant 0 : i32
      %dma_start3A_133 = tpu.memref_slice %arg7[%add3A_131, %dma_start3A_132] : memref<40960x128xf32, #tpu.memory_space<hbm>> -> memref<40x128xf32, #tpu.memory_space<hbm>>
      %dma_start3A_134 = arith.constant 0 : i32
      %dma_start3A_135 = tpu.memref_slice %arg7[%add3A_131, %dma_start3A_134] : memref<40960x128xf32, #tpu.memory_space<hbm>> -> memref<40x128xf32, #tpu.memory_space<hbm>>
      tpu.enqueue_dma source(%arg15 : memref<40x128xf32, #tpu.memory_space<vmem>>) target(%dma_start3A_135 : memref<40x128xf32, #tpu.memory_space<hbm>>) target_semaphore(%arg21 : memref<!tpu.dma_semaphore, #tpu.memory_space<semaphore_mem>>)
      %dma_wait3A_136 = arith.constant 0 : i32
      %dma_wait3A_137 = arith.constant 0 : i32
      %dma_wait3A_138 = tpu.memref_slice %arg4[%dma_wait3A_136, %dma_wait3A_137] : memref<40960x128xf32, #tpu.memory_space<hbm>> -> memref<40x128xf32, #tpu.memory_space<hbm>>
      %dma_wait3A_139 = arith.constant 0 : i32
      %dma_wait3A_140 = arith.constant 0 : i32
      %dma_wait3A_141 = tpu.memref_slice %arg4[%dma_wait3A_139, %dma_wait3A_140] : memref<40960x128xf32, #tpu.memory_space<hbm>> -> memref<40x128xf32, #tpu.memory_space<hbm>>
      tpu.wait_dma2 semaphore(%arg21 : memref<!tpu.dma_semaphore, #tpu.memory_space<semaphore_mem>>) src(%arg12 : memref<40x128xf32, #tpu.memory_space<vmem>>) dst(%dma_wait3A_141 : memref<40x128xf32, #tpu.memory_space<hbm>>)
      %dma_wait3A_142 = arith.constant 0 : i32
      %dma_wait3A_143 = arith.constant 0 : i32
      %dma_wait3A_144 = tpu.memref_slice %arg5[%dma_wait3A_142, %dma_wait3A_143] : memref<40960x128xf32, #tpu.memory_space<hbm>> -> memref<40x128xf32, #tpu.memory_space<hbm>>
      %dma_wait3A_145 = arith.constant 0 : i32
      %dma_wait3A_146 = arith.constant 0 : i32
      %dma_wait3A_147 = tpu.memref_slice %arg5[%dma_wait3A_145, %dma_wait3A_146] : memref<40960x128xf32, #tpu.memory_space<hbm>> -> memref<40x128xf32, #tpu.memory_space<hbm>>
      tpu.wait_dma2 semaphore(%arg21 : memref<!tpu.dma_semaphore, #tpu.memory_space<semaphore_mem>>) src(%arg13 : memref<40x128xf32, #tpu.memory_space<vmem>>) dst(%dma_wait3A_147 : memref<40x128xf32, #tpu.memory_space<hbm>>)
      %dma_wait3A_148 = arith.constant 0 : i32
      %dma_wait3A_149 = arith.constant 0 : i32
      %dma_wait3A_150 = tpu.memref_slice %arg6[%dma_wait3A_148, %dma_wait3A_149] : memref<40960x128xf32, #tpu.memory_space<hbm>> -> memref<40x128xf32, #tpu.memory_space<hbm>>
      %dma_wait3A_151 = arith.constant 0 : i32
      %dma_wait3A_152 = arith.constant 0 : i32
      %dma_wait3A_153 = tpu.memref_slice %arg6[%dma_wait3A_151, %dma_wait3A_152] : memref<40960x128xf32, #tpu.memory_space<hbm>> -> memref<40x128xf32, #tpu.memory_space<hbm>>
      tpu.wait_dma2 semaphore(%arg21 : memref<!tpu.dma_semaphore, #tpu.memory_space<semaphore_mem>>) src(%arg14 : memref<40x128xf32, #tpu.memory_space<vmem>>) dst(%dma_wait3A_153 : memref<40x128xf32, #tpu.memory_space<hbm>>)
      %dma_wait3A_154 = arith.constant 0 : i32
      %dma_wait3A_155 = arith.constant 0 : i32
      %dma_wait3A_156 = tpu.memref_slice %arg7[%dma_wait3A_154, %dma_wait3A_155] : memref<40960x128xf32, #tpu.memory_space<hbm>> -> memref<40x128xf32, #tpu.memory_space<hbm>>
      %dma_wait3A_157 = arith.constant 0 : i32
      %dma_wait3A_158 = arith.constant 0 : i32
      %dma_wait3A_159 = tpu.memref_slice %arg7[%dma_wait3A_157, %dma_wait3A_158] : memref<40960x128xf32, #tpu.memory_space<hbm>> -> memref<40x128xf32, #tpu.memory_space<hbm>>
      tpu.wait_dma2 semaphore(%arg21 : memref<!tpu.dma_semaphore, #tpu.memory_space<semaphore_mem>>) src(%arg15 : memref<40x128xf32, #tpu.memory_space<vmem>>) dst(%dma_wait3A_159 : memref<40x128xf32, #tpu.memory_space<hbm>>)
      %add3A_160 = arith.constant 1 : i32
      %add3A_161 = arith.addi %add3A_57, %add3A_160 : i32
      %lt3A = arith.constant 32 : i32
      %lt3A_162 = arith.cmpi slt, %add3A_161, %lt3A : i32
      %convert_element_type3A_163 = arith.extui %lt3A_162 : i1 to i32
      %cond3A_164 = arith.constant 0 : i32
      %cond3A_165 = arith.cmpi ne, %convert_element_type3A_163, %cond3A_164 : i32
      scf.if %cond3A_165 {
        %add3A_218 = arith.constant 1 : i32
        %add3A_219 = arith.addi %add3A_57, %add3A_218 : i32
        %mul3A_220 = arith.constant 40 : i32
        %mul3A_221 = arith.muli %add3A_219, %mul3A_220 : i32
        %dma_start3A_222 = tpu.memref_slice %arg8[%mul3A_221] : memref<1280xi32, #tpu.memory_space<vmem>> -> memref<40xi32, #tpu.memory_space<vmem>>
        %dma_start3A_223 = arith.constant 0 : i32
        %dma_start3A_224 = arith.constant 0 : i32
        %dma_start3A_225 = tpu.memref_slice %arg2[%dma_start3A_223, %dma_start3A_224] : memref<160000x128xf32, #tpu.memory_space<hbm>> -> memref<160000x128xf32, #tpu.memory_space<hbm>>
        tpu.enqueue_indirect_dma source(%dma_start3A_225 : memref<160000x128xf32, #tpu.memory_space<hbm>>) target(%arg12 : memref<40x128xf32, #tpu.memory_space<vmem>>) offsets(%dma_start3A_222 : memref<40xi32, #tpu.memory_space<vmem>>) semaphore(%arg20 : memref<!tpu.dma_semaphore, #tpu.memory_space<semaphore_mem>>)
        %mul3A_226 = arith.constant 40 : i32
        %mul3A_227 = arith.muli %add3A_219, %mul3A_226 : i32
        %dma_start3A_228 = tpu.memref_slice %arg9[%mul3A_227] : memref<1280xi32, #tpu.memory_space<vmem>> -> memref<40xi32, #tpu.memory_space<vmem>>
        %dma_start3A_229 = arith.constant 0 : i32
        %dma_start3A_230 = arith.constant 0 : i32
        %dma_start3A_231 = tpu.memref_slice %arg2[%dma_start3A_229, %dma_start3A_230] : memref<160000x128xf32, #tpu.memory_space<hbm>> -> memref<160000x128xf32, #tpu.memory_space<hbm>>
        tpu.enqueue_indirect_dma source(%dma_start3A_231 : memref<160000x128xf32, #tpu.memory_space<hbm>>) target(%arg13 : memref<40x128xf32, #tpu.memory_space<vmem>>) offsets(%dma_start3A_228 : memref<40xi32, #tpu.memory_space<vmem>>) semaphore(%arg20 : memref<!tpu.dma_semaphore, #tpu.memory_space<semaphore_mem>>)
        %mul3A_232 = arith.constant 40 : i32
        %mul3A_233 = arith.muli %add3A_219, %mul3A_232 : i32
        %dma_start3A_234 = tpu.memref_slice %arg10[%mul3A_233] : memref<1280xi32, #tpu.memory_space<vmem>> -> memref<40xi32, #tpu.memory_space<vmem>>
        %dma_start3A_235 = arith.constant 0 : i32
        %dma_start3A_236 = arith.constant 0 : i32
        %dma_start3A_237 = tpu.memref_slice %arg2[%dma_start3A_235, %dma_start3A_236] : memref<160000x128xf32, #tpu.memory_space<hbm>> -> memref<160000x128xf32, #tpu.memory_space<hbm>>
        tpu.enqueue_indirect_dma source(%dma_start3A_237 : memref<160000x128xf32, #tpu.memory_space<hbm>>) target(%arg14 : memref<40x128xf32, #tpu.memory_space<vmem>>) offsets(%dma_start3A_234 : memref<40xi32, #tpu.memory_space<vmem>>) semaphore(%arg20 : memref<!tpu.dma_semaphore, #tpu.memory_space<semaphore_mem>>)
        %mul3A_238 = arith.constant 40 : i32
        %mul3A_239 = arith.muli %add3A_219, %mul3A_238 : i32
        %dma_start3A_240 = tpu.memref_slice %arg11[%mul3A_239] : memref<1280xi32, #tpu.memory_space<vmem>> -> memref<40xi32, #tpu.memory_space<vmem>>
        %dma_start3A_241 = arith.constant 0 : i32
        %dma_start3A_242 = arith.constant 0 : i32
        %dma_start3A_243 = tpu.memref_slice %arg2[%dma_start3A_241, %dma_start3A_242] : memref<160000x128xf32, #tpu.memory_space<hbm>> -> memref<160000x128xf32, #tpu.memory_space<hbm>>
        tpu.enqueue_indirect_dma source(%dma_start3A_243 : memref<160000x128xf32, #tpu.memory_space<hbm>>) target(%arg15 : memref<40x128xf32, #tpu.memory_space<vmem>>) offsets(%dma_start3A_240 : memref<40xi32, #tpu.memory_space<vmem>>) semaphore(%arg20 : memref<!tpu.dma_semaphore, #tpu.memory_space<semaphore_mem>>)
      } else {
      }
      %dma_wait3A_166 = arith.constant 0 : i32
      %dma_wait3A_167 = arith.constant 0 : i32
      %dma_wait3A_168 = tpu.memref_slice %arg2[%dma_wait3A_166, %dma_wait3A_167] : memref<160000x128xf32, #tpu.memory_space<hbm>> -> memref<40x128xf32, #tpu.memory_space<hbm>>
      %dma_wait3A_169 = arith.constant 0 : i32
      %dma_wait3A_170 = arith.constant 0 : i32
      %dma_wait3A_171 = tpu.memref_slice %arg2[%dma_wait3A_169, %dma_wait3A_170] : memref<160000x128xf32, #tpu.memory_space<hbm>> -> memref<40x128xf32, #tpu.memory_space<hbm>>
      tpu.wait_dma2 semaphore(%arg20 : memref<!tpu.dma_semaphore, #tpu.memory_space<semaphore_mem>>) src(%dma_wait3A_171 : memref<40x128xf32, #tpu.memory_space<hbm>>) dst(%arg16 : memref<40x128xf32, #tpu.memory_space<vmem>>)
      %dma_wait3A_172 = arith.constant 0 : i32
      %dma_wait3A_173 = arith.constant 0 : i32
      %dma_wait3A_174 = tpu.memref_slice %arg2[%dma_wait3A_172, %dma_wait3A_173] : memref<160000x128xf32, #tpu.memory_space<hbm>> -> memref<40x128xf32, #tpu.memory_space<hbm>>
      %dma_wait3A_175 = arith.constant 0 : i32
      %dma_wait3A_176 = arith.constant 0 : i32
      %dma_wait3A_177 = tpu.memref_slice %arg2[%dma_wait3A_175, %dma_wait3A_176] : memref<160000x128xf32, #tpu.memory_space<hbm>> -> memref<40x128xf32, #tpu.memory_space<hbm>>
      tpu.wait_dma2 semaphore(%arg20 : memref<!tpu.dma_semaphore, #tpu.memory_space<semaphore_mem>>) src(%dma_wait3A_177 : memref<40x128xf32, #tpu.memory_space<hbm>>) dst(%arg17 : memref<40x128xf32, #tpu.memory_space<vmem>>)
      %dma_wait3A_178 = arith.constant 0 : i32
      %dma_wait3A_179 = arith.constant 0 : i32
      %dma_wait3A_180 = tpu.memref_slice %arg2[%dma_wait3A_178, %dma_wait3A_179] : memref<160000x128xf32, #tpu.memory_space<hbm>> -> memref<40x128xf32, #tpu.memory_space<hbm>>
      %dma_wait3A_181 = arith.constant 0 : i32
      %dma_wait3A_182 = arith.constant 0 : i32
      %dma_wait3A_183 = tpu.memref_slice %arg2[%dma_wait3A_181, %dma_wait3A_182] : memref<160000x128xf32, #tpu.memory_space<hbm>> -> memref<40x128xf32, #tpu.memory_space<hbm>>
      tpu.wait_dma2 semaphore(%arg20 : memref<!tpu.dma_semaphore, #tpu.memory_space<semaphore_mem>>) src(%dma_wait3A_183 : memref<40x128xf32, #tpu.memory_space<hbm>>) dst(%arg18 : memref<40x128xf32, #tpu.memory_space<vmem>>)
      %dma_wait3A_184 = arith.constant 0 : i32
      %dma_wait3A_185 = arith.constant 0 : i32
      %dma_wait3A_186 = tpu.memref_slice %arg2[%dma_wait3A_184, %dma_wait3A_185] : memref<160000x128xf32, #tpu.memory_space<hbm>> -> memref<40x128xf32, #tpu.memory_space<hbm>>
      %dma_wait3A_187 = arith.constant 0 : i32
      %dma_wait3A_188 = arith.constant 0 : i32
      %dma_wait3A_189 = tpu.memref_slice %arg2[%dma_wait3A_187, %dma_wait3A_188] : memref<160000x128xf32, #tpu.memory_space<hbm>> -> memref<40x128xf32, #tpu.memory_space<hbm>>
      tpu.wait_dma2 semaphore(%arg20 : memref<!tpu.dma_semaphore, #tpu.memory_space<semaphore_mem>>) src(%dma_wait3A_189 : memref<40x128xf32, #tpu.memory_space<hbm>>) dst(%arg19 : memref<40x128xf32, #tpu.memory_space<vmem>>)
      %mul3A_190 = arith.constant 40 : i32
      %mul3A_191 = arith.muli %add3A_57, %mul3A_190 : i32
      %add3A_192 = arith.addi %mul3A_2, %mul3A_191 : i32
      %dma_start3A_193 = arith.constant 0 : i32
      %dma_start3A_194 = tpu.memref_slice %arg4[%add3A_192, %dma_start3A_193] : memref<40960x128xf32, #tpu.memory_space<hbm>> -> memref<40x128xf32, #tpu.memory_space<hbm>>
      %dma_start3A_195 = arith.constant 0 : i32
      %dma_start3A_196 = tpu.memref_slice %arg4[%add3A_192, %dma_start3A_195] : memref<40960x128xf32, #tpu.memory_space<hbm>> -> memref<40x128xf32, #tpu.memory_space<hbm>>
      tpu.enqueue_dma source(%arg16 : memref<40x128xf32, #tpu.memory_space<vmem>>) target(%dma_start3A_196 : memref<40x128xf32, #tpu.memory_space<hbm>>) target_semaphore(%arg21 : memref<!tpu.dma_semaphore, #tpu.memory_space<semaphore_mem>>)
      %mul3A_197 = arith.constant 40 : i32
      %mul3A_198 = arith.muli %add3A_57, %mul3A_197 : i32
      %add3A_199 = arith.addi %mul3A_2, %mul3A_198 : i32
      %dma_start3A_200 = arith.constant 0 : i32
      %dma_start3A_201 = tpu.memref_slice %arg5[%add3A_199, %dma_start3A_200] : memref<40960x128xf32, #tpu.memory_space<hbm>> -> memref<40x128xf32, #tpu.memory_space<hbm>>
      %dma_start3A_202 = arith.constant 0 : i32
      %dma_start3A_203 = tpu.memref_slice %arg5[%add3A_199, %dma_start3A_202] : memref<40960x128xf32, #tpu.memory_space<hbm>> -> memref<40x128xf32, #tpu.memory_space<hbm>>
      tpu.enqueue_dma source(%arg17 : memref<40x128xf32, #tpu.memory_space<vmem>>) target(%dma_start3A_203 : memref<40x128xf32, #tpu.memory_space<hbm>>) target_semaphore(%arg21 : memref<!tpu.dma_semaphore, #tpu.memory_space<semaphore_mem>>)
      %mul3A_204 = arith.constant 40 : i32
      %mul3A_205 = arith.muli %add3A_57, %mul3A_204 : i32
      %add3A_206 = arith.addi %mul3A_2, %mul3A_205 : i32
      %dma_start3A_207 = arith.constant 0 : i32
      %dma_start3A_208 = tpu.memref_slice %arg6[%add3A_206, %dma_start3A_207] : memref<40960x128xf32, #tpu.memory_space<hbm>> -> memref<40x128xf32, #tpu.memory_space<hbm>>
      %dma_start3A_209 = arith.constant 0 : i32
      %dma_start3A_210 = tpu.memref_slice %arg6[%add3A_206, %dma_start3A_209] : memref<40960x128xf32, #tpu.memory_space<hbm>> -> memref<40x128xf32, #tpu.memory_space<hbm>>
      tpu.enqueue_dma source(%arg18 : memref<40x128xf32, #tpu.memory_space<vmem>>) target(%dma_start3A_210 : memref<40x128xf32, #tpu.memory_space<hbm>>) target_semaphore(%arg21 : memref<!tpu.dma_semaphore, #tpu.memory_space<semaphore_mem>>)
      %mul3A_211 = arith.constant 40 : i32
      %mul3A_212 = arith.muli %add3A_57, %mul3A_211 : i32
      %add3A_213 = arith.addi %mul3A_2, %mul3A_212 : i32
      %dma_start3A_214 = arith.constant 0 : i32
      %dma_start3A_215 = tpu.memref_slice %arg7[%add3A_213, %dma_start3A_214] : memref<40960x128xf32, #tpu.memory_space<hbm>> -> memref<40x128xf32, #tpu.memory_space<hbm>>
      %dma_start3A_216 = arith.constant 0 : i32
      %dma_start3A_217 = tpu.memref_slice %arg7[%add3A_213, %dma_start3A_216] : memref<40960x128xf32, #tpu.memory_space<hbm>> -> memref<40x128xf32, #tpu.memory_space<hbm>>
      tpu.enqueue_dma source(%arg19 : memref<40x128xf32, #tpu.memory_space<vmem>>) target(%dma_start3A_217 : memref<40x128xf32, #tpu.memory_space<hbm>>) target_semaphore(%arg21 : memref<!tpu.dma_semaphore, #tpu.memory_space<semaphore_mem>>)
    }
    %scan3A_29 = arith.constant 16 : i32
    %dma_wait3A = arith.constant 0 : i32
    %dma_wait3A_30 = arith.constant 0 : i32
    %dma_wait3A_31 = tpu.memref_slice %arg4[%dma_wait3A, %dma_wait3A_30] : memref<40960x128xf32, #tpu.memory_space<hbm>> -> memref<40x128xf32, #tpu.memory_space<hbm>>
    %dma_wait3A_32 = arith.constant 0 : i32
    %dma_wait3A_33 = arith.constant 0 : i32
    %dma_wait3A_34 = tpu.memref_slice %arg4[%dma_wait3A_32, %dma_wait3A_33] : memref<40960x128xf32, #tpu.memory_space<hbm>> -> memref<40x128xf32, #tpu.memory_space<hbm>>
    tpu.wait_dma2 semaphore(%arg21 : memref<!tpu.dma_semaphore, #tpu.memory_space<semaphore_mem>>) src(%arg16 : memref<40x128xf32, #tpu.memory_space<vmem>>) dst(%dma_wait3A_34 : memref<40x128xf32, #tpu.memory_space<hbm>>)
    %dma_wait3A_35 = arith.constant 0 : i32
    %dma_wait3A_36 = arith.constant 0 : i32
    %dma_wait3A_37 = tpu.memref_slice %arg5[%dma_wait3A_35, %dma_wait3A_36] : memref<40960x128xf32, #tpu.memory_space<hbm>> -> memref<40x128xf32, #tpu.memory_space<hbm>>
    %dma_wait3A_38 = arith.constant 0 : i32
    %dma_wait3A_39 = arith.constant 0 : i32
    %dma_wait3A_40 = tpu.memref_slice %arg5[%dma_wait3A_38, %dma_wait3A_39] : memref<40960x128xf32, #tpu.memory_space<hbm>> -> memref<40x128xf32, #tpu.memory_space<hbm>>
    tpu.wait_dma2 semaphore(%arg21 : memref<!tpu.dma_semaphore, #tpu.memory_space<semaphore_mem>>) src(%arg17 : memref<40x128xf32, #tpu.memory_space<vmem>>) dst(%dma_wait3A_40 : memref<40x128xf32, #tpu.memory_space<hbm>>)
    %dma_wait3A_41 = arith.constant 0 : i32
    %dma_wait3A_42 = arith.constant 0 : i32
    %dma_wait3A_43 = tpu.memref_slice %arg6[%dma_wait3A_41, %dma_wait3A_42] : memref<40960x128xf32, #tpu.memory_space<hbm>> -> memref<40x128xf32, #tpu.memory_space<hbm>>
    %dma_wait3A_44 = arith.constant 0 : i32
    %dma_wait3A_45 = arith.constant 0 : i32
    %dma_wait3A_46 = tpu.memref_slice %arg6[%dma_wait3A_44, %dma_wait3A_45] : memref<40960x128xf32, #tpu.memory_space<hbm>> -> memref<40x128xf32, #tpu.memory_space<hbm>>
    tpu.wait_dma2 semaphore(%arg21 : memref<!tpu.dma_semaphore, #tpu.memory_space<semaphore_mem>>) src(%arg18 : memref<40x128xf32, #tpu.memory_space<vmem>>) dst(%dma_wait3A_46 : memref<40x128xf32, #tpu.memory_space<hbm>>)
    %dma_wait3A_47 = arith.constant 0 : i32
    %dma_wait3A_48 = arith.constant 0 : i32
    %dma_wait3A_49 = tpu.memref_slice %arg7[%dma_wait3A_47, %dma_wait3A_48] : memref<40960x128xf32, #tpu.memory_space<hbm>> -> memref<40x128xf32, #tpu.memory_space<hbm>>
    %dma_wait3A_50 = arith.constant 0 : i32
    %dma_wait3A_51 = arith.constant 0 : i32
    %dma_wait3A_52 = tpu.memref_slice %arg7[%dma_wait3A_50, %dma_wait3A_51] : memref<40960x128xf32, #tpu.memory_space<hbm>> -> memref<40x128xf32, #tpu.memory_space<hbm>>
    tpu.wait_dma2 semaphore(%arg21 : memref<!tpu.dma_semaphore, #tpu.memory_space<semaphore_mem>>) src(%arg19 : memref<40x128xf32, #tpu.memory_space<vmem>>) dst(%dma_wait3A_52 : memref<40x128xf32, #tpu.memory_space<hbm>>)
    return
  }
}

module attributes {stable_mosaic.version = 14 : i64} {
  func.func @maybe_prev_body(%arg0: i32, %arg1: memref<1280x128xf32, #tpu.memory_space<vmem>>, %arg2: memref<1280x128xf32, #tpu.memory_space<vmem>>, %arg3: memref<1280x128xf32, #tpu.memory_space<vmem>>, %arg4: memref<1280x128xf32, #tpu.memory_space<vmem>>, %arg5: memref<1280x128xf32, #tpu.memory_space<vmem>>, %arg6: memref<5x128x128xbf16, #tpu.memory_space<vmem>>, %arg7: memref<128x1xf32, #tpu.memory_space<vmem>>, %arg8: memref<128x1280xf32, #tpu.memory_space<vmem>>) attributes {dimension_semantics = [#tpu.dimension_semantics<arbitrary>], iteration_bounds = array<i64: 32>, scalar_prefetch = 0 : i64, scratch_operands = 0 : i64, tpu.core_type = #tpu.core_type<tc>, window_params = [{transform_indices = @transform_0, window_bounds = array<i64: 1280, 128>}, {transform_indices = @transform_1, window_bounds = array<i64: 1280, 128>}, {transform_indices = @transform_2, window_bounds = array<i64: 1280, 128>}, {transform_indices = @transform_3, window_bounds = array<i64: 1280, 128>}, {transform_indices = @transform_4, window_bounds = array<i64: 1280, 128>}, {pipeline_mode = #tpu.pipeline_mode<synchronous>, transform_indices = @transform_5, window_bounds = array<i64: 5, 128, 128>}, {pipeline_mode = #tpu.pipeline_mode<synchronous>, transform_indices = @transform_6, window_bounds = array<i64: 128, 1>}, {transform_indices = @transform_7, window_bounds = array<i64: 128, 1280>}]} {
    %get3A = arith.constant 0 : index
    %get3A_0 = arith.constant 0 : index
    %get3A_1 = vector.load %arg2[%get3A, %get3A_0] : memref<1280x128xf32, #tpu.memory_space<vmem>>, vector<1280x128xf32>
    %get3A_2 = arith.constant 0 : index
    %get3A_3 = arith.constant 0 : index
    %get3A_4 = vector.load %arg3[%get3A_2, %get3A_3] : memref<1280x128xf32, #tpu.memory_space<vmem>>, vector<1280x128xf32>
    %get3A_5 = arith.constant 0 : index
    %get3A_6 = arith.constant 0 : index
    %get3A_7 = vector.load %arg4[%get3A_5, %get3A_6] : memref<1280x128xf32, #tpu.memory_space<vmem>>, vector<1280x128xf32>
    %get3A_8 = arith.constant 0 : index
    %get3A_9 = arith.constant 0 : index
    %get3A_10 = vector.load %arg5[%get3A_8, %get3A_9] : memref<1280x128xf32, #tpu.memory_space<vmem>>, vector<1280x128xf32>
    %get3A_11 = arith.constant 0 : index
    %get3A_12 = arith.constant 0 : index
    %get3A_13 = arith.constant 0 : index
    %get3A_14 = vector.load %arg6[%get3A_11, %get3A_12, %get3A_13] : memref<5x128x128xbf16, #tpu.memory_space<vmem>>, vector<1x128x128xbf16>
    %get3A_15 = vector.shape_cast %get3A_14 : vector<1x128x128xbf16> to vector<128x128xbf16>
    %get3A_16 = arith.constant 0 : index
    %get3A_17 = arith.constant 0 : index
    %get3A_18 = vector.load %arg1[%get3A_16, %get3A_17] : memref<1280x128xf32, #tpu.memory_space<vmem>>, vector<1280x128xf32>
    %convert_element_type3A = arith.truncf %get3A_18 : vector<1280x128xf32> to vector<1280x128xbf16>
    %dot_general3A = arith.constant dense<0.000000e+00> : vector<128x1280xf32>
    %dot_general3A_19 = tpu.matmul %get3A_15, %convert_element_type3A, %dot_general3A {dimension_numbers = #tpu.dot_dimension_numbers<[1], [1], [0], [0], [0, 0, 1, 0], [], []>, transpose_lhs_hint = false} : vector<128x128xbf16>, vector<1280x128xbf16>, vector<128x1280xf32> -> vector<128x1280xf32>
    %get3A_20 = arith.constant 1 : index
    %get3A_21 = arith.constant 0 : index
    %get3A_22 = arith.constant 0 : index
    %get3A_23 = vector.load %arg6[%get3A_20, %get3A_21, %get3A_22] : memref<5x128x128xbf16, #tpu.memory_space<vmem>>, vector<1x128x128xbf16>
    %get3A_24 = vector.shape_cast %get3A_23 : vector<1x128x128xbf16> to vector<128x128xbf16>
    %add3A = arith.addf %get3A_1, %get3A_7 : vector<1280x128xf32>
    %convert_element_type3A_25 = arith.truncf %add3A : vector<1280x128xf32> to vector<1280x128xbf16>
    %dot_general3A_26 = arith.constant dense<0.000000e+00> : vector<128x1280xf32>
    %dot_general3A_27 = tpu.matmul %get3A_24, %convert_element_type3A_25, %dot_general3A_26 {dimension_numbers = #tpu.dot_dimension_numbers<[1], [1], [0], [0], [0, 0, 1, 0], [], []>, transpose_lhs_hint = false} : vector<128x128xbf16>, vector<1280x128xbf16>, vector<128x1280xf32> -> vector<128x1280xf32>
    %add3A_28 = arith.addf %dot_general3A_19, %dot_general3A_27 : vector<128x1280xf32>
    %get3A_29 = arith.constant 2 : index
    %get3A_30 = arith.constant 0 : index
    %get3A_31 = arith.constant 0 : index
    %get3A_32 = vector.load %arg6[%get3A_29, %get3A_30, %get3A_31] : memref<5x128x128xbf16, #tpu.memory_space<vmem>>, vector<1x128x128xbf16>
    %get3A_33 = vector.shape_cast %get3A_32 : vector<1x128x128xbf16> to vector<128x128xbf16>
    %add3A_34 = arith.addf %get3A_4, %get3A_10 : vector<1280x128xf32>
    %convert_element_type3A_35 = arith.truncf %add3A_34 : vector<1280x128xf32> to vector<1280x128xbf16>
    %dot_general3A_36 = arith.constant dense<0.000000e+00> : vector<128x1280xf32>
    %dot_general3A_37 = tpu.matmul %get3A_33, %convert_element_type3A_35, %dot_general3A_36 {dimension_numbers = #tpu.dot_dimension_numbers<[1], [1], [0], [0], [0, 0, 1, 0], [], []>, transpose_lhs_hint = false} : vector<128x128xbf16>, vector<1280x128xbf16>, vector<128x1280xf32> -> vector<128x1280xf32>
    %add3A_38 = arith.addf %add3A_28, %dot_general3A_37 : vector<128x1280xf32>
    %get3A_39 = arith.constant 3 : index
    %get3A_40 = arith.constant 0 : index
    %get3A_41 = arith.constant 0 : index
    %get3A_42 = vector.load %arg6[%get3A_39, %get3A_40, %get3A_41] : memref<5x128x128xbf16, #tpu.memory_space<vmem>>, vector<1x128x128xbf16>
    %get3A_43 = vector.shape_cast %get3A_42 : vector<1x128x128xbf16> to vector<128x128xbf16>
    %sub3A = arith.subf %get3A_1, %get3A_7 : vector<1280x128xf32>
    %abs3A = math.absf %sub3A : vector<1280x128xf32>
    %convert_element_type3A_44 = arith.truncf %abs3A : vector<1280x128xf32> to vector<1280x128xbf16>
    %dot_general3A_45 = arith.constant dense<0.000000e+00> : vector<128x1280xf32>
    %dot_general3A_46 = tpu.matmul %get3A_43, %convert_element_type3A_44, %dot_general3A_45 {dimension_numbers = #tpu.dot_dimension_numbers<[1], [1], [0], [0], [0, 0, 1, 0], [], []>, transpose_lhs_hint = false} : vector<128x128xbf16>, vector<1280x128xbf16>, vector<128x1280xf32> -> vector<128x1280xf32>
    %add3A_47 = arith.addf %add3A_38, %dot_general3A_46 : vector<128x1280xf32>
    %get3A_48 = arith.constant 4 : index
    %get3A_49 = arith.constant 0 : index
    %get3A_50 = arith.constant 0 : index
    %get3A_51 = vector.load %arg6[%get3A_48, %get3A_49, %get3A_50] : memref<5x128x128xbf16, #tpu.memory_space<vmem>>, vector<1x128x128xbf16>
    %get3A_52 = vector.shape_cast %get3A_51 : vector<1x128x128xbf16> to vector<128x128xbf16>
    %sub3A_53 = arith.subf %get3A_4, %get3A_10 : vector<1280x128xf32>
    %abs3A_54 = math.absf %sub3A_53 : vector<1280x128xf32>
    %convert_element_type3A_55 = arith.truncf %abs3A_54 : vector<1280x128xf32> to vector<1280x128xbf16>
    %dot_general3A_56 = arith.constant dense<0.000000e+00> : vector<128x1280xf32>
    %dot_general3A_57 = tpu.matmul %get3A_52, %convert_element_type3A_55, %dot_general3A_56 {dimension_numbers = #tpu.dot_dimension_numbers<[1], [1], [0], [0], [0, 0, 1, 0], [], []>, transpose_lhs_hint = false} : vector<128x128xbf16>, vector<1280x128xbf16>, vector<128x1280xf32> -> vector<128x1280xf32>
    %add3A_58 = arith.addf %add3A_47, %dot_general3A_57 : vector<128x1280xf32>
    %get3A_59 = arith.constant 0 : index
    %get3A_60 = arith.constant 0 : index
    %get3A_61 = vector.load %arg7[%get3A_59, %get3A_60] : memref<128x1xf32, #tpu.memory_space<vmem>>, vector<128x1xf32>
    %add3A_62 = vector.broadcast %get3A_61 : vector<128x1xf32> to vector<128x1280xf32>
    %add3A_63 = arith.addf %add3A_58, %add3A_62 : vector<128x1280xf32>
    %swap3A = arith.constant 0 : index
    %swap3A_64 = arith.constant 0 : index
    %swap3A_65 = vector.load %arg8[%swap3A, %swap3A_64] : memref<128x1280xf32, #tpu.memory_space<vmem>>, vector<128x1280xf32>
    tpu.vector_store %arg8[%swap3A, %swap3A_64], %add3A_63 {strides = array<i32>} : memref<128x1280xf32, #tpu.memory_space<vmem>>, vector<128x1280xf32>,
    return
  }
  func.func @transform_0(%arg0: i32) -> (i32, i32) {
    %add3A = arith.constant 0 : i32
    %add3A_0 = arith.addi %add3A, %arg0 : i32
    %c0_i32 = arith.constant 0 : i32
    %c0_i32_1 = arith.constant 0 : i32
    return %add3A_0, %c0_i32 : i32, i32
  }
  func.func @transform_1(%arg0: i32) -> (i32, i32) {
    %c0_i32 = arith.constant 0 : i32
    %c0_i32_0 = arith.constant 0 : i32
    return %arg0, %c0_i32 : i32, i32
  }
  func.func @transform_2(%arg0: i32) -> (i32, i32) {
    %c0_i32 = arith.constant 0 : i32
    %c0_i32_0 = arith.constant 0 : i32
    return %arg0, %c0_i32 : i32, i32
  }
  func.func @transform_3(%arg0: i32) -> (i32, i32) {
    %c0_i32 = arith.constant 0 : i32
    %c0_i32_0 = arith.constant 0 : i32
    return %arg0, %c0_i32 : i32, i32
  }
  func.func @transform_4(%arg0: i32) -> (i32, i32) {
    %c0_i32 = arith.constant 0 : i32
    %c0_i32_0 = arith.constant 0 : i32
    return %arg0, %c0_i32 : i32, i32
  }
  func.func @transform_5(%arg0: i32) -> (i32, i32, i32) {
    %c0_i32 = arith.constant 0 : i32
    %c0_i32_0 = arith.constant 0 : i32
    %c0_i32_1 = arith.constant 0 : i32
    %c0_i32_2 = arith.constant 0 : i32
    return %c0_i32, %c0_i32_0, %c0_i32_1 : i32, i32, i32
  }
  func.func @transform_6(%arg0: i32) -> (i32, i32) {
    %c0_i32 = arith.constant 0 : i32
    %c0_i32_0 = arith.constant 0 : i32
    %c0_i32_1 = arith.constant 0 : i32
    return %c0_i32, %c0_i32_0 : i32, i32
  }
  func.func @transform_7(%arg0: i32) -> (i32, i32) {
    %add3A = arith.constant 0 : i32
    %add3A_0 = arith.addi %add3A, %arg0 : i32
    %c0_i32 = arith.constant 0 : i32
    %c0_i32_1 = arith.constant 0 : i32
    return %c0_i32, %add3A_0 : i32, i32
  }
}

module attributes {stable_mosaic.version = 14 : i64} {
  func.func @maybe_prev_body(%arg0: i32, %arg1: memref<1280x128xf32, #tpu.memory_space<vmem>>, %arg2: memref<1280x128xf32, #tpu.memory_space<vmem>>, %arg3: memref<1280x128xf32, #tpu.memory_space<vmem>>, %arg4: memref<1280x128xf32, #tpu.memory_space<vmem>>, %arg5: memref<1280x128xf32, #tpu.memory_space<vmem>>, %arg6: memref<5x128x128xbf16, #tpu.memory_space<vmem>>, %arg7: memref<128x1xf32, #tpu.memory_space<vmem>>, %arg8: memref<128x128xf32, #tpu.memory_space<vmem>>, %arg9: memref<128x1280xf32, #tpu.memory_space<vmem>>) attributes {dimension_semantics = [#tpu.dimension_semantics<arbitrary>], iteration_bounds = array<i64: 32>, scalar_prefetch = 0 : i64, scratch_operands = 0 : i64, tpu.core_type = #tpu.core_type<tc>, window_params = [{transform_indices = @transform_0, window_bounds = array<i64: 1280, 128>}, {transform_indices = @transform_1, window_bounds = array<i64: 1280, 128>}, {transform_indices = @transform_2, window_bounds = array<i64: 1280, 128>}, {transform_indices = @transform_3, window_bounds = array<i64: 1280, 128>}, {transform_indices = @transform_4, window_bounds = array<i64: 1280, 128>}, {pipeline_mode = #tpu.pipeline_mode<synchronous>, transform_indices = @transform_5, window_bounds = array<i64: 5, 128, 128>}, {pipeline_mode = #tpu.pipeline_mode<synchronous>, transform_indices = @transform_6, window_bounds = array<i64: 128, 1>}, {transform_indices = @transform_7, window_bounds = array<i64: 128, 128>}, {transform_indices = @transform_8, window_bounds = array<i64: 128, 1280>}]} {
    %get3A = arith.constant 0 : index
    %get3A_0 = arith.constant 0 : index
    %get3A_1 = vector.load %arg2[%get3A, %get3A_0] : memref<1280x128xf32, #tpu.memory_space<vmem>>, vector<1280x128xf32>
    %get3A_2 = arith.constant 0 : index
    %get3A_3 = arith.constant 0 : index
    %get3A_4 = vector.load %arg3[%get3A_2, %get3A_3] : memref<1280x128xf32, #tpu.memory_space<vmem>>, vector<1280x128xf32>
    %get3A_5 = arith.constant 0 : index
    %get3A_6 = arith.constant 0 : index
    %get3A_7 = vector.load %arg4[%get3A_5, %get3A_6] : memref<1280x128xf32, #tpu.memory_space<vmem>>, vector<1280x128xf32>
    %get3A_8 = arith.constant 0 : index
    %get3A_9 = arith.constant 0 : index
    %get3A_10 = vector.load %arg5[%get3A_8, %get3A_9] : memref<1280x128xf32, #tpu.memory_space<vmem>>, vector<1280x128xf32>
    %get3A_11 = arith.constant 0 : index
    %get3A_12 = arith.constant 0 : index
    %get3A_13 = arith.constant 0 : index
    %get3A_14 = vector.load %arg6[%get3A_11, %get3A_12, %get3A_13] : memref<5x128x128xbf16, #tpu.memory_space<vmem>>, vector<1x128x128xbf16>
    %get3A_15 = vector.shape_cast %get3A_14 : vector<1x128x128xbf16> to vector<128x128xbf16>
    %get3A_16 = arith.constant 0 : index
    %get3A_17 = arith.constant 0 : index
    %get3A_18 = vector.load %arg1[%get3A_16, %get3A_17] : memref<1280x128xf32, #tpu.memory_space<vmem>>, vector<1280x128xf32>
    %convert_element_type3A = arith.truncf %get3A_18 : vector<1280x128xf32> to vector<1280x128xbf16>
    %dot_general3A = arith.constant dense<0.000000e+00> : vector<128x1280xf32>
    %dot_general3A_19 = tpu.matmul %get3A_15, %convert_element_type3A, %dot_general3A {dimension_numbers = #tpu.dot_dimension_numbers<[1], [1], [0], [0], [0, 0, 1, 0], [], []>, transpose_lhs_hint = false} : vector<128x128xbf16>, vector<1280x128xbf16>, vector<128x1280xf32> -> vector<128x1280xf32>
    %get3A_20 = arith.constant 1 : index
    %get3A_21 = arith.constant 0 : index
    %get3A_22 = arith.constant 0 : index
    %get3A_23 = vector.load %arg6[%get3A_20, %get3A_21, %get3A_22] : memref<5x128x128xbf16, #tpu.memory_space<vmem>>, vector<1x128x128xbf16>
    %get3A_24 = vector.shape_cast %get3A_23 : vector<1x128x128xbf16> to vector<128x128xbf16>
    %add3A = arith.addf %get3A_1, %get3A_7 : vector<1280x128xf32>
    %convert_element_type3A_25 = arith.truncf %add3A : vector<1280x128xf32> to vector<1280x128xbf16>
    %dot_general3A_26 = arith.constant dense<0.000000e+00> : vector<128x1280xf32>
    %dot_general3A_27 = tpu.matmul %get3A_24, %convert_element_type3A_25, %dot_general3A_26 {dimension_numbers = #tpu.dot_dimension_numbers<[1], [1], [0], [0], [0, 0, 1, 0], [], []>, transpose_lhs_hint = false} : vector<128x128xbf16>, vector<1280x128xbf16>, vector<128x1280xf32> -> vector<128x1280xf32>
    %add3A_28 = arith.addf %dot_general3A_19, %dot_general3A_27 : vector<128x1280xf32>
    %get3A_29 = arith.constant 2 : index
    %get3A_30 = arith.constant 0 : index
    %get3A_31 = arith.constant 0 : index
    %get3A_32 = vector.load %arg6[%get3A_29, %get3A_30, %get3A_31] : memref<5x128x128xbf16, #tpu.memory_space<vmem>>, vector<1x128x128xbf16>
    %get3A_33 = vector.shape_cast %get3A_32 : vector<1x128x128xbf16> to vector<128x128xbf16>
    %add3A_34 = arith.addf %get3A_4, %get3A_10 : vector<1280x128xf32>
    %convert_element_type3A_35 = arith.truncf %add3A_34 : vector<1280x128xf32> to vector<1280x128xbf16>
    %dot_general3A_36 = arith.constant dense<0.000000e+00> : vector<128x1280xf32>
    %dot_general3A_37 = tpu.matmul %get3A_33, %convert_element_type3A_35, %dot_general3A_36 {dimension_numbers = #tpu.dot_dimension_numbers<[1], [1], [0], [0], [0, 0, 1, 0], [], []>, transpose_lhs_hint = false} : vector<128x128xbf16>, vector<1280x128xbf16>, vector<128x1280xf32> -> vector<128x1280xf32>
    %add3A_38 = arith.addf %add3A_28, %dot_general3A_37 : vector<128x1280xf32>
    %get3A_39 = arith.constant 3 : index
    %get3A_40 = arith.constant 0 : index
    %get3A_41 = arith.constant 0 : index
    %get3A_42 = vector.load %arg6[%get3A_39, %get3A_40, %get3A_41] : memref<5x128x128xbf16, #tpu.memory_space<vmem>>, vector<1x128x128xbf16>
    %get3A_43 = vector.shape_cast %get3A_42 : vector<1x128x128xbf16> to vector<128x128xbf16>
    %sub3A = arith.subf %get3A_1, %get3A_7 : vector<1280x128xf32>
    %abs3A = math.absf %sub3A : vector<1280x128xf32>
    %convert_element_type3A_44 = arith.truncf %abs3A : vector<1280x128xf32> to vector<1280x128xbf16>
    %dot_general3A_45 = arith.constant dense<0.000000e+00> : vector<128x1280xf32>
    %dot_general3A_46 = tpu.matmul %get3A_43, %convert_element_type3A_44, %dot_general3A_45 {dimension_numbers = #tpu.dot_dimension_numbers<[1], [1], [0], [0], [0, 0, 1, 0], [], []>, transpose_lhs_hint = false} : vector<128x128xbf16>, vector<1280x128xbf16>, vector<128x1280xf32> -> vector<128x1280xf32>
    %add3A_47 = arith.addf %add3A_38, %dot_general3A_46 : vector<128x1280xf32>
    %get3A_48 = arith.constant 4 : index
    %get3A_49 = arith.constant 0 : index
    %get3A_50 = arith.constant 0 : index
    %get3A_51 = vector.load %arg6[%get3A_48, %get3A_49, %get3A_50] : memref<5x128x128xbf16, #tpu.memory_space<vmem>>, vector<1x128x128xbf16>
    %get3A_52 = vector.shape_cast %get3A_51 : vector<1x128x128xbf16> to vector<128x128xbf16>
    %sub3A_53 = arith.subf %get3A_4, %get3A_10 : vector<1280x128xf32>
    %abs3A_54 = math.absf %sub3A_53 : vector<1280x128xf32>
    %convert_element_type3A_55 = arith.truncf %abs3A_54 : vector<1280x128xf32> to vector<1280x128xbf16>
    %dot_general3A_56 = arith.constant dense<0.000000e+00> : vector<128x1280xf32>
    %dot_general3A_57 = tpu.matmul %get3A_52, %convert_element_type3A_55, %dot_general3A_56 {dimension_numbers = #tpu.dot_dimension_numbers<[1], [1], [0], [0], [0, 0, 1, 0], [], []>, transpose_lhs_hint = false} : vector<128x128xbf16>, vector<1280x128xbf16>, vector<128x1280xf32> -> vector<128x1280xf32>
    %add3A_58 = arith.addf %add3A_47, %dot_general3A_57 : vector<128x1280xf32>
    %get3A_59 = arith.constant 0 : index
    %get3A_60 = arith.constant 0 : index
    %get3A_61 = vector.load %arg7[%get3A_59, %get3A_60] : memref<128x1xf32, #tpu.memory_space<vmem>>, vector<128x1xf32>
    %add3A_62 = vector.broadcast %get3A_61 : vector<128x1xf32> to vector<128x1280xf32>
    %add3A_63 = arith.addf %add3A_58, %add3A_62 : vector<128x1280xf32>
    %swap3A = arith.constant 0 : index
    %swap3A_64 = arith.constant 0 : index
    %swap3A_65 = vector.load %arg9[%swap3A, %swap3A_64] : memref<128x1280xf32, #tpu.memory_space<vmem>>, vector<128x1280xf32>
    tpu.vector_store %arg9[%swap3A, %swap3A_64], %add3A_63 {strides = array<i32>} : memref<128x1280xf32, #tpu.memory_space<vmem>>, vector<128x1280xf32>,
    return
  }
  func.func @transform_0(%arg0: i32) -> (i32, i32) {
    %add3A = arith.constant 32 : i32
    %add3A_0 = arith.addi %add3A, %arg0 : i32
    %c0_i32 = arith.constant 0 : i32
    %c0_i32_1 = arith.constant 0 : i32
    return %add3A_0, %c0_i32 : i32, i32
  }
  func.func @transform_1(%arg0: i32) -> (i32, i32) {
    %c0_i32 = arith.constant 0 : i32
    %c0_i32_0 = arith.constant 0 : i32
    return %arg0, %c0_i32 : i32, i32
  }
  func.func @transform_2(%arg0: i32) -> (i32, i32) {
    %c0_i32 = arith.constant 0 : i32
    %c0_i32_0 = arith.constant 0 : i32
    return %arg0, %c0_i32 : i32, i32
  }
  func.func @transform_3(%arg0: i32) -> (i32, i32) {
    %c0_i32 = arith.constant 0 : i32
    %c0_i32_0 = arith.constant 0 : i32
    return %arg0, %c0_i32 : i32, i32
  }
  func.func @transform_4(%arg0: i32) -> (i32, i32) {
    %c0_i32 = arith.constant 0 : i32
    %c0_i32_0 = arith.constant 0 : i32
    return %arg0, %c0_i32 : i32, i32
  }
  func.func @transform_5(%arg0: i32) -> (i32, i32, i32) {
    %c0_i32 = arith.constant 0 : i32
    %c0_i32_0 = arith.constant 0 : i32
    %c0_i32_1 = arith.constant 0 : i32
    %c0_i32_2 = arith.constant 0 : i32
    return %c0_i32, %c0_i32_0, %c0_i32_1 : i32, i32, i32
  }
  func.func @transform_6(%arg0: i32) -> (i32, i32) {
    %c0_i32 = arith.constant 0 : i32
    %c0_i32_0 = arith.constant 0 : i32
    %c0_i32_1 = arith.constant 0 : i32
    return %c0_i32, %c0_i32_0 : i32, i32
  }
  func.func @transform_7(%arg0: i32) -> (i32, i32) {
    %c0_i32 = arith.constant 0 : i32
    %c0_i32_0 = arith.constant 0 : i32
    %c0_i32_1 = arith.constant 0 : i32
    return %c0_i32, %c0_i32_0 : i32, i32
  }
  func.func @transform_8(%arg0: i32) -> (i32, i32) {
    %add3A = arith.constant 32 : i32
    %add3A_0 = arith.addi %add3A, %arg0 : i32
    %c0_i32 = arith.constant 0 : i32
    %c0_i32_1 = arith.constant 0 : i32
    return %c0_i32, %add3A_0 : i32, i32
  }
}

module attributes {stable_mosaic.version = 14 : i64} {
  func.func @maybe_prev_body(%arg0: i32, %arg1: memref<1280x128xf32, #tpu.memory_space<vmem>>, %arg2: memref<1280x128xf32, #tpu.memory_space<vmem>>, %arg3: memref<1280x128xf32, #tpu.memory_space<vmem>>, %arg4: memref<1280x128xf32, #tpu.memory_space<vmem>>, %arg5: memref<1280x128xf32, #tpu.memory_space<vmem>>, %arg6: memref<5x128x128xbf16, #tpu.memory_space<vmem>>, %arg7: memref<128x1xf32, #tpu.memory_space<vmem>>, %arg8: memref<128x128xf32, #tpu.memory_space<vmem>>, %arg9: memref<128x1280xf32, #tpu.memory_space<vmem>>) attributes {dimension_semantics = [#tpu.dimension_semantics<arbitrary>], iteration_bounds = array<i64: 32>, scalar_prefetch = 0 : i64, scratch_operands = 0 : i64, tpu.core_type = #tpu.core_type<tc>, window_params = [{transform_indices = @transform_0, window_bounds = array<i64: 1280, 128>}, {transform_indices = @transform_1, window_bounds = array<i64: 1280, 128>}, {transform_indices = @transform_2, window_bounds = array<i64: 1280, 128>}, {transform_indices = @transform_3, window_bounds = array<i64: 1280, 128>}, {transform_indices = @transform_4, window_bounds = array<i64: 1280, 128>}, {pipeline_mode = #tpu.pipeline_mode<synchronous>, transform_indices = @transform_5, window_bounds = array<i64: 5, 128, 128>}, {pipeline_mode = #tpu.pipeline_mode<synchronous>, transform_indices = @transform_6, window_bounds = array<i64: 128, 1>}, {transform_indices = @transform_7, window_bounds = array<i64: 128, 128>}, {transform_indices = @transform_8, window_bounds = array<i64: 128, 1280>}]} {
    %get3A = arith.constant 0 : index
    %get3A_0 = arith.constant 0 : index
    %get3A_1 = vector.load %arg2[%get3A, %get3A_0] : memref<1280x128xf32, #tpu.memory_space<vmem>>, vector<1280x128xf32>
    %get3A_2 = arith.constant 0 : index
    %get3A_3 = arith.constant 0 : index
    %get3A_4 = vector.load %arg3[%get3A_2, %get3A_3] : memref<1280x128xf32, #tpu.memory_space<vmem>>, vector<1280x128xf32>
    %get3A_5 = arith.constant 0 : index
    %get3A_6 = arith.constant 0 : index
    %get3A_7 = vector.load %arg4[%get3A_5, %get3A_6] : memref<1280x128xf32, #tpu.memory_space<vmem>>, vector<1280x128xf32>
    %get3A_8 = arith.constant 0 : index
    %get3A_9 = arith.constant 0 : index
    %get3A_10 = vector.load %arg5[%get3A_8, %get3A_9] : memref<1280x128xf32, #tpu.memory_space<vmem>>, vector<1280x128xf32>
    %get3A_11 = arith.constant 0 : index
    %get3A_12 = arith.constant 0 : index
    %get3A_13 = arith.constant 0 : index
    %get3A_14 = vector.load %arg6[%get3A_11, %get3A_12, %get3A_13] : memref<5x128x128xbf16, #tpu.memory_space<vmem>>, vector<1x128x128xbf16>
    %get3A_15 = vector.shape_cast %get3A_14 : vector<1x128x128xbf16> to vector<128x128xbf16>
    %get3A_16 = arith.constant 0 : index
    %get3A_17 = arith.constant 0 : index
    %get3A_18 = vector.load %arg1[%get3A_16, %get3A_17] : memref<1280x128xf32, #tpu.memory_space<vmem>>, vector<1280x128xf32>
    %convert_element_type3A = arith.truncf %get3A_18 : vector<1280x128xf32> to vector<1280x128xbf16>
    %dot_general3A = arith.constant dense<0.000000e+00> : vector<128x1280xf32>
    %dot_general3A_19 = tpu.matmul %get3A_15, %convert_element_type3A, %dot_general3A {dimension_numbers = #tpu.dot_dimension_numbers<[1], [1], [0], [0], [0, 0, 1, 0], [], []>, transpose_lhs_hint = false} : vector<128x128xbf16>, vector<1280x128xbf16>, vector<128x1280xf32> -> vector<128x1280xf32>
    %get3A_20 = arith.constant 1 : index
    %get3A_21 = arith.constant 0 : index
    %get3A_22 = arith.constant 0 : index
    %get3A_23 = vector.load %arg6[%get3A_20, %get3A_21, %get3A_22] : memref<5x128x128xbf16, #tpu.memory_space<vmem>>, vector<1x128x128xbf16>
    %get3A_24 = vector.shape_cast %get3A_23 : vector<1x128x128xbf16> to vector<128x128xbf16>
    %add3A = arith.addf %get3A_1, %get3A_7 : vector<1280x128xf32>
    %convert_element_type3A_25 = arith.truncf %add3A : vector<1280x128xf32> to vector<1280x128xbf16>
    %dot_general3A_26 = arith.constant dense<0.000000e+00> : vector<128x1280xf32>
    %dot_general3A_27 = tpu.matmul %get3A_24, %convert_element_type3A_25, %dot_general3A_26 {dimension_numbers = #tpu.dot_dimension_numbers<[1], [1], [0], [0], [0, 0, 1, 0], [], []>, transpose_lhs_hint = false} : vector<128x128xbf16>, vector<1280x128xbf16>, vector<128x1280xf32> -> vector<128x1280xf32>
    %add3A_28 = arith.addf %dot_general3A_19, %dot_general3A_27 : vector<128x1280xf32>
    %get3A_29 = arith.constant 2 : index
    %get3A_30 = arith.constant 0 : index
    %get3A_31 = arith.constant 0 : index
    %get3A_32 = vector.load %arg6[%get3A_29, %get3A_30, %get3A_31] : memref<5x128x128xbf16, #tpu.memory_space<vmem>>, vector<1x128x128xbf16>
    %get3A_33 = vector.shape_cast %get3A_32 : vector<1x128x128xbf16> to vector<128x128xbf16>
    %add3A_34 = arith.addf %get3A_4, %get3A_10 : vector<1280x128xf32>
    %convert_element_type3A_35 = arith.truncf %add3A_34 : vector<1280x128xf32> to vector<1280x128xbf16>
    %dot_general3A_36 = arith.constant dense<0.000000e+00> : vector<128x1280xf32>
    %dot_general3A_37 = tpu.matmul %get3A_33, %convert_element_type3A_35, %dot_general3A_36 {dimension_numbers = #tpu.dot_dimension_numbers<[1], [1], [0], [0], [0, 0, 1, 0], [], []>, transpose_lhs_hint = false} : vector<128x128xbf16>, vector<1280x128xbf16>, vector<128x1280xf32> -> vector<128x1280xf32>
    %add3A_38 = arith.addf %add3A_28, %dot_general3A_37 : vector<128x1280xf32>
    %get3A_39 = arith.constant 3 : index
    %get3A_40 = arith.constant 0 : index
    %get3A_41 = arith.constant 0 : index
    %get3A_42 = vector.load %arg6[%get3A_39, %get3A_40, %get3A_41] : memref<5x128x128xbf16, #tpu.memory_space<vmem>>, vector<1x128x128xbf16>
    %get3A_43 = vector.shape_cast %get3A_42 : vector<1x128x128xbf16> to vector<128x128xbf16>
    %sub3A = arith.subf %get3A_1, %get3A_7 : vector<1280x128xf32>
    %abs3A = math.absf %sub3A : vector<1280x128xf32>
    %convert_element_type3A_44 = arith.truncf %abs3A : vector<1280x128xf32> to vector<1280x128xbf16>
    %dot_general3A_45 = arith.constant dense<0.000000e+00> : vector<128x1280xf32>
    %dot_general3A_46 = tpu.matmul %get3A_43, %convert_element_type3A_44, %dot_general3A_45 {dimension_numbers = #tpu.dot_dimension_numbers<[1], [1], [0], [0], [0, 0, 1, 0], [], []>, transpose_lhs_hint = false} : vector<128x128xbf16>, vector<1280x128xbf16>, vector<128x1280xf32> -> vector<128x1280xf32>
    %add3A_47 = arith.addf %add3A_38, %dot_general3A_46 : vector<128x1280xf32>
    %get3A_48 = arith.constant 4 : index
    %get3A_49 = arith.constant 0 : index
    %get3A_50 = arith.constant 0 : index
    %get3A_51 = vector.load %arg6[%get3A_48, %get3A_49, %get3A_50] : memref<5x128x128xbf16, #tpu.memory_space<vmem>>, vector<1x128x128xbf16>
    %get3A_52 = vector.shape_cast %get3A_51 : vector<1x128x128xbf16> to vector<128x128xbf16>
    %sub3A_53 = arith.subf %get3A_4, %get3A_10 : vector<1280x128xf32>
    %abs3A_54 = math.absf %sub3A_53 : vector<1280x128xf32>
    %convert_element_type3A_55 = arith.truncf %abs3A_54 : vector<1280x128xf32> to vector<1280x128xbf16>
    %dot_general3A_56 = arith.constant dense<0.000000e+00> : vector<128x1280xf32>
    %dot_general3A_57 = tpu.matmul %get3A_52, %convert_element_type3A_55, %dot_general3A_56 {dimension_numbers = #tpu.dot_dimension_numbers<[1], [1], [0], [0], [0, 0, 1, 0], [], []>, transpose_lhs_hint = false} : vector<128x128xbf16>, vector<1280x128xbf16>, vector<128x1280xf32> -> vector<128x1280xf32>
    %add3A_58 = arith.addf %add3A_47, %dot_general3A_57 : vector<128x1280xf32>
    %get3A_59 = arith.constant 0 : index
    %get3A_60 = arith.constant 0 : index
    %get3A_61 = vector.load %arg7[%get3A_59, %get3A_60] : memref<128x1xf32, #tpu.memory_space<vmem>>, vector<128x1xf32>
    %add3A_62 = vector.broadcast %get3A_61 : vector<128x1xf32> to vector<128x1280xf32>
    %add3A_63 = arith.addf %add3A_58, %add3A_62 : vector<128x1280xf32>
    %swap3A = arith.constant 0 : index
    %swap3A_64 = arith.constant 0 : index
    %swap3A_65 = vector.load %arg9[%swap3A, %swap3A_64] : memref<128x1280xf32, #tpu.memory_space<vmem>>, vector<128x1280xf32>
    tpu.vector_store %arg9[%swap3A, %swap3A_64], %add3A_63 {strides = array<i32>} : memref<128x1280xf32, #tpu.memory_space<vmem>>, vector<128x1280xf32>,
    return
  }
  func.func @transform_0(%arg0: i32) -> (i32, i32) {
    %add3A = arith.constant 64 : i32
    %add3A_0 = arith.addi %add3A, %arg0 : i32
    %c0_i32 = arith.constant 0 : i32
    %c0_i32_1 = arith.constant 0 : i32
    return %add3A_0, %c0_i32 : i32, i32
  }
  func.func @transform_1(%arg0: i32) -> (i32, i32) {
    %c0_i32 = arith.constant 0 : i32
    %c0_i32_0 = arith.constant 0 : i32
    return %arg0, %c0_i32 : i32, i32
  }
  func.func @transform_2(%arg0: i32) -> (i32, i32) {
    %c0_i32 = arith.constant 0 : i32
    %c0_i32_0 = arith.constant 0 : i32
    return %arg0, %c0_i32 : i32, i32
  }
  func.func @transform_3(%arg0: i32) -> (i32, i32) {
    %c0_i32 = arith.constant 0 : i32
    %c0_i32_0 = arith.constant 0 : i32
    return %arg0, %c0_i32 : i32, i32
  }
  func.func @transform_4(%arg0: i32) -> (i32, i32) {
    %c0_i32 = arith.constant 0 : i32
    %c0_i32_0 = arith.constant 0 : i32
    return %arg0, %c0_i32 : i32, i32
  }
  func.func @transform_5(%arg0: i32) -> (i32, i32, i32) {
    %c0_i32 = arith.constant 0 : i32
    %c0_i32_0 = arith.constant 0 : i32
    %c0_i32_1 = arith.constant 0 : i32
    %c0_i32_2 = arith.constant 0 : i32
    return %c0_i32, %c0_i32_0, %c0_i32_1 : i32, i32, i32
  }
  func.func @transform_6(%arg0: i32) -> (i32, i32) {
    %c0_i32 = arith.constant 0 : i32
    %c0_i32_0 = arith.constant 0 : i32
    %c0_i32_1 = arith.constant 0 : i32
    return %c0_i32, %c0_i32_0 : i32, i32
  }
  func.func @transform_7(%arg0: i32) -> (i32, i32) {
    %c0_i32 = arith.constant 0 : i32
    %c0_i32_0 = arith.constant 0 : i32
    %c0_i32_1 = arith.constant 0 : i32
    return %c0_i32, %c0_i32_0 : i32, i32
  }
  func.func @transform_8(%arg0: i32) -> (i32, i32) {
    %add3A = arith.constant 64 : i32
    %add3A_0 = arith.addi %add3A, %arg0 : i32
    %c0_i32 = arith.constant 0 : i32
    %c0_i32_1 = arith.constant 0 : i32
    return %c0_i32, %add3A_0 : i32, i32
  }
}

module attributes {stable_mosaic.version = 14 : i64} {
  func.func @maybe_prev_body(%arg0: i32, %arg1: memref<1280x128xf32, #tpu.memory_space<vmem>>, %arg2: memref<1280x128xf32, #tpu.memory_space<vmem>>, %arg3: memref<1280x128xf32, #tpu.memory_space<vmem>>, %arg4: memref<1280x128xf32, #tpu.memory_space<vmem>>, %arg5: memref<1280x128xf32, #tpu.memory_space<vmem>>, %arg6: memref<5x128x128xbf16, #tpu.memory_space<vmem>>, %arg7: memref<128x1xf32, #tpu.memory_space<vmem>>, %arg8: memref<128x128xf32, #tpu.memory_space<vmem>>, %arg9: memref<128x1280xf32, #tpu.memory_space<vmem>>) attributes {dimension_semantics = [#tpu.dimension_semantics<arbitrary>], iteration_bounds = array<i64: 29>, scalar_prefetch = 0 : i64, scratch_operands = 0 : i64, tpu.core_type = #tpu.core_type<tc>, window_params = [{transform_indices = @transform_0, window_bounds = array<i64: 1280, 128>}, {transform_indices = @transform_1, window_bounds = array<i64: 1280, 128>}, {transform_indices = @transform_2, window_bounds = array<i64: 1280, 128>}, {transform_indices = @transform_3, window_bounds = array<i64: 1280, 128>}, {transform_indices = @transform_4, window_bounds = array<i64: 1280, 128>}, {pipeline_mode = #tpu.pipeline_mode<synchronous>, transform_indices = @transform_5, window_bounds = array<i64: 5, 128, 128>}, {pipeline_mode = #tpu.pipeline_mode<synchronous>, transform_indices = @transform_6, window_bounds = array<i64: 128, 1>}, {transform_indices = @transform_7, window_bounds = array<i64: 128, 128>}, {transform_indices = @transform_8, window_bounds = array<i64: 128, 1280>}]} {
    %get3A = arith.constant 0 : index
    %get3A_0 = arith.constant 0 : index
    %get3A_1 = vector.load %arg2[%get3A, %get3A_0] : memref<1280x128xf32, #tpu.memory_space<vmem>>, vector<1280x128xf32>
    %get3A_2 = arith.constant 0 : index
    %get3A_3 = arith.constant 0 : index
    %get3A_4 = vector.load %arg3[%get3A_2, %get3A_3] : memref<1280x128xf32, #tpu.memory_space<vmem>>, vector<1280x128xf32>
    %get3A_5 = arith.constant 0 : index
    %get3A_6 = arith.constant 0 : index
    %get3A_7 = vector.load %arg4[%get3A_5, %get3A_6] : memref<1280x128xf32, #tpu.memory_space<vmem>>, vector<1280x128xf32>
    %get3A_8 = arith.constant 0 : index
    %get3A_9 = arith.constant 0 : index
    %get3A_10 = vector.load %arg5[%get3A_8, %get3A_9] : memref<1280x128xf32, #tpu.memory_space<vmem>>, vector<1280x128xf32>
    %get3A_11 = arith.constant 0 : index
    %get3A_12 = arith.constant 0 : index
    %get3A_13 = arith.constant 0 : index
    %get3A_14 = vector.load %arg6[%get3A_11, %get3A_12, %get3A_13] : memref<5x128x128xbf16, #tpu.memory_space<vmem>>, vector<1x128x128xbf16>
    %get3A_15 = vector.shape_cast %get3A_14 : vector<1x128x128xbf16> to vector<128x128xbf16>
    %get3A_16 = arith.constant 0 : index
    %get3A_17 = arith.constant 0 : index
    %get3A_18 = vector.load %arg1[%get3A_16, %get3A_17] : memref<1280x128xf32, #tpu.memory_space<vmem>>, vector<1280x128xf32>
    %convert_element_type3A = arith.truncf %get3A_18 : vector<1280x128xf32> to vector<1280x128xbf16>
    %dot_general3A = arith.constant dense<0.000000e+00> : vector<128x1280xf32>
    %dot_general3A_19 = tpu.matmul %get3A_15, %convert_element_type3A, %dot_general3A {dimension_numbers = #tpu.dot_dimension_numbers<[1], [1], [0], [0], [0, 0, 1, 0], [], []>, transpose_lhs_hint = false} : vector<128x128xbf16>, vector<1280x128xbf16>, vector<128x1280xf32> -> vector<128x1280xf32>
    %get3A_20 = arith.constant 1 : index
    %get3A_21 = arith.constant 0 : index
    %get3A_22 = arith.constant 0 : index
    %get3A_23 = vector.load %arg6[%get3A_20, %get3A_21, %get3A_22] : memref<5x128x128xbf16, #tpu.memory_space<vmem>>, vector<1x128x128xbf16>
    %get3A_24 = vector.shape_cast %get3A_23 : vector<1x128x128xbf16> to vector<128x128xbf16>
    %add3A = arith.addf %get3A_1, %get3A_7 : vector<1280x128xf32>
    %convert_element_type3A_25 = arith.truncf %add3A : vector<1280x128xf32> to vector<1280x128xbf16>
    %dot_general3A_26 = arith.constant dense<0.000000e+00> : vector<128x1280xf32>
    %dot_general3A_27 = tpu.matmul %get3A_24, %convert_element_type3A_25, %dot_general3A_26 {dimension_numbers = #tpu.dot_dimension_numbers<[1], [1], [0], [0], [0, 0, 1, 0], [], []>, transpose_lhs_hint = false} : vector<128x128xbf16>, vector<1280x128xbf16>, vector<128x1280xf32> -> vector<128x1280xf32>
    %add3A_28 = arith.addf %dot_general3A_19, %dot_general3A_27 : vector<128x1280xf32>
    %get3A_29 = arith.constant 2 : index
    %get3A_30 = arith.constant 0 : index
    %get3A_31 = arith.constant 0 : index
    %get3A_32 = vector.load %arg6[%get3A_29, %get3A_30, %get3A_31] : memref<5x128x128xbf16, #tpu.memory_space<vmem>>, vector<1x128x128xbf16>
    %get3A_33 = vector.shape_cast %get3A_32 : vector<1x128x128xbf16> to vector<128x128xbf16>
    %add3A_34 = arith.addf %get3A_4, %get3A_10 : vector<1280x128xf32>
    %convert_element_type3A_35 = arith.truncf %add3A_34 : vector<1280x128xf32> to vector<1280x128xbf16>
    %dot_general3A_36 = arith.constant dense<0.000000e+00> : vector<128x1280xf32>
    %dot_general3A_37 = tpu.matmul %get3A_33, %convert_element_type3A_35, %dot_general3A_36 {dimension_numbers = #tpu.dot_dimension_numbers<[1], [1], [0], [0], [0, 0, 1, 0], [], []>, transpose_lhs_hint = false} : vector<128x128xbf16>, vector<1280x128xbf16>, vector<128x1280xf32> -> vector<128x1280xf32>
    %add3A_38 = arith.addf %add3A_28, %dot_general3A_37 : vector<128x1280xf32>
    %get3A_39 = arith.constant 3 : index
    %get3A_40 = arith.constant 0 : index
    %get3A_41 = arith.constant 0 : index
    %get3A_42 = vector.load %arg6[%get3A_39, %get3A_40, %get3A_41] : memref<5x128x128xbf16, #tpu.memory_space<vmem>>, vector<1x128x128xbf16>
    %get3A_43 = vector.shape_cast %get3A_42 : vector<1x128x128xbf16> to vector<128x128xbf16>
    %sub3A = arith.subf %get3A_1, %get3A_7 : vector<1280x128xf32>
    %abs3A = math.absf %sub3A : vector<1280x128xf32>
    %convert_element_type3A_44 = arith.truncf %abs3A : vector<1280x128xf32> to vector<1280x128xbf16>
    %dot_general3A_45 = arith.constant dense<0.000000e+00> : vector<128x1280xf32>
    %dot_general3A_46 = tpu.matmul %get3A_43, %convert_element_type3A_44, %dot_general3A_45 {dimension_numbers = #tpu.dot_dimension_numbers<[1], [1], [0], [0], [0, 0, 1, 0], [], []>, transpose_lhs_hint = false} : vector<128x128xbf16>, vector<1280x128xbf16>, vector<128x1280xf32> -> vector<128x1280xf32>
    %add3A_47 = arith.addf %add3A_38, %dot_general3A_46 : vector<128x1280xf32>
    %get3A_48 = arith.constant 4 : index
    %get3A_49 = arith.constant 0 : index
    %get3A_50 = arith.constant 0 : index
    %get3A_51 = vector.load %arg6[%get3A_48, %get3A_49, %get3A_50] : memref<5x128x128xbf16, #tpu.memory_space<vmem>>, vector<1x128x128xbf16>
    %get3A_52 = vector.shape_cast %get3A_51 : vector<1x128x128xbf16> to vector<128x128xbf16>
    %sub3A_53 = arith.subf %get3A_4, %get3A_10 : vector<1280x128xf32>
    %abs3A_54 = math.absf %sub3A_53 : vector<1280x128xf32>
    %convert_element_type3A_55 = arith.truncf %abs3A_54 : vector<1280x128xf32> to vector<1280x128xbf16>
    %dot_general3A_56 = arith.constant dense<0.000000e+00> : vector<128x1280xf32>
    %dot_general3A_57 = tpu.matmul %get3A_52, %convert_element_type3A_55, %dot_general3A_56 {dimension_numbers = #tpu.dot_dimension_numbers<[1], [1], [0], [0], [0, 0, 1, 0], [], []>, transpose_lhs_hint = false} : vector<128x128xbf16>, vector<1280x128xbf16>, vector<128x1280xf32> -> vector<128x1280xf32>
    %add3A_58 = arith.addf %add3A_47, %dot_general3A_57 : vector<128x1280xf32>
    %get3A_59 = arith.constant 0 : index
    %get3A_60 = arith.constant 0 : index
    %get3A_61 = vector.load %arg7[%get3A_59, %get3A_60] : memref<128x1xf32, #tpu.memory_space<vmem>>, vector<128x1xf32>
    %add3A_62 = vector.broadcast %get3A_61 : vector<128x1xf32> to vector<128x1280xf32>
    %add3A_63 = arith.addf %add3A_58, %add3A_62 : vector<128x1280xf32>
    %swap3A = arith.constant 0 : index
    %swap3A_64 = arith.constant 0 : index
    %swap3A_65 = vector.load %arg9[%swap3A, %swap3A_64] : memref<128x1280xf32, #tpu.memory_space<vmem>>, vector<128x1280xf32>
    tpu.vector_store %arg9[%swap3A, %swap3A_64], %add3A_63 {strides = array<i32>} : memref<128x1280xf32, #tpu.memory_space<vmem>>, vector<128x1280xf32>,
    return
  }
  func.func @transform_0(%arg0: i32) -> (i32, i32) {
    %add3A = arith.constant 96 : i32
    %add3A_0 = arith.addi %add3A, %arg0 : i32
    %c0_i32 = arith.constant 0 : i32
    %c0_i32_1 = arith.constant 0 : i32
    return %add3A_0, %c0_i32 : i32, i32
  }
  func.func @transform_1(%arg0: i32) -> (i32, i32) {
    %c0_i32 = arith.constant 0 : i32
    %c0_i32_0 = arith.constant 0 : i32
    return %arg0, %c0_i32 : i32, i32
  }
  func.func @transform_2(%arg0: i32) -> (i32, i32) {
    %c0_i32 = arith.constant 0 : i32
    %c0_i32_0 = arith.constant 0 : i32
    return %arg0, %c0_i32 : i32, i32
  }
  func.func @transform_3(%arg0: i32) -> (i32, i32) {
    %c0_i32 = arith.constant 0 : i32
    %c0_i32_0 = arith.constant 0 : i32
    return %arg0, %c0_i32 : i32, i32
  }
  func.func @transform_4(%arg0: i32) -> (i32, i32) {
    %c0_i32 = arith.constant 0 : i32
    %c0_i32_0 = arith.constant 0 : i32
    return %arg0, %c0_i32 : i32, i32
  }
  func.func @transform_5(%arg0: i32) -> (i32, i32, i32) {
    %c0_i32 = arith.constant 0 : i32
    %c0_i32_0 = arith.constant 0 : i32
    %c0_i32_1 = arith.constant 0 : i32
    %c0_i32_2 = arith.constant 0 : i32
    return %c0_i32, %c0_i32_0, %c0_i32_1 : i32, i32, i32
  }
  func.func @transform_6(%arg0: i32) -> (i32, i32) {
    %c0_i32 = arith.constant 0 : i32
    %c0_i32_0 = arith.constant 0 : i32
    %c0_i32_1 = arith.constant 0 : i32
    return %c0_i32, %c0_i32_0 : i32, i32
  }
  func.func @transform_7(%arg0: i32) -> (i32, i32) {
    %c0_i32 = arith.constant 0 : i32
    %c0_i32_0 = arith.constant 0 : i32
    %c0_i32_1 = arith.constant 0 : i32
    return %c0_i32, %c0_i32_0 : i32, i32
  }
  func.func @transform_8(%arg0: i32) -> (i32, i32) {
    %add3A = arith.constant 96 : i32
    %add3A_0 = arith.addi %add3A, %arg0 : i32
    %c0_i32 = arith.constant 0 : i32
    %c0_i32_1 = arith.constant 0 : i32
    return %c0_i32, %add3A_0 : i32, i32
  }
}

</mosaic_0001>

<sc_bundles>
// kernel: kernel.10.cloned.1.call-start
scs
__scs_entry_jumppad:
0x0: {  	(pc) =	sbr.rel $0x88, $3  }
0x1: {  	(tag) =	ssettag $0x0;
	lr =	simm.s32 $0x1  }
0x2: {  	[smem:$0x3F9D] =	sst lr;
	_ =	strace $0xD0000000  }
0x3: {  	_ = 	snop  }
0x4: {  	_ = 	snop  }
0x5: {  	_ = 	snop  }
0x6: {  	_ = 	snop  }
0x7: {  	_ = 	snop  }
__scs_overlays_trampoline_lowered:
0x8: {  	[smem:$0x3FAC] =	sst s0  }
0x9: {  	[smem:$0x3FAD] =	sst s1  }
0xa: {  	[smem:$0x3FAE] =	sst s2  }
0xb: {  	[smem:$0x3FAF] =	sst s3  }
0xc: {  	[smem:$0x3FB0] =	sst s4  }
0xd: {  	[smem:$0x3FB1] =	sst s5  }
0xe: {  	[smem:$0x3FB2] =	sst s6  }
0xf: {  	[smem:$0x3FB3] =	sst s7  }
0x10: {  	[smem:$0x3FB4] =	sst s8  }
0x11: {  	[smem:$0x3FB5] =	sst s9;
	s0 =	simm.s32 @!p0 $0x0  }
0x12: {  	s1 =	sld [smem:$0x3F9B];
	s0 =	simm.s32 @p0 $0x1  }
0x13: {  	[smem:$0x3FB6] =	sst s0;
	s0 =	simm.s32 @!p1 $0x0  }
0x14: {  	s2 =	sld [smem:$0x3F9A];
	s0 =	simm.s32 @p1 $0x1  }
0x15: {  	[smem:$0x3FB7] =	sst s0;
	s0 =	simm.s32 @!p2 $0x0  }
0x16: {  	s3 =	sld [smem:$0x3FDB];
	s0 =	simm.s32 @p2 $0x1  }
0x17: {  	s4 =	simm.s32 $0x1BF5;
	[smem:$0x3FB9] =	sst s0  }
0x18: {  	s0 =	sld [smem:$0x3F9C];
	_ =	swait.ge [sflag:s4], $0x0  }
0x19: {  	s7 =	sld [smem:$0x3F9D]  }
0x1a: {  	s8 =	sadd.s32 $0xFFFFE003, lr  }
0x1b: {  	s9 =	sadd.s32 $0xFFFFFEF7, lr;
	s5 =	simm.s32 $0xFFFFFFFF;
	p2 =	slt.u32 s8, $0xFFFFF086  }
0x1c: {  	p1 =	slt.u32 s9, $0xF7A;
	s5 =	simm.s32 @!p2 $0x0  }
0x1d: {  	s5 =	simm.s32 @p1 $0x1;
	p0 =	seq.s32 s7, s2  }
0x1e: {  	s7 =	smul.u32 @!p0 $0xF7A, s2;
	p2 =	seq.s32 @!p0 s5, $0x0  }
0x1f: {  	s9 =	smul.u32 $0xF7A, s1;
	s8 =	simm.s32 @!p0 $0x1BF5;
	p2 =	por !p2, p0  }
0x20: {  	[sflag:s8] =	ssyncset.s32 @!p0 $0xFFFFF086;
	s6 =	sadd.s32 @!p0 s3, s7;
	s7 =	simm.s32 @!p0 $0x108  }
0x21: {  	s3 =	sadd.s32 s3, s9;
	s6 =	sadd.s32 @!p0 $0x88, s6;
	s7 =	simm.s32 @p2 $0x1082  }
0x22: {  	[simem:s7], [sflag:s8] =	dma.local @!p0 [hbm:s6], $0xF7A  }
0x23: {  	s9 =	sor.u32 $0xD0000000, s2;
	s6 =	simm.s32 $0x108;
	_ =	swait.ge @!p0 [sflag:s8], $0x0  }
0x24: {  	s3 =	sadd.s32 $0x88, s3;
	s6 =	simm.s32 @!p1 $0x1082;
	[sflag:s4] =	ssyncset.s32 $0xFFFFF086  }
0x25: {  	[simem:s6], [sflag:s4] =	dma.local [hbm:s3], $0xF7A  }
0x26: {  	[smem:$0x3F9D] =	sst s1;
	(tag) =	ssettag s2;
	_ =	strace s9  }
0x27: {  	s1 =	sld [smem:$0x3FAD]  }
0x28: {  	s2 =	sld [smem:$0x3FAE]  }
0x29: {  	s4 =	sld [smem:$0x3FB0]  }
0x2a: {  	p0 =	seq.s32 s5, $0x0;
	s5 =	sld [smem:$0x3FB1]  }
0x2b: {  	s6 =	sld [smem:$0x3FB2]  }
0x2c: {  	s7 =	sld [smem:$0x3FB3]  }
0x2d: {  	s3 =	simm.s32 $0x108;
	s8 =	sld [smem:$0x3FB4]  }
0x2e: {  	s3 =	simm.s32 @!p0 $0x1082;
	s9 =	sld [smem:$0x3FB5]  }
0x2f: {  	lr =	sadd.s32 s0, s3;
	s0 =	sld [smem:$0x3FAC]  }
0x30: {  	s3 =	sld [smem:$0x3FAF]  }
0x31: {  	[smem:$0x3FB8] =	sst s10  }
0x32: {  	s10 =	sld [smem:$0x3FB6];
	_ =	sdelay $0x3  }
0x33: {  	p0 =	seq.s32 s10, $0x1;
	s10 =	sld [smem:$0x3FB8];
	_ =	sdelay $0x3  }
0x34: {  	[smem:$0x3FB8] =	sst s10  }
0x35: {  	s10 =	sld [smem:$0x3FB7];
	_ =	sdelay $0x3  }
0x36: {  	p1 =	seq.s32 s10, $0x1;
	s10 =	sld [smem:$0x3FB8];
	_ =	sdelay $0x3  }
0x37: {  	[smem:$0x3FB8] =	sst s10  }
0x38: {  	s10 =	sld [smem:$0x3FB9]  }
0x39: {  	_ = 	snop;
	(pc) =	sbr.ind lr, $3  }
0x3a: {  	_ = 	snop  }
0x3b: {  	_ = 	snop  }
0x3c: {  	p2 =	seq.s32 s10, $0x1;
	s10 =	sld [smem:$0x3FB8]  }
0x3d: {  	_ =	shalt  }
0x3e: {  	_ =	shalt  }
0x3f: {  	_ =	shalt  }
0x40: {  	_ =	shalt  }
0x41: {  	_ =	shalt  }
0x42: {  	_ =	shalt  }
0x43: {  	_ =	shalt  }
0x44: {  	_ =	shalt  }
0x45: {  	_ =	shalt  }
0x46: {  	_ =	shalt  }
0x47: {  	_ =	shalt  }
0x48: {  	_ =	shalt  }
0x49: {  	_ =	shalt  }
0x4a: {  	_ =	shalt  }
0x4b: {  	_ =	shalt  }
0x4c: {  	_ =	shalt  }
0x4d: {  	_ =	shalt  }
0x4e: {  	_ =	shalt  }
0x4f: {  	_ =	shalt  }
0x50: {  	_ =	shalt  }
0x51: {  	_ =	shalt  }
0x52: {  	_ =	shalt  }
0x53: {  	_ =	shalt  }
0x54: {  	_ =	shalt  }
0x55: {  	_ =	shalt  }
0x56: {  	_ =	shalt  }
0x57: {  	_ =	shalt  }
0x58: {  	_ =	shalt  }
0x59: {  	_ =	shalt  }
0x5a: {  	_ =	shalt  }
0x5b: {  	_ =	shalt  }
0x5c: {  	_ =	shalt  }
0x5d: {  	_ =	shalt  }
0x5e: {  	_ =	shalt  }
0x5f: {  	_ =	shalt  }
0x60: {  	_ =	shalt  }
0x61: {  	_ =	shalt  }
0x62: {  	_ =	shalt  }
0x63: {  	_ =	shalt  }
0x64: {  	_ =	shalt  }
0x65: {  	_ =	shalt  }
0x66: {  	_ =	shalt  }
0x67: {  	_ =	shalt  }
0x68: {  	_ =	shalt  }
0x69: {  	_ =	shalt  }
0x6a: {  	_ =	shalt  }
0x6b: {  	_ =	shalt  }
0x6c: {  	_ =	shalt  }
0x6d: {  	_ =	shalt  }
0x6e: {  	_ =	shalt  }
0x6f: {  	_ =	shalt  }
0x70: {  	_ =	shalt  }
0x71: {  	_ =	shalt  }
0x72: {  	_ =	shalt  }
0x73: {  	_ =	shalt  }
0x74: {  	_ =	shalt  }
0x75: {  	_ =	shalt  }
0x76: {  	_ =	shalt  }
0x77: {  	_ =	shalt  }
0x78: {  	_ =	shalt  }
0x79: {  	_ =	shalt  }
0x7a: {  	_ =	shalt  }
0x7b: {  	_ =	shalt  }
0x7c: {  	_ =	shalt  }
0x7d: {  	_ =	shalt  }
0x7e: {  	_ =	shalt  }
0x7f: {  	_ =	shalt  }
0x80: {  	_ =	shalt  }
0x81: {  	_ =	shalt  }
0x82: {  	_ =	shalt  }
0x83: {  	_ =	shalt  }
0x84: {  	_ =	shalt  }
0x85: {  	_ =	shalt  }
0x86: {  	_ =	shalt  }
0x87: {  	_ =	shalt  }
.Lfunc_end0:
.L_simem_size_0:
called_computation.1_lowered:
.L_overlay_start_0:
0x88: {  	s2 =	sld [smem:$0x3FD9]  }
0x89: {  	s3 =	sld [smem:$0x3FFE];
	_ =	sdelay $0x1  }
0x8a: {  	s1 =	srdreg.scid  }
0x8b: {  	s0 =	sand.u32 $0x1, s1  }
0x8c: {  	s17 =	sshll.u32 s0, $0xA;
	s2 =	sadd.s32 s3, s2  }
0x8d: {  	s2 =	sadd.s32 s2, s17  }
0x8e: {  	[smem:$0x3FC4] =	sst s2  }
0x8f: {  	_ = 	snop  }
0x90: {  	s2 =	sld [smem:$0x3FD0];
	(tm) =	ssettm $0x1  }
0x91: {  	s18 =	sld [smem:$0x3FFB];
	_ =	sdelay $0x3  }
0x92: {  	_ =	strace s18  }
0x93: {  	s3 =	sld [smem:$0x3FFC];
	_ =	sdelay $0x3  }
0x94: {  	_ =	strace s3  }
0x95: {  	s3 =	sld [smem:$0x3FFD];
	_ =	sdelay $0x3  }
0x96: {  	_ =	strace s3  }
0x97: {  	_ =	strace $0x8FFFFFFF  }
0x98: {  	s19 =	sld [smem:$0x3FDB];
	_ =	sdelay $0x1  }
0x99: {  	s4 =	simm.s32 $_scs_section_size  }
0x9a: {  	s5 =	simm.s32 $_size__tile_overlayer_lowered;
	s6 =	simm.s32 $_tile_overlayer_lowered  }
0x9b: {  	s22 =	simm.s32 $0x1BFF;
	s21 =	sshll.u32 s6, $0x1;
	s3 =	sadd.s32 s4, s19  }
0x9c: {  	s7 =	simm.s32 $0x0;
	s20 =	sshll.u32 s5, $0x1;
	s5 =	sadd.s32 s21, s3  }
0x9d: {  	[timem:s7], [sflag:s22] =	dma.local [hbm:s5], s20  }
0x9e: {  	_ =	swait.ge [sflag:s22], s20  }
0x9f: {  	s4 =	ssub.s32 $0x0, s20;
	[sflag:s22] =	ssyncset.done $0x0  }
0xa0: {  	[sflag:s22] =	ssyncadd.s32 s4;
	_ =	sdelay $0x1  }
0xa1: {  	s23 =	simm.s32 $0x1B8B  }
0xa2: {  	_ =	swait.ge [sflag:s23], $0x1  }
0xa3: {  	[sflag:s23] =	ssyncset.done $0x0  }
0xa4: {  	s25 =	simm.s32 $0x1B8E;
	s24 =	sld [smem:$0x3FFE];
	[sflag:s23] =	ssyncadd.s32 $0xFFFFFFFF  }
0xa5: {  	s26 =	simm.s32 $execute0_lowered;
	[smem:$0x3FD2] =	sst s25  }
0xa6: {  	s5 =	sshll.u32 s26, $0x1;
	_ =	strace $0x80000046;
	[dreg:$0x1] =	wrdreg $0xFFFFFFFF  }
0xa7: {  	s28 =	simm.s32 $_size_execute0_lowered;
	s3 =	sadd.s32 s3, s5;
	[dreg:$0x0] =	wrdreg $0x0  }
0xa8: {  	s5 =	sshll.u32 s28, $0x1;
	[dreg:$0x2] =	wrdreg s3  }
0xa9: {  	[dreg:$0x3] =	wrdreg s5  }
0xaa: {  	[dreg:$0x4] =	wrdreg $0xC0  }
0xab: {  	_ =	task [dreg:s7], $0x5FFFF  }
0xac: {  	[dreg:$0x1] =	wrdreg $0xFFFFFFFF  }
0xad: {  	[dreg:$0x0] =	wrdreg $0x60  }
0xae: {  	[dreg:$0x2] =	wrdreg s2  }
0xaf: {  	[dreg:$0x3] =	wrdreg s24  }
0xb0: {  	[dreg:$0x4] =	wrdreg $0x9  }
0xb1: {  	_ =	task.clear_ibuf [dreg:s7], $0x5FFFF;
	_ =	strace $0x90000046  }
0xb2: {  	s29 =	simm.s32 $0x9;
	_ =	strace $0x80000048  }
0xb3: {  	_ =	swait.ge [sflag:s29], $0x1  }
0xb4: {  	[sflag:s29] =	ssyncadd.s32 $0xFFFFFFFF  }
0xb5: {  	_ =	strace $0x90000048  }
0xb6: {  	_ =	sfence  }
0xb7: {  	s30 =	sld [smem:$0x0];
	_ =	sdelay $0x2  }
0xb8: {  	s31 =	sshll.u32 s1, $0xD;
	s1 =	sshrl.u32 s1, $0x2  }
0xb9: {  	s3 =	sand.u32 $0x4000, s31;
	s1 =	sadd.s32 s1, s30  }
0xba: {  	s0 =	sor.u32 s3, s0;
	s1 =	sshll.u32 s1, $0x11  }
0xbb: {  	s0 =	sor.u32 s1, s0  }
0xbc: {  	s0 =	sadd.s32 $0x8F2B, s0  }
0xbd: {  	[sflag:s0] =	ssyncadd.remote.s32 $0x1  }
0xbe: {  	_ =	sfence.sel $0xFFFF  }
0xbf: {  	[dreg:$0x0] =	wrdreg $0xFFFFFFFF;
	(pc) =	sbr.abs _section_cstart, $3  }
0xc0: {  	[dreg:$0x1] =	wrdreg $0xFFFFFFFF  }
0xc1: {  	_ =	task.clear_ibuf [dreg:s7], $0x2FFFF;
	_ =	strace $0x9FFFFFFF  }
0xc2: {  	(tm) =	ssettm $0x7FFFFFFF  }
0xc3: {  	_ =	shalt  }
tec
execute0_lowered:
.L_overlay_start_1:
0x0: {  	(tag) =	ssettag $0x1  }
0x1: {  	s0 =	srdreg.scid;
	s5 =	stileid.u32  }
0x2: {  	s0 =	sand.u32 $0x1, s0;
	s1 =	sshll.u32 s5, $0x1  }
0x3: {  	s2 =	rddreg [dreg:$0x0];
	s1 =	sor.u32 s0, s1;
	s6 =	ssub.s32 $0x2, s0  }
0x4: {  	s4 =	rddreg [dreg:$0x1];
	s1 =	smul.u32 $0x280, s1;
	s7 =	sshrl.u32 s6, $0x1  }
0x5: {  	s3 =	simm.s32 $0x0;
	s16 =	simm.s32 $0x3;
	s18 =	ssub.s32 s6, s7  }
0x6: {  	[smem:$0x7FF] =	sst s3;
	s1 =	sadd.s32 s1, s4;
	s24 =	smax.u32 s18, $0x1  }
0x7: {  	_ =	strace $0x80000047;
	s19 =	sadd.s32 $0x3400, s1;
	[dreg:$0x9] =	wrdreg s24  }
0x8: {  	s5 =	smul.u32 $0xA000, s5;
	s20 =	sadd.s32 $0x3410, s1;
	[dreg:$0x3] =	wrdreg s19  }
0x9: {  	s28 =	simm.s32 $0x8C00;
	s21 =	sadd.s32 $0x3420, s1;
	[dreg:$0x4] =	wrdreg s20  }
0xa: {  	s4 =	sadd.s32 s5, s4;
	s1 =	sadd.s32 $0x3430, s1;
	[dreg:$0x5] =	wrdreg s21  }
0xb: {  	s29 =	simm.s32 $0xA000;
	s22 =	sadd.s32 $0x12400, s4;
	[dreg:$0x6] =	wrdreg s1  }
0xc: {  	s30 =	simm.s32 $0x1;
	s23 =	sadd.s32 $0xB2400, s4;
	[dreg:$0x7] =	wrdreg s22  }
0xd: {  	s31 =	simm.s32 $0x2;
	s25 =	sadd.s32 $0x152400, s4;
	[dreg:$0x8] =	wrdreg s23  }
0xe: {  	s8 =	smul.u32 $0x5000, s0;
	s26 =	sadd.s32 $0x1F2400, s4;
	[dreg:$0xa] =	wrdreg s25  }
0xf: {  	s24 =	simm.s32 $0x5000;
	[dreg:$0xb] =	wrdreg s26;
	s20 =	simm.s32 $0x28  }
0x10: {  	s21 =	simm.s32 $0x1400;
	s22 =	simm.s32 $0x2800;
	s23 =	simm.s32 $0x3C00  }
0x11: {  	s25 =	simm.s32 $0x6400;
	s26 =	simm.s32 $0x7800;
	s1 =	simm.s32 $0x0  }
.LBB2_1:
0x12: {  	s0 =	rddreg [dreg:$0x3];
	s4 =	simm.s32 $0x80;
	s5 =	simm.s32 $0x200  }
0x13: {  	[tilespmem:s3], [sflag:$0x3] =	stream.strided.gather [hbm4b:s0+s4], $0x500, s5, s4, $0x38;
	[tilespmem:$0xB400] =	vst v63  }
0x14: {  	_ =	swait.ge [sflag:s16], $0x500  }
0x15: {  	[sflag:s16] =	ssyncset.done $0x0  }
0x16: {  	s6 =	simm.s32 $0x500;
	s13 =	rddreg [dreg:$0x4];
	[sflag:s16] =	ssyncadd.s32 $0xFFFFFB00  }
0x17: {  	[tilespmem:s6], [sflag:$0x3] =	stream.strided.gather [hbm4b:s13+s4], $0x500, s5, s4, $0x38;
	[tilespmem:$0xB400] =	vst v63  }
0x18: {  	_ =	swait.ge [sflag:s16], $0x500  }
0x19: {  	[sflag:s16] =	ssyncset.done $0x0  }
0x1a: {  	s7 =	simm.s32 $0xA00;
	s14 =	rddreg [dreg:$0x5];
	[sflag:s16] =	ssyncadd.s32 $0xFFFFFB00  }
0x1b: {  	[tilespmem:s7], [sflag:$0x3] =	stream.strided.gather [hbm4b:s14+s4], $0x500, s5, s4, $0x38;
	[tilespmem:$0xB400] =	vst v63  }
0x1c: {  	_ =	swait.ge [sflag:s16], $0x500  }
0x1d: {  	[sflag:s16] =	ssyncset.done $0x0  }
0x1e: {  	s9 =	simm.s32 $0xF00;
	s15 =	rddreg [dreg:$0x6];
	[sflag:s16] =	ssyncadd.s32 $0xFFFFFB00  }
0x1f: {  	[tilespmem:s9], [sflag:$0x3] =	stream.strided.gather [hbm4b:s15+s4], $0x500, s5, s4, $0x38;
	[tilespmem:$0xB400] =	vst v63  }
0x20: {  	_ =	swait.ge [sflag:s16], $0x500  }
0x21: {  	[sflag:s16] =	ssyncset.done $0x0  }
0x22: {  	[sflag:s16] =	ssyncadd.s32 $0xFFFFFB00  }
0x23: {  	[tilespmem:s21], [sflag:$0x1] =	stream.indirect.gather [hbm4b:s2+s20], $0x80, s3, s20, $0xb8;
	[tilespmem:$0xB400] =	vst v63  }
0x24: {  	p0 =	por $0x1, $0x1  }
0x25: {  	[tilespmem:s22], [sflag:$0x1] =	stream.indirect.gather [hbm4b:s2+s20], $0x80, s6, s20, $0xb8;
	[tilespmem:$0xB400] =	vst v63  }
0x26: {  	p0 =	por p0, p0  }
0x27: {  	[tilespmem:s23], [sflag:$0x1] =	stream.indirect.gather [hbm4b:s2+s20], $0x80, s7, s20, $0xb8;
	[tilespmem:$0xB400] =	vst v63  }
0x28: {  	s0 =	simm.s32 @!p0 $0x2  }
0x29: {  	[tilespmem:s24], [sflag:$0x1] =	stream.indirect.gather [hbm4b:s2+s20], $0x80, s9, s20, $0xb8;
	[tilespmem:$0xB400] =	vst v63  }
0x2a: {  	_ =	swait.ge @!p0 [sflag:s0], $0x1400  }
0x2b: {  	[sflag:s0] =	ssyncset.done @!p0 $0x0  }
0x2c: {  	[sflag:s0] =	ssyncadd.s32 @!p0 $0xFFFFEC00  }
0x2d: {  	_ =	swait.ge @!p0 [sflag:s0], $0x1400  }
0x2e: {  	[sflag:s0] =	ssyncset.done @!p0 $0x0  }
0x2f: {  	[sflag:s0] =	ssyncadd.s32 @!p0 $0xFFFFEC00  }
0x30: {  	_ =	swait.ge @!p0 [sflag:s0], $0x1400  }
0x31: {  	[sflag:s0] =	ssyncset.done @!p0 $0x0  }
0x32: {  	[sflag:s0] =	ssyncadd.s32 @!p0 $0xFFFFEC00  }
0x33: {  	_ =	swait.ge @!p0 [sflag:s0], $0x1400  }
0x34: {  	[sflag:s0] =	ssyncset.done @!p0 $0x0  }
0x35: {  	s17 =	simm.s32 $0x28;
	[sflag:s0] =	ssyncadd.s32 @!p0 $0xFFFFEC00  }
0x36: {  	[tilespmem:s25], [sflag:$0x1] =	stream.indirect.gather [hbm4b:s2+s20], $0x80, s17, s20, $0xb8;
	[tilespmem:$0xB400] =	vst v63  }
0x37: {  	s18 =	simm.s32 $0x528  }
0x38: {  	[tilespmem:s26], [sflag:$0x1] =	stream.indirect.gather [hbm4b:s2+s20], $0x80, s18, s20, $0xb8;
	[tilespmem:$0xB400] =	vst v63  }
0x39: {  	s19 =	simm.s32 $0xA28  }
0x3a: {  	[tilespmem:s28], [sflag:$0x1] =	stream.indirect.gather [hbm4b:s2+s20], $0x80, s19, s20, $0xb8;
	[tilespmem:$0xB400] =	vst v63  }
0x3b: {  	s4 =	simm.s32 $0xF28  }
0x3c: {  	[tilespmem:s29], [sflag:$0x1] =	stream.indirect.gather [hbm4b:s2+s20], $0x80, s4, s20, $0xb8;
	[tilespmem:$0xB400] =	vst v63  }
0x3d: {  	_ =	swait.ge [sflag:s30], $0x1400  }
0x3e: {  	[sflag:s30] =	ssyncset.done $0x0  }
0x3f: {  	[sflag:s30] =	ssyncadd.s32 $0xFFFFEC00  }
0x40: {  	_ =	swait.ge [sflag:s30], $0x1400  }
0x41: {  	[sflag:s30] =	ssyncset.done $0x0  }
0x42: {  	[sflag:s30] =	ssyncadd.s32 $0xFFFFEC00  }
0x43: {  	_ =	swait.ge [sflag:s30], $0x1400  }
0x44: {  	[sflag:s30] =	ssyncset.done $0x0  }
0x45: {  	[sflag:s30] =	ssyncadd.s32 $0xFFFFEC00  }
0x46: {  	_ =	swait.ge [sflag:s30], $0x1400  }
0x47: {  	[sflag:s30] =	ssyncset.done $0x0;
	s11 =	rddreg [dreg:$0x7]  }
0x48: {  	s12 =	rddreg [dreg:$0x8];
	[sflag:s30] =	ssyncadd.s32 $0xFFFFEC00;
	s5 =	sadd.s32 s11, s8  }
0x49: {  	[hbm4b:s5+s3] =	stream.linear.scatter [tilespmem:s21], [sflag:$0x2], $0x1400, $0x38;
	[tilespmem:$0xB400] =	vst v63  }
0x4a: {  	s13 =	rddreg [dreg:$0xa];
	s6 =	sadd.s32 s12, s8  }
0x4b: {  	[hbm4b:s6+s3] =	stream.linear.scatter [tilespmem:s22], [sflag:$0x2], $0x1400, $0x38;
	[tilespmem:$0xB400] =	vst v63  }
0x4c: {  	s14 =	rddreg [dreg:$0xb];
	s15 =	sadd.s32 s13, s8  }
0x4d: {  	[hbm4b:s15+s3] =	stream.linear.scatter [tilespmem:s23], [sflag:$0x2], $0x1400, $0x38;
	[tilespmem:$0xB400] =	vst v63  }
0x4e: {  	s18 =	sadd.s32 s14, s8  }
0x4f: {  	[hbm4b:s18+s3] =	stream.linear.scatter [tilespmem:s24], [sflag:$0x2], $0x1400, $0x38;
	[tilespmem:$0xB400] =	vst v63  }
0x50: {  	_ =	swait.ge [sflag:s31], $0x1400  }
0x51: {  	[sflag:s31] =	ssyncset.done $0x0  }
0x52: {  	[sflag:s31] =	ssyncadd.s32 $0xFFFFEC00  }
0x53: {  	_ =	swait.ge [sflag:s31], $0x1400  }
0x54: {  	[sflag:s31] =	ssyncset.done $0x0  }
0x55: {  	[sflag:s31] =	ssyncadd.s32 $0xFFFFEC00  }
0x56: {  	_ =	swait.ge [sflag:s31], $0x1400  }
0x57: {  	[sflag:s31] =	ssyncset.done $0x0  }
0x58: {  	[sflag:s31] =	ssyncadd.s32 $0xFFFFEC00  }
0x59: {  	p0 =	por $0x0, $0x0;
	_ =	swait.ge [sflag:s31], $0x1400  }
0x5a: {  	s7 =	simm.s32 @!p0 $0x1400;
	[sflag:s31] =	ssyncset.done $0x0  }
0x5b: {  	s9 =	simm.s32 @!p0 $0x50;
	s10 =	simm.s32 @!p0 $0x28;
	[sflag:s31] =	ssyncadd.s32 $0xFFFFEC00  }
0x5c: {  	[tilespmem:s7], [sflag:$0x1] =	stream.indirect.gather @!p0 [hbm4b:s2+s10], $0x80, s9, s10, $0xb8;
	[tilespmem:$0xB400] =	vst v63  }
0x5d: {  	s7 =	simm.s32 @!p0 $0x550;
	s9 =	simm.s32 @!p0 $0x2800  }
0x5e: {  	[tilespmem:s9], [sflag:$0x1] =	stream.indirect.gather @!p0 [hbm4b:s2+s10], $0x80, s7, s10, $0xb8;
	[tilespmem:$0xB400] =	vst v63  }
0x5f: {  	s7 =	simm.s32 @!p0 $0xA50;
	s9 =	simm.s32 @!p0 $0x3C00  }
0x60: {  	[tilespmem:s9], [sflag:$0x1] =	stream.indirect.gather @!p0 [hbm4b:s2+s10], $0x80, s7, s10, $0xb8;
	[tilespmem:$0xB400] =	vst v63  }
0x61: {  	s7 =	simm.s32 @!p0 $0xF50;
	s9 =	simm.s32 @!p0 $0x5000  }
0x62: {  	[tilespmem:s9], [sflag:$0x1] =	stream.indirect.gather @!p0 [hbm4b:s2+s10], $0x80, s7, s10, $0xb8;
	[tilespmem:$0xB400] =	vst v63  }
0x63: {  	_ =	swait.ge [sflag:s30], $0x1400  }
0x64: {  	[sflag:s30] =	ssyncset.done $0x0  }
0x65: {  	[sflag:s30] =	ssyncadd.s32 $0xFFFFEC00  }
0x66: {  	_ =	swait.ge [sflag:s30], $0x1400  }
0x67: {  	[sflag:s30] =	ssyncset.done $0x0  }
0x68: {  	[sflag:s30] =	ssyncadd.s32 $0xFFFFEC00  }
0x69: {  	_ =	swait.ge [sflag:s30], $0x1400  }
0x6a: {  	[sflag:s30] =	ssyncset.done $0x0  }
0x6b: {  	[sflag:s30] =	ssyncadd.s32 $0xFFFFEC00  }
0x6c: {  	p6 =	por $0x0, $0x0;
	s17 =	simm.s32 $0x280;
	_ =	swait.ge [sflag:s30], $0x1400  }
0x6d: {  	s0 =	sadd.s32 $0x280, s5;
	s4 =	sadd.s32 $0x280, s6;
	[sflag:s30] =	ssyncset.done $0x0  }
0x6e: {  	s19 =	sadd.s32 $0x280, s15;
	s5 =	sadd.s32 $0x500, s13;
	[sflag:s30] =	ssyncadd.s32 $0xFFFFEC00  }
0x6f: {  	[hbm4b:s0+s3] =	stream.linear.scatter [tilespmem:s25], [sflag:$0x2], $0x1400, $0x38;
	[tilespmem:$0xB400] =	vst v63  }
0x70: {  	s6 =	sadd.s32 $0x500, s12;
	p0 =	por p6, p6;
	s9 =	sadd.s32 $0x280, s18  }
0x71: {  	[hbm4b:s4+s3] =	stream.linear.scatter [tilespmem:s26], [sflag:$0x2], $0x1400, $0x38;
	[tilespmem:$0xB400] =	vst v63  }
0x72: {  	s7 =	sadd.s32 $0x500, s11;
	s0 =	simm.s32 $0x140;
	s4 =	sadd.s32 $0x500, s14  }
0x73: {  	[hbm4b:s19+s3] =	stream.linear.scatter [tilespmem:s28], [sflag:$0x2], $0x1400, $0x38;
	[tilespmem:$0xB400] =	vst v63  }
.LBB2_2:
0x74: {  	[hbm4b:s9+s3] =	stream.linear.scatter [tilespmem:s29], [sflag:$0x2], $0x1400, $0x38;
	[tilespmem:$0xB400] =	vst v63  }
0x75: {  	s11 =	smov.u32 s17  }
0x76: {  	s17 =	sadd.s32 $0x140, s17;
	s9 =	simm.s32 @!p0 $0x2;
	p2 =	seq.s32 s11, $0x0  }
0x77: {  	p1 =	sne.s32 s17, $0x1400;
	_ =	swait.ge @!p0 [sflag:s9], $0x1400  }
0x78: {  	[sflag:s9] =	ssyncset.done @!p0 $0x0  }
0x79: {  	[sflag:s9] =	ssyncadd.s32 @!p0 $0xFFFFEC00  }
0x7a: {  	_ =	swait.ge @!p0 [sflag:s9], $0x1400  }
0x7b: {  	[sflag:s9] =	ssyncset.done @!p0 $0x0  }
0x7c: {  	[sflag:s9] =	ssyncadd.s32 @!p0 $0xFFFFEC00  }
0x7d: {  	_ =	swait.ge @!p0 [sflag:s9], $0x1400  }
0x7e: {  	[sflag:s9] =	ssyncset.done @!p0 $0x0  }
0x7f: {  	[sflag:s9] =	ssyncadd.s32 @!p0 $0xFFFFEC00  }
0x80: {  	_ =	swait.ge @!p0 [sflag:s9], $0x1400  }
0x81: {  	s10 =	sshra.s32 s0, $0x2;
	[sflag:s9] =	ssyncset.done @!p0 $0x0  }
0x82: {  	[sflag:s9] =	ssyncadd.s32 @!p0 $0xFFFFEC00;
	s9 =	sadd.s32 $0x28, s10;
	p0 =	por p2, p2  }
0x83: {  	[tilespmem:s25], [sflag:$0x1] =	stream.indirect.gather [hbm4b:s2+s20], $0x80, s9, s20, $0xb8;
	[tilespmem:$0xB400] =	vst v63  }
0x84: {  	s9 =	sadd.s32 $0x528, s10  }
0x85: {  	[tilespmem:s26], [sflag:$0x1] =	stream.indirect.gather [hbm4b:s2+s20], $0x80, s9, s20, $0xb8;
	[tilespmem:$0xB400] =	vst v63  }
0x86: {  	s9 =	sadd.s32 $0xA28, s10  }
0x87: {  	[tilespmem:s28], [sflag:$0x1] =	stream.indirect.gather [hbm4b:s2+s20], $0x80, s9, s20, $0xb8;
	[tilespmem:$0xB400] =	vst v63  }
0x88: {  	s9 =	sadd.s32 $0xF28, s10  }
0x89: {  	[tilespmem:s29], [sflag:$0x1] =	stream.indirect.gather [hbm4b:s2+s20], $0x80, s9, s20, $0xb8;
	[tilespmem:$0xB400] =	vst v63  }
0x8a: {  	_ =	swait.ge [sflag:s30], $0x1400  }
0x8b: {  	[sflag:s30] =	ssyncset.done $0x0  }
0x8c: {  	[sflag:s30] =	ssyncadd.s32 $0xFFFFEC00  }
0x8d: {  	_ =	swait.ge [sflag:s30], $0x1400  }
0x8e: {  	[sflag:s30] =	ssyncset.done $0x0  }
0x8f: {  	[sflag:s30] =	ssyncadd.s32 $0xFFFFEC00  }
0x90: {  	_ =	swait.ge [sflag:s30], $0x1400  }
0x91: {  	[sflag:s30] =	ssyncset.done $0x0  }
0x92: {  	[sflag:s30] =	ssyncadd.s32 $0xFFFFEC00  }
0x93: {  	_ =	swait.ge [sflag:s30], $0x1400  }
0x94: {  	[sflag:s30] =	ssyncset.done $0x0  }
0x95: {  	s19 =	sadd.s32 s7, s8;
	[sflag:s30] =	ssyncadd.s32 $0xFFFFEC00  }
0x96: {  	[hbm4b:s19+s3] =	stream.linear.scatter [tilespmem:s21], [sflag:$0x2], $0x1400, $0x38;
	[tilespmem:$0xB400] =	vst v63  }
0x97: {  	s9 =	sadd.s32 s6, s8  }
0x98: {  	[hbm4b:s9+s3] =	stream.linear.scatter [tilespmem:s22], [sflag:$0x2], $0x1400, $0x38;
	[tilespmem:$0xB400] =	vst v63  }
0x99: {  	s10 =	sadd.s32 s5, s8  }
0x9a: {  	[hbm4b:s10+s3] =	stream.linear.scatter [tilespmem:s23], [sflag:$0x2], $0x1400, $0x38;
	[tilespmem:$0xB400] =	vst v63  }
0x9b: {  	s18 =	sadd.s32 s4, s8  }
0x9c: {  	[hbm4b:s18+s3] =	stream.linear.scatter [tilespmem:s24], [sflag:$0x2], $0x1400, $0x38;
	[tilespmem:$0xB400] =	vst v63  }
0x9d: {  	_ =	swait.ge [sflag:s31], $0x1400  }
0x9e: {  	[sflag:s31] =	ssyncset.done $0x0  }
0x9f: {  	[sflag:s31] =	ssyncadd.s32 $0xFFFFEC00  }
0xa0: {  	_ =	swait.ge [sflag:s31], $0x1400  }
0xa1: {  	[sflag:s31] =	ssyncset.done $0x0  }
0xa2: {  	[sflag:s31] =	ssyncadd.s32 $0xFFFFEC00  }
0xa3: {  	_ =	swait.ge [sflag:s31], $0x1400  }
0xa4: {  	[sflag:s31] =	ssyncset.done $0x0  }
0xa5: {  	[sflag:s31] =	ssyncadd.s32 $0xFFFFEC00  }
0xa6: {  	p2 =	seq.s32 s0, $0x12C0;
	_ =	swait.ge [sflag:s31], $0x1400  }
0xa7: {  	s0 =	sshra.s32 @!p2 s0, $0x2;
	s14 =	simm.s32 @!p2 $0x1400;
	[sflag:s31] =	ssyncset.done $0x0  }
0xa8: {  	s12 =	simm.s32 @!p2 $0x28;
	s15 =	sadd.s32 @!p2 $0x50, s0;
	[sflag:s31] =	ssyncadd.s32 $0xFFFFEC00  }
0xa9: {  	[tilespmem:s14], [sflag:$0x1] =	stream.indirect.gather @!p2 [hbm4b:s2+s12], $0x80, s15, s12, $0xb8;
	[tilespmem:$0xB400] =	vst v63  }
0xaa: {  	s13 =	sadd.s32 @!p2 $0xA50, s0;
	s14 =	sadd.s32 @!p2 $0x550, s0;
	s15 =	simm.s32 @!p2 $0x2800  }
0xab: {  	[tilespmem:s15], [sflag:$0x1] =	stream.indirect.gather @!p2 [hbm4b:s2+s12], $0x80, s14, s12, $0xb8;
	[tilespmem:$0xB400] =	vst v63  }
0xac: {  	s14 =	simm.s32 @!p2 $0x3C00;
	s15 =	sadd.s32 @!p2 $0xF50, s0;
	s0 =	smov.u32 s11  }
0xad: {  	[tilespmem:s14], [sflag:$0x1] =	stream.indirect.gather @!p2 [hbm4b:s2+s12], $0x80, s13, s12, $0xb8;
	[tilespmem:$0xB400] =	vst v63  }
0xae: {  	s11 =	simm.s32 @!p2 $0x5000  }
0xaf: {  	[tilespmem:s11], [sflag:$0x1] =	stream.indirect.gather @!p2 [hbm4b:s2+s12], $0x80, s15, s12, $0xb8;
	[tilespmem:$0xB400] =	vst v63  }
0xb0: {  	_ =	swait.ge [sflag:s30], $0x1400  }
0xb1: {  	[sflag:s30] =	ssyncset.done $0x0  }
0xb2: {  	[sflag:s30] =	ssyncadd.s32 $0xFFFFEC00  }
0xb3: {  	_ =	swait.ge [sflag:s30], $0x1400  }
0xb4: {  	[sflag:s30] =	ssyncset.done $0x0  }
0xb5: {  	[sflag:s30] =	ssyncadd.s32 $0xFFFFEC00  }
0xb6: {  	_ =	swait.ge [sflag:s30], $0x1400  }
0xb7: {  	[sflag:s30] =	ssyncset.done $0x0  }
0xb8: {  	[sflag:s30] =	ssyncadd.s32 $0xFFFFEC00  }
0xb9: {  	_ =	swait.ge [sflag:s30], $0x1400  }
0xba: {  	[sflag:s30] =	ssyncset.done $0x0  }
0xbb: {  	s11 =	sadd.s32 $0x280, s19;
	[sflag:s30] =	ssyncadd.s32 $0xFFFFEC00  }
0xbc: {  	[hbm4b:s11+s3] =	stream.linear.scatter [tilespmem:s25], [sflag:$0x2], $0x1400, $0x38;
	[tilespmem:$0xB400] =	vst v63  }
.Ltmp0:
0xbd: {  	s9 =	sadd.s32 $0x280, s9;
	(pc) =	sbr.rel @p1 .LBB2_2-.Ltmp0, $4  }
0xbe: {  	[hbm4b:s9+s3] =	stream.linear.scatter [tilespmem:s26], [sflag:$0x2], $0x1400, $0x38;
	[tilespmem:$0xB400] =	vst v63  }
0xbf: {  	s4 =	sadd.s32 $0x500, s4;
	s5 =	sadd.s32 $0x500, s5;
	s9 =	sadd.s32 $0x280, s10  }
0xc0: {  	[hbm4b:s9+s3] =	stream.linear.scatter [tilespmem:s28], [sflag:$0x2], $0x1400, $0x38;
	[tilespmem:$0xB400] =	vst v63  }
0xc1: {  	s7 =	sadd.s32 $0x500, s7;
	s6 =	sadd.s32 $0x500, s6;
	s9 =	sadd.s32 $0x280, s18  }
0xc2: {  	[hbm4b:s9+s3] =	stream.linear.scatter [tilespmem:s29], [sflag:$0x2], $0x1400, $0x38;
	[tilespmem:$0xB400] =	vst v63  }
0xc3: {  	s9 =	simm.s32 @!p0 $0x2  }
0xc4: {  	_ =	swait.ge @!p0 [sflag:s9], $0x1400  }
0xc5: {  	[sflag:s9] =	ssyncset.done @!p0 $0x0  }
0xc6: {  	[sflag:s9] =	ssyncadd.s32 @!p0 $0xFFFFEC00  }
0xc7: {  	_ =	swait.ge @!p0 [sflag:s9], $0x1400  }
0xc8: {  	[sflag:s9] =	ssyncset.done @!p0 $0x0  }
0xc9: {  	[sflag:s9] =	ssyncadd.s32 @!p0 $0xFFFFEC00  }
0xca: {  	_ =	swait.ge @!p0 [sflag:s9], $0x1400  }
0xcb: {  	[sflag:s9] =	ssyncset.done @!p0 $0x0  }
0xcc: {  	[sflag:s9] =	ssyncadd.s32 @!p0 $0xFFFFEC00  }
0xcd: {  	_ =	swait.ge @!p0 [sflag:s9], $0x1400  }
0xce: {  	s10 =	sshra.s32 s0, $0x2;
	[sflag:s9] =	ssyncset.done @!p0 $0x0  }
0xcf: {  	s19 =	sadd.s32 $0x28, s10;
	[sflag:s9] =	ssyncadd.s32 @!p0 $0xFFFFEC00  }
0xd0: {  	[tilespmem:s25], [sflag:$0x1] =	stream.indirect.gather [hbm4b:s2+s20], $0x80, s19, s20, $0xb8;
	[tilespmem:$0xB400] =	vst v63  }
0xd1: {  	s11 =	sadd.s32 $0x528, s10  }
0xd2: {  	[tilespmem:s26], [sflag:$0x1] =	stream.indirect.gather [hbm4b:s2+s20], $0x80, s11, s20, $0xb8;
	[tilespmem:$0xB400] =	vst v63  }
0xd3: {  	s12 =	sadd.s32 $0xA28, s10  }
0xd4: {  	[tilespmem:s28], [sflag:$0x1] =	stream.indirect.gather [hbm4b:s2+s20], $0x80, s12, s20, $0xb8;
	[tilespmem:$0xB400] =	vst v63  }
0xd5: {  	s13 =	sadd.s32 $0xF28, s10  }
0xd6: {  	[tilespmem:s29], [sflag:$0x1] =	stream.indirect.gather [hbm4b:s2+s20], $0x80, s13, s20, $0xb8;
	[tilespmem:$0xB400] =	vst v63  }
0xd7: {  	_ =	swait.ge [sflag:s30], $0x1400  }
0xd8: {  	[sflag:s30] =	ssyncset.done $0x0  }
0xd9: {  	[sflag:s30] =	ssyncadd.s32 $0xFFFFEC00  }
0xda: {  	_ =	swait.ge [sflag:s30], $0x1400  }
0xdb: {  	[sflag:s30] =	ssyncset.done $0x0  }
0xdc: {  	[sflag:s30] =	ssyncadd.s32 $0xFFFFEC00  }
0xdd: {  	_ =	swait.ge [sflag:s30], $0x1400  }
0xde: {  	[sflag:s30] =	ssyncset.done $0x0  }
0xdf: {  	[sflag:s30] =	ssyncadd.s32 $0xFFFFEC00  }
0xe0: {  	_ =	swait.ge [sflag:s30], $0x1400  }
0xe1: {  	[sflag:s30] =	ssyncset.done $0x0  }
0xe2: {  	s7 =	sadd.s32 s7, s8;
	[sflag:s30] =	ssyncadd.s32 $0xFFFFEC00  }
0xe3: {  	[hbm4b:s7+s3] =	stream.linear.scatter [tilespmem:s21], [sflag:$0x2], $0x1400, $0x38;
	[tilespmem:$0xB400] =	vst v63  }
0xe4: {  	s6 =	sadd.s32 s6, s8  }
0xe5: {  	[hbm4b:s6+s3] =	stream.linear.scatter [tilespmem:s22], [sflag:$0x2], $0x1400, $0x38;
	[tilespmem:$0xB400] =	vst v63  }
0xe6: {  	s5 =	sadd.s32 s5, s8  }
0xe7: {  	[hbm4b:s5+s3] =	stream.linear.scatter [tilespmem:s23], [sflag:$0x2], $0x1400, $0x38;
	[tilespmem:$0xB400] =	vst v63  }
0xe8: {  	s4 =	sadd.s32 s4, s8  }
0xe9: {  	[hbm4b:s4+s3] =	stream.linear.scatter [tilespmem:s24], [sflag:$0x2], $0x1400, $0x38;
	[tilespmem:$0xB400] =	vst v63  }
0xea: {  	_ =	swait.ge [sflag:s31], $0x1400  }
0xeb: {  	[sflag:s31] =	ssyncset.done $0x0  }
0xec: {  	[sflag:s31] =	ssyncadd.s32 $0xFFFFEC00  }
0xed: {  	_ =	swait.ge [sflag:s31], $0x1400  }
0xee: {  	[sflag:s31] =	ssyncset.done $0x0  }
0xef: {  	[sflag:s31] =	ssyncadd.s32 $0xFFFFEC00  }
0xf0: {  	_ =	swait.ge [sflag:s31], $0x1400  }
0xf1: {  	[sflag:s31] =	ssyncset.done $0x0  }
0xf2: {  	[sflag:s31] =	ssyncadd.s32 $0xFFFFEC00  }
0xf3: {  	p0 =	seq.s32 s0, $0x12C0;
	_ =	swait.ge [sflag:s31], $0x1400  }
0xf4: {  	s0 =	sshra.s32 @!p0 s0, $0x2;
	s9 =	simm.s32 @!p0 $0x1400;
	[sflag:s31] =	ssyncset.done $0x0  }
0xf5: {  	s10 =	sadd.s32 @!p0 $0x50, s0;
	s11 =	simm.s32 @!p0 $0x28;
	[sflag:s31] =	ssyncadd.s32 $0xFFFFEC00  }
0xf6: {  	[tilespmem:s9], [sflag:$0x1] =	stream.indirect.gather @!p0 [hbm4b:s2+s11], $0x80, s10, s11, $0xb8;
	[tilespmem:$0xB400] =	vst v63  }
0xf7: {  	s9 =	sadd.s32 @!p0 $0x550, s0;
	s10 =	simm.s32 @!p0 $0x2800  }
0xf8: {  	[tilespmem:s10], [sflag:$0x1] =	stream.indirect.gather @!p0 [hbm4b:s2+s11], $0x80, s9, s11, $0xb8;
	[tilespmem:$0xB400] =	vst v63  }
0xf9: {  	s9 =	sadd.s32 @!p0 $0xA50, s0;
	s10 =	simm.s32 @!p0 $0x3C00  }
0xfa: {  	[tilespmem:s10], [sflag:$0x1] =	stream.indirect.gather @!p0 [hbm4b:s2+s11], $0x80, s9, s11, $0xb8;
	[tilespmem:$0xB400] =	vst v63  }
0xfb: {  	s0 =	sadd.s32 @!p0 $0xF50, s0;
	s9 =	simm.s32 @!p0 $0x5000  }
0xfc: {  	[tilespmem:s9], [sflag:$0x1] =	stream.indirect.gather @!p0 [hbm4b:s2+s11], $0x80, s0, s11, $0xb8;
	[tilespmem:$0xB400] =	vst v63  }
0xfd: {  	_ =	swait.ge [sflag:s30], $0x1400  }
0xfe: {  	[sflag:s30] =	ssyncset.done $0x0  }
0xff: {  	[sflag:s30] =	ssyncadd.s32 $0xFFFFEC00  }
0x100: {  	_ =	swait.ge [sflag:s30], $0x1400  }
0x101: {  	[sflag:s30] =	ssyncset.done $0x0  }
0x102: {  	[sflag:s30] =	ssyncadd.s32 $0xFFFFEC00  }
0x103: {  	_ =	swait.ge [sflag:s30], $0x1400  }
0x104: {  	[sflag:s30] =	ssyncset.done $0x0  }
0x105: {  	[sflag:s30] =	ssyncadd.s32 $0xFFFFEC00  }
0x106: {  	_ =	swait.ge [sflag:s30], $0x1400  }
0x107: {  	[sflag:s30] =	ssyncset.done $0x0  }
0x108: {  	s14 =	sadd.s32 $0x280, s7;
	[sflag:s30] =	ssyncadd.s32 $0xFFFFEC00  }
0x109: {  	[hbm4b:s14+s3] =	stream.linear.scatter [tilespmem:s25], [sflag:$0x2], $0x1400, $0x38;
	[tilespmem:$0xB400] =	vst v63  }
0x10a: {  	s15 =	sadd.s32 $0x280, s6  }
0x10b: {  	[hbm4b:s15+s3] =	stream.linear.scatter [tilespmem:s26], [sflag:$0x2], $0x1400, $0x38;
	[tilespmem:$0xB400] =	vst v63  }
0x10c: {  	s17 =	sadd.s32 $0x280, s5  }
0x10d: {  	[hbm4b:s17+s3] =	stream.linear.scatter [tilespmem:s28], [sflag:$0x2], $0x1400, $0x38;
	[tilespmem:$0xB400] =	vst v63  }
0x10e: {  	s18 =	sadd.s32 $0x280, s4  }
0x10f: {  	[hbm4b:s18+s3] =	stream.linear.scatter [tilespmem:s29], [sflag:$0x2], $0x1400, $0x38;
	[tilespmem:$0xB400] =	vst v63  }
0x110: {  	_ =	swait.ge [sflag:s31], $0x1400  }
0x111: {  	[sflag:s31] =	ssyncset.done $0x0  }
0x112: {  	[sflag:s31] =	ssyncadd.s32 $0xFFFFEC00  }
0x113: {  	_ =	swait.ge [sflag:s31], $0x1400  }
0x114: {  	[sflag:s31] =	ssyncset.done $0x0  }
0x115: {  	[sflag:s31] =	ssyncadd.s32 $0xFFFFEC00  }
0x116: {  	_ =	swait.ge [sflag:s31], $0x1400  }
0x117: {  	[sflag:s31] =	ssyncset.done $0x0  }
0x118: {  	[sflag:s31] =	ssyncadd.s32 $0xFFFFEC00  }
0x119: {  	_ =	swait.ge [sflag:s31], $0x1400  }
0x11a: {  	s1 =	sadd.s32 $0x1, s1;
	s19 =	rddreg [dreg:$0x9]  }
0x11b: {  	p0 =	sne.s32 s1, s19  }
.Ltmp1:
0x11c: {  	_ = 	snop;
	(pc) =	sbr.rel @p0 .LBB2_1-.Ltmp1, $3  }
0x11d: {  	_ =	sdelay $0x1  }
0x11e: {  	[sflag:s31] =	ssyncset.done $0x0  }
0x11f: {  	[sflag:s31] =	ssyncadd.s32 $0xFFFFEC00  }
0x120: {  	_ =	sfence.sel $0x180000  }
0x121: {  	[bflag:$0x0] =	sbarrier.arrive $0xFFFF  }
0x122: {  	_ =	strace $0x90000047  }
0x123: {  	s0 =	stileid.u32;
	[bflag:$0x2] =	sbarrier.arrive $0xFFFF  }
0x124: {  	p0 =	sne.s32 s0, $0x0;
	s0 =	rddreg [dreg:$0x2]  }
0x125: {  	s0 =	sadd.s32 @!p0 $0x100000, s0  }
0x126: {  	[sflag:s0] =	ssyncadd.tile.s32 @!p0 $0x1;
	_ =	shalt  }
.Lfunc_end2:
_tile_overlayer_lowered:
.L_overlay_start_2:
0x127: {  	(tag) =	ssettag $0x2  }
0x128: {  	s0 =	rddreg [dreg:$0x0];
	s2 =	stileid.u32  }
0x129: {  	s1 =	rddreg [dreg:$0x1];
	p0 =	sne.s32 s2, $0x0  }
0x12a: {  	s3 =	rddreg [dreg:$0x2];
	[bflag:$0x3] =	sbarrier.arrive $0xFFFF;
	s2 =	simm.s32 @!p0 $0x1C03  }
0x12b: {  	[timem:s3], [sflag:s2] =	dma.local @!p0 [hbm:s0], s1  }
0x12c: {  	s0 =	simm.s32 @!p0 $0x3  }
0x12d: {  	_ =	swait.ge @!p0 [sflag:s0], s1  }
0x12e: {  	s1 =	ssub.s32 @!p0 $0x0, s1;
	[sflag:s0] =	ssyncset.done @!p0 $0x0  }
0x12f: {  	[sflag:s0] =	ssyncadd.s32 @!p0 s1  }
0x130: {  	[bflag:$0x3] =	sbarrier.arrive $0xFFFF  }
0x131: {  	_ =	shalt  }

// kernel: kernel.13.cloned.1.call-start
scs
__scs_entry_jumppad:
0x0: {  	(pc) =	sbr.rel $0x88, $3  }
0x1: {  	(tag) =	ssettag $0x0;
	lr =	simm.s32 $0x1  }
0x2: {  	[smem:$0x3F9D] =	sst lr;
	_ =	strace $0xD0000000  }
0x3: {  	_ = 	snop  }
0x4: {  	_ = 	snop  }
0x5: {  	_ = 	snop  }
0x6: {  	_ = 	snop  }
0x7: {  	_ = 	snop  }
__scs_overlays_trampoline_lowered:
0x8: {  	[smem:$0x3FAC] =	sst s0  }
0x9: {  	[smem:$0x3FAD] =	sst s1  }
0xa: {  	[smem:$0x3FAE] =	sst s2  }
0xb: {  	[smem:$0x3FAF] =	sst s3  }
0xc: {  	[smem:$0x3FB0] =	sst s4  }
0xd: {  	[smem:$0x3FB1] =	sst s5  }
0xe: {  	[smem:$0x3FB2] =	sst s6  }
0xf: {  	[smem:$0x3FB3] =	sst s7  }
0x10: {  	[smem:$0x3FB4] =	sst s8  }
0x11: {  	[smem:$0x3FB5] =	sst s9;
	s0 =	simm.s32 @!p0 $0x0  }
0x12: {  	s1 =	sld [smem:$0x3F9B];
	s0 =	simm.s32 @p0 $0x1  }
0x13: {  	[smem:$0x3FB6] =	sst s0;
	s0 =	simm.s32 @!p1 $0x0  }
0x14: {  	s2 =	sld [smem:$0x3F9A];
	s0 =	simm.s32 @p1 $0x1  }
0x15: {  	[smem:$0x3FB7] =	sst s0;
	s0 =	simm.s32 @!p2 $0x0  }
0x16: {  	s3 =	sld [smem:$0x3FDB];
	s0 =	simm.s32 @p2 $0x1  }
0x17: {  	s4 =	simm.s32 $0x1BF5;
	[smem:$0x3FB9] =	sst s0  }
0x18: {  	s0 =	sld [smem:$0x3F9C];
	_ =	swait.ge [sflag:s4], $0x0  }
0x19: {  	s7 =	sld [smem:$0x3F9D]  }
0x1a: {  	s8 =	sadd.s32 $0xFFFFE003, lr  }
0x1b: {  	s9 =	sadd.s32 $0xFFFFFEF7, lr;
	s5 =	simm.s32 $0xFFFFFFFF;
	p2 =	slt.u32 s8, $0xFFFFF086  }
0x1c: {  	p1 =	slt.u32 s9, $0xF7A;
	s5 =	simm.s32 @!p2 $0x0  }
0x1d: {  	s5 =	simm.s32 @p1 $0x1;
	p0 =	seq.s32 s7, s2  }
0x1e: {  	s7 =	smul.u32 @!p0 $0xF7A, s2;
	p2 =	seq.s32 @!p0 s5, $0x0  }
0x1f: {  	s9 =	smul.u32 $0xF7A, s1;
	s8 =	simm.s32 @!p0 $0x1BF5;
	p2 =	por !p2, p0  }
0x20: {  	[sflag:s8] =	ssyncset.s32 @!p0 $0xFFFFF086;
	s6 =	sadd.s32 @!p0 s3, s7;
	s7 =	simm.s32 @!p0 $0x108  }
0x21: {  	s3 =	sadd.s32 s3, s9;
	s6 =	sadd.s32 @!p0 $0x88, s6;
	s7 =	simm.s32 @p2 $0x1082  }
0x22: {  	[simem:s7], [sflag:s8] =	dma.local @!p0 [hbm:s6], $0xF7A  }
0x23: {  	s9 =	sor.u32 $0xD0000000, s2;
	s6 =	simm.s32 $0x108;
	_ =	swait.ge @!p0 [sflag:s8], $0x0  }
0x24: {  	s3 =	sadd.s32 $0x88, s3;
	s6 =	simm.s32 @!p1 $0x1082;
	[sflag:s4] =	ssyncset.s32 $0xFFFFF086  }
0x25: {  	[simem:s6], [sflag:s4] =	dma.local [hbm:s3], $0xF7A  }
0x26: {  	[smem:$0x3F9D] =	sst s1;
	(tag) =	ssettag s2;
	_ =	strace s9  }
0x27: {  	s1 =	sld [smem:$0x3FAD]  }
0x28: {  	s2 =	sld [smem:$0x3FAE]  }
0x29: {  	s4 =	sld [smem:$0x3FB0]  }
0x2a: {  	p0 =	seq.s32 s5, $0x0;
	s5 =	sld [smem:$0x3FB1]  }
0x2b: {  	s6 =	sld [smem:$0x3FB2]  }
0x2c: {  	s7 =	sld [smem:$0x3FB3]  }
0x2d: {  	s3 =	simm.s32 $0x108;
	s8 =	sld [smem:$0x3FB4]  }
0x2e: {  	s3 =	simm.s32 @!p0 $0x1082;
	s9 =	sld [smem:$0x3FB5]  }
0x2f: {  	lr =	sadd.s32 s0, s3;
	s0 =	sld [smem:$0x3FAC]  }
0x30: {  	s3 =	sld [smem:$0x3FAF]  }
0x31: {  	[smem:$0x3FB8] =	sst s10  }
0x32: {  	s10 =	sld [smem:$0x3FB6];
	_ =	sdelay $0x3  }
0x33: {  	p0 =	seq.s32 s10, $0x1;
	s10 =	sld [smem:$0x3FB8];
	_ =	sdelay $0x3  }
0x34: {  	[smem:$0x3FB8] =	sst s10  }
0x35: {  	s10 =	sld [smem:$0x3FB7];
	_ =	sdelay $0x3  }
0x36: {  	p1 =	seq.s32 s10, $0x1;
	s10 =	sld [smem:$0x3FB8];
	_ =	sdelay $0x3  }
0x37: {  	[smem:$0x3FB8] =	sst s10  }
0x38: {  	s10 =	sld [smem:$0x3FB9]  }
0x39: {  	_ = 	snop;
	(pc) =	sbr.ind lr, $3  }
0x3a: {  	_ = 	snop  }
0x3b: {  	_ = 	snop  }
0x3c: {  	p2 =	seq.s32 s10, $0x1;
	s10 =	sld [smem:$0x3FB8]  }
0x3d: {  	_ =	shalt  }
0x3e: {  	_ =	shalt  }
0x3f: {  	_ =	shalt  }
0x40: {  	_ =	shalt  }
0x41: {  	_ =	shalt  }
0x42: {  	_ =	shalt  }
0x43: {  	_ =	shalt  }
0x44: {  	_ =	shalt  }
0x45: {  	_ =	shalt  }
0x46: {  	_ =	shalt  }
0x47: {  	_ =	shalt  }
0x48: {  	_ =	shalt  }
0x49: {  	_ =	shalt  }
0x4a: {  	_ =	shalt  }
0x4b: {  	_ =	shalt  }
0x4c: {  	_ =	shalt  }
0x4d: {  	_ =	shalt  }
0x4e: {  	_ =	shalt  }
0x4f: {  	_ =	shalt  }
0x50: {  	_ =	shalt  }
0x51: {  	_ =	shalt  }
0x52: {  	_ =	shalt  }
0x53: {  	_ =	shalt  }
0x54: {  	_ =	shalt  }
0x55: {  	_ =	shalt  }
0x56: {  	_ =	shalt  }
0x57: {  	_ =	shalt  }
0x58: {  	_ =	shalt  }
0x59: {  	_ =	shalt  }
0x5a: {  	_ =	shalt  }
0x5b: {  	_ =	shalt  }
0x5c: {  	_ =	shalt  }
0x5d: {  	_ =	shalt  }
0x5e: {  	_ =	shalt  }
0x5f: {  	_ =	shalt  }
0x60: {  	_ =	shalt  }
0x61: {  	_ =	shalt  }
0x62: {  	_ =	shalt  }
0x63: {  	_ =	shalt  }
0x64: {  	_ =	shalt  }
0x65: {  	_ =	shalt  }
0x66: {  	_ =	shalt  }
0x67: {  	_ =	shalt  }
0x68: {  	_ =	shalt  }
0x69: {  	_ =	shalt  }
0x6a: {  	_ =	shalt  }
0x6b: {  	_ =	shalt  }
0x6c: {  	_ =	shalt  }
0x6d: {  	_ =	shalt  }
0x6e: {  	_ =	shalt  }
0x6f: {  	_ =	shalt  }
0x70: {  	_ =	shalt  }
0x71: {  	_ =	shalt  }
0x72: {  	_ =	shalt  }
0x73: {  	_ =	shalt  }
0x74: {  	_ =	shalt  }
0x75: {  	_ =	shalt  }
0x76: {  	_ =	shalt  }
0x77: {  	_ =	shalt  }
0x78: {  	_ =	shalt  }
0x79: {  	_ =	shalt  }
0x7a: {  	_ =	shalt  }
0x7b: {  	_ =	shalt  }
0x7c: {  	_ =	shalt  }
0x7d: {  	_ =	shalt  }
0x7e: {  	_ =	shalt  }
0x7f: {  	_ =	shalt  }
0x80: {  	_ =	shalt  }
0x81: {  	_ =	shalt  }
0x82: {  	_ =	shalt  }
0x83: {  	_ =	shalt  }
0x84: {  	_ =	shalt  }
0x85: {  	_ =	shalt  }
0x86: {  	_ =	shalt  }
0x87: {  	_ =	shalt  }
.Lfunc_end0:
.L_simem_size_0:
called_computation.2_lowered:
.L_overlay_start_0:
0x88: {  	s2 =	sld [smem:$0x3FD9]  }
0x89: {  	s3 =	sld [smem:$0x3FFE];
	_ =	sdelay $0x1  }
0x8a: {  	s1 =	srdreg.scid  }
0x8b: {  	s0 =	sand.u32 $0x1, s1  }
0x8c: {  	s17 =	sshll.u32 s0, $0xA;
	s2 =	sadd.s32 s3, s2  }
0x8d: {  	s2 =	sadd.s32 s2, s17  }
0x8e: {  	[smem:$0x3FC4] =	sst s2  }
0x8f: {  	_ = 	snop  }
0x90: {  	s18 =	sld [smem:$0x3FD0];
	(tm) =	ssettm $0x1  }
0x91: {  	s19 =	sld [smem:$0x3FFB];
	_ =	sdelay $0x3  }
0x92: {  	_ =	strace s19  }
0x93: {  	s2 =	sld [smem:$0x3FFC];
	_ =	sdelay $0x3  }
0x94: {  	_ =	strace s2  }
0x95: {  	s2 =	sld [smem:$0x3FFD];
	_ =	sdelay $0x3  }
0x96: {  	_ =	strace s2  }
0x97: {  	_ =	strace $0x8FFFFFFF  }
0x98: {  	s20 =	sld [smem:$0x3FDB];
	_ =	sdelay $0x1  }
0x99: {  	s4 =	simm.s32 $_scs_section_size  }
0x9a: {  	s5 =	simm.s32 $_size__tile_overlayer_lowered;
	s6 =	simm.s32 $_tile_overlayer_lowered  }
0x9b: {  	s7 =	simm.s32 $0x1BFF;
	s21 =	sshll.u32 s6, $0x1;
	s4 =	sadd.s32 s4, s20  }
0x9c: {  	s22 =	simm.s32 $0x0;
	s5 =	sshll.u32 s5, $0x1;
	s6 =	sadd.s32 s21, s4  }
0x9d: {  	[timem:s22], [sflag:s7] =	dma.local [hbm:s6], s5  }
0x9e: {  	_ =	swait.ge [sflag:s7], s5  }
0x9f: {  	s5 =	ssub.s32 $0x0, s5;
	[sflag:s7] =	ssyncset.done $0x0  }
0xa0: {  	[sflag:s7] =	ssyncadd.s32 s5;
	_ =	sdelay $0x1  }
0xa1: {  	s23 =	simm.s32 $0x1B8B  }
0xa2: {  	_ =	swait.ge [sflag:s23], $0x1  }
0xa3: {  	[sflag:s23] =	ssyncset.done $0x0  }
0xa4: {  	[sflag:s23] =	ssyncadd.s32 $0xFFFFFFFF  }
0xa5: {  	s5 =	sld [smem:$0x0]  }
0xa6: {  	s6 =	sand.u32 $0xFFFFFFFE, s1  }
0xa7: {  	p0 =	sne.s32 s1, s6  }
0xa8: {  	s6 =	sshll.u32 @p0 s6, $0xE  }
0xa9: {  	s6 =	sadd.s32 @p0 $0x11B8D, s6;
	s7 =	sshll.u32 @p0 s5, $0x11  }
0xaa: {  	s6 =	sor.u32 @p0 s7, s6  }
0xab: {  	[sflag:s6] =	ssyncadd.remote.s32 @p0 $0x1;
	_ =	sdelay $0x1  }
0xac: {  	s6 =	simm.s32 @p0 $0x1B8D  }
0xad: {  	_ =	swait.eq @p0 [sflag:s6], $0x1  }
0xae: {  	[sflag:s6] =	ssyncadd.s32 @p0 $0xFFFFFFFF  }
0xaf: {  	s7 =	sshll.u32 @!p0 s1, $0xE  }
0xb0: {  	s7 =	sor.u32 @!p0 $0x4000, s7;
	s6 =	simm.s32 @!p0 $0x1B8D  }
0xb1: {  	s5 =	sshll.u32 @!p0 s5, $0x11;
	s7 =	sadd.s32 @!p0 $0x11B8D, s7;
	_ =	swait.eq @!p0 [sflag:s6], $0x1  }
0xb2: {  	s5 =	sor.u32 @!p0 s5, s7;
	[sflag:s6] =	ssyncadd.s32 @!p0 $0xFFFFFFFF  }
0xb3: {  	s25 =	simm.s32 $0x1B8E;
	s24 =	sld [smem:$0x3FFE];
	[sflag:s5] =	ssyncadd.remote.s32 @!p0 $0x1  }
0xb4: {  	s26 =	simm.s32 $execute0_lowered;
	[smem:$0x3FD2] =	sst s25  }
0xb5: {  	s6 =	sshll.u32 s26, $0x1;
	_ =	strace $0x80000049;
	[dreg:$0x1] =	wrdreg $0xFFFFFFFF  }
0xb6: {  	s28 =	simm.s32 $_size_execute0_lowered;
	s4 =	sadd.s32 s4, s6;
	[dreg:$0x0] =	wrdreg $0x0  }
0xb7: {  	s6 =	sshll.u32 s28, $0x1;
	[dreg:$0x2] =	wrdreg s4  }
0xb8: {  	[dreg:$0x3] =	wrdreg s6  }
0xb9: {  	[dreg:$0x4] =	wrdreg $0xC0  }
0xba: {  	_ =	task [dreg:s22], $0x5FFFF  }
0xbb: {  	[dreg:$0x1] =	wrdreg $0xFFFFFFFF  }
0xbc: {  	[dreg:$0x0] =	wrdreg $0x60  }
0xbd: {  	[dreg:$0x2] =	wrdreg s18  }
0xbe: {  	[dreg:$0x3] =	wrdreg s24  }
0xbf: {  	[dreg:$0x4] =	wrdreg $0xA  }
0xc0: {  	_ =	task.clear_ibuf [dreg:s22], $0x5FFFF;
	_ =	strace $0x90000049  }
0xc1: {  	s29 =	simm.s32 $0xA;
	_ =	strace $0x8000004B  }
0xc2: {  	_ =	swait.ge [sflag:s29], $0x1  }
0xc3: {  	[sflag:s29] =	ssyncadd.s32 $0xFFFFFFFF  }
0xc4: {  	_ =	strace $0x9000004B  }
0xc5: {  	_ =	sfence  }
0xc6: {  	s30 =	sld [smem:$0x0];
	_ =	sdelay $0x2  }
0xc7: {  	s31 =	sshll.u32 s1, $0xD;
	s1 =	sshrl.u32 s1, $0x2  }
0xc8: {  	s4 =	sand.u32 $0x4000, s31;
	s1 =	sadd.s32 s1, s30  }
0xc9: {  	s0 =	sor.u32 s4, s0;
	s1 =	sshll.u32 s1, $0x11  }
0xca: {  	s0 =	sor.u32 s1, s0  }
0xcb: {  	s0 =	sadd.s32 $0x8F2B, s0  }
0xcc: {  	[sflag:s0] =	ssyncadd.remote.s32 $0x1  }
0xcd: {  	_ =	sfence.sel $0xFFFF  }
0xce: {  	[dreg:$0x0] =	wrdreg $0xFFFFFFFF;
	(pc) =	sbr.abs _section_cstart, $3  }
0xcf: {  	[dreg:$0x1] =	wrdreg $0xFFFFFFFF  }
0xd0: {  	_ =	task.clear_ibuf [dreg:s22], $0x2FFFF;
	_ =	strace $0x9FFFFFFF  }
0xd1: {  	(tm) =	ssettm $0x7FFFFFFF  }
tec
execute0_lowered:
.L_overlay_start_1:
0x0: {  	(tag) =	ssettag $0x1  }
0x1: {  	s0 =	srdreg.scid;
	s5 =	stileid.u32  }
0x2: {  	s2 =	rddreg [dreg:$0x0];
	s0 =	sand.u32 $0x1, s0;
	s1 =	sshll.u32 s5, $0x1  }
0x3: {  	s4 =	rddreg [dreg:$0x1];
	s1 =	sor.u32 s0, s1;
	s19 =	ssub.s32 $0x2, s0  }
0x4: {  	s3 =	simm.s32 $0x0;
	s1 =	smul.u32 $0x280, s1;
	s6 =	sshrl.u32 s19, $0x1  }
0x5: {  	[smem:$0x7FF] =	sst s3;
	s22 =	ssub.s32 s19, s6  }
0x6: {  	s8 =	smul.u32 $0x5000, s0;
	s1 =	sadd.s32 s1, s4;
	s0 =	smax.u32 s22, $0x1  }
0x7: {  	_ =	strace $0x8000004A;
	s7 =	sadd.s32 $0x8400, s1;
	[dreg:$0x9] =	wrdreg s0  }
0x8: {  	s5 =	smul.u32 $0xA000, s5;
	s20 =	sadd.s32 $0x8410, s1;
	[dreg:$0x3] =	wrdreg s7  }
0x9: {  	s16 =	simm.s32 $0x3;
	s21 =	sadd.s32 $0x8420, s1;
	[dreg:$0x4] =	wrdreg s20  }
0xa: {  	s4 =	sadd.s32 s5, s4;
	s1 =	sadd.s32 $0x8430, s1;
	[dreg:$0x5] =	wrdreg s21  }
0xb: {  	s28 =	simm.s32 $0x8C00;
	s23 =	sadd.s32 $0x292400, s4;
	[dreg:$0x6] =	wrdreg s1  }
0xc: {  	s29 =	simm.s32 $0xA000;
	s24 =	sadd.s32 $0x332400, s4;
	[dreg:$0x7] =	wrdreg s23  }
0xd: {  	s30 =	simm.s32 $0x1;
	s25 =	sadd.s32 $0x3D2400, s4;
	[dreg:$0x8] =	wrdreg s24  }
0xe: {  	s31 =	simm.s32 $0x2;
	s26 =	sadd.s32 $0x472400, s4;
	[dreg:$0xa] =	wrdreg s25  }
0xf: {  	s22 =	simm.s32 $0x2800;
	[dreg:$0xb] =	wrdreg s26;
	s20 =	simm.s32 $0x28  }
0x10: {  	s21 =	simm.s32 $0x1400;
	s23 =	simm.s32 $0x3C00;
	s24 =	simm.s32 $0x5000  }
0x11: {  	s25 =	simm.s32 $0x6400;
	s26 =	simm.s32 $0x7800;
	s1 =	simm.s32 $0x0  }
.LBB2_1:
0x12: {  	s0 =	rddreg [dreg:$0x3];
	s4 =	simm.s32 $0x80;
	s5 =	simm.s32 $0x200  }
0x13: {  	[tilespmem:s3], [sflag:$0x3] =	stream.strided.gather [hbm4b:s0+s4], $0x500, s5, s4, $0x38;
	[tilespmem:$0xB400] =	vst v63  }
0x14: {  	_ =	swait.ge [sflag:s16], $0x500  }
0x15: {  	[sflag:s16] =	ssyncset.done $0x0  }
0x16: {  	s6 =	simm.s32 $0x500;
	s13 =	rddreg [dreg:$0x4];
	[sflag:s16] =	ssyncadd.s32 $0xFFFFFB00  }
0x17: {  	[tilespmem:s6], [sflag:$0x3] =	stream.strided.gather [hbm4b:s13+s4], $0x500, s5, s4, $0x38;
	[tilespmem:$0xB400] =	vst v63  }
0x18: {  	_ =	swait.ge [sflag:s16], $0x500  }
0x19: {  	[sflag:s16] =	ssyncset.done $0x0  }
0x1a: {  	s7 =	simm.s32 $0xA00;
	s14 =	rddreg [dreg:$0x5];
	[sflag:s16] =	ssyncadd.s32 $0xFFFFFB00  }
0x1b: {  	[tilespmem:s7], [sflag:$0x3] =	stream.strided.gather [hbm4b:s14+s4], $0x500, s5, s4, $0x38;
	[tilespmem:$0xB400] =	vst v63  }
0x1c: {  	_ =	swait.ge [sflag:s16], $0x500  }
0x1d: {  	[sflag:s16] =	ssyncset.done $0x0  }
0x1e: {  	s9 =	simm.s32 $0xF00;
	s15 =	rddreg [dreg:$0x6];
	[sflag:s16] =	ssyncadd.s32 $0xFFFFFB00  }
0x1f: {  	[tilespmem:s9], [sflag:$0x3] =	stream.strided.gather [hbm4b:s15+s4], $0x500, s5, s4, $0x38;
	[tilespmem:$0xB400] =	vst v63  }
0x20: {  	_ =	swait.ge [sflag:s16], $0x500  }
0x21: {  	[sflag:s16] =	ssyncset.done $0x0  }
0x22: {  	[sflag:s16] =	ssyncadd.s32 $0xFFFFFB00  }
0x23: {  	[tilespmem:s21], [sflag:$0x1] =	stream.indirect.gather [hbm4b:s2+s20], $0x80, s3, s20, $0xb8;
	[tilespmem:$0xB400] =	vst v63  }
0x24: {  	p0 =	por $0x1, $0x1  }
0x25: {  	[tilespmem:s22], [sflag:$0x1] =	stream.indirect.gather [hbm4b:s2+s20], $0x80, s6, s20, $0xb8;
	[tilespmem:$0xB400] =	vst v63  }
0x26: {  	p0 =	por p0, p0  }
0x27: {  	[tilespmem:s23], [sflag:$0x1] =	stream.indirect.gather [hbm4b:s2+s20], $0x80, s7, s20, $0xb8;
	[tilespmem:$0xB400] =	vst v63  }
0x28: {  	s0 =	simm.s32 @!p0 $0x2  }
0x29: {  	[tilespmem:s24], [sflag:$0x1] =	stream.indirect.gather [hbm4b:s2+s20], $0x80, s9, s20, $0xb8;
	[tilespmem:$0xB400] =	vst v63  }
0x2a: {  	_ =	swait.ge @!p0 [sflag:s0], $0x1400  }
0x2b: {  	[sflag:s0] =	ssyncset.done @!p0 $0x0  }
0x2c: {  	[sflag:s0] =	ssyncadd.s32 @!p0 $0xFFFFEC00  }
0x2d: {  	_ =	swait.ge @!p0 [sflag:s0], $0x1400  }
0x2e: {  	[sflag:s0] =	ssyncset.done @!p0 $0x0  }
0x2f: {  	[sflag:s0] =	ssyncadd.s32 @!p0 $0xFFFFEC00  }
0x30: {  	_ =	swait.ge @!p0 [sflag:s0], $0x1400  }
0x31: {  	[sflag:s0] =	ssyncset.done @!p0 $0x0  }
0x32: {  	[sflag:s0] =	ssyncadd.s32 @!p0 $0xFFFFEC00  }
0x33: {  	_ =	swait.ge @!p0 [sflag:s0], $0x1400  }
0x34: {  	[sflag:s0] =	ssyncset.done @!p0 $0x0  }
0x35: {  	s17 =	simm.s32 $0x28;
	[sflag:s0] =	ssyncadd.s32 @!p0 $0xFFFFEC00  }
0x36: {  	[tilespmem:s25], [sflag:$0x1] =	stream.indirect.gather [hbm4b:s2+s20], $0x80, s17, s20, $0xb8;
	[tilespmem:$0xB400] =	vst v63  }
0x37: {  	s18 =	simm.s32 $0x528  }
0x38: {  	[tilespmem:s26], [sflag:$0x1] =	stream.indirect.gather [hbm4b:s2+s20], $0x80, s18, s20, $0xb8;
	[tilespmem:$0xB400] =	vst v63  }
0x39: {  	s19 =	simm.s32 $0xA28  }
0x3a: {  	[tilespmem:s28], [sflag:$0x1] =	stream.indirect.gather [hbm4b:s2+s20], $0x80, s19, s20, $0xb8;
	[tilespmem:$0xB400] =	vst v63  }
0x3b: {  	s4 =	simm.s32 $0xF28  }
0x3c: {  	[tilespmem:s29], [sflag:$0x1] =	stream.indirect.gather [hbm4b:s2+s20], $0x80, s4, s20, $0xb8;
	[tilespmem:$0xB400] =	vst v63  }
0x3d: {  	_ =	swait.ge [sflag:s30], $0x1400  }
0x3e: {  	[sflag:s30] =	ssyncset.done $0x0  }
0x3f: {  	[sflag:s30] =	ssyncadd.s32 $0xFFFFEC00  }
0x40: {  	_ =	swait.ge [sflag:s30], $0x1400  }
0x41: {  	[sflag:s30] =	ssyncset.done $0x0  }
0x42: {  	[sflag:s30] =	ssyncadd.s32 $0xFFFFEC00  }
0x43: {  	_ =	swait.ge [sflag:s30], $0x1400  }
0x44: {  	[sflag:s30] =	ssyncset.done $0x0  }
0x45: {  	[sflag:s30] =	ssyncadd.s32 $0xFFFFEC00  }
0x46: {  	_ =	swait.ge [sflag:s30], $0x1400  }
0x47: {  	[sflag:s30] =	ssyncset.done $0x0;
	s11 =	rddreg [dreg:$0x7]  }
0x48: {  	s12 =	rddreg [dreg:$0x8];
	[sflag:s30] =	ssyncadd.s32 $0xFFFFEC00;
	s5 =	sadd.s32 s11, s8  }
0x49: {  	[hbm4b:s5+s3] =	stream.linear.scatter [tilespmem:s21], [sflag:$0x2], $0x1400, $0x38;
	[tilespmem:$0xB400] =	vst v63  }
0x4a: {  	s13 =	rddreg [dreg:$0xa];
	s6 =	sadd.s32 s12, s8  }
0x4b: {  	[hbm4b:s6+s3] =	stream.linear.scatter [tilespmem:s22], [sflag:$0x2], $0x1400, $0x38;
	[tilespmem:$0xB400] =	vst v63  }
0x4c: {  	s14 =	rddreg [dreg:$0xb];
	s15 =	sadd.s32 s13, s8  }
0x4d: {  	[hbm4b:s15+s3] =	stream.linear.scatter [tilespmem:s23], [sflag:$0x2], $0x1400, $0x38;
	[tilespmem:$0xB400] =	vst v63  }
0x4e: {  	s18 =	sadd.s32 s14, s8  }
0x4f: {  	[hbm4b:s18+s3] =	stream.linear.scatter [tilespmem:s24], [sflag:$0x2], $0x1400, $0x38;
	[tilespmem:$0xB400] =	vst v63  }
0x50: {  	_ =	swait.ge [sflag:s31], $0x1400  }
0x51: {  	[sflag:s31] =	ssyncset.done $0x0  }
0x52: {  	[sflag:s31] =	ssyncadd.s32 $0xFFFFEC00  }
0x53: {  	_ =	swait.ge [sflag:s31], $0x1400  }
0x54: {  	[sflag:s31] =	ssyncset.done $0x0  }
0x55: {  	[sflag:s31] =	ssyncadd.s32 $0xFFFFEC00  }
0x56: {  	_ =	swait.ge [sflag:s31], $0x1400  }
0x57: {  	[sflag:s31] =	ssyncset.done $0x0  }
0x58: {  	[sflag:s31] =	ssyncadd.s32 $0xFFFFEC00  }
0x59: {  	p0 =	por $0x0, $0x0;
	_ =	swait.ge [sflag:s31], $0x1400  }
0x5a: {  	s7 =	simm.s32 @!p0 $0x1400;
	[sflag:s31] =	ssyncset.done $0x0  }
0x5b: {  	s9 =	simm.s32 @!p0 $0x50;
	s10 =	simm.s32 @!p0 $0x28;
	[sflag:s31] =	ssyncadd.s32 $0xFFFFEC00  }
0x5c: {  	[tilespmem:s7], [sflag:$0x1] =	stream.indirect.gather @!p0 [hbm4b:s2+s10], $0x80, s9, s10, $0xb8;
	[tilespmem:$0xB400] =	vst v63  }
0x5d: {  	s7 =	simm.s32 @!p0 $0x550;
	s9 =	simm.s32 @!p0 $0x2800  }
0x5e: {  	[tilespmem:s9], [sflag:$0x1] =	stream.indirect.gather @!p0 [hbm4b:s2+s10], $0x80, s7, s10, $0xb8;
	[tilespmem:$0xB400] =	vst v63  }
0x5f: {  	s7 =	simm.s32 @!p0 $0xA50;
	s9 =	simm.s32 @!p0 $0x3C00  }
0x60: {  	[tilespmem:s9], [sflag:$0x1] =	stream.indirect.gather @!p0 [hbm4b:s2+s10], $0x80, s7, s10, $0xb8;
	[tilespmem:$0xB400] =	vst v63  }
0x61: {  	s7 =	simm.s32 @!p0 $0xF50;
	s9 =	simm.s32 @!p0 $0x5000  }
0x62: {  	[tilespmem:s9], [sflag:$0x1] =	stream.indirect.gather @!p0 [hbm4b:s2+s10], $0x80, s7, s10, $0xb8;
	[tilespmem:$0xB400] =	vst v63  }
0x63: {  	_ =	swait.ge [sflag:s30], $0x1400  }
0x64: {  	[sflag:s30] =	ssyncset.done $0x0  }
0x65: {  	[sflag:s30] =	ssyncadd.s32 $0xFFFFEC00  }
0x66: {  	_ =	swait.ge [sflag:s30], $0x1400  }
0x67: {  	[sflag:s30] =	ssyncset.done $0x0  }
0x68: {  	[sflag:s30] =	ssyncadd.s32 $0xFFFFEC00  }
0x69: {  	_ =	swait.ge [sflag:s30], $0x1400  }
0x6a: {  	[sflag:s30] =	ssyncset.done $0x0  }
0x6b: {  	[sflag:s30] =	ssyncadd.s32 $0xFFFFEC00  }
0x6c: {  	p6 =	por $0x0, $0x0;
	s17 =	simm.s32 $0x280;
	_ =	swait.ge [sflag:s30], $0x1400  }
0x6d: {  	s0 =	sadd.s32 $0x280, s5;
	s4 =	sadd.s32 $0x280, s6;
	[sflag:s30] =	ssyncset.done $0x0  }
0x6e: {  	s19 =	sadd.s32 $0x280, s15;
	s5 =	sadd.s32 $0x500, s13;
	[sflag:s30] =	ssyncadd.s32 $0xFFFFEC00  }
0x6f: {  	[hbm4b:s0+s3] =	stream.linear.scatter [tilespmem:s25], [sflag:$0x2], $0x1400, $0x38;
	[tilespmem:$0xB400] =	vst v63  }
0x70: {  	s6 =	sadd.s32 $0x500, s12;
	p0 =	por p6, p6;
	s9 =	sadd.s32 $0x280, s18  }
0x71: {  	[hbm4b:s4+s3] =	stream.linear.scatter [tilespmem:s26], [sflag:$0x2], $0x1400, $0x38;
	[tilespmem:$0xB400] =	vst v63  }
0x72: {  	s7 =	sadd.s32 $0x500, s11;
	s0 =	simm.s32 $0x140;
	s4 =	sadd.s32 $0x500, s14  }
0x73: {  	[hbm4b:s19+s3] =	stream.linear.scatter [tilespmem:s28], [sflag:$0x2], $0x1400, $0x38;
	[tilespmem:$0xB400] =	vst v63  }
.LBB2_2:
0x74: {  	[hbm4b:s9+s3] =	stream.linear.scatter [tilespmem:s29], [sflag:$0x2], $0x1400, $0x38;
	[tilespmem:$0xB400] =	vst v63  }
0x75: {  	s11 =	smov.u32 s17  }
0x76: {  	s17 =	sadd.s32 $0x140, s17;
	s9 =	simm.s32 @!p0 $0x2;
	p2 =	seq.s32 s11, $0x0  }
0x77: {  	p1 =	sne.s32 s17, $0x1400;
	_ =	swait.ge @!p0 [sflag:s9], $0x1400  }
0x78: {  	[sflag:s9] =	ssyncset.done @!p0 $0x0  }
0x79: {  	[sflag:s9] =	ssyncadd.s32 @!p0 $0xFFFFEC00  }
0x7a: {  	_ =	swait.ge @!p0 [sflag:s9], $0x1400  }
0x7b: {  	[sflag:s9] =	ssyncset.done @!p0 $0x0  }
0x7c: {  	[sflag:s9] =	ssyncadd.s32 @!p0 $0xFFFFEC00  }
0x7d: {  	_ =	swait.ge @!p0 [sflag:s9], $0x1400  }
0x7e: {  	[sflag:s9] =	ssyncset.done @!p0 $0x0  }
0x7f: {  	[sflag:s9] =	ssyncadd.s32 @!p0 $0xFFFFEC00  }
0x80: {  	_ =	swait.ge @!p0 [sflag:s9], $0x1400  }
0x81: {  	s10 =	sshra.s32 s0, $0x2;
	[sflag:s9] =	ssyncset.done @!p0 $0x0  }
0x82: {  	[sflag:s9] =	ssyncadd.s32 @!p0 $0xFFFFEC00;
	s9 =	sadd.s32 $0x28, s10;
	p0 =	por p2, p2  }
0x83: {  	[tilespmem:s25], [sflag:$0x1] =	stream.indirect.gather [hbm4b:s2+s20], $0x80, s9, s20, $0xb8;
	[tilespmem:$0xB400] =	vst v63  }
0x84: {  	s9 =	sadd.s32 $0x528, s10  }
0x85: {  	[tilespmem:s26], [sflag:$0x1] =	stream.indirect.gather [hbm4b:s2+s20], $0x80, s9, s20, $0xb8;
	[tilespmem:$0xB400] =	vst v63  }
0x86: {  	s9 =	sadd.s32 $0xA28, s10  }
0x87: {  	[tilespmem:s28], [sflag:$0x1] =	stream.indirect.gather [hbm4b:s2+s20], $0x80, s9, s20, $0xb8;
	[tilespmem:$0xB400] =	vst v63  }
0x88: {  	s9 =	sadd.s32 $0xF28, s10  }
0x89: {  	[tilespmem:s29], [sflag:$0x1] =	stream.indirect.gather [hbm4b:s2+s20], $0x80, s9, s20, $0xb8;
	[tilespmem:$0xB400] =	vst v63  }
0x8a: {  	_ =	swait.ge [sflag:s30], $0x1400  }
0x8b: {  	[sflag:s30] =	ssyncset.done $0x0  }
0x8c: {  	[sflag:s30] =	ssyncadd.s32 $0xFFFFEC00  }
0x8d: {  	_ =	swait.ge [sflag:s30], $0x1400  }
0x8e: {  	[sflag:s30] =	ssyncset.done $0x0  }
0x8f: {  	[sflag:s30] =	ssyncadd.s32 $0xFFFFEC00  }
0x90: {  	_ =	swait.ge [sflag:s30], $0x1400  }
0x91: {  	[sflag:s30] =	ssyncset.done $0x0  }
0x92: {  	[sflag:s30] =	ssyncadd.s32 $0xFFFFEC00  }
0x93: {  	_ =	swait.ge [sflag:s30], $0x1400  }
0x94: {  	[sflag:s30] =	ssyncset.done $0x0  }
0x95: {  	s19 =	sadd.s32 s7, s8;
	[sflag:s30] =	ssyncadd.s32 $0xFFFFEC00  }
0x96: {  	[hbm4b:s19+s3] =	stream.linear.scatter [tilespmem:s21], [sflag:$0x2], $0x1400, $0x38;
	[tilespmem:$0xB400] =	vst v63  }
0x97: {  	s9 =	sadd.s32 s6, s8  }
0x98: {  	[hbm4b:s9+s3] =	stream.linear.scatter [tilespmem:s22], [sflag:$0x2], $0x1400, $0x38;
	[tilespmem:$0xB400] =	vst v63  }
0x99: {  	s10 =	sadd.s32 s5, s8  }
0x9a: {  	[hbm4b:s10+s3] =	stream.linear.scatter [tilespmem:s23], [sflag:$0x2], $0x1400, $0x38;
	[tilespmem:$0xB400] =	vst v63  }
0x9b: {  	s18 =	sadd.s32 s4, s8  }
0x9c: {  	[hbm4b:s18+s3] =	stream.linear.scatter [tilespmem:s24], [sflag:$0x2], $0x1400, $0x38;
	[tilespmem:$0xB400] =	vst v63  }
0x9d: {  	_ =	swait.ge [sflag:s31], $0x1400  }
0x9e: {  	[sflag:s31] =	ssyncset.done $0x0  }
0x9f: {  	[sflag:s31] =	ssyncadd.s32 $0xFFFFEC00  }
0xa0: {  	_ =	swait.ge [sflag:s31], $0x1400  }
0xa1: {  	[sflag:s31] =	ssyncset.done $0x0  }
0xa2: {  	[sflag:s31] =	ssyncadd.s32 $0xFFFFEC00  }
0xa3: {  	_ =	swait.ge [sflag:s31], $0x1400  }
0xa4: {  	[sflag:s31] =	ssyncset.done $0x0  }
0xa5: {  	[sflag:s31] =	ssyncadd.s32 $0xFFFFEC00  }
0xa6: {  	p2 =	seq.s32 s0, $0x12C0;
	_ =	swait.ge [sflag:s31], $0x1400  }
0xa7: {  	s0 =	sshra.s32 @!p2 s0, $0x2;
	s14 =	simm.s32 @!p2 $0x1400;
	[sflag:s31] =	ssyncset.done $0x0  }
0xa8: {  	s12 =	simm.s32 @!p2 $0x28;
	s15 =	sadd.s32 @!p2 $0x50, s0;
	[sflag:s31] =	ssyncadd.s32 $0xFFFFEC00  }
0xa9: {  	[tilespmem:s14], [sflag:$0x1] =	stream.indirect.gather @!p2 [hbm4b:s2+s12], $0x80, s15, s12, $0xb8;
	[tilespmem:$0xB400] =	vst v63  }
0xaa: {  	s13 =	sadd.s32 @!p2 $0xA50, s0;
	s14 =	sadd.s32 @!p2 $0x550, s0;
	s15 =	simm.s32 @!p2 $0x2800  }
0xab: {  	[tilespmem:s15], [sflag:$0x1] =	stream.indirect.gather @!p2 [hbm4b:s2+s12], $0x80, s14, s12, $0xb8;
	[tilespmem:$0xB400] =	vst v63  }
0xac: {  	s14 =	simm.s32 @!p2 $0x3C00;
	s15 =	sadd.s32 @!p2 $0xF50, s0;
	s0 =	smov.u32 s11  }
0xad: {  	[tilespmem:s14], [sflag:$0x1] =	stream.indirect.gather @!p2 [hbm4b:s2+s12], $0x80, s13, s12, $0xb8;
	[tilespmem:$0xB400] =	vst v63  }
0xae: {  	s11 =	simm.s32 @!p2 $0x5000  }
0xaf: {  	[tilespmem:s11], [sflag:$0x1] =	stream.indirect.gather @!p2 [hbm4b:s2+s12], $0x80, s15, s12, $0xb8;
	[tilespmem:$0xB400] =	vst v63  }
0xb0: {  	_ =	swait.ge [sflag:s30], $0x1400  }
0xb1: {  	[sflag:s30] =	ssyncset.done $0x0  }
0xb2: {  	[sflag:s30] =	ssyncadd.s32 $0xFFFFEC00  }
0xb3: {  	_ =	swait.ge [sflag:s30], $0x1400  }
0xb4: {  	[sflag:s30] =	ssyncset.done $0x0  }
0xb5: {  	[sflag:s30] =	ssyncadd.s32 $0xFFFFEC00  }
0xb6: {  	_ =	swait.ge [sflag:s30], $0x1400  }
0xb7: {  	[sflag:s30] =	ssyncset.done $0x0  }
0xb8: {  	[sflag:s30] =	ssyncadd.s32 $0xFFFFEC00  }
0xb9: {  	_ =	swait.ge [sflag:s30], $0x1400  }
0xba: {  	[sflag:s30] =	ssyncset.done $0x0  }
0xbb: {  	s11 =	sadd.s32 $0x280, s19;
	[sflag:s30] =	ssyncadd.s32 $0xFFFFEC00  }
0xbc: {  	[hbm4b:s11+s3] =	stream.linear.scatter [tilespmem:s25], [sflag:$0x2], $0x1400, $0x38;
	[tilespmem:$0xB400] =	vst v63  }
.Ltmp0:
0xbd: {  	s9 =	sadd.s32 $0x280, s9;
	(pc) =	sbr.rel @p1 .LBB2_2-.Ltmp0, $4  }
0xbe: {  	[hbm4b:s9+s3] =	stream.linear.scatter [tilespmem:s26], [sflag:$0x2], $0x1400, $0x38;
	[tilespmem:$0xB400] =	vst v63  }
0xbf: {  	s4 =	sadd.s32 $0x500, s4;
	s5 =	sadd.s32 $0x500, s5;
	s9 =	sadd.s32 $0x280, s10  }
0xc0: {  	[hbm4b:s9+s3] =	stream.linear.scatter [tilespmem:s28], [sflag:$0x2], $0x1400, $0x38;
	[tilespmem:$0xB400] =	vst v63  }
0xc1: {  	s7 =	sadd.s32 $0x500, s7;
	s6 =	sadd.s32 $0x500, s6;
	s9 =	sadd.s32 $0x280, s18  }
0xc2: {  	[hbm4b:s9+s3] =	stream.linear.scatter [tilespmem:s29], [sflag:$0x2], $0x1400, $0x38;
	[tilespmem:$0xB400] =	vst v63  }
0xc3: {  	s9 =	simm.s32 @!p0 $0x2  }
0xc4: {  	_ =	swait.ge @!p0 [sflag:s9], $0x1400  }
0xc5: {  	[sflag:s9] =	ssyncset.done @!p0 $0x0  }
0xc6: {  	[sflag:s9] =	ssyncadd.s32 @!p0 $0xFFFFEC00  }
0xc7: {  	_ =	swait.ge @!p0 [sflag:s9], $0x1400  }
0xc8: {  	[sflag:s9] =	ssyncset.done @!p0 $0x0  }
0xc9: {  	[sflag:s9] =	ssyncadd.s32 @!p0 $0xFFFFEC00  }
0xca: {  	_ =	swait.ge @!p0 [sflag:s9], $0x1400  }
0xcb: {  	[sflag:s9] =	ssyncset.done @!p0 $0x0  }
0xcc: {  	[sflag:s9] =	ssyncadd.s32 @!p0 $0xFFFFEC00  }
0xcd: {  	_ =	swait.ge @!p0 [sflag:s9], $0x1400  }
0xce: {  	s10 =	sshra.s32 s0, $0x2;
	[sflag:s9] =	ssyncset.done @!p0 $0x0  }
0xcf: {  	s19 =	sadd.s32 $0x28, s10;
	[sflag:s9] =	ssyncadd.s32 @!p0 $0xFFFFEC00  }
0xd0: {  	[tilespmem:s25], [sflag:$0x1] =	stream.indirect.gather [hbm4b:s2+s20], $0x80, s19, s20, $0xb8;
	[tilespmem:$0xB400] =	vst v63  }
0xd1: {  	s11 =	sadd.s32 $0x528, s10  }
0xd2: {  	[tilespmem:s26], [sflag:$0x1] =	stream.indirect.gather [hbm4b:s2+s20], $0x80, s11, s20, $0xb8;
	[tilespmem:$0xB400] =	vst v63  }
0xd3: {  	s12 =	sadd.s32 $0xA28, s10  }
0xd4: {  	[tilespmem:s28], [sflag:$0x1] =	stream.indirect.gather [hbm4b:s2+s20], $0x80, s12, s20, $0xb8;
	[tilespmem:$0xB400] =	vst v63  }
0xd5: {  	s13 =	sadd.s32 $0xF28, s10  }
0xd6: {  	[tilespmem:s29], [sflag:$0x1] =	stream.indirect.gather [hbm4b:s2+s20], $0x80, s13, s20, $0xb8;
	[tilespmem:$0xB400] =	vst v63  }
0xd7: {  	_ =	swait.ge [sflag:s30], $0x1400  }
0xd8: {  	[sflag:s30] =	ssyncset.done $0x0  }
0xd9: {  	[sflag:s30] =	ssyncadd.s32 $0xFFFFEC00  }
0xda: {  	_ =	swait.ge [sflag:s30], $0x1400  }
0xdb: {  	[sflag:s30] =	ssyncset.done $0x0  }
0xdc: {  	[sflag:s30] =	ssyncadd.s32 $0xFFFFEC00  }
0xdd: {  	_ =	swait.ge [sflag:s30], $0x1400  }
0xde: {  	[sflag:s30] =	ssyncset.done $0x0  }
0xdf: {  	[sflag:s30] =	ssyncadd.s32 $0xFFFFEC00  }
0xe0: {  	_ =	swait.ge [sflag:s30], $0x1400  }
0xe1: {  	[sflag:s30] =	ssyncset.done $0x0  }
0xe2: {  	s7 =	sadd.s32 s7, s8;
	[sflag:s30] =	ssyncadd.s32 $0xFFFFEC00  }
0xe3: {  	[hbm4b:s7+s3] =	stream.linear.scatter [tilespmem:s21], [sflag:$0x2], $0x1400, $0x38;
	[tilespmem:$0xB400] =	vst v63  }
0xe4: {  	s6 =	sadd.s32 s6, s8  }
0xe5: {  	[hbm4b:s6+s3] =	stream.linear.scatter [tilespmem:s22], [sflag:$0x2], $0x1400, $0x38;
	[tilespmem:$0xB400] =	vst v63  }
0xe6: {  	s5 =	sadd.s32 s5, s8  }
0xe7: {  	[hbm4b:s5+s3] =	stream.linear.scatter [tilespmem:s23], [sflag:$0x2], $0x1400, $0x38;
	[tilespmem:$0xB400] =	vst v63  }
0xe8: {  	s4 =	sadd.s32 s4, s8  }
0xe9: {  	[hbm4b:s4+s3] =	stream.linear.scatter [tilespmem:s24], [sflag:$0x2], $0x1400, $0x38;
	[tilespmem:$0xB400] =	vst v63  }
0xea: {  	_ =	swait.ge [sflag:s31], $0x1400  }
0xeb: {  	[sflag:s31] =	ssyncset.done $0x0  }
0xec: {  	[sflag:s31] =	ssyncadd.s32 $0xFFFFEC00  }
0xed: {  	_ =	swait.ge [sflag:s31], $0x1400  }
0xee: {  	[sflag:s31] =	ssyncset.done $0x0  }
0xef: {  	[sflag:s31] =	ssyncadd.s32 $0xFFFFEC00  }
0xf0: {  	_ =	swait.ge [sflag:s31], $0x1400  }
0xf1: {  	[sflag:s31] =	ssyncset.done $0x0  }
0xf2: {  	[sflag:s31] =	ssyncadd.s32 $0xFFFFEC00  }
0xf3: {  	p0 =	seq.s32 s0, $0x12C0;
	_ =	swait.ge [sflag:s31], $0x1400  }
0xf4: {  	s0 =	sshra.s32 @!p0 s0, $0x2;
	s9 =	simm.s32 @!p0 $0x1400;
	[sflag:s31] =	ssyncset.done $0x0  }
0xf5: {  	s10 =	sadd.s32 @!p0 $0x50, s0;
	s11 =	simm.s32 @!p0 $0x28;
	[sflag:s31] =	ssyncadd.s32 $0xFFFFEC00  }
0xf6: {  	[tilespmem:s9], [sflag:$0x1] =	stream.indirect.gather @!p0 [hbm4b:s2+s11], $0x80, s10, s11, $0xb8;
	[tilespmem:$0xB400] =	vst v63  }
0xf7: {  	s9 =	sadd.s32 @!p0 $0x550, s0;
	s10 =	simm.s32 @!p0 $0x2800  }
0xf8: {  	[tilespmem:s10], [sflag:$0x1] =	stream.indirect.gather @!p0 [hbm4b:s2+s11], $0x80, s9, s11, $0xb8;
	[tilespmem:$0xB400] =	vst v63  }
0xf9: {  	s9 =	sadd.s32 @!p0 $0xA50, s0;
	s10 =	simm.s32 @!p0 $0x3C00  }
0xfa: {  	[tilespmem:s10], [sflag:$0x1] =	stream.indirect.gather @!p0 [hbm4b:s2+s11], $0x80, s9, s11, $0xb8;
	[tilespmem:$0xB400] =	vst v63  }
0xfb: {  	s0 =	sadd.s32 @!p0 $0xF50, s0;
	s9 =	simm.s32 @!p0 $0x5000  }
0xfc: {  	[tilespmem:s9], [sflag:$0x1] =	stream.indirect.gather @!p0 [hbm4b:s2+s11], $0x80, s0, s11, $0xb8;
	[tilespmem:$0xB400] =	vst v63  }
0xfd: {  	_ =	swait.ge [sflag:s30], $0x1400  }
0xfe: {  	[sflag:s30] =	ssyncset.done $0x0  }
0xff: {  	[sflag:s30] =	ssyncadd.s32 $0xFFFFEC00  }
0x100: {  	_ =	swait.ge [sflag:s30], $0x1400  }
0x101: {  	[sflag:s30] =	ssyncset.done $0x0  }
0x102: {  	[sflag:s30] =	ssyncadd.s32 $0xFFFFEC00  }
0x103: {  	_ =	swait.ge [sflag:s30], $0x1400  }
0x104: {  	[sflag:s30] =	ssyncset.done $0x0  }
0x105: {  	[sflag:s30] =	ssyncadd.s32 $0xFFFFEC00  }
0x106: {  	_ =	swait.ge [sflag:s30], $0x1400  }
0x107: {  	[sflag:s30] =	ssyncset.done $0x0  }
0x108: {  	s14 =	sadd.s32 $0x280, s7;
	[sflag:s30] =	ssyncadd.s32 $0xFFFFEC00  }
0x109: {  	[hbm4b:s14+s3] =	stream.linear.scatter [tilespmem:s25], [sflag:$0x2], $0x1400, $0x38;
	[tilespmem:$0xB400] =	vst v63  }
0x10a: {  	s15 =	sadd.s32 $0x280, s6  }
0x10b: {  	[hbm4b:s15+s3] =	stream.linear.scatter [tilespmem:s26], [sflag:$0x2], $0x1400, $0x38;
	[tilespmem:$0xB400] =	vst v63  }
0x10c: {  	s17 =	sadd.s32 $0x280, s5  }
0x10d: {  	[hbm4b:s17+s3] =	stream.linear.scatter [tilespmem:s28], [sflag:$0x2], $0x1400, $0x38;
	[tilespmem:$0xB400] =	vst v63  }
0x10e: {  	s18 =	sadd.s32 $0x280, s4  }
0x10f: {  	[hbm4b:s18+s3] =	stream.linear.scatter [tilespmem:s29], [sflag:$0x2], $0x1400, $0x38;
	[tilespmem:$0xB400] =	vst v63  }
0x110: {  	_ =	swait.ge [sflag:s31], $0x1400  }
0x111: {  	[sflag:s31] =	ssyncset.done $0x0  }
0x112: {  	[sflag:s31] =	ssyncadd.s32 $0xFFFFEC00  }
0x113: {  	_ =	swait.ge [sflag:s31], $0x1400  }
0x114: {  	[sflag:s31] =	ssyncset.done $0x0  }
0x115: {  	[sflag:s31] =	ssyncadd.s32 $0xFFFFEC00  }
0x116: {  	_ =	swait.ge [sflag:s31], $0x1400  }
0x117: {  	[sflag:s31] =	ssyncset.done $0x0  }
0x118: {  	[sflag:s31] =	ssyncadd.s32 $0xFFFFEC00  }
0x119: {  	_ =	swait.ge [sflag:s31], $0x1400  }
0x11a: {  	s1 =	sadd.s32 $0x1, s1;
	s19 =	rddreg [dreg:$0x9]  }
0x11b: {  	p0 =	sne.s32 s1, s19  }
.Ltmp1:
0x11c: {  	_ = 	snop;
	(pc) =	sbr.rel @p0 .LBB2_1-.Ltmp1, $3  }
0x11d: {  	_ =	sdelay $0x1  }
0x11e: {  	[sflag:s31] =	ssyncset.done $0x0  }
0x11f: {  	[sflag:s31] =	ssyncadd.s32 $0xFFFFEC00  }
0x120: {  	_ =	sfence.sel $0x180000  }
0x121: {  	[bflag:$0x0] =	sbarrier.arrive $0xFFFF  }
0x122: {  	_ =	strace $0x9000004A  }
0x123: {  	s0 =	stileid.u32;
	[bflag:$0x2] =	sbarrier.arrive $0xFFFF  }
0x124: {  	p0 =	sne.s32 s0, $0x0;
	s0 =	rddreg [dreg:$0x2]  }
0x125: {  	s0 =	sadd.s32 @!p0 $0x100000, s0  }
0x126: {  	[sflag:s0] =	ssyncadd.tile.s32 @!p0 $0x1;
	_ =	shalt  }
.Lfunc_end2:
_tile_overlayer_lowered:
.L_overlay_start_2:
0x127: {  	(tag) =	ssettag $0x2  }
0x128: {  	s0 =	rddreg [dreg:$0x0];
	s2 =	stileid.u32  }
0x129: {  	s1 =	rddreg [dreg:$0x1];
	p0 =	sne.s32 s2, $0x0  }
0x12a: {  	s3 =	rddreg [dreg:$0x2];
	[bflag:$0x3] =	sbarrier.arrive $0xFFFF;
	s2 =	simm.s32 @!p0 $0x1C03  }
0x12b: {  	[timem:s3], [sflag:s2] =	dma.local @!p0 [hbm:s0], s1  }
0x12c: {  	s0 =	simm.s32 @!p0 $0x3  }
0x12d: {  	_ =	swait.ge @!p0 [sflag:s0], s1  }
0x12e: {  	s1 =	ssub.s32 @!p0 $0x0, s1;
	[sflag:s0] =	ssyncset.done @!p0 $0x0  }
0x12f: {  	[sflag:s0] =	ssyncadd.s32 @!p0 s1  }
0x130: {  	[bflag:$0x3] =	sbarrier.arrive $0xFFFF  }
0x131: {  	_ =	shalt  }

// kernel: kernel.16.cloned.1.call-start
scs
__scs_entry_jumppad:
0x0: {  	(pc) =	sbr.rel $0x88, $3  }
0x1: {  	(tag) =	ssettag $0x0;
	lr =	simm.s32 $0x1  }
0x2: {  	[smem:$0x3F9D] =	sst lr;
	_ =	strace $0xD0000000  }
0x3: {  	_ = 	snop  }
0x4: {  	_ = 	snop  }
0x5: {  	_ = 	snop  }
0x6: {  	_ = 	snop  }
0x7: {  	_ = 	snop  }
__scs_overlays_trampoline_lowered:
0x8: {  	[smem:$0x3FAC] =	sst s0  }
0x9: {  	[smem:$0x3FAD] =	sst s1  }
0xa: {  	[smem:$0x3FAE] =	sst s2  }
0xb: {  	[smem:$0x3FAF] =	sst s3  }
0xc: {  	[smem:$0x3FB0] =	sst s4  }
0xd: {  	[smem:$0x3FB1] =	sst s5  }
0xe: {  	[smem:$0x3FB2] =	sst s6  }
0xf: {  	[smem:$0x3FB3] =	sst s7  }
0x10: {  	[smem:$0x3FB4] =	sst s8  }
0x11: {  	[smem:$0x3FB5] =	sst s9;
	s0 =	simm.s32 @!p0 $0x0  }
0x12: {  	s1 =	sld [smem:$0x3F9B];
	s0 =	simm.s32 @p0 $0x1  }
0x13: {  	[smem:$0x3FB6] =	sst s0;
	s0 =	simm.s32 @!p1 $0x0  }
0x14: {  	s2 =	sld [smem:$0x3F9A];
	s0 =	simm.s32 @p1 $0x1  }
0x15: {  	[smem:$0x3FB7] =	sst s0;
	s0 =	simm.s32 @!p2 $0x0  }
0x16: {  	s3 =	sld [smem:$0x3FDB];
	s0 =	simm.s32 @p2 $0x1  }
0x17: {  	s4 =	simm.s32 $0x1BF5;
	[smem:$0x3FB9] =	sst s0  }
0x18: {  	s0 =	sld [smem:$0x3F9C];
	_ =	swait.ge [sflag:s4], $0x0  }
0x19: {  	s7 =	sld [smem:$0x3F9D]  }
0x1a: {  	s8 =	sadd.s32 $0xFFFFE003, lr  }
0x1b: {  	s9 =	sadd.s32 $0xFFFFFEF7, lr;
	s5 =	simm.s32 $0xFFFFFFFF;
	p2 =	slt.u32 s8, $0xFFFFF086  }
0x1c: {  	p1 =	slt.u32 s9, $0xF7A;
	s5 =	simm.s32 @!p2 $0x0  }
0x1d: {  	s5 =	simm.s32 @p1 $0x1;
	p0 =	seq.s32 s7, s2  }
0x1e: {  	s7 =	smul.u32 @!p0 $0xF7A, s2;
	p2 =	seq.s32 @!p0 s5, $0x0  }
0x1f: {  	s9 =	smul.u32 $0xF7A, s1;
	s8 =	simm.s32 @!p0 $0x1BF5;
	p2 =	por !p2, p0  }
0x20: {  	[sflag:s8] =	ssyncset.s32 @!p0 $0xFFFFF086;
	s6 =	sadd.s32 @!p0 s3, s7;
	s7 =	simm.s32 @!p0 $0x108  }
0x21: {  	s3 =	sadd.s32 s3, s9;
	s6 =	sadd.s32 @!p0 $0x88, s6;
	s7 =	simm.s32 @p2 $0x1082  }
0x22: {  	[simem:s7], [sflag:s8] =	dma.local @!p0 [hbm:s6], $0xF7A  }
0x23: {  	s9 =	sor.u32 $0xD0000000, s2;
	s6 =	simm.s32 $0x108;
	_ =	swait.ge @!p0 [sflag:s8], $0x0  }
0x24: {  	s3 =	sadd.s32 $0x88, s3;
	s6 =	simm.s32 @!p1 $0x1082;
	[sflag:s4] =	ssyncset.s32 $0xFFFFF086  }
0x25: {  	[simem:s6], [sflag:s4] =	dma.local [hbm:s3], $0xF7A  }
0x26: {  	[smem:$0x3F9D] =	sst s1;
	(tag) =	ssettag s2;
	_ =	strace s9  }
0x27: {  	s1 =	sld [smem:$0x3FAD]  }
0x28: {  	s2 =	sld [smem:$0x3FAE]  }
0x29: {  	s4 =	sld [smem:$0x3FB0]  }
0x2a: {  	p0 =	seq.s32 s5, $0x0;
	s5 =	sld [smem:$0x3FB1]  }
0x2b: {  	s6 =	sld [smem:$0x3FB2]  }
0x2c: {  	s7 =	sld [smem:$0x3FB3]  }
0x2d: {  	s3 =	simm.s32 $0x108;
	s8 =	sld [smem:$0x3FB4]  }
0x2e: {  	s3 =	simm.s32 @!p0 $0x1082;
	s9 =	sld [smem:$0x3FB5]  }
0x2f: {  	lr =	sadd.s32 s0, s3;
	s0 =	sld [smem:$0x3FAC]  }
0x30: {  	s3 =	sld [smem:$0x3FAF]  }
0x31: {  	[smem:$0x3FB8] =	sst s10  }
0x32: {  	s10 =	sld [smem:$0x3FB6];
	_ =	sdelay $0x3  }
0x33: {  	p0 =	seq.s32 s10, $0x1;
	s10 =	sld [smem:$0x3FB8];
	_ =	sdelay $0x3  }
0x34: {  	[smem:$0x3FB8] =	sst s10  }
0x35: {  	s10 =	sld [smem:$0x3FB7];
	_ =	sdelay $0x3  }
0x36: {  	p1 =	seq.s32 s10, $0x1;
	s10 =	sld [smem:$0x3FB8];
	_ =	sdelay $0x3  }
0x37: {  	[smem:$0x3FB8] =	sst s10  }
0x38: {  	s10 =	sld [smem:$0x3FB9]  }
0x39: {  	_ = 	snop;
	(pc) =	sbr.ind lr, $3  }
0x3a: {  	_ = 	snop  }
0x3b: {  	_ = 	snop  }
0x3c: {  	p2 =	seq.s32 s10, $0x1;
	s10 =	sld [smem:$0x3FB8]  }
0x3d: {  	_ =	shalt  }
0x3e: {  	_ =	shalt  }
0x3f: {  	_ =	shalt  }
0x40: {  	_ =	shalt  }
0x41: {  	_ =	shalt  }
0x42: {  	_ =	shalt  }
0x43: {  	_ =	shalt  }
0x44: {  	_ =	shalt  }
0x45: {  	_ =	shalt  }
0x46: {  	_ =	shalt  }
0x47: {  	_ =	shalt  }
0x48: {  	_ =	shalt  }
0x49: {  	_ =	shalt  }
0x4a: {  	_ =	shalt  }
0x4b: {  	_ =	shalt  }
0x4c: {  	_ =	shalt  }
0x4d: {  	_ =	shalt  }
0x4e: {  	_ =	shalt  }
0x4f: {  	_ =	shalt  }
0x50: {  	_ =	shalt  }
0x51: {  	_ =	shalt  }
0x52: {  	_ =	shalt  }
0x53: {  	_ =	shalt  }
0x54: {  	_ =	shalt  }
0x55: {  	_ =	shalt  }
0x56: {  	_ =	shalt  }
0x57: {  	_ =	shalt  }
0x58: {  	_ =	shalt  }
0x59: {  	_ =	shalt  }
0x5a: {  	_ =	shalt  }
0x5b: {  	_ =	shalt  }
0x5c: {  	_ =	shalt  }
0x5d: {  	_ =	shalt  }
0x5e: {  	_ =	shalt  }
0x5f: {  	_ =	shalt  }
0x60: {  	_ =	shalt  }
0x61: {  	_ =	shalt  }
0x62: {  	_ =	shalt  }
0x63: {  	_ =	shalt  }
0x64: {  	_ =	shalt  }
0x65: {  	_ =	shalt  }
0x66: {  	_ =	shalt  }
0x67: {  	_ =	shalt  }
0x68: {  	_ =	shalt  }
0x69: {  	_ =	shalt  }
0x6a: {  	_ =	shalt  }
0x6b: {  	_ =	shalt  }
0x6c: {  	_ =	shalt  }
0x6d: {  	_ =	shalt  }
0x6e: {  	_ =	shalt  }
0x6f: {  	_ =	shalt  }
0x70: {  	_ =	shalt  }
0x71: {  	_ =	shalt  }
0x72: {  	_ =	shalt  }
0x73: {  	_ =	shalt  }
0x74: {  	_ =	shalt  }
0x75: {  	_ =	shalt  }
0x76: {  	_ =	shalt  }
0x77: {  	_ =	shalt  }
0x78: {  	_ =	shalt  }
0x79: {  	_ =	shalt  }
0x7a: {  	_ =	shalt  }
0x7b: {  	_ =	shalt  }
0x7c: {  	_ =	shalt  }
0x7d: {  	_ =	shalt  }
0x7e: {  	_ =	shalt  }
0x7f: {  	_ =	shalt  }
0x80: {  	_ =	shalt  }
0x81: {  	_ =	shalt  }
0x82: {  	_ =	shalt  }
0x83: {  	_ =	shalt  }
0x84: {  	_ =	shalt  }
0x85: {  	_ =	shalt  }
0x86: {  	_ =	shalt  }
0x87: {  	_ =	shalt  }
.Lfunc_end0:
.L_simem_size_0:
called_computation.3_lowered:
.L_overlay_start_0:
0x88: {  	s2 =	sld [smem:$0x3FD9]  }
0x89: {  	s3 =	sld [smem:$0x3FFE];
	_ =	sdelay $0x1  }
0x8a: {  	s1 =	srdreg.scid  }
0x8b: {  	s0 =	sand.u32 $0x1, s1  }
0x8c: {  	s17 =	sshll.u32 s0, $0xA;
	s2 =	sadd.s32 s3, s2  }
0x8d: {  	s2 =	sadd.s32 s2, s17  }
0x8e: {  	[smem:$0x3FC4] =	sst s2  }
0x8f: {  	_ = 	snop  }
0x90: {  	s18 =	sld [smem:$0x3FD0];
	(tm) =	ssettm $0x1  }
0x91: {  	s19 =	sld [smem:$0x3FFB];
	_ =	sdelay $0x3  }
0x92: {  	_ =	strace s19  }
0x93: {  	s2 =	sld [smem:$0x3FFC];
	_ =	sdelay $0x3  }
0x94: {  	_ =	strace s2  }
0x95: {  	s2 =	sld [smem:$0x3FFD];
	_ =	sdelay $0x3  }
0x96: {  	_ =	strace s2  }
0x97: {  	_ =	strace $0x8FFFFFFF  }
0x98: {  	s20 =	sld [smem:$0x3FDB];
	_ =	sdelay $0x1  }
0x99: {  	s4 =	simm.s32 $_scs_section_size  }
0x9a: {  	s5 =	simm.s32 $_size__tile_overlayer_lowered;
	s6 =	simm.s32 $_tile_overlayer_lowered  }
0x9b: {  	s7 =	simm.s32 $0x1BFF;
	s21 =	sshll.u32 s6, $0x1;
	s4 =	sadd.s32 s4, s20  }
0x9c: {  	s22 =	simm.s32 $0x0;
	s5 =	sshll.u32 s5, $0x1;
	s6 =	sadd.s32 s21, s4  }
0x9d: {  	[timem:s22], [sflag:s7] =	dma.local [hbm:s6], s5  }
0x9e: {  	_ =	swait.ge [sflag:s7], s5  }
0x9f: {  	s5 =	ssub.s32 $0x0, s5;
	[sflag:s7] =	ssyncset.done $0x0  }
0xa0: {  	[sflag:s7] =	ssyncadd.s32 s5;
	_ =	sdelay $0x1  }
0xa1: {  	s23 =	simm.s32 $0x1B8B  }
0xa2: {  	_ =	swait.ge [sflag:s23], $0x1  }
0xa3: {  	[sflag:s23] =	ssyncset.done $0x0  }
0xa4: {  	[sflag:s23] =	ssyncadd.s32 $0xFFFFFFFF  }
0xa5: {  	s5 =	sld [smem:$0x0]  }
0xa6: {  	s6 =	sand.u32 $0xFFFFFFFE, s1  }
0xa7: {  	p0 =	sne.s32 s1, s6  }
0xa8: {  	s6 =	sshll.u32 @p0 s6, $0xE  }
0xa9: {  	s6 =	sadd.s32 @p0 $0x11B8D, s6;
	s7 =	sshll.u32 @p0 s5, $0x11  }
0xaa: {  	s6 =	sor.u32 @p0 s7, s6  }
0xab: {  	[sflag:s6] =	ssyncadd.remote.s32 @p0 $0x1;
	_ =	sdelay $0x1  }
0xac: {  	s6 =	simm.s32 @p0 $0x1B8D  }
0xad: {  	_ =	swait.eq @p0 [sflag:s6], $0x1  }
0xae: {  	[sflag:s6] =	ssyncadd.s32 @p0 $0xFFFFFFFF  }
0xaf: {  	s7 =	sshll.u32 @!p0 s1, $0xE  }
0xb0: {  	s7 =	sor.u32 @!p0 $0x4000, s7;
	s6 =	simm.s32 @!p0 $0x1B8D  }
0xb1: {  	s5 =	sshll.u32 @!p0 s5, $0x11;
	s7 =	sadd.s32 @!p0 $0x11B8D, s7;
	_ =	swait.eq @!p0 [sflag:s6], $0x1  }
0xb2: {  	s5 =	sor.u32 @!p0 s5, s7;
	[sflag:s6] =	ssyncadd.s32 @!p0 $0xFFFFFFFF  }
0xb3: {  	s25 =	simm.s32 $0x1B8E;
	s24 =	sld [smem:$0x3FFE];
	[sflag:s5] =	ssyncadd.remote.s32 @!p0 $0x1  }
0xb4: {  	s26 =	simm.s32 $execute0_lowered;
	[smem:$0x3FD2] =	sst s25  }
0xb5: {  	s6 =	sshll.u32 s26, $0x1;
	_ =	strace $0x8000004C;
	[dreg:$0x1] =	wrdreg $0xFFFFFFFF  }
0xb6: {  	s28 =	simm.s32 $_size_execute0_lowered;
	s4 =	sadd.s32 s4, s6;
	[dreg:$0x0] =	wrdreg $0x0  }
0xb7: {  	s6 =	sshll.u32 s28, $0x1;
	[dreg:$0x2] =	wrdreg s4  }
0xb8: {  	[dreg:$0x3] =	wrdreg s6  }
0xb9: {  	[dreg:$0x4] =	wrdreg $0xC0  }
0xba: {  	_ =	task [dreg:s22], $0x5FFFF  }
0xbb: {  	[dreg:$0x1] =	wrdreg $0xFFFFFFFF  }
0xbc: {  	[dreg:$0x0] =	wrdreg $0x60  }
0xbd: {  	[dreg:$0x2] =	wrdreg s18  }
0xbe: {  	[dreg:$0x3] =	wrdreg s24  }
0xbf: {  	[dreg:$0x4] =	wrdreg $0xB  }
0xc0: {  	_ =	task.clear_ibuf [dreg:s22], $0x5FFFF;
	_ =	strace $0x9000004C  }
0xc1: {  	s29 =	simm.s32 $0xB;
	_ =	strace $0x8000004E  }
0xc2: {  	_ =	swait.ge [sflag:s29], $0x1  }
0xc3: {  	[sflag:s29] =	ssyncadd.s32 $0xFFFFFFFF  }
0xc4: {  	_ =	strace $0x9000004E  }
0xc5: {  	_ =	sfence  }
0xc6: {  	s30 =	sld [smem:$0x0];
	_ =	sdelay $0x2  }
0xc7: {  	s31 =	sshll.u32 s1, $0xD;
	s1 =	sshrl.u32 s1, $0x2  }
0xc8: {  	s4 =	sand.u32 $0x4000, s31;
	s1 =	sadd.s32 s1, s30  }
0xc9: {  	s0 =	sor.u32 s4, s0;
	s1 =	sshll.u32 s1, $0x11  }
0xca: {  	s0 =	sor.u32 s1, s0  }
0xcb: {  	s0 =	sadd.s32 $0x8F2B, s0  }
0xcc: {  	[sflag:s0] =	ssyncadd.remote.s32 $0x1  }
0xcd: {  	_ =	sfence.sel $0xFFFF  }
0xce: {  	[dreg:$0x0] =	wrdreg $0xFFFFFFFF;
	(pc) =	sbr.abs _section_cstart, $3  }
0xcf: {  	[dreg:$0x1] =	wrdreg $0xFFFFFFFF  }
0xd0: {  	_ =	task.clear_ibuf [dreg:s22], $0x2FFFF;
	_ =	strace $0x9FFFFFFF  }
0xd1: {  	(tm) =	ssettm $0x7FFFFFFF  }
tec
execute0_lowered:
.L_overlay_start_1:
0x0: {  	(tag) =	ssettag $0x1  }
0x1: {  	s0 =	srdreg.scid;
	s5 =	stileid.u32  }
0x2: {  	s2 =	rddreg [dreg:$0x0];
	s0 =	sand.u32 $0x1, s0;
	s1 =	sshll.u32 s5, $0x1  }
0x3: {  	s4 =	rddreg [dreg:$0x1];
	s1 =	sor.u32 s0, s1;
	s19 =	ssub.s32 $0x2, s0  }
0x4: {  	s3 =	simm.s32 $0x0;
	s1 =	smul.u32 $0x280, s1;
	s6 =	sshrl.u32 s19, $0x1  }
0x5: {  	[smem:$0x7FF] =	sst s3;
	s22 =	ssub.s32 s19, s6  }
0x6: {  	s8 =	smul.u32 $0x5000, s0;
	s1 =	sadd.s32 s1, s4;
	s0 =	smax.u32 s22, $0x1  }
0x7: {  	_ =	strace $0x8000004D;
	s7 =	sadd.s32 $0xD400, s1;
	[dreg:$0x9] =	wrdreg s0  }
0x8: {  	s5 =	smul.u32 $0xA000, s5;
	s20 =	sadd.s32 $0xD410, s1;
	[dreg:$0x3] =	wrdreg s7  }
0x9: {  	s16 =	simm.s32 $0x3;
	s21 =	sadd.s32 $0xD420, s1;
	[dreg:$0x4] =	wrdreg s20  }
0xa: {  	s4 =	sadd.s32 s5, s4;
	s1 =	sadd.s32 $0xD430, s1;
	[dreg:$0x5] =	wrdreg s21  }
0xb: {  	s28 =	simm.s32 $0x8C00;
	s23 =	sadd.s32 $0x512400, s4;
	[dreg:$0x6] =	wrdreg s1  }
0xc: {  	s29 =	simm.s32 $0xA000;
	s24 =	sadd.s32 $0x5B2400, s4;
	[dreg:$0x7] =	wrdreg s23  }
0xd: {  	s30 =	simm.s32 $0x1;
	s25 =	sadd.s32 $0x652400, s4;
	[dreg:$0x8] =	wrdreg s24  }
0xe: {  	s31 =	simm.s32 $0x2;
	s26 =	sadd.s32 $0x6F2400, s4;
	[dreg:$0xa] =	wrdreg s25  }
0xf: {  	s22 =	simm.s32 $0x2800;
	[dreg:$0xb] =	wrdreg s26;
	s20 =	simm.s32 $0x28  }
0x10: {  	s21 =	simm.s32 $0x1400;
	s23 =	simm.s32 $0x3C00;
	s24 =	simm.s32 $0x5000  }
0x11: {  	s25 =	simm.s32 $0x6400;
	s26 =	simm.s32 $0x7800;
	s1 =	simm.s32 $0x0  }
.LBB2_1:
0x12: {  	s0 =	rddreg [dreg:$0x3];
	s4 =	simm.s32 $0x80;
	s5 =	simm.s32 $0x200  }
0x13: {  	[tilespmem:s3], [sflag:$0x3] =	stream.strided.gather [hbm4b:s0+s4], $0x500, s5, s4, $0x38;
	[tilespmem:$0xB400] =	vst v63  }
0x14: {  	_ =	swait.ge [sflag:s16], $0x500  }
0x15: {  	[sflag:s16] =	ssyncset.done $0x0  }
0x16: {  	s6 =	simm.s32 $0x500;
	s13 =	rddreg [dreg:$0x4];
	[sflag:s16] =	ssyncadd.s32 $0xFFFFFB00  }
0x17: {  	[tilespmem:s6], [sflag:$0x3] =	stream.strided.gather [hbm4b:s13+s4], $0x500, s5, s4, $0x38;
	[tilespmem:$0xB400] =	vst v63  }
0x18: {  	_ =	swait.ge [sflag:s16], $0x500  }
0x19: {  	[sflag:s16] =	ssyncset.done $0x0  }
0x1a: {  	s7 =	simm.s32 $0xA00;
	s14 =	rddreg [dreg:$0x5];
	[sflag:s16] =	ssyncadd.s32 $0xFFFFFB00  }
0x1b: {  	[tilespmem:s7], [sflag:$0x3] =	stream.strided.gather [hbm4b:s14+s4], $0x500, s5, s4, $0x38;
	[tilespmem:$0xB400] =	vst v63  }
0x1c: {  	_ =	swait.ge [sflag:s16], $0x500  }
0x1d: {  	[sflag:s16] =	ssyncset.done $0x0  }
0x1e: {  	s9 =	simm.s32 $0xF00;
	s15 =	rddreg [dreg:$0x6];
	[sflag:s16] =	ssyncadd.s32 $0xFFFFFB00  }
0x1f: {  	[tilespmem:s9], [sflag:$0x3] =	stream.strided.gather [hbm4b:s15+s4], $0x500, s5, s4, $0x38;
	[tilespmem:$0xB400] =	vst v63  }
0x20: {  	_ =	swait.ge [sflag:s16], $0x500  }
0x21: {  	[sflag:s16] =	ssyncset.done $0x0  }
0x22: {  	[sflag:s16] =	ssyncadd.s32 $0xFFFFFB00  }
0x23: {  	[tilespmem:s21], [sflag:$0x1] =	stream.indirect.gather [hbm4b:s2+s20], $0x80, s3, s20, $0xb8;
	[tilespmem:$0xB400] =	vst v63  }
0x24: {  	p0 =	por $0x1, $0x1  }
0x25: {  	[tilespmem:s22], [sflag:$0x1] =	stream.indirect.gather [hbm4b:s2+s20], $0x80, s6, s20, $0xb8;
	[tilespmem:$0xB400] =	vst v63  }
0x26: {  	p0 =	por p0, p0  }
0x27: {  	[tilespmem:s23], [sflag:$0x1] =	stream.indirect.gather [hbm4b:s2+s20], $0x80, s7, s20, $0xb8;
	[tilespmem:$0xB400] =	vst v63  }
0x28: {  	s0 =	simm.s32 @!p0 $0x2  }
0x29: {  	[tilespmem:s24], [sflag:$0x1] =	stream.indirect.gather [hbm4b:s2+s20], $0x80, s9, s20, $0xb8;
	[tilespmem:$0xB400] =	vst v63  }
0x2a: {  	_ =	swait.ge @!p0 [sflag:s0], $0x1400  }
0x2b: {  	[sflag:s0] =	ssyncset.done @!p0 $0x0  }
0x2c: {  	[sflag:s0] =	ssyncadd.s32 @!p0 $0xFFFFEC00  }
0x2d: {  	_ =	swait.ge @!p0 [sflag:s0], $0x1400  }
0x2e: {  	[sflag:s0] =	ssyncset.done @!p0 $0x0  }
0x2f: {  	[sflag:s0] =	ssyncadd.s32 @!p0 $0xFFFFEC00  }
0x30: {  	_ =	swait.ge @!p0 [sflag:s0], $0x1400  }
0x31: {  	[sflag:s0] =	ssyncset.done @!p0 $0x0  }
0x32: {  	[sflag:s0] =	ssyncadd.s32 @!p0 $0xFFFFEC00  }
0x33: {  	_ =	swait.ge @!p0 [sflag:s0], $0x1400  }
0x34: {  	[sflag:s0] =	ssyncset.done @!p0 $0x0  }
0x35: {  	s17 =	simm.s32 $0x28;
	[sflag:s0] =	ssyncadd.s32 @!p0 $0xFFFFEC00  }
0x36: {  	[tilespmem:s25], [sflag:$0x1] =	stream.indirect.gather [hbm4b:s2+s20], $0x80, s17, s20, $0xb8;
	[tilespmem:$0xB400] =	vst v63  }
0x37: {  	s18 =	simm.s32 $0x528  }
0x38: {  	[tilespmem:s26], [sflag:$0x1] =	stream.indirect.gather [hbm4b:s2+s20], $0x80, s18, s20, $0xb8;
	[tilespmem:$0xB400] =	vst v63  }
0x39: {  	s19 =	simm.s32 $0xA28  }
0x3a: {  	[tilespmem:s28], [sflag:$0x1] =	stream.indirect.gather [hbm4b:s2+s20], $0x80, s19, s20, $0xb8;
	[tilespmem:$0xB400] =	vst v63  }
0x3b: {  	s4 =	simm.s32 $0xF28  }
0x3c: {  	[tilespmem:s29], [sflag:$0x1] =	stream.indirect.gather [hbm4b:s2+s20], $0x80, s4, s20, $0xb8;
	[tilespmem:$0xB400] =	vst v63  }
0x3d: {  	_ =	swait.ge [sflag:s30], $0x1400  }
0x3e: {  	[sflag:s30] =	ssyncset.done $0x0  }
0x3f: {  	[sflag:s30] =	ssyncadd.s32 $0xFFFFEC00  }
0x40: {  	_ =	swait.ge [sflag:s30], $0x1400  }
0x41: {  	[sflag:s30] =	ssyncset.done $0x0  }
0x42: {  	[sflag:s30] =	ssyncadd.s32 $0xFFFFEC00  }
0x43: {  	_ =	swait.ge [sflag:s30], $0x1400  }
0x44: {  	[sflag:s30] =	ssyncset.done $0x0  }
0x45: {  	[sflag:s30] =	ssyncadd.s32 $0xFFFFEC00  }
0x46: {  	_ =	swait.ge [sflag:s30], $0x1400  }
0x47: {  	[sflag:s30] =	ssyncset.done $0x0;
	s11 =	rddreg [dreg:$0x7]  }
0x48: {  	s12 =	rddreg [dreg:$0x8];
	[sflag:s30] =	ssyncadd.s32 $0xFFFFEC00;
	s5 =	sadd.s32 s11, s8  }
0x49: {  	[hbm4b:s5+s3] =	stream.linear.scatter [tilespmem:s21], [sflag:$0x2], $0x1400, $0x38;
	[tilespmem:$0xB400] =	vst v63  }
0x4a: {  	s13 =	rddreg [dreg:$0xa];
	s6 =	sadd.s32 s12, s8  }
0x4b: {  	[hbm4b:s6+s3] =	stream.linear.scatter [tilespmem:s22], [sflag:$0x2], $0x1400, $0x38;
	[tilespmem:$0xB400] =	vst v63  }
0x4c: {  	s14 =	rddreg [dreg:$0xb];
	s15 =	sadd.s32 s13, s8  }
0x4d: {  	[hbm4b:s15+s3] =	stream.linear.scatter [tilespmem:s23], [sflag:$0x2], $0x1400, $0x38;
	[tilespmem:$0xB400] =	vst v63  }
0x4e: {  	s18 =	sadd.s32 s14, s8  }
0x4f: {  	[hbm4b:s18+s3] =	stream.linear.scatter [tilespmem:s24], [sflag:$0x2], $0x1400, $0x38;
	[tilespmem:$0xB400] =	vst v63  }
0x50: {  	_ =	swait.ge [sflag:s31], $0x1400  }
0x51: {  	[sflag:s31] =	ssyncset.done $0x0  }
0x52: {  	[sflag:s31] =	ssyncadd.s32 $0xFFFFEC00  }
0x53: {  	_ =	swait.ge [sflag:s31], $0x1400  }
0x54: {  	[sflag:s31] =	ssyncset.done $0x0  }
0x55: {  	[sflag:s31] =	ssyncadd.s32 $0xFFFFEC00  }
0x56: {  	_ =	swait.ge [sflag:s31], $0x1400  }
0x57: {  	[sflag:s31] =	ssyncset.done $0x0  }
0x58: {  	[sflag:s31] =	ssyncadd.s32 $0xFFFFEC00  }
0x59: {  	p0 =	por $0x0, $0x0;
	_ =	swait.ge [sflag:s31], $0x1400  }
0x5a: {  	s7 =	simm.s32 @!p0 $0x1400;
	[sflag:s31] =	ssyncset.done $0x0  }
0x5b: {  	s9 =	simm.s32 @!p0 $0x50;
	s10 =	simm.s32 @!p0 $0x28;
	[sflag:s31] =	ssyncadd.s32 $0xFFFFEC00  }
0x5c: {  	[tilespmem:s7], [sflag:$0x1] =	stream.indirect.gather @!p0 [hbm4b:s2+s10], $0x80, s9, s10, $0xb8;
	[tilespmem:$0xB400] =	vst v63  }
0x5d: {  	s7 =	simm.s32 @!p0 $0x550;
	s9 =	simm.s32 @!p0 $0x2800  }
0x5e: {  	[tilespmem:s9], [sflag:$0x1] =	stream.indirect.gather @!p0 [hbm4b:s2+s10], $0x80, s7, s10, $0xb8;
	[tilespmem:$0xB400] =	vst v63  }
0x5f: {  	s7 =	simm.s32 @!p0 $0xA50;
	s9 =	simm.s32 @!p0 $0x3C00  }
0x60: {  	[tilespmem:s9], [sflag:$0x1] =	stream.indirect.gather @!p0 [hbm4b:s2+s10], $0x80, s7, s10, $0xb8;
	[tilespmem:$0xB400] =	vst v63  }
0x61: {  	s7 =	simm.s32 @!p0 $0xF50;
	s9 =	simm.s32 @!p0 $0x5000  }
0x62: {  	[tilespmem:s9], [sflag:$0x1] =	stream.indirect.gather @!p0 [hbm4b:s2+s10], $0x80, s7, s10, $0xb8;
	[tilespmem:$0xB400] =	vst v63  }
0x63: {  	_ =	swait.ge [sflag:s30], $0x1400  }
0x64: {  	[sflag:s30] =	ssyncset.done $0x0  }
0x65: {  	[sflag:s30] =	ssyncadd.s32 $0xFFFFEC00  }
0x66: {  	_ =	swait.ge [sflag:s30], $0x1400  }
0x67: {  	[sflag:s30] =	ssyncset.done $0x0  }
0x68: {  	[sflag:s30] =	ssyncadd.s32 $0xFFFFEC00  }
0x69: {  	_ =	swait.ge [sflag:s30], $0x1400  }
0x6a: {  	[sflag:s30] =	ssyncset.done $0x0  }
0x6b: {  	[sflag:s30] =	ssyncadd.s32 $0xFFFFEC00  }
0x6c: {  	p6 =	por $0x0, $0x0;
	s17 =	simm.s32 $0x280;
	_ =	swait.ge [sflag:s30], $0x1400  }
0x6d: {  	s0 =	sadd.s32 $0x280, s5;
	s4 =	sadd.s32 $0x280, s6;
	[sflag:s30] =	ssyncset.done $0x0  }
0x6e: {  	s19 =	sadd.s32 $0x280, s15;
	s5 =	sadd.s32 $0x500, s13;
	[sflag:s30] =	ssyncadd.s32 $0xFFFFEC00  }
0x6f: {  	[hbm4b:s0+s3] =	stream.linear.scatter [tilespmem:s25], [sflag:$0x2], $0x1400, $0x38;
	[tilespmem:$0xB400] =	vst v63  }
0x70: {  	s6 =	sadd.s32 $0x500, s12;
	p0 =	por p6, p6;
	s9 =	sadd.s32 $0x280, s18  }
0x71: {  	[hbm4b:s4+s3] =	stream.linear.scatter [tilespmem:s26], [sflag:$0x2], $0x1400, $0x38;
	[tilespmem:$0xB400] =	vst v63  }
0x72: {  	s7 =	sadd.s32 $0x500, s11;
	s0 =	simm.s32 $0x140;
	s4 =	sadd.s32 $0x500, s14  }
0x73: {  	[hbm4b:s19+s3] =	stream.linear.scatter [tilespmem:s28], [sflag:$0x2], $0x1400, $0x38;
	[tilespmem:$0xB400] =	vst v63  }
.LBB2_2:
0x74: {  	[hbm4b:s9+s3] =	stream.linear.scatter [tilespmem:s29], [sflag:$0x2], $0x1400, $0x38;
	[tilespmem:$0xB400] =	vst v63  }
0x75: {  	s11 =	smov.u32 s17  }
0x76: {  	s17 =	sadd.s32 $0x140, s17;
	s9 =	simm.s32 @!p0 $0x2;
	p2 =	seq.s32 s11, $0x0  }
0x77: {  	p1 =	sne.s32 s17, $0x1400;
	_ =	swait.ge @!p0 [sflag:s9], $0x1400  }
0x78: {  	[sflag:s9] =	ssyncset.done @!p0 $0x0  }
0x79: {  	[sflag:s9] =	ssyncadd.s32 @!p0 $0xFFFFEC00  }
0x7a: {  	_ =	swait.ge @!p0 [sflag:s9], $0x1400  }
0x7b: {  	[sflag:s9] =	ssyncset.done @!p0 $0x0  }
0x7c: {  	[sflag:s9] =	ssyncadd.s32 @!p0 $0xFFFFEC00  }
0x7d: {  	_ =	swait.ge @!p0 [sflag:s9], $0x1400  }
0x7e: {  	[sflag:s9] =	ssyncset.done @!p0 $0x0  }
0x7f: {  	[sflag:s9] =	ssyncadd.s32 @!p0 $0xFFFFEC00  }
0x80: {  	_ =	swait.ge @!p0 [sflag:s9], $0x1400  }
0x81: {  	s10 =	sshra.s32 s0, $0x2;
	[sflag:s9] =	ssyncset.done @!p0 $0x0  }
0x82: {  	[sflag:s9] =	ssyncadd.s32 @!p0 $0xFFFFEC00;
	s9 =	sadd.s32 $0x28, s10;
	p0 =	por p2, p2  }
0x83: {  	[tilespmem:s25], [sflag:$0x1] =	stream.indirect.gather [hbm4b:s2+s20], $0x80, s9, s20, $0xb8;
	[tilespmem:$0xB400] =	vst v63  }
0x84: {  	s9 =	sadd.s32 $0x528, s10  }
0x85: {  	[tilespmem:s26], [sflag:$0x1] =	stream.indirect.gather [hbm4b:s2+s20], $0x80, s9, s20, $0xb8;
	[tilespmem:$0xB400] =	vst v63  }
0x86: {  	s9 =	sadd.s32 $0xA28, s10  }
0x87: {  	[tilespmem:s28], [sflag:$0x1] =	stream.indirect.gather [hbm4b:s2+s20], $0x80, s9, s20, $0xb8;
	[tilespmem:$0xB400] =	vst v63  }
0x88: {  	s9 =	sadd.s32 $0xF28, s10  }
0x89: {  	[tilespmem:s29], [sflag:$0x1] =	stream.indirect.gather [hbm4b:s2+s20], $0x80, s9, s20, $0xb8;
	[tilespmem:$0xB400] =	vst v63  }
0x8a: {  	_ =	swait.ge [sflag:s30], $0x1400  }
0x8b: {  	[sflag:s30] =	ssyncset.done $0x0  }
0x8c: {  	[sflag:s30] =	ssyncadd.s32 $0xFFFFEC00  }
0x8d: {  	_ =	swait.ge [sflag:s30], $0x1400  }
0x8e: {  	[sflag:s30] =	ssyncset.done $0x0  }
0x8f: {  	[sflag:s30] =	ssyncadd.s32 $0xFFFFEC00  }
0x90: {  	_ =	swait.ge [sflag:s30], $0x1400  }
0x91: {  	[sflag:s30] =	ssyncset.done $0x0  }
0x92: {  	[sflag:s30] =	ssyncadd.s32 $0xFFFFEC00  }
0x93: {  	_ =	swait.ge [sflag:s30], $0x1400  }
0x94: {  	[sflag:s30] =	ssyncset.done $0x0  }
0x95: {  	s19 =	sadd.s32 s7, s8;
	[sflag:s30] =	ssyncadd.s32 $0xFFFFEC00  }
0x96: {  	[hbm4b:s19+s3] =	stream.linear.scatter [tilespmem:s21], [sflag:$0x2], $0x1400, $0x38;
	[tilespmem:$0xB400] =	vst v63  }
0x97: {  	s9 =	sadd.s32 s6, s8  }
0x98: {  	[hbm4b:s9+s3] =	stream.linear.scatter [tilespmem:s22], [sflag:$0x2], $0x1400, $0x38;
	[tilespmem:$0xB400] =	vst v63  }
0x99: {  	s10 =	sadd.s32 s5, s8  }
0x9a: {  	[hbm4b:s10+s3] =	stream.linear.scatter [tilespmem:s23], [sflag:$0x2], $0x1400, $0x38;
	[tilespmem:$0xB400] =	vst v63  }
0x9b: {  	s18 =	sadd.s32 s4, s8  }
0x9c: {  	[hbm4b:s18+s3] =	stream.linear.scatter [tilespmem:s24], [sflag:$0x2], $0x1400, $0x38;
	[tilespmem:$0xB400] =	vst v63  }
0x9d: {  	_ =	swait.ge [sflag:s31], $0x1400  }
0x9e: {  	[sflag:s31] =	ssyncset.done $0x0  }
0x9f: {  	[sflag:s31] =	ssyncadd.s32 $0xFFFFEC00  }
0xa0: {  	_ =	swait.ge [sflag:s31], $0x1400  }
0xa1: {  	[sflag:s31] =	ssyncset.done $0x0  }
0xa2: {  	[sflag:s31] =	ssyncadd.s32 $0xFFFFEC00  }
0xa3: {  	_ =	swait.ge [sflag:s31], $0x1400  }
0xa4: {  	[sflag:s31] =	ssyncset.done $0x0  }
0xa5: {  	[sflag:s31] =	ssyncadd.s32 $0xFFFFEC00  }
0xa6: {  	p2 =	seq.s32 s0, $0x12C0;
	_ =	swait.ge [sflag:s31], $0x1400  }
0xa7: {  	s0 =	sshra.s32 @!p2 s0, $0x2;
	s14 =	simm.s32 @!p2 $0x1400;
	[sflag:s31] =	ssyncset.done $0x0  }
0xa8: {  	s12 =	simm.s32 @!p2 $0x28;
	s15 =	sadd.s32 @!p2 $0x50, s0;
	[sflag:s31] =	ssyncadd.s32 $0xFFFFEC00  }
0xa9: {  	[tilespmem:s14], [sflag:$0x1] =	stream.indirect.gather @!p2 [hbm4b:s2+s12], $0x80, s15, s12, $0xb8;
	[tilespmem:$0xB400] =	vst v63  }
0xaa: {  	s13 =	sadd.s32 @!p2 $0xA50, s0;
	s14 =	sadd.s32 @!p2 $0x550, s0;
	s15 =	simm.s32 @!p2 $0x2800  }
0xab: {  	[tilespmem:s15], [sflag:$0x1] =	stream.indirect.gather @!p2 [hbm4b:s2+s12], $0x80, s14, s12, $0xb8;
	[tilespmem:$0xB400] =	vst v63  }
0xac: {  	s14 =	simm.s32 @!p2 $0x3C00;
	s15 =	sadd.s32 @!p2 $0xF50, s0;
	s0 =	smov.u32 s11  }
0xad: {  	[tilespmem:s14], [sflag:$0x1] =	stream.indirect.gather @!p2 [hbm4b:s2+s12], $0x80, s13, s12, $0xb8;
	[tilespmem:$0xB400] =	vst v63  }
0xae: {  	s11 =	simm.s32 @!p2 $0x5000  }
0xaf: {  	[tilespmem:s11], [sflag:$0x1] =	stream.indirect.gather @!p2 [hbm4b:s2+s12], $0x80, s15, s12, $0xb8;
	[tilespmem:$0xB400] =	vst v63  }
0xb0: {  	_ =	swait.ge [sflag:s30], $0x1400  }
0xb1: {  	[sflag:s30] =	ssyncset.done $0x0  }
0xb2: {  	[sflag:s30] =	ssyncadd.s32 $0xFFFFEC00  }
0xb3: {  	_ =	swait.ge [sflag:s30], $0x1400  }
0xb4: {  	[sflag:s30] =	ssyncset.done $0x0  }
0xb5: {  	[sflag:s30] =	ssyncadd.s32 $0xFFFFEC00  }
0xb6: {  	_ =	swait.ge [sflag:s30], $0x1400  }
0xb7: {  	[sflag:s30] =	ssyncset.done $0x0  }
0xb8: {  	[sflag:s30] =	ssyncadd.s32 $0xFFFFEC00  }
0xb9: {  	_ =	swait.ge [sflag:s30], $0x1400  }
0xba: {  	[sflag:s30] =	ssyncset.done $0x0  }
0xbb: {  	s11 =	sadd.s32 $0x280, s19;
	[sflag:s30] =	ssyncadd.s32 $0xFFFFEC00  }
0xbc: {  	[hbm4b:s11+s3] =	stream.linear.scatter [tilespmem:s25], [sflag:$0x2], $0x1400, $0x38;
	[tilespmem:$0xB400] =	vst v63  }
.Ltmp0:
0xbd: {  	s9 =	sadd.s32 $0x280, s9;
	(pc) =	sbr.rel @p1 .LBB2_2-.Ltmp0, $4  }
0xbe: {  	[hbm4b:s9+s3] =	stream.linear.scatter [tilespmem:s26], [sflag:$0x2], $0x1400, $0x38;
	[tilespmem:$0xB400] =	vst v63  }
0xbf: {  	s4 =	sadd.s32 $0x500, s4;
	s5 =	sadd.s32 $0x500, s5;
	s9 =	sadd.s32 $0x280, s10  }
0xc0: {  	[hbm4b:s9+s3] =	stream.linear.scatter [tilespmem:s28], [sflag:$0x2], $0x1400, $0x38;
	[tilespmem:$0xB400] =	vst v63  }
0xc1: {  	s7 =	sadd.s32 $0x500, s7;
	s6 =	sadd.s32 $0x500, s6;
	s9 =	sadd.s32 $0x280, s18  }
0xc2: {  	[hbm4b:s9+s3] =	stream.linear.scatter [tilespmem:s29], [sflag:$0x2], $0x1400, $0x38;
	[tilespmem:$0xB400] =	vst v63  }
0xc3: {  	s9 =	simm.s32 @!p0 $0x2  }
0xc4: {  	_ =	swait.ge @!p0 [sflag:s9], $0x1400  }
0xc5: {  	[sflag:s9] =	ssyncset.done @!p0 $0x0  }
0xc6: {  	[sflag:s9] =	ssyncadd.s32 @!p0 $0xFFFFEC00  }
0xc7: {  	_ =	swait.ge @!p0 [sflag:s9], $0x1400  }
0xc8: {  	[sflag:s9] =	ssyncset.done @!p0 $0x0  }
0xc9: {  	[sflag:s9] =	ssyncadd.s32 @!p0 $0xFFFFEC00  }
0xca: {  	_ =	swait.ge @!p0 [sflag:s9], $0x1400  }
0xcb: {  	[sflag:s9] =	ssyncset.done @!p0 $0x0  }
0xcc: {  	[sflag:s9] =	ssyncadd.s32 @!p0 $0xFFFFEC00  }
0xcd: {  	_ =	swait.ge @!p0 [sflag:s9], $0x1400  }
0xce: {  	s10 =	sshra.s32 s0, $0x2;
	[sflag:s9] =	ssyncset.done @!p0 $0x0  }
0xcf: {  	s19 =	sadd.s32 $0x28, s10;
	[sflag:s9] =	ssyncadd.s32 @!p0 $0xFFFFEC00  }
0xd0: {  	[tilespmem:s25], [sflag:$0x1] =	stream.indirect.gather [hbm4b:s2+s20], $0x80, s19, s20, $0xb8;
	[tilespmem:$0xB400] =	vst v63  }
0xd1: {  	s11 =	sadd.s32 $0x528, s10  }
0xd2: {  	[tilespmem:s26], [sflag:$0x1] =	stream.indirect.gather [hbm4b:s2+s20], $0x80, s11, s20, $0xb8;
	[tilespmem:$0xB400] =	vst v63  }
0xd3: {  	s12 =	sadd.s32 $0xA28, s10  }
0xd4: {  	[tilespmem:s28], [sflag:$0x1] =	stream.indirect.gather [hbm4b:s2+s20], $0x80, s12, s20, $0xb8;
	[tilespmem:$0xB400] =	vst v63  }
0xd5: {  	s13 =	sadd.s32 $0xF28, s10  }
0xd6: {  	[tilespmem:s29], [sflag:$0x1] =	stream.indirect.gather [hbm4b:s2+s20], $0x80, s13, s20, $0xb8;
	[tilespmem:$0xB400] =	vst v63  }
0xd7: {  	_ =	swait.ge [sflag:s30], $0x1400  }
0xd8: {  	[sflag:s30] =	ssyncset.done $0x0  }
0xd9: {  	[sflag:s30] =	ssyncadd.s32 $0xFFFFEC00  }
0xda: {  	_ =	swait.ge [sflag:s30], $0x1400  }
0xdb: {  	[sflag:s30] =	ssyncset.done $0x0  }
0xdc: {  	[sflag:s30] =	ssyncadd.s32 $0xFFFFEC00  }
0xdd: {  	_ =	swait.ge [sflag:s30], $0x1400  }
0xde: {  	[sflag:s30] =	ssyncset.done $0x0  }
0xdf: {  	[sflag:s30] =	ssyncadd.s32 $0xFFFFEC00  }
0xe0: {  	_ =	swait.ge [sflag:s30], $0x1400  }
0xe1: {  	[sflag:s30] =	ssyncset.done $0x0  }
0xe2: {  	s7 =	sadd.s32 s7, s8;
	[sflag:s30] =	ssyncadd.s32 $0xFFFFEC00  }
0xe3: {  	[hbm4b:s7+s3] =	stream.linear.scatter [tilespmem:s21], [sflag:$0x2], $0x1400, $0x38;
	[tilespmem:$0xB400] =	vst v63  }
0xe4: {  	s6 =	sadd.s32 s6, s8  }
0xe5: {  	[hbm4b:s6+s3] =	stream.linear.scatter [tilespmem:s22], [sflag:$0x2], $0x1400, $0x38;
	[tilespmem:$0xB400] =	vst v63  }
0xe6: {  	s5 =	sadd.s32 s5, s8  }
0xe7: {  	[hbm4b:s5+s3] =	stream.linear.scatter [tilespmem:s23], [sflag:$0x2], $0x1400, $0x38;
	[tilespmem:$0xB400] =	vst v63  }
0xe8: {  	s4 =	sadd.s32 s4, s8  }
0xe9: {  	[hbm4b:s4+s3] =	stream.linear.scatter [tilespmem:s24], [sflag:$0x2], $0x1400, $0x38;
	[tilespmem:$0xB400] =	vst v63  }
0xea: {  	_ =	swait.ge [sflag:s31], $0x1400  }
0xeb: {  	[sflag:s31] =	ssyncset.done $0x0  }
0xec: {  	[sflag:s31] =	ssyncadd.s32 $0xFFFFEC00  }
0xed: {  	_ =	swait.ge [sflag:s31], $0x1400  }
0xee: {  	[sflag:s31] =	ssyncset.done $0x0  }
0xef: {  	[sflag:s31] =	ssyncadd.s32 $0xFFFFEC00  }
0xf0: {  	_ =	swait.ge [sflag:s31], $0x1400  }
0xf1: {  	[sflag:s31] =	ssyncset.done $0x0  }
0xf2: {  	[sflag:s31] =	ssyncadd.s32 $0xFFFFEC00  }
0xf3: {  	p0 =	seq.s32 s0, $0x12C0;
	_ =	swait.ge [sflag:s31], $0x1400  }
0xf4: {  	s0 =	sshra.s32 @!p0 s0, $0x2;
	s9 =	simm.s32 @!p0 $0x1400;
	[sflag:s31] =	ssyncset.done $0x0  }
0xf5: {  	s10 =	sadd.s32 @!p0 $0x50, s0;
	s11 =	simm.s32 @!p0 $0x28;
	[sflag:s31] =	ssyncadd.s32 $0xFFFFEC00  }
0xf6: {  	[tilespmem:s9], [sflag:$0x1] =	stream.indirect.gather @!p0 [hbm4b:s2+s11], $0x80, s10, s11, $0xb8;
	[tilespmem:$0xB400] =	vst v63  }
0xf7: {  	s9 =	sadd.s32 @!p0 $0x550, s0;
	s10 =	simm.s32 @!p0 $0x2800  }
0xf8: {  	[tilespmem:s10], [sflag:$0x1] =	stream.indirect.gather @!p0 [hbm4b:s2+s11], $0x80, s9, s11, $0xb8;
	[tilespmem:$0xB400] =	vst v63  }
0xf9: {  	s9 =	sadd.s32 @!p0 $0xA50, s0;
	s10 =	simm.s32 @!p0 $0x3C00  }
0xfa: {  	[tilespmem:s10], [sflag:$0x1] =	stream.indirect.gather @!p0 [hbm4b:s2+s11], $0x80, s9, s11, $0xb8;
	[tilespmem:$0xB400] =	vst v63  }
0xfb: {  	s0 =	sadd.s32 @!p0 $0xF50, s0;
	s9 =	simm.s32 @!p0 $0x5000  }
0xfc: {  	[tilespmem:s9], [sflag:$0x1] =	stream.indirect.gather @!p0 [hbm4b:s2+s11], $0x80, s0, s11, $0xb8;
	[tilespmem:$0xB400] =	vst v63  }
0xfd: {  	_ =	swait.ge [sflag:s30], $0x1400  }
0xfe: {  	[sflag:s30] =	ssyncset.done $0x0  }
0xff: {  	[sflag:s30] =	ssyncadd.s32 $0xFFFFEC00  }
0x100: {  	_ =	swait.ge [sflag:s30], $0x1400  }
0x101: {  	[sflag:s30] =	ssyncset.done $0x0  }
0x102: {  	[sflag:s30] =	ssyncadd.s32 $0xFFFFEC00  }
0x103: {  	_ =	swait.ge [sflag:s30], $0x1400  }
0x104: {  	[sflag:s30] =	ssyncset.done $0x0  }
0x105: {  	[sflag:s30] =	ssyncadd.s32 $0xFFFFEC00  }
0x106: {  	_ =	swait.ge [sflag:s30], $0x1400  }
0x107: {  	[sflag:s30] =	ssyncset.done $0x0  }
0x108: {  	s14 =	sadd.s32 $0x280, s7;
	[sflag:s30] =	ssyncadd.s32 $0xFFFFEC00  }
0x109: {  	[hbm4b:s14+s3] =	stream.linear.scatter [tilespmem:s25], [sflag:$0x2], $0x1400, $0x38;
	[tilespmem:$0xB400] =	vst v63  }
0x10a: {  	s15 =	sadd.s32 $0x280, s6  }
0x10b: {  	[hbm4b:s15+s3] =	stream.linear.scatter [tilespmem:s26], [sflag:$0x2], $0x1400, $0x38;
	[tilespmem:$0xB400] =	vst v63  }
0x10c: {  	s17 =	sadd.s32 $0x280, s5  }
0x10d: {  	[hbm4b:s17+s3] =	stream.linear.scatter [tilespmem:s28], [sflag:$0x2], $0x1400, $0x38;
	[tilespmem:$0xB400] =	vst v63  }
0x10e: {  	s18 =	sadd.s32 $0x280, s4  }
0x10f: {  	[hbm4b:s18+s3] =	stream.linear.scatter [tilespmem:s29], [sflag:$0x2], $0x1400, $0x38;
	[tilespmem:$0xB400] =	vst v63  }
0x110: {  	_ =	swait.ge [sflag:s31], $0x1400  }
0x111: {  	[sflag:s31] =	ssyncset.done $0x0  }
0x112: {  	[sflag:s31] =	ssyncadd.s32 $0xFFFFEC00  }
0x113: {  	_ =	swait.ge [sflag:s31], $0x1400  }
0x114: {  	[sflag:s31] =	ssyncset.done $0x0  }
0x115: {  	[sflag:s31] =	ssyncadd.s32 $0xFFFFEC00  }
0x116: {  	_ =	swait.ge [sflag:s31], $0x1400  }
0x117: {  	[sflag:s31] =	ssyncset.done $0x0  }
0x118: {  	[sflag:s31] =	ssyncadd.s32 $0xFFFFEC00  }
0x119: {  	_ =	swait.ge [sflag:s31], $0x1400  }
0x11a: {  	s1 =	sadd.s32 $0x1, s1;
	s19 =	rddreg [dreg:$0x9]  }
0x11b: {  	p0 =	sne.s32 s1, s19  }
.Ltmp1:
0x11c: {  	_ = 	snop;
	(pc) =	sbr.rel @p0 .LBB2_1-.Ltmp1, $3  }
0x11d: {  	_ =	sdelay $0x1  }
0x11e: {  	[sflag:s31] =	ssyncset.done $0x0  }
0x11f: {  	[sflag:s31] =	ssyncadd.s32 $0xFFFFEC00  }
0x120: {  	_ =	sfence.sel $0x180000  }
0x121: {  	[bflag:$0x0] =	sbarrier.arrive $0xFFFF  }
0x122: {  	_ =	strace $0x9000004D  }
0x123: {  	s0 =	stileid.u32;
	[bflag:$0x2] =	sbarrier.arrive $0xFFFF  }
0x124: {  	p0 =	sne.s32 s0, $0x0;
	s0 =	rddreg [dreg:$0x2]  }
0x125: {  	s0 =	sadd.s32 @!p0 $0x100000, s0  }
0x126: {  	[sflag:s0] =	ssyncadd.tile.s32 @!p0 $0x1;
	_ =	shalt  }
.Lfunc_end2:
_tile_overlayer_lowered:
.L_overlay_start_2:
0x127: {  	(tag) =	ssettag $0x2  }
0x128: {  	s0 =	rddreg [dreg:$0x0];
	s2 =	stileid.u32  }
0x129: {  	s1 =	rddreg [dreg:$0x1];
	p0 =	sne.s32 s2, $0x0  }
0x12a: {  	s3 =	rddreg [dreg:$0x2];
	[bflag:$0x3] =	sbarrier.arrive $0xFFFF;
	s2 =	simm.s32 @!p0 $0x1C03  }
0x12b: {  	[timem:s3], [sflag:s2] =	dma.local @!p0 [hbm:s0], s1  }
0x12c: {  	s0 =	simm.s32 @!p0 $0x3  }
0x12d: {  	_ =	swait.ge @!p0 [sflag:s0], s1  }
0x12e: {  	s1 =	ssub.s32 @!p0 $0x0, s1;
	[sflag:s0] =	ssyncset.done @!p0 $0x0  }
0x12f: {  	[sflag:s0] =	ssyncadd.s32 @!p0 s1  }
0x130: {  	[bflag:$0x3] =	sbarrier.arrive $0xFFFF  }
0x131: {  	_ =	shalt  }

// kernel: kernel.19.cloned.1.call-start
scs
__scs_entry_jumppad:
0x0: {  	(pc) =	sbr.rel $0x88, $3  }
0x1: {  	(tag) =	ssettag $0x0;
	lr =	simm.s32 $0x1  }
0x2: {  	[smem:$0x3F9D] =	sst lr;
	_ =	strace $0xD0000000  }
0x3: {  	_ = 	snop  }
0x4: {  	_ = 	snop  }
0x5: {  	_ = 	snop  }
0x6: {  	_ = 	snop  }
0x7: {  	_ = 	snop  }
__scs_overlays_trampoline_lowered:
0x8: {  	[smem:$0x3FAC] =	sst s0  }
0x9: {  	[smem:$0x3FAD] =	sst s1  }
0xa: {  	[smem:$0x3FAE] =	sst s2  }
0xb: {  	[smem:$0x3FAF] =	sst s3  }
0xc: {  	[smem:$0x3FB0] =	sst s4  }
0xd: {  	[smem:$0x3FB1] =	sst s5  }
0xe: {  	[smem:$0x3FB2] =	sst s6  }
0xf: {  	[smem:$0x3FB3] =	sst s7  }
0x10: {  	[smem:$0x3FB4] =	sst s8  }
0x11: {  	[smem:$0x3FB5] =	sst s9;
	s0 =	simm.s32 @!p0 $0x0  }
0x12: {  	s1 =	sld [smem:$0x3F9B];
	s0 =	simm.s32 @p0 $0x1  }
0x13: {  	[smem:$0x3FB6] =	sst s0;
	s0 =	simm.s32 @!p1 $0x0  }
0x14: {  	s2 =	sld [smem:$0x3F9A];
	s0 =	simm.s32 @p1 $0x1  }
0x15: {  	[smem:$0x3FB7] =	sst s0;
	s0 =	simm.s32 @!p2 $0x0  }
0x16: {  	s3 =	sld [smem:$0x3FDB];
	s0 =	simm.s32 @p2 $0x1  }
0x17: {  	s4 =	simm.s32 $0x1BF5;
	[smem:$0x3FB9] =	sst s0  }
0x18: {  	s0 =	sld [smem:$0x3F9C];
	_ =	swait.ge [sflag:s4], $0x0  }
0x19: {  	s7 =	sld [smem:$0x3F9D]  }
0x1a: {  	s8 =	sadd.s32 $0xFFFFE003, lr  }
0x1b: {  	s9 =	sadd.s32 $0xFFFFFEF7, lr;
	s5 =	simm.s32 $0xFFFFFFFF;
	p2 =	slt.u32 s8, $0xFFFFF086  }
0x1c: {  	p1 =	slt.u32 s9, $0xF7A;
	s5 =	simm.s32 @!p2 $0x0  }
0x1d: {  	s5 =	simm.s32 @p1 $0x1;
	p0 =	seq.s32 s7, s2  }
0x1e: {  	s7 =	smul.u32 @!p0 $0xF7A, s2;
	p2 =	seq.s32 @!p0 s5, $0x0  }
0x1f: {  	s9 =	smul.u32 $0xF7A, s1;
	s8 =	simm.s32 @!p0 $0x1BF5;
	p2 =	por !p2, p0  }
0x20: {  	[sflag:s8] =	ssyncset.s32 @!p0 $0xFFFFF086;
	s6 =	sadd.s32 @!p0 s3, s7;
	s7 =	simm.s32 @!p0 $0x108  }
0x21: {  	s3 =	sadd.s32 s3, s9;
	s6 =	sadd.s32 @!p0 $0x88, s6;
	s7 =	simm.s32 @p2 $0x1082  }
0x22: {  	[simem:s7], [sflag:s8] =	dma.local @!p0 [hbm:s6], $0xF7A  }
0x23: {  	s9 =	sor.u32 $0xD0000000, s2;
	s6 =	simm.s32 $0x108;
	_ =	swait.ge @!p0 [sflag:s8], $0x0  }
0x24: {  	s3 =	sadd.s32 $0x88, s3;
	s6 =	simm.s32 @!p1 $0x1082;
	[sflag:s4] =	ssyncset.s32 $0xFFFFF086  }
0x25: {  	[simem:s6], [sflag:s4] =	dma.local [hbm:s3], $0xF7A  }
0x26: {  	[smem:$0x3F9D] =	sst s1;
	(tag) =	ssettag s2;
	_ =	strace s9  }
0x27: {  	s1 =	sld [smem:$0x3FAD]  }
0x28: {  	s2 =	sld [smem:$0x3FAE]  }
0x29: {  	s4 =	sld [smem:$0x3FB0]  }
0x2a: {  	p0 =	seq.s32 s5, $0x0;
	s5 =	sld [smem:$0x3FB1]  }
0x2b: {  	s6 =	sld [smem:$0x3FB2]  }
0x2c: {  	s7 =	sld [smem:$0x3FB3]  }
0x2d: {  	s3 =	simm.s32 $0x108;
	s8 =	sld [smem:$0x3FB4]  }
0x2e: {  	s3 =	simm.s32 @!p0 $0x1082;
	s9 =	sld [smem:$0x3FB5]  }
0x2f: {  	lr =	sadd.s32 s0, s3;
	s0 =	sld [smem:$0x3FAC]  }
0x30: {  	s3 =	sld [smem:$0x3FAF]  }
0x31: {  	[smem:$0x3FB8] =	sst s10  }
0x32: {  	s10 =	sld [smem:$0x3FB6];
	_ =	sdelay $0x3  }
0x33: {  	p0 =	seq.s32 s10, $0x1;
	s10 =	sld [smem:$0x3FB8];
	_ =	sdelay $0x3  }
0x34: {  	[smem:$0x3FB8] =	sst s10  }
0x35: {  	s10 =	sld [smem:$0x3FB7];
	_ =	sdelay $0x3  }
0x36: {  	p1 =	seq.s32 s10, $0x1;
	s10 =	sld [smem:$0x3FB8];
	_ =	sdelay $0x3  }
0x37: {  	[smem:$0x3FB8] =	sst s10  }
0x38: {  	s10 =	sld [smem:$0x3FB9]  }
0x39: {  	_ = 	snop;
	(pc) =	sbr.ind lr, $3  }
0x3a: {  	_ = 	snop  }
0x3b: {  	_ = 	snop  }
0x3c: {  	p2 =	seq.s32 s10, $0x1;
	s10 =	sld [smem:$0x3FB8]  }
0x3d: {  	_ =	shalt  }
0x3e: {  	_ =	shalt  }
0x3f: {  	_ =	shalt  }
0x40: {  	_ =	shalt  }
0x41: {  	_ =	shalt  }
0x42: {  	_ =	shalt  }
0x43: {  	_ =	shalt  }
0x44: {  	_ =	shalt  }
0x45: {  	_ =	shalt  }
0x46: {  	_ =	shalt  }
0x47: {  	_ =	shalt  }
0x48: {  	_ =	shalt  }
0x49: {  	_ =	shalt  }
0x4a: {  	_ =	shalt  }
0x4b: {  	_ =	shalt  }
0x4c: {  	_ =	shalt  }
0x4d: {  	_ =	shalt  }
0x4e: {  	_ =	shalt  }
0x4f: {  	_ =	shalt  }
0x50: {  	_ =	shalt  }
0x51: {  	_ =	shalt  }
0x52: {  	_ =	shalt  }
0x53: {  	_ =	shalt  }
0x54: {  	_ =	shalt  }
0x55: {  	_ =	shalt  }
0x56: {  	_ =	shalt  }
0x57: {  	_ =	shalt  }
0x58: {  	_ =	shalt  }
0x59: {  	_ =	shalt  }
0x5a: {  	_ =	shalt  }
0x5b: {  	_ =	shalt  }
0x5c: {  	_ =	shalt  }
0x5d: {  	_ =	shalt  }
0x5e: {  	_ =	shalt  }
0x5f: {  	_ =	shalt  }
0x60: {  	_ =	shalt  }
0x61: {  	_ =	shalt  }
0x62: {  	_ =	shalt  }
0x63: {  	_ =	shalt  }
0x64: {  	_ =	shalt  }
0x65: {  	_ =	shalt  }
0x66: {  	_ =	shalt  }
0x67: {  	_ =	shalt  }
0x68: {  	_ =	shalt  }
0x69: {  	_ =	shalt  }
0x6a: {  	_ =	shalt  }
0x6b: {  	_ =	shalt  }
0x6c: {  	_ =	shalt  }
0x6d: {  	_ =	shalt  }
0x6e: {  	_ =	shalt  }
0x6f: {  	_ =	shalt  }
0x70: {  	_ =	shalt  }
0x71: {  	_ =	shalt  }
0x72: {  	_ =	shalt  }
0x73: {  	_ =	shalt  }
0x74: {  	_ =	shalt  }
0x75: {  	_ =	shalt  }
0x76: {  	_ =	shalt  }
0x77: {  	_ =	shalt  }
0x78: {  	_ =	shalt  }
0x79: {  	_ =	shalt  }
0x7a: {  	_ =	shalt  }
0x7b: {  	_ =	shalt  }
0x7c: {  	_ =	shalt  }
0x7d: {  	_ =	shalt  }
0x7e: {  	_ =	shalt  }
0x7f: {  	_ =	shalt  }
0x80: {  	_ =	shalt  }
0x81: {  	_ =	shalt  }
0x82: {  	_ =	shalt  }
0x83: {  	_ =	shalt  }
0x84: {  	_ =	shalt  }
0x85: {  	_ =	shalt  }
0x86: {  	_ =	shalt  }
0x87: {  	_ =	shalt  }
.Lfunc_end0:
.L_simem_size_0:
called_computation.4_lowered:
.L_overlay_start_0:
0x88: {  	s2 =	sld [smem:$0x3FD9]  }
0x89: {  	s3 =	sld [smem:$0x3FFE];
	_ =	sdelay $0x1  }
0x8a: {  	s1 =	srdreg.scid  }
0x8b: {  	s0 =	sand.u32 $0x1, s1  }
0x8c: {  	s17 =	sshll.u32 s0, $0xA;
	s2 =	sadd.s32 s3, s2  }
0x8d: {  	s2 =	sadd.s32 s2, s17  }
0x8e: {  	[smem:$0x3FC4] =	sst s2  }
0x8f: {  	_ = 	snop  }
0x90: {  	s18 =	sld [smem:$0x3FD0];
	(tm) =	ssettm $0x1  }
0x91: {  	s19 =	sld [smem:$0x3FFB];
	_ =	sdelay $0x3  }
0x92: {  	_ =	strace s19  }
0x93: {  	s2 =	sld [smem:$0x3FFC];
	_ =	sdelay $0x3  }
0x94: {  	_ =	strace s2  }
0x95: {  	s2 =	sld [smem:$0x3FFD];
	_ =	sdelay $0x3  }
0x96: {  	_ =	strace s2  }
0x97: {  	_ =	strace $0x8FFFFFFF  }
0x98: {  	s20 =	sld [smem:$0x3FDB];
	_ =	sdelay $0x1  }
0x99: {  	s4 =	simm.s32 $_scs_section_size  }
0x9a: {  	s5 =	simm.s32 $_size__tile_overlayer_lowered;
	s6 =	simm.s32 $_tile_overlayer_lowered  }
0x9b: {  	s7 =	simm.s32 $0x1BFF;
	s21 =	sshll.u32 s6, $0x1;
	s4 =	sadd.s32 s4, s20  }
0x9c: {  	s22 =	simm.s32 $0x0;
	s5 =	sshll.u32 s5, $0x1;
	s6 =	sadd.s32 s21, s4  }
0x9d: {  	[timem:s22], [sflag:s7] =	dma.local [hbm:s6], s5  }
0x9e: {  	_ =	swait.ge [sflag:s7], s5  }
0x9f: {  	s5 =	ssub.s32 $0x0, s5;
	[sflag:s7] =	ssyncset.done $0x0  }
0xa0: {  	[sflag:s7] =	ssyncadd.s32 s5;
	_ =	sdelay $0x1  }
0xa1: {  	s23 =	simm.s32 $0x1B8B  }
0xa2: {  	_ =	swait.ge [sflag:s23], $0x1  }
0xa3: {  	[sflag:s23] =	ssyncset.done $0x0  }
0xa4: {  	[sflag:s23] =	ssyncadd.s32 $0xFFFFFFFF  }
0xa5: {  	s5 =	sld [smem:$0x0]  }
0xa6: {  	s6 =	sand.u32 $0xFFFFFFFE, s1  }
0xa7: {  	p0 =	sne.s32 s1, s6  }
0xa8: {  	s6 =	sshll.u32 @p0 s6, $0xE  }
0xa9: {  	s6 =	sadd.s32 @p0 $0x11B8D, s6;
	s7 =	sshll.u32 @p0 s5, $0x11  }
0xaa: {  	s6 =	sor.u32 @p0 s7, s6  }
0xab: {  	[sflag:s6] =	ssyncadd.remote.s32 @p0 $0x1;
	_ =	sdelay $0x1  }
0xac: {  	s6 =	simm.s32 @p0 $0x1B8D  }
0xad: {  	_ =	swait.eq @p0 [sflag:s6], $0x1  }
0xae: {  	[sflag:s6] =	ssyncadd.s32 @p0 $0xFFFFFFFF  }
0xaf: {  	s7 =	sshll.u32 @!p0 s1, $0xE  }
0xb0: {  	s7 =	sor.u32 @!p0 $0x4000, s7;
	s6 =	simm.s32 @!p0 $0x1B8D  }
0xb1: {  	s5 =	sshll.u32 @!p0 s5, $0x11;
	s7 =	sadd.s32 @!p0 $0x11B8D, s7;
	_ =	swait.eq @!p0 [sflag:s6], $0x1  }
0xb2: {  	s5 =	sor.u32 @!p0 s5, s7;
	[sflag:s6] =	ssyncadd.s32 @!p0 $0xFFFFFFFF  }
0xb3: {  	s25 =	simm.s32 $0x1B8E;
	s24 =	sld [smem:$0x3FFE];
	[sflag:s5] =	ssyncadd.remote.s32 @!p0 $0x1  }
0xb4: {  	s26 =	simm.s32 $execute0_lowered;
	[smem:$0x3FD2] =	sst s25  }
0xb5: {  	s6 =	sshll.u32 s26, $0x1;
	_ =	strace $0x8000004F;
	[dreg:$0x1] =	wrdreg $0xFFFFFFFF  }
0xb6: {  	s28 =	simm.s32 $_size_execute0_lowered;
	s4 =	sadd.s32 s4, s6;
	[dreg:$0x0] =	wrdreg $0x0  }
0xb7: {  	s6 =	sshll.u32 s28, $0x1;
	[dreg:$0x2] =	wrdreg s4  }
0xb8: {  	[dreg:$0x3] =	wrdreg s6  }
0xb9: {  	[dreg:$0x4] =	wrdreg $0xC0  }
0xba: {  	_ =	task [dreg:s22], $0x5FFFF  }
0xbb: {  	[dreg:$0x1] =	wrdreg $0xFFFFFFFF  }
0xbc: {  	[dreg:$0x0] =	wrdreg $0x60  }
0xbd: {  	[dreg:$0x2] =	wrdreg s18  }
0xbe: {  	[dreg:$0x3] =	wrdreg s24  }
0xbf: {  	[dreg:$0x4] =	wrdreg $0xC  }
0xc0: {  	_ =	task.clear_ibuf [dreg:s22], $0x5FFFF;
	_ =	strace $0x9000004F  }
0xc1: {  	s29 =	simm.s32 $0xC;
	_ =	strace $0x80000051  }
0xc2: {  	_ =	swait.ge [sflag:s29], $0x1  }
0xc3: {  	[sflag:s29] =	ssyncadd.s32 $0xFFFFFFFF  }
0xc4: {  	_ =	strace $0x90000051  }
0xc5: {  	_ =	sfence  }
0xc6: {  	s30 =	sld [smem:$0x0];
	_ =	sdelay $0x2  }
0xc7: {  	s31 =	sshll.u32 s1, $0xD;
	s1 =	sshrl.u32 s1, $0x2  }
0xc8: {  	s4 =	sand.u32 $0x4000, s31;
	s1 =	sadd.s32 s1, s30  }
0xc9: {  	s0 =	sor.u32 s4, s0;
	s1 =	sshll.u32 s1, $0x11  }
0xca: {  	s0 =	sor.u32 s1, s0  }
0xcb: {  	s0 =	sadd.s32 $0x8F2B, s0  }
0xcc: {  	[sflag:s0] =	ssyncadd.remote.s32 $0x1  }
0xcd: {  	_ =	sfence.sel $0xFFFF  }
0xce: {  	[dreg:$0x0] =	wrdreg $0xFFFFFFFF;
	(pc) =	sbr.abs _section_cstart, $3  }
0xcf: {  	[dreg:$0x1] =	wrdreg $0xFFFFFFFF  }
0xd0: {  	_ =	task.clear_ibuf [dreg:s22], $0x2FFFF;
	_ =	strace $0x9FFFFFFF  }
0xd1: {  	(tm) =	ssettm $0x7FFFFFFF  }
tec
execute0_lowered:
.L_overlay_start_1:
0x0: {  	(tag) =	ssettag $0x1  }
0x1: {  	s0 =	srdreg.scid;
	s2 =	rddreg [dreg:$0x0]  }
0x2: {  	s11 =	stileid.u32;
	s4 =	rddreg [dreg:$0x1];
	s3 =	simm.s32 $0x0  }
0x3: {  	s28 =	simm.s32 $0x3C00;
	s29 =	simm.s32 $0x5000;
	s30 =	simm.s32 $0x6400  }
0x4: {  	s0 =	sand.u32 $0x1, s0;
	s1 =	sshll.u32 s11, $0x1;
	s6 =	sadd.s32 $0x797400, s4  }
0x5: {  	[smem:$0x7FF] =	sst s3;
	s7 =	sadd.s32 $0x828400, s4;
	s21 =	smul.u32 $0x9100, s11  }
0x6: {  	s9 =	sadd.s32 $0x8B9400, s4;
	s1 =	sor.u32 s0, s1;
	s13 =	smul.u32 $0x4880, s0  }
0x7: {  	s31 =	simm.s32 $0x7800;
	_ =	strace $0x80000050;
	s5 =	smul.u32 $0x280, s1  }
0x8: {  	s8 =	ssub.s32 $0x2, s0;
	s0 =	simm.s32 $0xA000;
	s1 =	smul.u32 $0x24400, s1  }
0x9: {  	s10 =	sshrl.u32 s8, $0x1;
	s25 =	sadd.s32 s21, s6;
	s26 =	sadd.s32 s21, s7  }
0xa: {  	s16 =	sadd.s32 s21, s9;
	s8 =	ssub.s32 s8, s10;
	[dreg:$0xc] =	wrdreg s25  }
0xb: {  	[dreg:$0xd] =	wrdreg s26;
	s25 =	simm.s32 $0x1400;
	s26 =	simm.s32 $0x2800  }
0xc: {  	s5 =	sadd.s32 s5, s4;
	s4 =	sadd.s32 $0x94A400, s4;
	s24 =	smax.u32 s8, $0x1  }
0xd: {  	s1 =	sshrl.u32 s1, $0x3;
	s12 =	sadd.s32 $0x792400, s5;
	[dreg:$0xb] =	wrdreg s24  }
0xe: {  	s18 =	sadd.s32 $0x792410, s5;
	s19 =	sadd.s32 $0x792420, s5;
	[dreg:$0x3] =	wrdreg s12  }
0xf: {  	s1 =	sadd.s32 $0x4600, s1;
	s5 =	sadd.s32 $0x792430, s5;
	[dreg:$0x4] =	wrdreg s18  }
0x10: {  	s17 =	sadd.s32 s21, s4;
	s24 =	simm.s32 $0x28;
	[dreg:$0x5] =	wrdreg s19  }
0x11: {  	[dreg:$0x6] =	wrdreg s5;
	s20 =	sadd.s32 s6, s1;
	s22 =	sadd.s32 s7, s1  }
0x12: {  	s23 =	sadd.s32 s9, s1;
	s1 =	sadd.s32 s4, s1;
	[dreg:$0x7] =	wrdreg s20  }
0x13: {  	s19 =	simm.s32 $0x200;
	s4 =	simm.s32 $0x1;
	[dreg:$0x8] =	wrdreg s22  }
0x14: {  	s5 =	simm.s32 $0x2;
	s6 =	simm.s32 $0x0;
	[dreg:$0x9] =	wrdreg s23  }
0x15: {  	[dreg:$0xa] =	wrdreg s1;
	s20 =	simm.s32 $0x3;
	s1 =	simm.s32 $0x8C00  }
.LBB2_1:
0x16: {  	s7 =	rddreg [dreg:$0x3];
	s8 =	simm.s32 $0x80  }
0x17: {  	[tilespmem:s3], [sflag:$0x3] =	stream.strided.gather [hbm4b:s7+s8], $0x500, s19, s8, $0x38;
	[tilespmem:$0xB400] =	vst v63  }
0x18: {  	_ =	swait.ge [sflag:s20], $0x500  }
0x19: {  	[sflag:s20] =	ssyncset.done $0x0  }
0x1a: {  	s9 =	simm.s32 $0x500;
	s12 =	rddreg [dreg:$0x4];
	[sflag:s20] =	ssyncadd.s32 $0xFFFFFB00  }
0x1b: {  	[tilespmem:s9], [sflag:$0x3] =	stream.strided.gather [hbm4b:s12+s8], $0x500, s19, s8, $0x38;
	[tilespmem:$0xB400] =	vst v63  }
0x1c: {  	_ =	swait.ge [sflag:s20], $0x500  }
0x1d: {  	[sflag:s20] =	ssyncset.done $0x0  }
0x1e: {  	s10 =	simm.s32 $0xA00;
	s14 =	rddreg [dreg:$0x5];
	[sflag:s20] =	ssyncadd.s32 $0xFFFFFB00  }
0x1f: {  	[tilespmem:s10], [sflag:$0x3] =	stream.strided.gather [hbm4b:s14+s8], $0x500, s19, s8, $0x38;
	[tilespmem:$0xB400] =	vst v63  }
0x20: {  	_ =	swait.ge [sflag:s20], $0x500  }
0x21: {  	[sflag:s20] =	ssyncset.done $0x0  }
0x22: {  	s11 =	simm.s32 $0xF00;
	s15 =	rddreg [dreg:$0x6];
	[sflag:s20] =	ssyncadd.s32 $0xFFFFFB00  }
0x23: {  	[tilespmem:s11], [sflag:$0x3] =	stream.strided.gather [hbm4b:s15+s8], $0x500, s19, s8, $0x38;
	[tilespmem:$0xB400] =	vst v63  }
0x24: {  	_ =	swait.ge [sflag:s20], $0x500  }
0x25: {  	[sflag:s20] =	ssyncset.done $0x0  }
0x26: {  	[sflag:s20] =	ssyncadd.s32 $0xFFFFFB00  }
0x27: {  	[tilespmem:s25], [sflag:$0x1] =	stream.indirect.gather [hbm4b:s2+s24], $0x80, s3, s24, $0xb8;
	[tilespmem:$0xB400] =	vst v63  }
0x28: {  	p0 =	por $0x1, $0x1  }
0x29: {  	[tilespmem:s26], [sflag:$0x1] =	stream.indirect.gather [hbm4b:s2+s24], $0x80, s9, s24, $0xb8;
	[tilespmem:$0xB400] =	vst v63  }
0x2a: {  	p0 =	por p0, p0  }
0x2b: {  	[tilespmem:s28], [sflag:$0x1] =	stream.indirect.gather [hbm4b:s2+s24], $0x80, s10, s24, $0xb8;
	[tilespmem:$0xB400] =	vst v63  }
0x2c: {  	s7 =	simm.s32 @!p0 $0x2  }
0x2d: {  	[tilespmem:s29], [sflag:$0x1] =	stream.indirect.gather [hbm4b:s2+s24], $0x80, s11, s24, $0xb8;
	[tilespmem:$0xB400] =	vst v63  }
0x2e: {  	_ =	swait.ge @!p0 [sflag:s7], $0x1400  }
0x2f: {  	[sflag:s7] =	ssyncset.done @!p0 $0x0  }
0x30: {  	[sflag:s7] =	ssyncadd.s32 @!p0 $0xFFFFEC00  }
0x31: {  	_ =	swait.ge @!p0 [sflag:s7], $0x1400  }
0x32: {  	[sflag:s7] =	ssyncset.done @!p0 $0x0  }
0x33: {  	[sflag:s7] =	ssyncadd.s32 @!p0 $0xFFFFEC00  }
0x34: {  	_ =	swait.ge @!p0 [sflag:s7], $0x1400  }
0x35: {  	[sflag:s7] =	ssyncset.done @!p0 $0x0  }
0x36: {  	[sflag:s7] =	ssyncadd.s32 @!p0 $0xFFFFEC00  }
0x37: {  	_ =	swait.ge @!p0 [sflag:s7], $0x1400  }
0x38: {  	[sflag:s7] =	ssyncset.done @!p0 $0x0  }
0x39: {  	s18 =	simm.s32 $0x28;
	[sflag:s7] =	ssyncadd.s32 @!p0 $0xFFFFEC00  }
0x3a: {  	[tilespmem:s30], [sflag:$0x1] =	stream.indirect.gather [hbm4b:s2+s24], $0x80, s18, s24, $0xb8;
	[tilespmem:$0xB400] =	vst v63  }
0x3b: {  	s21 =	simm.s32 $0x528  }
0x3c: {  	[tilespmem:s31], [sflag:$0x1] =	stream.indirect.gather [hbm4b:s2+s24], $0x80, s21, s24, $0xb8;
	[tilespmem:$0xB400] =	vst v63  }
0x3d: {  	s22 =	simm.s32 $0xA28  }
0x3e: {  	[tilespmem:s1], [sflag:$0x1] =	stream.indirect.gather [hbm4b:s2+s24], $0x80, s22, s24, $0xb8;
	[tilespmem:$0xB400] =	vst v63  }
0x3f: {  	s23 =	simm.s32 $0xF28  }
0x40: {  	[tilespmem:s0], [sflag:$0x1] =	stream.indirect.gather [hbm4b:s2+s24], $0x80, s23, s24, $0xb8;
	[tilespmem:$0xB400] =	vst v63  }
0x41: {  	_ =	swait.ge [sflag:s4], $0x1400  }
0x42: {  	[sflag:s4] =	ssyncset.done $0x0  }
0x43: {  	[sflag:s4] =	ssyncadd.s32 $0xFFFFEC00  }
0x44: {  	_ =	swait.ge [sflag:s4], $0x1400  }
0x45: {  	[sflag:s4] =	ssyncset.done $0x0  }
0x46: {  	[sflag:s4] =	ssyncadd.s32 $0xFFFFEC00  }
0x47: {  	_ =	swait.ge [sflag:s4], $0x1400  }
0x48: {  	[sflag:s4] =	ssyncset.done $0x0  }
0x49: {  	[sflag:s4] =	ssyncadd.s32 $0xFFFFEC00  }
0x4a: {  	_ =	swait.ge [sflag:s4], $0x1400  }
0x4b: {  	[sflag:s4] =	ssyncset.done $0x0;
	s15 =	rddreg [dreg:$0xc]  }
0x4c: {  	s18 =	rddreg [dreg:$0xd];
	[sflag:s4] =	ssyncadd.s32 $0xFFFFEC00;
	s8 =	sadd.s32 s15, s13  }
0x4d: {  	[hbm4b:s8+s3] =	stream.linear.scatter [tilespmem:s25], [sflag:$0x2], $0x1400, $0x38;
	[tilespmem:$0xB400] =	vst v63  }
0x4e: {  	s22 =	sadd.s32 s18, s13  }
0x4f: {  	[hbm4b:s22+s3] =	stream.linear.scatter [tilespmem:s26], [sflag:$0x2], $0x1400, $0x38;
	[tilespmem:$0xB400] =	vst v63  }
0x50: {  	s9 =	sadd.s32 s16, s13  }
0x51: {  	[hbm4b:s9+s3] =	stream.linear.scatter [tilespmem:s28], [sflag:$0x2], $0x1400, $0x38;
	[tilespmem:$0xB400] =	vst v63  }
0x52: {  	s10 =	sadd.s32 s17, s13  }
0x53: {  	[hbm4b:s10+s3] =	stream.linear.scatter [tilespmem:s29], [sflag:$0x2], $0x1400, $0x38;
	[tilespmem:$0xB400] =	vst v63  }
0x54: {  	_ =	swait.ge [sflag:s5], $0x1400  }
0x55: {  	[sflag:s5] =	ssyncset.done $0x0  }
0x56: {  	[sflag:s5] =	ssyncadd.s32 $0xFFFFEC00  }
0x57: {  	_ =	swait.ge [sflag:s5], $0x1400  }
0x58: {  	[sflag:s5] =	ssyncset.done $0x0  }
0x59: {  	[sflag:s5] =	ssyncadd.s32 $0xFFFFEC00  }
0x5a: {  	_ =	swait.ge [sflag:s5], $0x1400  }
0x5b: {  	[sflag:s5] =	ssyncset.done $0x0  }
0x5c: {  	[sflag:s5] =	ssyncadd.s32 $0xFFFFEC00  }
0x5d: {  	_ =	swait.ge [sflag:s5], $0x1400  }
0x5e: {  	[sflag:s5] =	ssyncset.done $0x0  }
0x5f: {  	s23 =	simm.s32 $0x50;
	[sflag:s5] =	ssyncadd.s32 $0xFFFFEC00  }
0x60: {  	[tilespmem:s25], [sflag:$0x1] =	stream.indirect.gather [hbm4b:s2+s24], $0x80, s23, s24, $0xb8;
	[tilespmem:$0xB400] =	vst v63  }
0x61: {  	s12 =	simm.s32 $0x550  }
0x62: {  	[tilespmem:s26], [sflag:$0x1] =	stream.indirect.gather [hbm4b:s2+s24], $0x80, s12, s24, $0xb8;
	[tilespmem:$0xB400] =	vst v63  }
0x63: {  	s14 =	simm.s32 $0xA50  }
0x64: {  	[tilespmem:s28], [sflag:$0x1] =	stream.indirect.gather [hbm4b:s2+s24], $0x80, s14, s24, $0xb8;
	[tilespmem:$0xB400] =	vst v63  }
0x65: {  	s21 =	simm.s32 $0xF50  }
0x66: {  	[tilespmem:s29], [sflag:$0x1] =	stream.indirect.gather [hbm4b:s2+s24], $0x80, s21, s24, $0xb8;
	[tilespmem:$0xB400] =	vst v63  }
0x67: {  	_ =	swait.ge [sflag:s4], $0x1400  }
0x68: {  	[sflag:s4] =	ssyncset.done $0x0  }
0x69: {  	[sflag:s4] =	ssyncadd.s32 $0xFFFFEC00  }
0x6a: {  	_ =	swait.ge [sflag:s4], $0x1400  }
0x6b: {  	[sflag:s4] =	ssyncset.done $0x0  }
0x6c: {  	[sflag:s4] =	ssyncadd.s32 $0xFFFFEC00  }
0x6d: {  	_ =	swait.ge [sflag:s4], $0x1400  }
0x6e: {  	[sflag:s4] =	ssyncset.done $0x0  }
0x6f: {  	[sflag:s4] =	ssyncadd.s32 $0xFFFFEC00  }
0x70: {  	p6 =	por $0x0, $0x0;
	s11 =	simm.s32 $0x140;
	_ =	swait.ge [sflag:s4], $0x1400  }
0x71: {  	p0 =	por p6, p6;
	s7 =	sadd.s32 $0x280, s8;
	[sflag:s4] =	ssyncset.done $0x0  }
0x72: {  	s8 =	sadd.s32 $0x500, s16;
	s22 =	sadd.s32 $0x280, s22;
	[sflag:s4] =	ssyncadd.s32 $0xFFFFEC00  }
0x73: {  	[hbm4b:s7+s3] =	stream.linear.scatter [tilespmem:s30], [sflag:$0x2], $0x1400, $0x38;
	[tilespmem:$0xB400] =	vst v63  }
0x74: {  	s23 =	sadd.s32 $0x280, s9;
	s9 =	sadd.s32 $0x500, s18;
	s12 =	simm.s32 $0x280  }
0x75: {  	[hbm4b:s22+s3] =	stream.linear.scatter [tilespmem:s31], [sflag:$0x2], $0x1400, $0x38;
	[tilespmem:$0xB400] =	vst v63  }
0x76: {  	s14 =	sadd.s32 $0x280, s10;
	s10 =	sadd.s32 $0x500, s15;
	s7 =	sadd.s32 $0x500, s17  }
0x77: {  	[hbm4b:s23+s3] =	stream.linear.scatter [tilespmem:s1], [sflag:$0x2], $0x1400, $0x38;
	[tilespmem:$0xB400] =	vst v63  }
.LBB2_2:
0x78: {  	[hbm4b:s14+s3] =	stream.linear.scatter [tilespmem:s0], [sflag:$0x2], $0x1400, $0x38;
	[tilespmem:$0xB400] =	vst v63  }
0x79: {  	s14 =	smov.u32 s12  }
0x7a: {  	s12 =	sadd.s32 $0x140, s12;
	s18 =	simm.s32 @!p0 $0x2;
	p2 =	seq.s32 s14, $0x0  }
0x7b: {  	p1 =	sne.s32 s12, $0x1180;
	_ =	swait.ge @!p0 [sflag:s18], $0x1400  }
0x7c: {  	[sflag:s18] =	ssyncset.done @!p0 $0x0  }
0x7d: {  	[sflag:s18] =	ssyncadd.s32 @!p0 $0xFFFFEC00  }
0x7e: {  	_ =	swait.ge @!p0 [sflag:s18], $0x1400  }
0x7f: {  	[sflag:s18] =	ssyncset.done @!p0 $0x0  }
0x80: {  	[sflag:s18] =	ssyncadd.s32 @!p0 $0xFFFFEC00  }
0x81: {  	_ =	swait.ge @!p0 [sflag:s18], $0x1400  }
0x82: {  	[sflag:s18] =	ssyncset.done @!p0 $0x0  }
0x83: {  	[sflag:s18] =	ssyncadd.s32 @!p0 $0xFFFFEC00  }
0x84: {  	_ =	swait.ge @!p0 [sflag:s18], $0x1400  }
0x85: {  	s21 =	sshra.s32 s11, $0x2;
	s11 =	smov.u32 s14;
	[sflag:s18] =	ssyncset.done @!p0 $0x0  }
0x86: {  	s14 =	sadd.s32 $0x28, s21;
	[sflag:s18] =	ssyncadd.s32 @!p0 $0xFFFFEC00;
	p0 =	por p2, p2  }
0x87: {  	[tilespmem:s30], [sflag:$0x1] =	stream.indirect.gather [hbm4b:s2+s24], $0x80, s14, s24, $0xb8;
	[tilespmem:$0xB400] =	vst v63  }
0x88: {  	s14 =	sadd.s32 $0x528, s21  }
0x89: {  	[tilespmem:s31], [sflag:$0x1] =	stream.indirect.gather [hbm4b:s2+s24], $0x80, s14, s24, $0xb8;
	[tilespmem:$0xB400] =	vst v63  }
0x8a: {  	s14 =	sadd.s32 $0xA28, s21  }
0x8b: {  	[tilespmem:s1], [sflag:$0x1] =	stream.indirect.gather [hbm4b:s2+s24], $0x80, s14, s24, $0xb8;
	[tilespmem:$0xB400] =	vst v63  }
0x8c: {  	s14 =	sadd.s32 $0xF28, s21  }
0x8d: {  	[tilespmem:s0], [sflag:$0x1] =	stream.indirect.gather [hbm4b:s2+s24], $0x80, s14, s24, $0xb8;
	[tilespmem:$0xB400] =	vst v63  }
0x8e: {  	_ =	swait.ge [sflag:s4], $0x1400  }
0x8f: {  	[sflag:s4] =	ssyncset.done $0x0  }
0x90: {  	[sflag:s4] =	ssyncadd.s32 $0xFFFFEC00  }
0x91: {  	_ =	swait.ge [sflag:s4], $0x1400  }
0x92: {  	[sflag:s4] =	ssyncset.done $0x0  }
0x93: {  	[sflag:s4] =	ssyncadd.s32 $0xFFFFEC00  }
0x94: {  	_ =	swait.ge [sflag:s4], $0x1400  }
0x95: {  	[sflag:s4] =	ssyncset.done $0x0  }
0x96: {  	[sflag:s4] =	ssyncadd.s32 $0xFFFFEC00  }
0x97: {  	_ =	swait.ge [sflag:s4], $0x1400  }
0x98: {  	[sflag:s4] =	ssyncset.done $0x0  }
0x99: {  	s23 =	sadd.s32 s10, s13;
	[sflag:s4] =	ssyncadd.s32 $0xFFFFEC00  }
0x9a: {  	[hbm4b:s23+s3] =	stream.linear.scatter [tilespmem:s25], [sflag:$0x2], $0x1400, $0x38;
	[tilespmem:$0xB400] =	vst v63  }
0x9b: {  	s14 =	sadd.s32 s9, s13  }
0x9c: {  	[hbm4b:s14+s3] =	stream.linear.scatter [tilespmem:s26], [sflag:$0x2], $0x1400, $0x38;
	[tilespmem:$0xB400] =	vst v63  }
0x9d: {  	s18 =	sadd.s32 s8, s13  }
0x9e: {  	[hbm4b:s18+s3] =	stream.linear.scatter [tilespmem:s28], [sflag:$0x2], $0x1400, $0x38;
	[tilespmem:$0xB400] =	vst v63  }
0x9f: {  	s22 =	sadd.s32 s7, s13  }
0xa0: {  	[hbm4b:s22+s3] =	stream.linear.scatter [tilespmem:s29], [sflag:$0x2], $0x1400, $0x38;
	[tilespmem:$0xB400] =	vst v63  }
0xa1: {  	_ =	swait.ge [sflag:s5], $0x1400  }
0xa2: {  	[sflag:s5] =	ssyncset.done $0x0  }
0xa3: {  	[sflag:s5] =	ssyncadd.s32 $0xFFFFEC00  }
0xa4: {  	_ =	swait.ge [sflag:s5], $0x1400  }
0xa5: {  	[sflag:s5] =	ssyncset.done $0x0  }
0xa6: {  	[sflag:s5] =	ssyncadd.s32 $0xFFFFEC00  }
0xa7: {  	_ =	swait.ge [sflag:s5], $0x1400  }
0xa8: {  	[sflag:s5] =	ssyncset.done $0x0  }
0xa9: {  	[sflag:s5] =	ssyncadd.s32 $0xFFFFEC00  }
0xaa: {  	_ =	swait.ge [sflag:s5], $0x1400  }
0xab: {  	[sflag:s5] =	ssyncset.done $0x0  }
0xac: {  	s15 =	sadd.s32 $0x50, s21;
	[sflag:s5] =	ssyncadd.s32 $0xFFFFEC00  }
0xad: {  	[tilespmem:s25], [sflag:$0x1] =	stream.indirect.gather [hbm4b:s2+s24], $0x80, s15, s24, $0xb8;
	[tilespmem:$0xB400] =	vst v63  }
0xae: {  	s15 =	sadd.s32 $0x550, s21  }
0xaf: {  	[tilespmem:s26], [sflag:$0x1] =	stream.indirect.gather [hbm4b:s2+s24], $0x80, s15, s24, $0xb8;
	[tilespmem:$0xB400] =	vst v63  }
0xb0: {  	s15 =	sadd.s32 $0xA50, s21  }
0xb1: {  	[tilespmem:s28], [sflag:$0x1] =	stream.indirect.gather [hbm4b:s2+s24], $0x80, s15, s24, $0xb8;
	[tilespmem:$0xB400] =	vst v63  }
0xb2: {  	s15 =	sadd.s32 $0xF50, s21  }
0xb3: {  	[tilespmem:s29], [sflag:$0x1] =	stream.indirect.gather [hbm4b:s2+s24], $0x80, s15, s24, $0xb8;
	[tilespmem:$0xB400] =	vst v63  }
0xb4: {  	_ =	swait.ge [sflag:s4], $0x1400  }
0xb5: {  	[sflag:s4] =	ssyncset.done $0x0  }
0xb6: {  	[sflag:s4] =	ssyncadd.s32 $0xFFFFEC00  }
0xb7: {  	_ =	swait.ge [sflag:s4], $0x1400  }
0xb8: {  	[sflag:s4] =	ssyncset.done $0x0  }
0xb9: {  	[sflag:s4] =	ssyncadd.s32 $0xFFFFEC00  }
0xba: {  	_ =	swait.ge [sflag:s4], $0x1400  }
0xbb: {  	[sflag:s4] =	ssyncset.done $0x0  }
0xbc: {  	[sflag:s4] =	ssyncadd.s32 $0xFFFFEC00  }
0xbd: {  	_ =	swait.ge [sflag:s4], $0x1400  }
0xbe: {  	[sflag:s4] =	ssyncset.done $0x0  }
0xbf: {  	s15 =	sadd.s32 $0x280, s23;
	[sflag:s4] =	ssyncadd.s32 $0xFFFFEC00  }
0xc0: {  	[hbm4b:s15+s3] =	stream.linear.scatter [tilespmem:s30], [sflag:$0x2], $0x1400, $0x38;
	[tilespmem:$0xB400] =	vst v63  }
.Ltmp0:
0xc1: {  	s14 =	sadd.s32 $0x280, s14;
	(pc) =	sbr.rel @p1 .LBB2_2-.Ltmp0, $4  }
0xc2: {  	[hbm4b:s14+s3] =	stream.linear.scatter [tilespmem:s31], [sflag:$0x2], $0x1400, $0x38;
	[tilespmem:$0xB400] =	vst v63  }
0xc3: {  	s7 =	sadd.s32 $0x500, s7;
	s8 =	sadd.s32 $0x500, s8;
	s14 =	sadd.s32 $0x280, s18  }
0xc4: {  	[hbm4b:s14+s3] =	stream.linear.scatter [tilespmem:s1], [sflag:$0x2], $0x1400, $0x38;
	[tilespmem:$0xB400] =	vst v63  }
0xc5: {  	s10 =	sadd.s32 $0x500, s10;
	s9 =	sadd.s32 $0x500, s9;
	s14 =	sadd.s32 $0x280, s22  }
0xc6: {  	[hbm4b:s14+s3] =	stream.linear.scatter [tilespmem:s0], [sflag:$0x2], $0x1400, $0x38;
	[tilespmem:$0xB400] =	vst v63  }
0xc7: {  	s12 =	simm.s32 @!p0 $0x2  }
0xc8: {  	_ =	swait.ge @!p0 [sflag:s12], $0x1400  }
0xc9: {  	[sflag:s12] =	ssyncset.done @!p0 $0x0  }
0xca: {  	[sflag:s12] =	ssyncadd.s32 @!p0 $0xFFFFEC00  }
0xcb: {  	_ =	swait.ge @!p0 [sflag:s12], $0x1400  }
0xcc: {  	[sflag:s12] =	ssyncset.done @!p0 $0x0  }
0xcd: {  	[sflag:s12] =	ssyncadd.s32 @!p0 $0xFFFFEC00  }
0xce: {  	_ =	swait.ge @!p0 [sflag:s12], $0x1400  }
0xcf: {  	[sflag:s12] =	ssyncset.done @!p0 $0x0  }
0xd0: {  	[sflag:s12] =	ssyncadd.s32 @!p0 $0xFFFFEC00  }
0xd1: {  	_ =	swait.ge @!p0 [sflag:s12], $0x1400  }
0xd2: {  	s11 =	sshra.s32 s11, $0x2;
	[sflag:s12] =	ssyncset.done @!p0 $0x0  }
0xd3: {  	s14 =	sadd.s32 $0x28, s11;
	[sflag:s12] =	ssyncadd.s32 @!p0 $0xFFFFEC00  }
0xd4: {  	[tilespmem:s30], [sflag:$0x1] =	stream.indirect.gather [hbm4b:s2+s24], $0x80, s14, s24, $0xb8;
	[tilespmem:$0xB400] =	vst v63  }
0xd5: {  	s15 =	sadd.s32 $0x528, s11  }
0xd6: {  	[tilespmem:s31], [sflag:$0x1] =	stream.indirect.gather [hbm4b:s2+s24], $0x80, s15, s24, $0xb8;
	[tilespmem:$0xB400] =	vst v63  }
0xd7: {  	s18 =	sadd.s32 $0xA28, s11  }
0xd8: {  	[tilespmem:s1], [sflag:$0x1] =	stream.indirect.gather [hbm4b:s2+s24], $0x80, s18, s24, $0xb8;
	[tilespmem:$0xB400] =	vst v63  }
0xd9: {  	s21 =	sadd.s32 $0xF28, s11  }
0xda: {  	[tilespmem:s0], [sflag:$0x1] =	stream.indirect.gather [hbm4b:s2+s24], $0x80, s21, s24, $0xb8;
	[tilespmem:$0xB400] =	vst v63  }
0xdb: {  	_ =	swait.ge [sflag:s4], $0x1400  }
0xdc: {  	[sflag:s4] =	ssyncset.done $0x0  }
0xdd: {  	[sflag:s4] =	ssyncadd.s32 $0xFFFFEC00  }
0xde: {  	_ =	swait.ge [sflag:s4], $0x1400  }
0xdf: {  	[sflag:s4] =	ssyncset.done $0x0  }
0xe0: {  	[sflag:s4] =	ssyncadd.s32 $0xFFFFEC00  }
0xe1: {  	_ =	swait.ge [sflag:s4], $0x1400  }
0xe2: {  	[sflag:s4] =	ssyncset.done $0x0  }
0xe3: {  	[sflag:s4] =	ssyncadd.s32 $0xFFFFEC00  }
0xe4: {  	_ =	swait.ge [sflag:s4], $0x1400  }
0xe5: {  	[sflag:s4] =	ssyncset.done $0x0  }
0xe6: {  	s10 =	sadd.s32 s10, s13;
	[sflag:s4] =	ssyncadd.s32 $0xFFFFEC00  }
0xe7: {  	[hbm4b:s10+s3] =	stream.linear.scatter [tilespmem:s25], [sflag:$0x2], $0x1400, $0x38;
	[tilespmem:$0xB400] =	vst v63  }
0xe8: {  	s9 =	sadd.s32 s9, s13  }
0xe9: {  	[hbm4b:s9+s3] =	stream.linear.scatter [tilespmem:s26], [sflag:$0x2], $0x1400, $0x38;
	[tilespmem:$0xB400] =	vst v63  }
0xea: {  	s8 =	sadd.s32 s8, s13  }
0xeb: {  	[hbm4b:s8+s3] =	stream.linear.scatter [tilespmem:s28], [sflag:$0x2], $0x1400, $0x38;
	[tilespmem:$0xB400] =	vst v63  }
0xec: {  	s7 =	sadd.s32 s7, s13  }
0xed: {  	[hbm4b:s7+s3] =	stream.linear.scatter [tilespmem:s29], [sflag:$0x2], $0x1400, $0x38;
	[tilespmem:$0xB400] =	vst v63  }
0xee: {  	_ =	swait.ge [sflag:s5], $0x1400  }
0xef: {  	[sflag:s5] =	ssyncset.done $0x0  }
0xf0: {  	[sflag:s5] =	ssyncadd.s32 $0xFFFFEC00  }
0xf1: {  	_ =	swait.ge [sflag:s5], $0x1400  }
0xf2: {  	[sflag:s5] =	ssyncset.done $0x0  }
0xf3: {  	[sflag:s5] =	ssyncadd.s32 $0xFFFFEC00  }
0xf4: {  	_ =	swait.ge [sflag:s5], $0x1400  }
0xf5: {  	[sflag:s5] =	ssyncset.done $0x0  }
0xf6: {  	[sflag:s5] =	ssyncadd.s32 $0xFFFFEC00  }
0xf7: {  	_ =	swait.ge [sflag:s5], $0x1400  }
0xf8: {  	[sflag:s5] =	ssyncset.done $0x0  }
0xf9: {  	s22 =	sadd.s32 $0x50, s11;
	[sflag:s5] =	ssyncadd.s32 $0xFFFFEC00  }
0xfa: {  	[tilespmem:s25], [sflag:$0x1] =	stream.indirect.gather [hbm4b:s2+s24], $0x80, s22, s24, $0xb8;
	[tilespmem:$0xB400] =	vst v63  }
0xfb: {  	s23 =	sadd.s32 $0x550, s11  }
0xfc: {  	[tilespmem:s26], [sflag:$0x1] =	stream.indirect.gather [hbm4b:s2+s24], $0x80, s23, s24, $0xb8;
	[tilespmem:$0xB400] =	vst v63  }
0xfd: {  	s14 =	sadd.s32 $0xA50, s11  }
0xfe: {  	[tilespmem:s28], [sflag:$0x1] =	stream.indirect.gather [hbm4b:s2+s24], $0x80, s14, s24, $0xb8;
	[tilespmem:$0xB400] =	vst v63  }
0xff: {  	s11 =	sadd.s32 $0xF50, s11  }
0x100: {  	[tilespmem:s29], [sflag:$0x1] =	stream.indirect.gather [hbm4b:s2+s24], $0x80, s11, s24, $0xb8;
	[tilespmem:$0xB400] =	vst v63  }
0x101: {  	_ =	swait.ge [sflag:s4], $0x1400  }
0x102: {  	[sflag:s4] =	ssyncset.done $0x0  }
0x103: {  	[sflag:s4] =	ssyncadd.s32 $0xFFFFEC00  }
0x104: {  	_ =	swait.ge [sflag:s4], $0x1400  }
0x105: {  	[sflag:s4] =	ssyncset.done $0x0  }
0x106: {  	[sflag:s4] =	ssyncadd.s32 $0xFFFFEC00  }
0x107: {  	_ =	swait.ge [sflag:s4], $0x1400  }
0x108: {  	[sflag:s4] =	ssyncset.done $0x0  }
0x109: {  	[sflag:s4] =	ssyncadd.s32 $0xFFFFEC00  }
0x10a: {  	_ =	swait.ge [sflag:s4], $0x1400  }
0x10b: {  	[sflag:s4] =	ssyncset.done $0x0  }
0x10c: {  	s10 =	sadd.s32 $0x280, s10;
	[sflag:s4] =	ssyncadd.s32 $0xFFFFEC00  }
0x10d: {  	[hbm4b:s10+s3] =	stream.linear.scatter [tilespmem:s30], [sflag:$0x2], $0x1400, $0x38;
	[tilespmem:$0xB400] =	vst v63  }
0x10e: {  	s9 =	sadd.s32 $0x280, s9  }
0x10f: {  	[hbm4b:s9+s3] =	stream.linear.scatter [tilespmem:s31], [sflag:$0x2], $0x1400, $0x38;
	[tilespmem:$0xB400] =	vst v63  }
0x110: {  	s8 =	sadd.s32 $0x280, s8  }
0x111: {  	[hbm4b:s8+s3] =	stream.linear.scatter [tilespmem:s1], [sflag:$0x2], $0x1400, $0x38;
	[tilespmem:$0xB400] =	vst v63  }
0x112: {  	s7 =	sadd.s32 $0x280, s7  }
0x113: {  	[hbm4b:s7+s3] =	stream.linear.scatter [tilespmem:s0], [sflag:$0x2], $0x1400, $0x38;
	[tilespmem:$0xB400] =	vst v63  }
0x114: {  	_ =	swait.ge [sflag:s5], $0x1400  }
0x115: {  	[sflag:s5] =	ssyncset.done $0x0  }
0x116: {  	[sflag:s5] =	ssyncadd.s32 $0xFFFFEC00  }
0x117: {  	_ =	swait.ge [sflag:s5], $0x1400  }
0x118: {  	[sflag:s5] =	ssyncset.done $0x0  }
0x119: {  	[sflag:s5] =	ssyncadd.s32 $0xFFFFEC00  }
0x11a: {  	_ =	swait.ge [sflag:s5], $0x1400  }
0x11b: {  	[sflag:s5] =	ssyncset.done $0x0  }
0x11c: {  	[sflag:s5] =	ssyncadd.s32 $0xFFFFEC00  }
0x11d: {  	_ =	swait.ge [sflag:s5], $0x1400  }
0x11e: {  	[sflag:s5] =	ssyncset.done $0x0  }
0x11f: {  	[sflag:s5] =	ssyncadd.s32 $0xFFFFEC00  }
0x120: {  	_ =	swait.ge [sflag:s4], $0x1400  }
0x121: {  	[sflag:s4] =	ssyncset.done $0x0  }
0x122: {  	[sflag:s4] =	ssyncadd.s32 $0xFFFFEC00  }
0x123: {  	_ =	swait.ge [sflag:s4], $0x1400  }
0x124: {  	[sflag:s4] =	ssyncset.done $0x0  }
0x125: {  	[sflag:s4] =	ssyncadd.s32 $0xFFFFEC00  }
0x126: {  	_ =	swait.ge [sflag:s4], $0x1400  }
0x127: {  	[sflag:s4] =	ssyncset.done $0x0  }
0x128: {  	[sflag:s4] =	ssyncadd.s32 $0xFFFFEC00  }
0x129: {  	_ =	swait.ge [sflag:s4], $0x1400  }
0x12a: {  	[sflag:s4] =	ssyncset.done $0x0  }
0x12b: {  	s15 =	rddreg [dreg:$0x7];
	[sflag:s4] =	ssyncadd.s32 $0xFFFFEC00  }
0x12c: {  	[hbm4b:s15+s3] =	stream.linear.scatter [tilespmem:s25], [sflag:$0x2], $0x1400, $0x38;
	[tilespmem:$0xB400] =	vst v63  }
0x12d: {  	s18 =	rddreg [dreg:$0x8]  }
0x12e: {  	[hbm4b:s18+s3] =	stream.linear.scatter [tilespmem:s26], [sflag:$0x2], $0x1400, $0x38;
	[tilespmem:$0xB400] =	vst v63  }
0x12f: {  	s21 =	rddreg [dreg:$0x9]  }
0x130: {  	[hbm4b:s21+s3] =	stream.linear.scatter [tilespmem:s28], [sflag:$0x2], $0x1400, $0x38;
	[tilespmem:$0xB400] =	vst v63  }
0x131: {  	s22 =	rddreg [dreg:$0xa]  }
0x132: {  	[hbm4b:s22+s3] =	stream.linear.scatter [tilespmem:s29], [sflag:$0x2], $0x1400, $0x38;
	[tilespmem:$0xB400] =	vst v63  }
0x133: {  	_ =	swait.ge [sflag:s5], $0x1400  }
0x134: {  	[sflag:s5] =	ssyncset.done $0x0  }
0x135: {  	[sflag:s5] =	ssyncadd.s32 $0xFFFFEC00  }
0x136: {  	_ =	swait.ge [sflag:s5], $0x1400  }
0x137: {  	[sflag:s5] =	ssyncset.done $0x0  }
0x138: {  	[sflag:s5] =	ssyncadd.s32 $0xFFFFEC00  }
0x139: {  	_ =	swait.ge [sflag:s5], $0x1400  }
0x13a: {  	[sflag:s5] =	ssyncset.done $0x0  }
0x13b: {  	[sflag:s5] =	ssyncadd.s32 $0xFFFFEC00  }
0x13c: {  	_ =	swait.ge [sflag:s5], $0x1400  }
0x13d: {  	s6 =	sadd.s32 $0x1, s6;
	s23 =	rddreg [dreg:$0xb]  }
0x13e: {  	p0 =	sne.s32 s6, s23  }
.Ltmp1:
0x13f: {  	_ = 	snop;
	(pc) =	sbr.rel @p0 .LBB2_1-.Ltmp1, $3  }
0x140: {  	_ =	sdelay $0x1  }
0x141: {  	[sflag:s5] =	ssyncset.done $0x0  }
0x142: {  	[sflag:s5] =	ssyncadd.s32 $0xFFFFEC00  }
0x143: {  	_ =	sfence.sel $0x180000  }
0x144: {  	[bflag:$0x0] =	sbarrier.arrive $0xFFFF  }
0x145: {  	_ =	strace $0x90000050  }
0x146: {  	s0 =	stileid.u32;
	[bflag:$0x2] =	sbarrier.arrive $0xFFFF  }
0x147: {  	p0 =	sne.s32 s0, $0x0;
	s0 =	rddreg [dreg:$0x2]  }
0x148: {  	s0 =	sadd.s32 @!p0 $0x100000, s0  }
0x149: {  	[sflag:s0] =	ssyncadd.tile.s32 @!p0 $0x1;
	_ =	shalt  }
.Lfunc_end2:
_tile_overlayer_lowered:
.L_overlay_start_2:
0x14a: {  	(tag) =	ssettag $0x2  }
0x14b: {  	s0 =	rddreg [dreg:$0x0];
	s2 =	stileid.u32  }
0x14c: {  	s1 =	rddreg [dreg:$0x1];
	p0 =	sne.s32 s2, $0x0  }
0x14d: {  	s3 =	rddreg [dreg:$0x2];
	[bflag:$0x3] =	sbarrier.arrive $0xFFFF;
	s2 =	simm.s32 @!p0 $0x1C03  }
0x14e: {  	[timem:s3], [sflag:s2] =	dma.local @!p0 [hbm:s0], s1  }
0x14f: {  	s0 =	simm.s32 @!p0 $0x3  }
0x150: {  	_ =	swait.ge @!p0 [sflag:s0], s1  }
0x151: {  	s1 =	ssub.s32 @!p0 $0x0, s1;
	[sflag:s0] =	ssyncset.done @!p0 $0x0  }
0x152: {  	[sflag:s0] =	ssyncadd.s32 @!p0 s1  }
0x153: {  	[bflag:$0x3] =	sbarrier.arrive $0xFFFF  }
0x154: {  	_ =	shalt  }

// kernel: sparse-core-data-format-call.cloned.1.call-start
scs
called_computation_lowered:
.L_overlay_start_0:
0x0: {  	s2 =	sld [smem:$0x3FD9]  }
0x1: {  	s3 =	sld [smem:$0x3FFE];
	_ =	sdelay $0x1  }
0x2: {  	s1 =	srdreg.scid  }
0x3: {  	s0 =	sand.u32 $0x1, s1  }
0x4: {  	s18 =	sshll.u32 s0, $0xA;
	s2 =	sadd.s32 s3, s2  }
0x5: {  	s2 =	sadd.s32 s2, s18  }
0x6: {  	[smem:$0x3FC4] =	sst s2  }
0x7: {  	_ = 	snop  }
0x8: {  	s2 =	sld [smem:$0x3FD0];
	(tm) =	ssettm $0x1  }
0x9: {  	s19 =	sld [smem:$0x3FFB];
	_ =	sdelay $0x3  }
0xa: {  	_ =	strace s19  }
0xb: {  	s3 =	sld [smem:$0x3FFC];
	_ =	sdelay $0x3  }
0xc: {  	_ =	strace s3  }
0xd: {  	s3 =	sld [smem:$0x3FFD];
	_ =	sdelay $0x3  }
0xe: {  	_ =	strace s3  }
0xf: {  	_ =	strace $0x8FFFFFFF  }
0x10: {  	s20 =	sld [smem:$0x3FDB];
	_ =	sdelay $0x1  }
0x11: {  	s4 =	simm.s32 $_scs_section_size  }
0x12: {  	s5 =	simm.s32 $_size__tile_overlayer_lowered;
	s6 =	simm.s32 $_tile_overlayer_lowered  }
0x13: {  	s23 =	simm.s32 $0x1BFF;
	s22 =	sshll.u32 s6, $0x1;
	s3 =	sadd.s32 s4, s20  }
0x14: {  	s7 =	simm.s32 $0x0;
	s21 =	sshll.u32 s5, $0x1;
	s5 =	sadd.s32 s22, s3  }
0x15: {  	[timem:s7], [sflag:s23] =	dma.local [hbm:s5], s21  }
0x16: {  	_ =	swait.ge [sflag:s23], s21  }
0x17: {  	s4 =	ssub.s32 $0x0, s21;
	[sflag:s23] =	ssyncset.done $0x0  }
0x18: {  	[sflag:s23] =	ssyncadd.s32 s4;
	_ =	sdelay $0x1  }
0x19: {  	s24 =	simm.s32 $0x1B8B  }
0x1a: {  	_ =	swait.ge [sflag:s24], $0x1  }
0x1b: {  	[sflag:s24] =	ssyncset.done $0x0  }
0x1c: {  	s26 =	simm.s32 $0x1B8E;
	s25 =	sld [smem:$0x3FFE];
	[sflag:s24] =	ssyncadd.s32 $0xFFFFFFFF  }
0x1d: {  	s27 =	simm.s32 $execute0_lowered;
	[smem:$0x3FD2] =	sst s26  }
0x1e: {  	s5 =	sshll.u32 s27, $0x1;
	_ =	strace $0x80000052;
	[dreg:$0x1] =	wrdreg $0xFFFFFFFF  }
0x1f: {  	s28 =	simm.s32 $_size_execute0_lowered;
	s3 =	sadd.s32 s3, s5;
	[dreg:$0x0] =	wrdreg $0x0  }
0x20: {  	s5 =	sshll.u32 s28, $0x1;
	[dreg:$0x2] =	wrdreg s3  }
0x21: {  	[dreg:$0x3] =	wrdreg s5  }
0x22: {  	[dreg:$0x4] =	wrdreg $0xC0  }
0x23: {  	_ =	task [dreg:s7], $0x5FFFF  }
0x24: {  	[dreg:$0x1] =	wrdreg $0xFFFFFFFF  }
0x25: {  	[dreg:$0x0] =	wrdreg $0x60  }
0x26: {  	[dreg:$0x2] =	wrdreg s25  }
0x27: {  	[dreg:$0x3] =	wrdreg s2  }
0x28: {  	[dreg:$0x4] =	wrdreg $0x9  }
0x29: {  	_ =	task.clear_ibuf [dreg:s7], $0x5FFFF;
	_ =	strace $0x90000052  }
0x2a: {  	s29 =	simm.s32 $0x9;
	_ =	strace $0x80000054  }
0x2b: {  	_ =	swait.ge [sflag:s29], $0x1  }
0x2c: {  	[sflag:s29] =	ssyncadd.s32 $0xFFFFFFFF  }
0x2d: {  	_ =	strace $0x90000054  }
0x2e: {  	_ =	sfence  }
0x2f: {  	s30 =	sld [smem:$0x0];
	_ =	sdelay $0x2  }
0x30: {  	s31 =	sshll.u32 s1, $0xD;
	s1 =	sshrl.u32 s1, $0x2  }
0x31: {  	s3 =	sand.u32 $0x4000, s31;
	s1 =	sadd.s32 s1, s30  }
0x32: {  	s0 =	sor.u32 s3, s0;
	s1 =	sshll.u32 s1, $0x11  }
0x33: {  	s0 =	sor.u32 s1, s0  }
0x34: {  	s0 =	sadd.s32 $0x8F2B, s0  }
0x35: {  	[sflag:s0] =	ssyncadd.remote.s32 $0x1  }
0x36: {  	_ =	sfence.sel $0xFFFF  }
0x37: {  	[dreg:$0x0] =	wrdreg $0xFFFFFFFF;
	(pc) =	sbr.abs _section_cstart, $3  }
0x38: {  	[dreg:$0x1] =	wrdreg $0xFFFFFFFF  }
0x39: {  	_ =	task.clear_ibuf [dreg:s7], $0x2FFFF;
	_ =	strace $0x9FFFFFFF  }
0x3a: {  	(tm) =	ssettm $0x7FFFFFFF  }
0x3b: {  	_ =	shalt  }
tec
execute0_lowered:
.L_overlay_start_1:
0x0: {  	(tag) =	ssettag $0x1  }
0x1: {  	s0 =	stileid.u32  }
0x2: {  	s1 =	srdreg.scid;
	s7 =	rddreg [dreg:$0x0]  }
0x3: {  	s31 =	simm.s32 $0x2;
	s14 =	simm.s32 $0x0;
	s15 =	simm.s32 $0x0  }
0x4: {  	s13 =	simm.s32 $0x0;
	s2 =	sshll.u32 s0, $0x7;
	s1 =	sshll.u32 s1, $0xB  }
0x5: {  	s3 =	sshll.u32 s0, $0x6;
	s7 =	sadd.s32 $0x9DB400, s7;
	s1 =	sor.u32 s2, s1  }
0x6: {  	s2 =	rddreg [dreg:$0x1];
	s3 =	sand.u32 $0x40, s3;
	s4 =	sand.u32 $0xF00, s1  }
0x7: {  	s1 =	rddreg [dreg:$0x2];
	s5 =	ssub.s32 $0x80, s3;
	s6 =	ssub.s32 $0x27100, s4  }
0x8: {  	s8 =	sshrl.u32 s5, $0x7;
	s5 =	sshrl.u32 s5, $0x6;
	s9 =	sand.u32 $0xF00, s6  }
0x9: {  	s10 =	sand.u32 $0x1, s5;
	p0 =	sne.s32 s9, $0x0;
	s9 =	simm.s32 $0x1  }
.Ltmp0:
0xa: {  	s6 =	sshrl.u32 s6, $0xC;
	s9 =	simm.s32 @!p0 $0x0;
	(pc) =	sbr.rel .LBB1_1-.Ltmp0, $4  }
0xb: {  	_ =	strace $0x80000053;
	s8 =	sadd.s32 s8, s10;
	s6 =	sadd.s32 s9, s6  }
0xc: {  	s12 =	smov.u32 s3;
	s5 =	simm.s32 $0x1;
	s6 =	smul.u32 s8, s6  }
0xd: {  	s11 =	smov.u32 s4;
	[sflag:s5] =	ssyncpa.u1 $0x0;
	s10 =	simm.s32 $0x0  }
0xe: {  	[sflag:s31] =	ssyncpa.u1 $0x0;
	s9 =	simm.s32 $0x27100;
	s8 =	sadd.s32 $0x1, s6  }
.LBB1_4:
0xf: {  	_ =	sdelay $0x1  }
0x10: {  	[tilespmem:s18+$0xFFFFFFE0] =	vst v8  }
0x11: {  	[tilespmem:s18+$0xFFFFFFF0] =	vst v7  }
0x12: {  	s21 =	sor.u32 s23, s22;
	[tilespmem:s18+$0x10] =	vst v1;
	v47 =	vld.idx.msk [tilespmem:v0+s19+$0x470 ss:$0x1], $0xffff  }
0x13: {  	[tilespmem:s18+$0x20] =	vst v2;
	v57 =	vld.idx.msk [tilespmem:v0+s21+$0x410 ss:$0x1], $0xffff  }
0x14: {  	[tilespmem:s18+$0x30] =	vst v3;
	v58 =	vld.idx.msk [tilespmem:v0+s21+$0x420 ss:$0x1], $0xffff  }
0x15: {  	[tilespmem:s18+$0x40] =	vst v4;
	v59 =	vld.idx.msk [tilespmem:v0+s21+$0x430 ss:$0x1], $0xffff  }
0x16: {  	[tilespmem:s18+$0x50] =	vst v5;
	v60 =	vld.idx.msk [tilespmem:v0+s21+$0x440 ss:$0x1], $0xffff  }
0x17: {  	[tilespmem:s18+$0x60] =	vst v6;
	s22 =	sand.u32 $0x3B00, s21;
	v61 =	vld.idx.msk [tilespmem:v0+s21+$0x450 ss:$0x1], $0xffff  }
0x18: {  	s20 =	sand.u32 $0x80, s20;
	s28 =	sadd.s32 $0x100, s18;
	v62 =	vld.idx.msk [tilespmem:v0+s21+$0x460 ss:$0x1], $0xffff;
	s17 =	sadd.s32 s22, s17;
	[tilespmem:s18+$0x70] =	vst v47  }
0x19: {  	v63 =	vld.idx.msk [tilespmem:v0+s21+$0x470 ss:$0x1], $0xffff;
	s17 =	sadd.s32 s20, s17;
	[tilespmem:s28+$0x10] =	vst v57  }
0x1a: {  	v48 =	vld [tilespmem:s17+$0x400];
	[tilespmem:s28+$0x20] =	vst v58  }
0x1b: {  	v49 =	vld [tilespmem:s17+$0x0];
	[tilespmem:s28+$0x30] =	vst v59  }
0x1c: {  	v50 =	vld [tilespmem:s17+$0x10];
	[tilespmem:s28+$0x40] =	vst v60  }
0x1d: {  	v51 =	vld [tilespmem:s17+$0x20];
	[tilespmem:s28+$0x50] =	vst v61  }
0x1e: {  	v52 =	vld [tilespmem:s17+$0x30];
	[tilespmem:s28+$0x60] =	vst v62  }
0x1f: {  	v53 =	vld [tilespmem:s17+$0x40];
	[tilespmem:s28+$0x70] =	vst v63  }
0x20: {  	s29 =	smulhi.u32 $0xD1B71759, s14;
	v54 =	vld [tilespmem:s17+$0x50];
	[tilespmem:s28+$0x0] =	vst v48  }
0x21: {  	v55 =	vld [tilespmem:s17+$0x60];
	[tilespmem:s28+$0xFFFFFF80] =	vst v49  }
0x22: {  	v56 =	vld [tilespmem:s17+$0x70];
	s17 =	sshrl.u32 s29, $0x11;
	[tilespmem:s28+$0xFFFFFF90] =	vst v50  }
0x23: {  	s17 =	smul.u32 $0x27100, s17;
	[tilespmem:s28+$0xFFFFFFA0] =	vst v51  }
0x24: {  	[tilespmem:s28+$0xFFFFFFB0] =	vst v52  }
0x25: {  	s15 =	smul.u32 $0x4E20, s15;
	s30 =	ssub.s32 s14, s17;
	[tilespmem:s28+$0xFFFFFFC0] =	vst v53  }
0x26: {  	s17 =	sand.u32 $0x7, s30;
	[tilespmem:s28+$0xFFFFFFD0] =	vst v54  }
0x27: {  	s15 =	sadd.s32 s2, s15;
	s14 =	sshrl.u32 s30, $0x3;
	[tilespmem:s28+$0xFFFFFFE0] =	vst v55;
	s17 =	sshll.u32 s17, $0x12  }
0x28: {  	[tilespmem:s28+$0xFFFFFFF0] =	vst v56;
	s14 =	sadd.s32 s14, s15;
	s31 =	sor.u32 $0x100, s17  }
0x29: {  	[hbm4b:s14+s31] =	stream.strided.scatter [tilespmem:s16], [sflag:$0x2], $0x4000, s9, s31, $0x38;
	[tilespmem:$0x10000] =	vst v63  }
.LBB1_5:
0x2a: {  	s16 =	sadd.s32 $0x1000, s11  }
0x2b: {  	s14 =	sadd.s32 $0x80, s12;
	s18 =	smov.u32 s12;
	p1 =	sgt.s32 s16, $0x270FF  }
0x2c: {  	s18 =	smov.u32 @p1 s14  }
0x2d: {  	s16 =	smov.u32 @p1 s4;
	p1 =	sgt.s32 s18, $0x7F  }
0x2e: {  	s18 =	smov.u32 @p1 s3;
	p1 =	sne.s32 s13, s8  }
.Ltmp1:
0x2f: {  	p0 =	slt.u32 s13, $0x2;
	(pc) =	sbr.rel @!p1 .LBB1_6-.Ltmp1, $4  }
0x30: {  	s17 =	simm.s32 @!p0 $0x2  }
0x31: {  	s15 =	smov.u32 s12;
	s10 =	sadd.s32 $0x4000, s10;
	_ =	swait.ge @!p0 [sflag:s17], $0x4000  }
0x32: {  	s14 =	smov.u32 s11;
	[sflag:s17] =	ssyncset.done @!p0 $0x0;
	s11 =	smov.u32 s16  }
0x33: {  	s13 =	sadd.s32 $0x1, s13;
	[sflag:s17] =	ssyncadd.s32 @!p0 $0xFFFFC000;
	s12 =	smov.u32 s18  }
.LBB1_1:
0x34: {  	p0 =	sge.u32 s13, s6  }
0x35: {  	s16 =	sshrl.u32 @!p0 s12, $0x3  }
0x36: {  	s17 =	sshll.u32 @!p0 s11, $0x3;
	s16 =	smul.u32 @!p0 $0x138800, s16  }
0x37: {  	s18 =	sshll.u32 @!p0 s12, $0x7;
	s17 =	sand.u32 @!p0 $0xFFFFFC00, s17  }
0x38: {  	s16 =	sadd.s32 @!p0 s16, s17;
	s17 =	sand.u32 @!p0 $0x380, s18  }
0x39: {  	s18 =	sand.u32 @!p0 $0x7F, s11;
	s16 =	sor.u32 @!p0 s17, s16  }
0x3a: {  	s17 =	sor.u32 @!p0 s18, s16  }
0x3b: {  	s18 =	smulhi.u32 @!p0 $0xD1B71759, s17;
	_ =	sdelay $0x1  }
0x3c: {  	s16 =	smulhi.u32 @!p0 $0xD1B71759, s16;
	s18 =	sshrl.u32 @!p0 s18, $0x11  }
0x3d: {  	s18 =	smul.u32 @!p0 $0x27100, s18  }
0x3e: {  	s31 =	sadd.s32 $0xFFFFFFFF, s13;
	s19 =	sxor.u32 @!p0 $0xFFFFFFFF, s13;
	s16 =	sshrl.u32 @!p0 s16, $0x11  }
0x3f: {  	s19 =	sshll.u32 @!p0 s19, $0xE;
	s16 =	sand.u32 @!p0 $0x7F, s16;
	s17 =	ssub.s32 @!p0 s17, s18  }
0x40: {  	s16 =	smul.u32 @!p0 $0x4E20, s16;
	s18 =	sshrl.u32 @!p0 s17, $0x3;
	s17 =	sand.u32 @!p0 $0x7, s17  }
0x41: {  	s19 =	sand.u32 @!p0 $0x4000, s19;
	s18 =	sadd.s32 @!p0 s7, s18;
	s17 =	sshll.u32 @!p0 s17, $0x12  }
0x42: {  	s16 =	sadd.s32 @!p0 s16, s18;
	s17 =	sor.u32 @!p0 $0x800, s17;
	s18 =	simm.s32 @!p0 $0x138800  }
0x43: {  	[tilespmem:s19], [sflag:$0x1] =	stream.strided.gather @!p0 [hbm4b:s16+s17], $0x4000, s18, s17, $0x38;
	[tilespmem:$0x10000] =	vst v63  }
0x44: {  	p0 =	sge.u32 s31, s6  }
.Ltmp2:
0x45: {  	_ = 	snop;
	(pc) =	sbr.rel @p0 .LBB1_5-.Ltmp2, $1  }
0x46: {  	_ =	sdelay $0x3  }
0x47: {  	s30 =	simm.s32 $0x0  }
0x48: {  	s18 =	sand.u32 $0x3800, s30;
	s19 =	sand.u32 $0x380, s30  }
0x49: {  	s16 =	sshll.u32 s13, $0xE;
	s19 =	sor.u32 s19, s18  }
0x4a: {  	_ =	swait.ge [sflag:s5], $0x4000;
	s17 =	sand.u32 $0x4000, s16;
	s18 =	sand.u32 $0x3B00, s19  }
0x4b: {  	[sflag:s5] =	ssyncset.done $0x0;
	s16 =	sand.u32 $0x80, s30;
	s18 =	sadd.s32 s18, s17  }
0x4c: {  	[sflag:s5] =	ssyncadd.s32 $0xFFFFC000;
	s16 =	sadd.s32 s16, s18  }
0x4d: {  	v4 =	vld [tilespmem:s16+$0x400]  }
0x4e: {  	v5 =	vld [tilespmem:s16+$0x0]  }
0x4f: {  	v6 =	vld [tilespmem:s16+$0x10]  }
0x50: {  	v0 =	vmov s17;
	v7 =	vld [tilespmem:s16+$0x20]  }
0x51: {  	v9 =	vld [tilespmem:s16+$0x30]  }
0x52: {  	v10 =	vld [tilespmem:s16+$0x40]  }
0x53: {  	s31 =	sand.u32 $0x4000, s10;
	v11 =	vld [tilespmem:s16+$0x50]  }
0x54: {  	s18 =	sor.u32 $0x8080, s31;
	v8 =	vld [tilespmem:s16+$0x60]  }
0x55: {  	v1 =	vld.idx.msk [tilespmem:v0+s19+$0x410 ss:$0x1], $0xffff;
	[tilespmem:s18+$0x0] =	vst v4  }
0x56: {  	v2 =	vld.idx.msk [tilespmem:v0+s19+$0x420 ss:$0x1], $0xffff;
	[tilespmem:s18+$0xFFFFFF80] =	vst v5  }
0x57: {  	v3 =	vld.idx.msk [tilespmem:v0+s19+$0x430 ss:$0x1], $0xffff;
	[tilespmem:s18+$0xFFFFFF90] =	vst v6  }
0x58: {  	[tilespmem:s18+$0xFFFFFFA0] =	vst v7;
	v7 =	vld [tilespmem:s16+$0x70]  }
0x59: {  	s21 =	simm.s32 $0x100;
	[tilespmem:s18+$0xFFFFFFB0] =	vst v9;
	v4 =	vld.idx.msk [tilespmem:v0+s19+$0x440 ss:$0x1], $0xffff  }
0x5a: {  	s20 =	simm.s32 $0x80;
	s22 =	sand.u32 $0x3800, s21;
	[tilespmem:s18+$0xFFFFFFC0] =	vst v10;
	v5 =	vld.idx.msk [tilespmem:v0+s19+$0x450 ss:$0x1], $0xffff  }
0x5b: {  	s23 =	sand.u32 $0x380, s20;
	s21 =	simm.s32 $0x200;
	s16 =	sor.u32 $0x8000, s17;
	[tilespmem:s18+$0xFFFFFFD0] =	vst v11;
	v6 =	vld.idx.msk [tilespmem:v0+s19+$0x460 ss:$0x1], $0xffff  }
.LBB1_3:
0x5c: {  	p0 =	sne.s32 s21, $0x3F00;
	[tilespmem:s18+$0xFFFFFFE0] =	vst v8;
	v8 =	vld.idx.msk [tilespmem:v0+s19+$0x470 ss:$0x1], $0xffff;
	s19 =	sor.u32 s23, s22  }
0x5d: {  	s22 =	sand.u32 $0x3B00, s19;
	v9 =	vld.idx.msk [tilespmem:v0+s19+$0x410 ss:$0x1], $0xffff;
	[tilespmem:s18+$0xFFFFFFF0] =	vst v7  }
0x5e: {  	s23 =	sand.u32 $0x80, s20;
	s22 =	sadd.s32 s22, s17;
	v7 =	vld.idx.msk [tilespmem:v0+s19+$0x420 ss:$0x1], $0xffff;
	[tilespmem:s18+$0x10] =	vst v1  }
0x5f: {  	s22 =	sadd.s32 s23, s22;
	v10 =	vld.idx.msk [tilespmem:v0+s19+$0x430 ss:$0x1], $0xffff;
	[tilespmem:s18+$0x20] =	vst v2  }
0x60: {  	v11 =	vld [tilespmem:s22+$0x400];
	[tilespmem:s18+$0x30] =	vst v3  }
0x61: {  	v12 =	vld [tilespmem:s22+$0x0];
	[tilespmem:s18+$0x40] =	vst v4  }
0x62: {  	v4 =	vld [tilespmem:s22+$0x10];
	[tilespmem:s18+$0x50] =	vst v5  }
0x63: {  	v1 =	vmov v9;
	v5 =	vld [tilespmem:s22+$0x20];
	[tilespmem:s18+$0x60] =	vst v6  }
0x64: {  	v2 =	vmov v7;
	v6 =	vld [tilespmem:s22+$0x30];
	[tilespmem:s18+$0x70] =	vst v8;
	s18 =	sadd.s32 $0x100, s18  }
0x65: {  	v3 =	vmov v10;
	v9 =	vld [tilespmem:s22+$0x40];
	[tilespmem:s18+$0x0] =	vst v11  }
0x66: {  	[tilespmem:s18+$0xFFFFFF80] =	vst v12;
	v10 =	vld [tilespmem:s22+$0x50]  }
.Ltmp3:
0x67: {  	[tilespmem:s18+$0xFFFFFF90] =	vst v4;
	v8 =	vld [tilespmem:s22+$0x60];
	(pc) =	sbr.rel @p0 .LBB1_3-.Ltmp3, $4  }
0x68: {  	[tilespmem:s18+$0xFFFFFFA0] =	vst v5;
	v7 =	vld [tilespmem:s22+$0x70]  }
0x69: {  	[tilespmem:s18+$0xFFFFFFB0] =	vst v6;
	v4 =	vld.idx.msk [tilespmem:v0+s19+$0x440 ss:$0x1], $0xffff  }
0x6a: {  	s20 =	sadd.s32 $0x80, s20;
	[tilespmem:s18+$0xFFFFFFC0] =	vst v9;
	v5 =	vld.idx.msk [tilespmem:v0+s19+$0x450 ss:$0x1], $0xffff  }
0x6b: {  	s23 =	sand.u32 $0x380, s20;
	s22 =	sand.u32 $0x3800, s21;
	s21 =	sadd.s32 $0x100, s21;
	[tilespmem:s18+$0xFFFFFFD0] =	vst v10;
	v6 =	vld.idx.msk [tilespmem:v0+s19+$0x460 ss:$0x1], $0xffff  }
.Ltmp4:
0x6c: {  	_ = 	snop;
	(pc) =	sbr.rel .LBB1_4-.Ltmp4, $1  }
0x6d: {  	_ =	sdelay $0x3  }
.LBB1_6:
0x6e: {  	_ =	sfence.sel $0x180000  }
0x6f: {  	s2 =	simm.s32 $0x1;
	[bflag:$0x0] =	sbarrier.arrive $0xFFFF  }
0x70: {  	s31 =	simm.s32 $0x2;
	[sflag:s2] =	ssyncpa.u1 $0x1  }
0x71: {  	[sflag:s31] =	ssyncpa.u1 $0x1  }
0x72: {  	p0 =	sne.s32 s0, $0x0;
	_ =	strace $0x90000053  }
0x73: {  	s0 =	sadd.s32 @!p0 $0x100000, s1;
	[bflag:$0x2] =	sbarrier.arrive $0xFFFF  }
0x74: {  	[sflag:s0] =	ssyncadd.tile.s32 @!p0 $0x1;
	_ =	shalt  }
.Lfunc_end1:
_tile_overlayer_lowered:
.L_overlay_start_2:
0x75: {  	(tag) =	ssettag $0x2  }
0x76: {  	s0 =	rddreg [dreg:$0x0];
	s2 =	stileid.u32  }
0x77: {  	s1 =	rddreg [dreg:$0x1];
	p0 =	sne.s32 s2, $0x0  }
0x78: {  	s3 =	rddreg [dreg:$0x2];
	[bflag:$0x3] =	sbarrier.arrive $0xFFFF;
	s2 =	simm.s32 @!p0 $0x1C01  }
0x79: {  	[timem:s3], [sflag:s2] =	dma.local @!p0 [hbm:s0], s1  }
0x7a: {  	s0 =	simm.s32 @!p0 $0x1  }
0x7b: {  	_ =	swait.ge @!p0 [sflag:s0], s1  }
0x7c: {  	s1 =	ssub.s32 @!p0 $0x0, s1;
	[sflag:s0] =	ssyncset.done @!p0 $0x0  }
0x7d: {  	[sflag:s0] =	ssyncadd.s32 @!p0 s1  }
0x7e: {  	[bflag:$0x3] =	sbarrier.arrive $0xFFFF  }
0x7f: {  	_ =	shalt  }

</sc_bundles>
